<compile_context>
chip_gen: v7x
topology: tpu7x:2x2x1
jax: 0.10.2.dev20260603
libtpu: 0.0.44.dev20260713+nightly
codegen_flags: <defaults>
</compile_context>

<pallas_src>
import functools

import jax
import jax.numpy as jnp
from jax import lax
from jax.experimental import pallas as pl
from jax.experimental.pallas import tpu as pltpu
from jax.experimental.pallas import tpu_sc as plsc

NUM_EXPERTS = 64
HIDDEN = 768
D_FF = 768
ALPHA = 1.702
LIMIT = 7.0
TOP_K = 2

TILE = 64
SUB = 8


def _mlp_body(te_ref, nv_ref, x_ref, gu_ref, gub_ref, dn_ref, dnb_ref,
              se_ref, so_ref, y_ref):
    t = pl.program_id(0)

    @pl.when(t * TILE < nv_ref[0])
    def _():
        x = x_ref[...]
        gu = lax.dot_general(x, gu_ref[0], (((1,), (0,)), ((), ())),
                             preferred_element_type=jnp.float32)
        a = (gu + gub_ref[0]).astype(jnp.bfloat16)
        gate = lax.dot_general(a, se_ref[...], (((1,), (0,)), ((), ())),
                               preferred_element_type=jnp.float32)
        up = lax.dot_general(a, so_ref[...], (((1,), (0,)), ((), ())),
                             preferred_element_type=jnp.float32)
        gate = jnp.minimum(gate, LIMIT)
        up = jnp.clip(up, -LIMIT, LIMIT)
        glu = gate * jax.nn.sigmoid(gate * ALPHA)
        h = (up + 1.0) * glu
        y = lax.dot_general(h, dn_ref[0], (((1,), (0,)), ((), ())),
                            preferred_element_type=jnp.float32)
        y_ref[...] = y + dnb_ref[0]


def _grouped_mlp(x_pad, tile_expert, n_valid, gate_up_proj, gate_up_proj_bias,
                 down_proj, down_proj_bias, num_tiles):
    grid_spec = pltpu.PrefetchScalarGridSpec(
        num_scalar_prefetch=2,
        grid=(num_tiles,),
        in_specs=[
            pl.BlockSpec((TILE, HIDDEN), lambda t, te, nv: (t, 0)),
            pl.BlockSpec((1, HIDDEN, 2 * D_FF), lambda t, te, nv: (te[t], 0, 0)),
            pl.BlockSpec((1, 1, 2 * D_FF), lambda t, te, nv: (te[t], 0, 0)),
            pl.BlockSpec((1, D_FF, HIDDEN), lambda t, te, nv: (te[t], 0, 0)),
            pl.BlockSpec((1, 1, HIDDEN), lambda t, te, nv: (te[t], 0, 0)),
            pl.BlockSpec((2 * D_FF, D_FF), lambda t, te, nv: (0, 0)),
            pl.BlockSpec((2 * D_FF, D_FF), lambda t, te, nv: (0, 0)),
        ],
        out_specs=pl.BlockSpec((TILE, HIDDEN), lambda t, te, nv: (t, 0)),
    )
    ff = jnp.arange(D_FF, dtype=jnp.int32)
    col = jnp.arange(2 * D_FF, dtype=jnp.int32)
    sel_even = (col[:, None] == 2 * ff[None, :]).astype(jnp.bfloat16)
    sel_odd = (col[:, None] == 2 * ff[None, :] + 1).astype(jnp.bfloat16)
    return pl.pallas_call(
        _mlp_body,
        grid_spec=grid_spec,
        out_shape=jax.ShapeDtypeStruct((num_tiles * TILE, HIDDEN), jnp.float32),
    )(tile_expert, n_valid, x_pad,
      gate_up_proj, gate_up_proj_bias.reshape(NUM_EXPERTS, 1, 2 * D_FF),
      down_proj, down_proj_bias.reshape(NUM_EXPERTS, 1, HIDDEN),
      sel_even, sel_odd)


def _sc_gather(hs, pos_e, pos_o, p):
    n, h = hs.shape
    nw = 32
    nt = n // nw
    mesh = plsc.VectorSubcoreMesh(core_axis_name="c", subcore_axis_name="s")

    @functools.partial(
        pl.kernel, mesh=mesh,
        out_type=jax.ShapeDtypeStruct((p, h), jnp.float32),
        scratch_types=[
            pltpu.VMEM((nt,), jnp.int32),
            pltpu.VMEM((nt,), jnp.int32),
            pltpu.VMEM((nt, h), jnp.float32),
        ],
    )
    def k(hs_hbm, pe_hbm, po_hbm, out_hbm, ide_v, ido_v, rows_v):
        wid = lax.axis_index("s") * 2 + lax.axis_index("c")
        base_t = wid * nt
        pltpu.sync_copy(pe_hbm.at[pl.ds(base_t, nt)], ide_v)
        pltpu.sync_copy(po_hbm.at[pl.ds(base_t, nt)], ido_v)
        pltpu.sync_copy(hs_hbm.at[pl.ds(base_t, nt)], rows_v)
        pltpu.sync_copy(rows_v, out_hbm.at[ide_v])
        pltpu.sync_copy(rows_v, out_hbm.at[ido_v])

    return k(hs, pos_e, pos_o)


def _sc_combine(y_pad, pos, rw_sel):
    p, h = y_pad.shape
    r = pos.shape[0]
    n = r // TOP_K
    nw = 32
    tpw = n // nw
    half = tpw // 2
    mesh = plsc.VectorSubcoreMesh(core_axis_name="c", subcore_axis_name="s")

    @functools.partial(
        pl.kernel, mesh=mesh,
        out_type=jax.ShapeDtypeStruct((n, h), jnp.float32),
        scratch_types=[
            pltpu.VMEM((2 * half,), jnp.int32),
            pltpu.VMEM((2 * half, 16), jnp.float32),
            pltpu.VMEM((2 * half, h), jnp.float32),
            pltpu.VMEM((half, h), jnp.float32),
        ],
    )
    def k(y_hbm, pos_hbm, rws_hbm, out_hbm, pos_v, rws_v, rows_v, out_v):
        wid = lax.axis_index("s") * 2 + lax.axis_index("c")
        base_t = wid * tpw
        for hh in range(2):
            base_row = base_t * TOP_K + hh * 2 * half
            pltpu.sync_copy(pos_hbm.at[pl.ds(base_row, 2 * half)], pos_v)
            pltpu.sync_copy(rws_hbm.at[pl.ds(base_row, 2 * half)], rws_v)
            pltpu.sync_copy(y_hbm.at[pos_v], rows_v)

            def token_body(j, _):
                w0 = rws_v[2 * j, :]
                w1 = rws_v[2 * j + 1, :]
                for cc in range(h // 16):
                    a = rows_v[2 * j, pl.ds(cc * 16, 16)]
                    bb = rows_v[2 * j + 1, pl.ds(cc * 16, 16)]
                    out_v[j, pl.ds(cc * 16, 16)] = w0 * a + w1 * bb
                return 0

            lax.fori_loop(0, half, token_body, 0)
            pltpu.sync_copy(out_v, out_hbm.at[pl.ds(base_t + hh * half, half)])

    return k(y_pad, pos, rw_sel)


def _meta_body(sel_ref, pos_ref, te_ref, u_ref):
    nb, bl = sel_ref.shape
    ne = NUM_EXPERTS
    nt = te_ref.shape[1]

    acc = jnp.zeros((ne, 1), jnp.float32)
    ohs = []
    ranks = []
    ee = lax.broadcasted_iota(jnp.int32, (ne, bl), 0)
    r0 = lax.broadcasted_iota(jnp.int32, (bl, bl), 0)
    c0 = lax.broadcasted_iota(jnp.int32, (bl, bl), 1)
    uinc = jnp.where(r0 <= c0, 1.0, 0.0).astype(jnp.bfloat16)
    for bb in range(nb):
        selb = sel_ref[bb:bb + 1, :]
        oh = jnp.where(selb == ee, 1.0, 0.0)
        csum = lax.dot_general(oh.astype(jnp.bfloat16), uinc,
                               (((1,), (0,)), ((), ())),
                               preferred_element_type=jnp.float32)
        rb = jnp.sum(oh * (csum - 1.0 + acc), axis=0, keepdims=True)
        ohs.append(oh)
        ranks.append(rb)
        acc = acc + jnp.sum(oh, axis=1, keepdims=True)

    counts = acc
    pc = jnp.floor((counts + (TILE - 1.0)) * (1.0 / TILE)) * TILE
    inc = pc
    k = 1
    while k < ne:
        inc = inc + jnp.pad(inc, ((k, 0), (0, 0)))[:ne, :]
        k *= 2
    poff = inc - pc
    u = jnp.sum(pc)

    for bb in range(nb):
        posb = ranks[bb] + jnp.sum(ohs[bb] * poff, axis=0, keepdims=True)
        pos_ref[bb, :] = posb.reshape(bl).astype(jnp.int32)

    starts = (lax.broadcasted_iota(jnp.int32, (1, nt), 1) * TILE).astype(jnp.float32)
    te = jnp.sum(jnp.where(poff <= starts, 1.0, 0.0), axis=0, keepdims=True) - 1.0
    lv_start = jnp.floor((u - 1.0) * (1.0 / TILE)) * TILE
    te_lv = jnp.sum(jnp.where(poff <= lv_start, 1.0, 0.0)) - 1.0
    te = jnp.where(starts < u, te, te_lv)
    te_ref[...] = te.astype(jnp.int32)
    u_ref[...] = jnp.full((1, te_ref.shape[1]), u, jnp.float32).astype(jnp.int32)


def _meta(sel2d, num_tiles):
    nb, bl = sel2d.shape
    return pl.pallas_call(
        _meta_body,
        out_shape=[
            jax.ShapeDtypeStruct((nb, bl), jnp.int32),
            jax.ShapeDtypeStruct((1, num_tiles), jnp.int32),
            jax.ShapeDtypeStruct((1, num_tiles), jnp.int32),
        ],
    )(sel2d)


def kernel(hidden_states, router_indices, routing_weights, gate_up_proj,
           gate_up_proj_bias, down_proj, down_proj_bias):
    b, s, h = hidden_states.shape
    n = b * s
    r = n * TOP_K
    num_tiles = r // TILE + NUM_EXPERTS
    p = num_tiles * TILE

    hs = hidden_states.reshape(n, h)
    sel = router_indices.reshape(-1).astype(jnp.int32)

    pos2d, te2d, u2d = _meta(sel.reshape(-1, 128), num_tiles)
    pos = pos2d.reshape(r)
    te = te2d[0]
    u = u2d[0, :1]

    x_pad = _sc_gather(hs, pos[0::2], pos[1::2], p)

    y_pad = _grouped_mlp(x_pad, te, u, gate_up_proj, gate_up_proj_bias,
                         down_proj, down_proj_bias, num_tiles)

    rw_sel = jnp.take_along_axis(routing_weights, router_indices,
                                 axis=1).reshape(-1)
    rw_b = jnp.broadcast_to(rw_sel[:, None], (r, 16))
    out = _sc_combine(y_pad, pos, rw_b)
    return out.reshape(b, s, h)

# --- scband reference (transcript-rebuilt; emitter-appended) ---
"""Pipeline reference for scband-gpt-oss-opt-experts-60060822667272 (READ-ONLY COPY).

The authoritative reference and input builder live on the scoring server;
editing this copy changes nothing except your own understanding.
"""

import jax, jax.numpy as jnp
import numpy as np

NUM_EXPERTS = 64
HIDDEN = 768
D_FF = 768
ALPHA = 1.702
LIMIT = 7.0
B, S = 1, 2048
TOP_K = 2


def setup_inputs(seed: int = 0) -> dict:
    key = jax.random.key(seed)
    ks = jax.random.split(key, 8)
    hidden_states = jax.random.normal(ks[0], (B, S, HIDDEN), dtype=jnp.float32)
    router_indices = jax.random.randint(ks[1], (B * S, TOP_K), 0, NUM_EXPERTS)
    routing_weights = jax.random.uniform(ks[2], (B * S, NUM_EXPERTS), dtype=jnp.float32)
    gate_up_proj = jax.random.normal(ks[3], (NUM_EXPERTS, HIDDEN, 2 * D_FF), dtype=jnp.float32) * 0.02
    gate_up_proj_bias = jax.random.normal(ks[4], (NUM_EXPERTS, 2 * D_FF), dtype=jnp.float32) * 0.02
    down_proj = jax.random.normal(ks[5], (NUM_EXPERTS, D_FF, HIDDEN), dtype=jnp.float32) * 0.02
    down_proj_bias = jax.random.normal(ks[6], (NUM_EXPERTS, HIDDEN), dtype=jnp.float32) * 0.02
    return {
        "hidden_states": hidden_states,
        "router_indices": router_indices,
        "routing_weights": routing_weights,
        "gate_up_proj": gate_up_proj,
        "gate_up_proj_bias": gate_up_proj_bias,
        "down_proj": down_proj,
        "down_proj_bias": down_proj_bias,
    }


def reference(hidden_states, router_indices, routing_weights, gate_up_proj,
              gate_up_proj_bias, down_proj, down_proj_bias):
    b, s, h = hidden_states.shape
    hs = hidden_states.reshape(-1, h)
    top_k = router_indices.shape[-1]
    selected = router_indices.reshape(-1)
    batch_idx = jnp.arange(b * s * top_k) // top_k
    # gather routing weights for the selected experts
    rw = jnp.take_along_axis(routing_weights, router_indices, axis=1).reshape(-1)
    x = hs[batch_idx]
    out = jnp.zeros((b * s, h), dtype=hs.dtype)

    def body(e, out):
        gu = x @ gate_up_proj[e] + gate_up_proj_bias[e]
        gate = gu[..., ::2]
        up = gu[..., 1::2]
        gate = jnp.minimum(gate, LIMIT)
        up = jnp.clip(up, -LIMIT, LIMIT)
        glu = gate * jax.nn.sigmoid(gate * ALPHA)
        y = ((up + 1.0) * glu) @ down_proj[e] + down_proj_bias[e]
        w = jnp.where(selected == e, rw, jnp.zeros_like(rw))
        return out.at[batch_idx].add(y * w[:, None])

    out = jax.lax.fori_loop(0, NUM_EXPERTS, body, out)
    return out.reshape(b, s, h)

if __name__ == "__main__":
    import jax
    _d = setup_inputs()
    print(jax.jit(kernel)(*tuple(_d.values())))

</pallas_src>

<mosaic_0001>
#map = affine_map<(d0, d1) -> (0, 0)>
#map1 = affine_map<(d0, d1) -> (0)>
module attributes {stable_mosaic.version = 14 : i64} {
  func.func @k(%arg0: i32, %arg1: i32, %arg2: memref<8192x768xf32, #tpu.memory_space<hbm>>, %arg3: memref<4096xi32, #tpu.memory_space<hbm>>, %arg4: memref<4096x16xf32, #tpu.memory_space<hbm>>, %arg5: memref<2048x768xf32, #tpu.memory_space<hbm>>, %arg6: memref<64xi32, #tpu.memory_space<vmem>>, %arg7: memref<64x16xf32, #tpu.memory_space<vmem>>, %arg8: memref<64x768xf32, #tpu.memory_space<vmem>>, %arg9: memref<32x768xf32, #tpu.memory_space<vmem>>) attributes {dimension_semantics = [#tpu.dimension_semantics<core_parallel>, #tpu.dimension_semantics<subcore_parallel>], iteration_bounds = array<i64: 2, 16>, scalar_prefetch = 0 : i64, scratch_operands = 4 : i64, tpu.core_type = #tpu.core_type<sc_vector_subcore>, window_params = [{transform_indices = #map}, {transform_indices = #map1}, {transform_indices = #map}, {transform_indices = #map}]} {
    %mul3A = arith.constant 2 : i32
    %mul3A_0 = arith.muli %arg1, %mul3A : i32
    %add3A = arith.addi %mul3A_0, %arg0 : i32
    %mul3A_1 = arith.constant 64 : i32
    %mul3A_2 = arith.muli %add3A, %mul3A_1 : i32
    %mul3A_3 = arith.constant 2 : i32
    %mul3A_4 = arith.muli %mul3A_2, %mul3A_3 : i32
    %add3A_5 = arith.constant 0 : i32
    %add3A_6 = arith.addi %mul3A_4, %add3A_5 : i32
    "tpu.region"() ({
      %run_scoped3A = tpu.sem_alloc : memref<!tpu.dma_semaphore, #tpu.memory_space<semaphore_mem>>
      %dma_start3A = tpu.memref_slice %arg3[%add3A_6] : memref<4096xi32, #tpu.memory_space<hbm>> -> memref<64xi32, #tpu.memory_space<hbm>>
      %dma_start3A_28 = tpu.memref_slice %arg3[%add3A_6] : memref<4096xi32, #tpu.memory_space<hbm>> -> memref<64xi32, #tpu.memory_space<hbm>>
      tpu.enqueue_dma source(%dma_start3A_28 : memref<64xi32, #tpu.memory_space<hbm>>) target(%arg6 : memref<64xi32, #tpu.memory_space<vmem>>) target_semaphore(%run_scoped3A : memref<!tpu.dma_semaphore, #tpu.memory_space<semaphore_mem>>)
      %dma_wait3A = tpu.memref_slice %arg3[%add3A_6] : memref<4096xi32, #tpu.memory_space<hbm>> -> memref<64xi32, #tpu.memory_space<hbm>>
      %dma_wait3A_29 = tpu.memref_slice %arg3[%add3A_6] : memref<4096xi32, #tpu.memory_space<hbm>> -> memref<64xi32, #tpu.memory_space<hbm>>
      tpu.wait_dma2 semaphore(%run_scoped3A : memref<!tpu.dma_semaphore, #tpu.memory_space<semaphore_mem>>) src(%dma_wait3A_29 : memref<64xi32, #tpu.memory_space<hbm>>) dst(%arg6 : memref<64xi32, #tpu.memory_space<vmem>>)
      tpu.yield
    }) : () -> ()
    "tpu.region"() ({
      %run_scoped3A = tpu.sem_alloc : memref<!tpu.dma_semaphore, #tpu.memory_space<semaphore_mem>>
      %dma_start3A = arith.constant 0 : i32
      %dma_start3A_28 = tpu.memref_slice %arg4[%add3A_6, %dma_start3A] : memref<4096x16xf32, #tpu.memory_space<hbm>> -> memref<64x16xf32, #tpu.memory_space<hbm>>
      %dma_start3A_29 = arith.constant 0 : i32
      %dma_start3A_30 = tpu.memref_slice %arg4[%add3A_6, %dma_start3A_29] : memref<4096x16xf32, #tpu.memory_space<hbm>> -> memref<64x16xf32, #tpu.memory_space<hbm>>
      tpu.enqueue_dma source(%dma_start3A_30 : memref<64x16xf32, #tpu.memory_space<hbm>>) target(%arg7 : memref<64x16xf32, #tpu.memory_space<vmem>>) target_semaphore(%run_scoped3A : memref<!tpu.dma_semaphore, #tpu.memory_space<semaphore_mem>>)
      %dma_wait3A = arith.constant 0 : i32
      %dma_wait3A_31 = tpu.memref_slice %arg4[%add3A_6, %dma_wait3A] : memref<4096x16xf32, #tpu.memory_space<hbm>> -> memref<64x16xf32, #tpu.memory_space<hbm>>
      %dma_wait3A_32 = arith.constant 0 : i32
      %dma_wait3A_33 = tpu.memref_slice %arg4[%add3A_6, %dma_wait3A_32] : memref<4096x16xf32, #tpu.memory_space<hbm>> -> memref<64x16xf32, #tpu.memory_space<hbm>>
      tpu.wait_dma2 semaphore(%run_scoped3A : memref<!tpu.dma_semaphore, #tpu.memory_space<semaphore_mem>>) src(%dma_wait3A_33 : memref<64x16xf32, #tpu.memory_space<hbm>>) dst(%arg7 : memref<64x16xf32, #tpu.memory_space<vmem>>)
      tpu.yield
    }) : () -> ()
    "tpu.region"() ({
      %run_scoped3A = tpu.sem_alloc : memref<!tpu.dma_semaphore, #tpu.memory_space<semaphore_mem>>
      %dma_start3A = arith.constant 0 : i32
      %dma_start3A_28 = arith.constant 0 : i32
      %dma_start3A_29 = tpu.memref_slice %arg2[%dma_start3A, %dma_start3A_28] : memref<8192x768xf32, #tpu.memory_space<hbm>> -> memref<8192x768xf32, #tpu.memory_space<hbm>>
      tpu.enqueue_indirect_dma source(%dma_start3A_29 : memref<8192x768xf32, #tpu.memory_space<hbm>>) target(%arg8 : memref<64x768xf32, #tpu.memory_space<vmem>>) offsets(%arg6 : memref<64xi32, #tpu.memory_space<vmem>>) semaphore(%run_scoped3A : memref<!tpu.dma_semaphore, #tpu.memory_space<semaphore_mem>>)
      %dma_wait3A = arith.constant 0 : i32
      %dma_wait3A_30 = arith.constant 0 : i32
      %dma_wait3A_31 = tpu.memref_slice %arg2[%dma_wait3A, %dma_wait3A_30] : memref<8192x768xf32, #tpu.memory_space<hbm>> -> memref<8192x768xf32, #tpu.memory_space<hbm>>
      tpu.wait_indirect_dma semaphore(%run_scoped3A : memref<!tpu.dma_semaphore, #tpu.memory_space<semaphore_mem>>) src(%dma_wait3A_31 : memref<8192x768xf32, #tpu.memory_space<hbm>>) dst(%arg8 : memref<64x768xf32, #tpu.memory_space<vmem>>)
      tpu.yield
    }) : () -> ()
    %scan3A = arith.constant 0 : i32
    %scan3A_7 = arith.constant 0 : i32
    %scan3A_8 = arith.constant 32 : i32
    %scan3A_9 = arith.addi %scan3A_7, %scan3A_8 : i32
    %scan3A_10 = arith.constant 1 : i32
    %scan3A_11 = scf.for %scan3A_28 = %scan3A_7 to %scan3A_9 step %scan3A_10 iter_args(%scan3A_29 = %scan3A) -> (i32)  : i32 {
      %mul3A_30 = arith.constant 2 : i32
      %mul3A_31 = arith.muli %mul3A_30, %scan3A_28 : i32
      %get3A = arith.index_cast %mul3A_31 : i32 to index
      %get3A_32 = arith.constant 0 : index
      %get3A_33 = tpu.vector_load %arg7[%get3A, %get3A_32] {strides = array<i32>} : memref<64x16xf32, #tpu.memory_space<vmem>>, vector<1x16xf32>,
      %get3A_34 = vector.shape_cast %get3A_33 : vector<1x16xf32> to vector<16xf32>
      %mul3A_35 = arith.constant 2 : i32
      %mul3A_36 = arith.muli %mul3A_35, %scan3A_28 : i32
      %add3A_37 = arith.constant 1 : i32
      %add3A_38 = arith.addi %mul3A_36, %add3A_37 : i32
      %get3A_39 = arith.index_cast %add3A_38 : i32 to index
      %get3A_40 = arith.constant 0 : index
      %get3A_41 = tpu.vector_load %arg7[%get3A_39, %get3A_40] {strides = array<i32>} : memref<64x16xf32, #tpu.memory_space<vmem>>, vector<1x16xf32>,
      %get3A_42 = vector.shape_cast %get3A_41 : vector<1x16xf32> to vector<16xf32>
      %mul3A_43 = arith.constant 2 : i32
      %mul3A_44 = arith.muli %mul3A_43, %scan3A_28 : i32
      %get3A_45 = arith.index_cast %mul3A_44 : i32 to index
      %get3A_46 = arith.constant 0 : index
      %get3A_47 = tpu.vector_load %arg8[%get3A_45, %get3A_46] {strides = array<i32>} : memref<64x768xf32, #tpu.memory_space<vmem>>, vector<1x16xf32>,
      %get3A_48 = vector.shape_cast %get3A_47 : vector<1x16xf32> to vector<16xf32>
      %mul3A_49 = arith.constant 2 : i32
      %mul3A_50 = arith.muli %mul3A_49, %scan3A_28 : i32
      %add3A_51 = arith.constant 1 : i32
      %add3A_52 = arith.addi %mul3A_50, %add3A_51 : i32
      %get3A_53 = arith.index_cast %add3A_52 : i32 to index
      %get3A_54 = arith.constant 0 : index
      %get3A_55 = tpu.vector_load %arg8[%get3A_53, %get3A_54] {strides = array<i32>} : memref<64x768xf32, #tpu.memory_space<vmem>>, vector<1x16xf32>,
      %get3A_56 = vector.shape_cast %get3A_55 : vector<1x16xf32> to vector<16xf32>
      %mul3A_57 = arith.mulf %get3A_34, %get3A_48 : vector<16xf32>
      %mul3A_58 = arith.mulf %get3A_42, %get3A_56 : vector<16xf32>
      %add3A_59 = arith.addf %mul3A_57, %mul3A_58 : vector<16xf32>
      %swap3A = arith.index_cast %scan3A_28 : i32 to index
      %swap3A_60 = arith.constant 0 : index
      %swap3A_61 = tpu.vector_load %arg9[%swap3A, %swap3A_60] {strides = array<i32>} : memref<32x768xf32, #tpu.memory_space<vmem>>, vector<1x16xf32>,
      %swap3A_62 = vector.shape_cast %swap3A_61 : vector<1x16xf32> to vector<16xf32>
      %swap3A_63 = vector.shape_cast %add3A_59 : vector<16xf32> to vector<1x16xf32>
      tpu.vector_store %arg9[%swap3A, %swap3A_60], %swap3A_63 {strides = array<i32>} : memref<32x768xf32, #tpu.memory_space<vmem>>, vector<1x16xf32>,
      %mul3A_64 = arith.constant 2 : i32
      %mul3A_65 = arith.muli %mul3A_64, %scan3A_28 : i32
      %get3A_66 = arith.index_cast %mul3A_65 : i32 to index
      %get3A_67 = arith.constant 16 : index
      %get3A_68 = tpu.vector_load %arg8[%get3A_66, %get3A_67] {strides = array<i32>} : memref<64x768xf32, #tpu.memory_space<vmem>>, vector<1x16xf32>,
      %get3A_69 = vector.shape_cast %get3A_68 : vector<1x16xf32> to vector<16xf32>
      %mul3A_70 = arith.constant 2 : i32
      %mul3A_71 = arith.muli %mul3A_70, %scan3A_28 : i32
      %add3A_72 = arith.constant 1 : i32
      %add3A_73 = arith.addi %mul3A_71, %add3A_72 : i32
      %get3A_74 = arith.index_cast %add3A_73 : i32 to index
      %get3A_75 = arith.constant 16 : index
      %get3A_76 = tpu.vector_load %arg8[%get3A_74, %get3A_75] {strides = array<i32>} : memref<64x768xf32, #tpu.memory_space<vmem>>, vector<1x16xf32>,
      %get3A_77 = vector.shape_cast %get3A_76 : vector<1x16xf32> to vector<16xf32>
      %mul3A_78 = arith.mulf %get3A_34, %get3A_69 : vector<16xf32>
      %mul3A_79 = arith.mulf %get3A_42, %get3A_77 : vector<16xf32>
      %add3A_80 = arith.addf %mul3A_78, %mul3A_79 : vector<16xf32>
      %swap3A_81 = arith.index_cast %scan3A_28 : i32 to index
      %swap3A_82 = arith.constant 16 : index
      %swap3A_83 = tpu.vector_load %arg9[%swap3A_81, %swap3A_82] {strides = array<i32>} : memref<32x768xf32, #tpu.memory_space<vmem>>, vector<1x16xf32>,
      %swap3A_84 = vector.shape_cast %swap3A_83 : vector<1x16xf32> to vector<16xf32>
      %swap3A_85 = vector.shape_cast %add3A_80 : vector<16xf32> to vector<1x16xf32>
      tpu.vector_store %arg9[%swap3A_81, %swap3A_82], %swap3A_85 {strides = array<i32>} : memref<32x768xf32, #tpu.memory_space<vmem>>, vector<1x16xf32>,
      %mul3A_86 = arith.constant 2 : i32
      %mul3A_87 = arith.muli %mul3A_86, %scan3A_28 : i32
      %get3A_88 = arith.index_cast %mul3A_87 : i32 to index
      %get3A_89 = arith.constant 32 : index
      %get3A_90 = tpu.vector_load %arg8[%get3A_88, %get3A_89] {strides = array<i32>} : memref<64x768xf32, #tpu.memory_space<vmem>>, vector<1x16xf32>,
      %get3A_91 = vector.shape_cast %get3A_90 : vector<1x16xf32> to vector<16xf32>
      %mul3A_92 = arith.constant 2 : i32
      %mul3A_93 = arith.muli %mul3A_92, %scan3A_28 : i32
      %add3A_94 = arith.constant 1 : i32
      %add3A_95 = arith.addi %mul3A_93, %add3A_94 : i32
      %get3A_96 = arith.index_cast %add3A_95 : i32 to index
      %get3A_97 = arith.constant 32 : index
      %get3A_98 = tpu.vector_load %arg8[%get3A_96, %get3A_97] {strides = array<i32>} : memref<64x768xf32, #tpu.memory_space<vmem>>, vector<1x16xf32>,
      %get3A_99 = vector.shape_cast %get3A_98 : vector<1x16xf32> to vector<16xf32>
      %mul3A_100 = arith.mulf %get3A_34, %get3A_91 : vector<16xf32>
      %mul3A_101 = arith.mulf %get3A_42, %get3A_99 : vector<16xf32>
      %add3A_102 = arith.addf %mul3A_100, %mul3A_101 : vector<16xf32>
      %swap3A_103 = arith.index_cast %scan3A_28 : i32 to index
      %swap3A_104 = arith.constant 32 : index
      %swap3A_105 = tpu.vector_load %arg9[%swap3A_103, %swap3A_104] {strides = array<i32>} : memref<32x768xf32, #tpu.memory_space<vmem>>, vector<1x16xf32>,
      %swap3A_106 = vector.shape_cast %swap3A_105 : vector<1x16xf32> to vector<16xf32>
      %swap3A_107 = vector.shape_cast %add3A_102 : vector<16xf32> to vector<1x16xf32>
      tpu.vector_store %arg9[%swap3A_103, %swap3A_104], %swap3A_107 {strides = array<i32>} : memref<32x768xf32, #tpu.memory_space<vmem>>, vector<1x16xf32>,
      %mul3A_108 = arith.constant 2 : i32
      %mul3A_109 = arith.muli %mul3A_108, %scan3A_28 : i32
      %get3A_110 = arith.index_cast %mul3A_109 : i32 to index
      %get3A_111 = arith.constant 48 : index
      %get3A_112 = tpu.vector_load %arg8[%get3A_110, %get3A_111] {strides = array<i32>} : memref<64x768xf32, #tpu.memory_space<vmem>>, vector<1x16xf32>,
      %get3A_113 = vector.shape_cast %get3A_112 : vector<1x16xf32> to vector<16xf32>
      %mul3A_114 = arith.constant 2 : i32
      %mul3A_115 = arith.muli %mul3A_114, %scan3A_28 : i32
      %add3A_116 = arith.constant 1 : i32
      %add3A_117 = arith.addi %mul3A_115, %add3A_116 : i32
      %get3A_118 = arith.index_cast %add3A_117 : i32 to index
      %get3A_119 = arith.constant 48 : index
      %get3A_120 = tpu.vector_load %arg8[%get3A_118, %get3A_119] {strides = array<i32>} : memref<64x768xf32, #tpu.memory_space<vmem>>, vector<1x16xf32>,
      %get3A_121 = vector.shape_cast %get3A_120 : vector<1x16xf32> to vector<16xf32>
      %mul3A_122 = arith.mulf %get3A_34, %get3A_113 : vector<16xf32>
      %mul3A_123 = arith.mulf %get3A_42, %get3A_121 : vector<16xf32>
      %add3A_124 = arith.addf %mul3A_122, %mul3A_123 : vector<16xf32>
      %swap3A_125 = arith.index_cast %scan3A_28 : i32 to index
      %swap3A_126 = arith.constant 48 : index
      %swap3A_127 = tpu.vector_load %arg9[%swap3A_125, %swap3A_126] {strides = array<i32>} : memref<32x768xf32, #tpu.memory_space<vmem>>, vector<1x16xf32>,
      %swap3A_128 = vector.shape_cast %swap3A_127 : vector<1x16xf32> to vector<16xf32>
      %swap3A_129 = vector.shape_cast %add3A_124 : vector<16xf32> to vector<1x16xf32>
      tpu.vector_store %arg9[%swap3A_125, %swap3A_126], %swap3A_129 {strides = array<i32>} : memref<32x768xf32, #tpu.memory_space<vmem>>, vector<1x16xf32>,
      %mul3A_130 = arith.constant 2 : i32
      %mul3A_131 = arith.muli %mul3A_130, %scan3A_28 : i32
      %get3A_132 = arith.index_cast %mul3A_131 : i32 to index
      %get3A_133 = arith.constant 64 : index
      %get3A_134 = tpu.vector_load %arg8[%get3A_132, %get3A_133] {strides = array<i32>} : memref<64x768xf32, #tpu.memory_space<vmem>>, vector<1x16xf32>,
      %get3A_135 = vector.shape_cast %get3A_134 : vector<1x16xf32> to vector<16xf32>
      %mul3A_136 = arith.constant 2 : i32
      %mul3A_137 = arith.muli %mul3A_136, %scan3A_28 : i32
      %add3A_138 = arith.constant 1 : i32
      %add3A_139 = arith.addi %mul3A_137, %add3A_138 : i32
      %get3A_140 = arith.index_cast %add3A_139 : i32 to index
      %get3A_141 = arith.constant 64 : index
      %get3A_142 = tpu.vector_load %arg8[%get3A_140, %get3A_141] {strides = array<i32>} : memref<64x768xf32, #tpu.memory_space<vmem>>, vector<1x16xf32>,
      %get3A_143 = vector.shape_cast %get3A_142 : vector<1x16xf32> to vector<16xf32>
      %mul3A_144 = arith.mulf %get3A_34, %get3A_135 : vector<16xf32>
      %mul3A_145 = arith.mulf %get3A_42, %get3A_143 : vector<16xf32>
      %add3A_146 = arith.addf %mul3A_144, %mul3A_145 : vector<16xf32>
      %swap3A_147 = arith.index_cast %scan3A_28 : i32 to index
      %swap3A_148 = arith.constant 64 : index
      %swap3A_149 = tpu.vector_load %arg9[%swap3A_147, %swap3A_148] {strides = array<i32>} : memref<32x768xf32, #tpu.memory_space<vmem>>, vector<1x16xf32>,
      %swap3A_150 = vector.shape_cast %swap3A_149 : vector<1x16xf32> to vector<16xf32>
      %swap3A_151 = vector.shape_cast %add3A_146 : vector<16xf32> to vector<1x16xf32>
      tpu.vector_store %arg9[%swap3A_147, %swap3A_148], %swap3A_151 {strides = array<i32>} : memref<32x768xf32, #tpu.memory_space<vmem>>, vector<1x16xf32>,
      %mul3A_152 = arith.constant 2 : i32
      %mul3A_153 = arith.muli %mul3A_152, %scan3A_28 : i32
      %get3A_154 = arith.index_cast %mul3A_153 : i32 to index
      %get3A_155 = arith.constant 80 : index
      %get3A_156 = tpu.vector_load %arg8[%get3A_154, %get3A_155] {strides = array<i32>} : memref<64x768xf32, #tpu.memory_space<vmem>>, vector<1x16xf32>,
      %get3A_157 = vector.shape_cast %get3A_156 : vector<1x16xf32> to vector<16xf32>
      %mul3A_158 = arith.constant 2 : i32
      %mul3A_159 = arith.muli %mul3A_158, %scan3A_28 : i32
      %add3A_160 = arith.constant 1 : i32
      %add3A_161 = arith.addi %mul3A_159, %add3A_160 : i32
      %get3A_162 = arith.index_cast %add3A_161 : i32 to index
      %get3A_163 = arith.constant 80 : index
      %get3A_164 = tpu.vector_load %arg8[%get3A_162, %get3A_163] {strides = array<i32>} : memref<64x768xf32, #tpu.memory_space<vmem>>, vector<1x16xf32>,
      %get3A_165 = vector.shape_cast %get3A_164 : vector<1x16xf32> to vector<16xf32>
      %mul3A_166 = arith.mulf %get3A_34, %get3A_157 : vector<16xf32>
      %mul3A_167 = arith.mulf %get3A_42, %get3A_165 : vector<16xf32>
      %add3A_168 = arith.addf %mul3A_166, %mul3A_167 : vector<16xf32>
      %swap3A_169 = arith.index_cast %scan3A_28 : i32 to index
      %swap3A_170 = arith.constant 80 : index
      %swap3A_171 = tpu.vector_load %arg9[%swap3A_169, %swap3A_170] {strides = array<i32>} : memref<32x768xf32, #tpu.memory_space<vmem>>, vector<1x16xf32>,
      %swap3A_172 = vector.shape_cast %swap3A_171 : vector<1x16xf32> to vector<16xf32>
      %swap3A_173 = vector.shape_cast %add3A_168 : vector<16xf32> to vector<1x16xf32>
      tpu.vector_store %arg9[%swap3A_169, %swap3A_170], %swap3A_173 {strides = array<i32>} : memref<32x768xf32, #tpu.memory_space<vmem>>, vector<1x16xf32>,
      %mul3A_174 = arith.constant 2 : i32
      %mul3A_175 = arith.muli %mul3A_174, %scan3A_28 : i32
      %get3A_176 = arith.index_cast %mul3A_175 : i32 to index
      %get3A_177 = arith.constant 96 : index
      %get3A_178 = tpu.vector_load %arg8[%get3A_176, %get3A_177] {strides = array<i32>} : memref<64x768xf32, #tpu.memory_space<vmem>>, vector<1x16xf32>,
      %get3A_179 = vector.shape_cast %get3A_178 : vector<1x16xf32> to vector<16xf32>
      %mul3A_180 = arith.constant 2 : i32
      %mul3A_181 = arith.muli %mul3A_180, %scan3A_28 : i32
      %add3A_182 = arith.constant 1 : i32
      %add3A_183 = arith.addi %mul3A_181, %add3A_182 : i32
      %get3A_184 = arith.index_cast %add3A_183 : i32 to index
      %get3A_185 = arith.constant 96 : index
      %get3A_186 = tpu.vector_load %arg8[%get3A_184, %get3A_185] {strides = array<i32>} : memref<64x768xf32, #tpu.memory_space<vmem>>, vector<1x16xf32>,
      %get3A_187 = vector.shape_cast %get3A_186 : vector<1x16xf32> to vector<16xf32>
      %mul3A_188 = arith.mulf %get3A_34, %get3A_179 : vector<16xf32>
      %mul3A_189 = arith.mulf %get3A_42, %get3A_187 : vector<16xf32>
      %add3A_190 = arith.addf %mul3A_188, %mul3A_189 : vector<16xf32>
      %swap3A_191 = arith.index_cast %scan3A_28 : i32 to index
      %swap3A_192 = arith.constant 96 : index
      %swap3A_193 = tpu.vector_load %arg9[%swap3A_191, %swap3A_192] {strides = array<i32>} : memref<32x768xf32, #tpu.memory_space<vmem>>, vector<1x16xf32>,
      %swap3A_194 = vector.shape_cast %swap3A_193 : vector<1x16xf32> to vector<16xf32>
      %swap3A_195 = vector.shape_cast %add3A_190 : vector<16xf32> to vector<1x16xf32>
      tpu.vector_store %arg9[%swap3A_191, %swap3A_192], %swap3A_195 {strides = array<i32>} : memref<32x768xf32, #tpu.memory_space<vmem>>, vector<1x16xf32>,
      %mul3A_196 = arith.constant 2 : i32
      %mul3A_197 = arith.muli %mul3A_196, %scan3A_28 : i32
      %get3A_198 = arith.index_cast %mul3A_197 : i32 to index
      %get3A_199 = arith.constant 112 : index
      %get3A_200 = tpu.vector_load %arg8[%get3A_198, %get3A_199] {strides = array<i32>} : memref<64x768xf32, #tpu.memory_space<vmem>>, vector<1x16xf32>,
      %get3A_201 = vector.shape_cast %get3A_200 : vector<1x16xf32> to vector<16xf32>
      %mul3A_202 = arith.constant 2 : i32
      %mul3A_203 = arith.muli %mul3A_202, %scan3A_28 : i32
      %add3A_204 = arith.constant 1 : i32
      %add3A_205 = arith.addi %mul3A_203, %add3A_204 : i32
      %get3A_206 = arith.index_cast %add3A_205 : i32 to index
      %get3A_207 = arith.constant 112 : index
      %get3A_208 = tpu.vector_load %arg8[%get3A_206, %get3A_207] {strides = array<i32>} : memref<64x768xf32, #tpu.memory_space<vmem>>, vector<1x16xf32>,
      %get3A_209 = vector.shape_cast %get3A_208 : vector<1x16xf32> to vector<16xf32>
      %mul3A_210 = arith.mulf %get3A_34, %get3A_201 : vector<16xf32>
      %mul3A_211 = arith.mulf %get3A_42, %get3A_209 : vector<16xf32>
      %add3A_212 = arith.addf %mul3A_210, %mul3A_211 : vector<16xf32>
      %swap3A_213 = arith.index_cast %scan3A_28 : i32 to index
      %swap3A_214 = arith.constant 112 : index
      %swap3A_215 = tpu.vector_load %arg9[%swap3A_213, %swap3A_214] {strides = array<i32>} : memref<32x768xf32, #tpu.memory_space<vmem>>, vector<1x16xf32>,
      %swap3A_216 = vector.shape_cast %swap3A_215 : vector<1x16xf32> to vector<16xf32>
      %swap3A_217 = vector.shape_cast %add3A_212 : vector<16xf32> to vector<1x16xf32>
      tpu.vector_store %arg9[%swap3A_213, %swap3A_214], %swap3A_217 {strides = array<i32>} : memref<32x768xf32, #tpu.memory_space<vmem>>, vector<1x16xf32>,
      %mul3A_218 = arith.constant 2 : i32
      %mul3A_219 = arith.muli %mul3A_218, %scan3A_28 : i32
      %get3A_220 = arith.index_cast %mul3A_219 : i32 to index
      %get3A_221 = arith.constant 128 : index
      %get3A_222 = tpu.vector_load %arg8[%get3A_220, %get3A_221] {strides = array<i32>} : memref<64x768xf32, #tpu.memory_space<vmem>>, vector<1x16xf32>,
      %get3A_223 = vector.shape_cast %get3A_222 : vector<1x16xf32> to vector<16xf32>
      %mul3A_224 = arith.constant 2 : i32
      %mul3A_225 = arith.muli %mul3A_224, %scan3A_28 : i32
      %add3A_226 = arith.constant 1 : i32
      %add3A_227 = arith.addi %mul3A_225, %add3A_226 : i32
      %get3A_228 = arith.index_cast %add3A_227 : i32 to index
      %get3A_229 = arith.constant 128 : index
      %get3A_230 = tpu.vector_load %arg8[%get3A_228, %get3A_229] {strides = array<i32>} : memref<64x768xf32, #tpu.memory_space<vmem>>, vector<1x16xf32>,
      %get3A_231 = vector.shape_cast %get3A_230 : vector<1x16xf32> to vector<16xf32>
      %mul3A_232 = arith.mulf %get3A_34, %get3A_223 : vector<16xf32>
      %mul3A_233 = arith.mulf %get3A_42, %get3A_231 : vector<16xf32>
      %add3A_234 = arith.addf %mul3A_232, %mul3A_233 : vector<16xf32>
      %swap3A_235 = arith.index_cast %scan3A_28 : i32 to index
      %swap3A_236 = arith.constant 128 : index
      %swap3A_237 = tpu.vector_load %arg9[%swap3A_235, %swap3A_236] {strides = array<i32>} : memref<32x768xf32, #tpu.memory_space<vmem>>, vector<1x16xf32>,
      %swap3A_238 = vector.shape_cast %swap3A_237 : vector<1x16xf32> to vector<16xf32>
      %swap3A_239 = vector.shape_cast %add3A_234 : vector<16xf32> to vector<1x16xf32>
      tpu.vector_store %arg9[%swap3A_235, %swap3A_236], %swap3A_239 {strides = array<i32>} : memref<32x768xf32, #tpu.memory_space<vmem>>, vector<1x16xf32>,
      %mul3A_240 = arith.constant 2 : i32
      %mul3A_241 = arith.muli %mul3A_240, %scan3A_28 : i32
      %get3A_242 = arith.index_cast %mul3A_241 : i32 to index
      %get3A_243 = arith.constant 144 : index
      %get3A_244 = tpu.vector_load %arg8[%get3A_242, %get3A_243] {strides = array<i32>} : memref<64x768xf32, #tpu.memory_space<vmem>>, vector<1x16xf32>,
      %get3A_245 = vector.shape_cast %get3A_244 : vector<1x16xf32> to vector<16xf32>
      %mul3A_246 = arith.constant 2 : i32
      %mul3A_247 = arith.muli %mul3A_246, %scan3A_28 : i32
      %add3A_248 = arith.constant 1 : i32
      %add3A_249 = arith.addi %mul3A_247, %add3A_248 : i32
      %get3A_250 = arith.index_cast %add3A_249 : i32 to index
      %get3A_251 = arith.constant 144 : index
      %get3A_252 = tpu.vector_load %arg8[%get3A_250, %get3A_251] {strides = array<i32>} : memref<64x768xf32, #tpu.memory_space<vmem>>, vector<1x16xf32>,
      %get3A_253 = vector.shape_cast %get3A_252 : vector<1x16xf32> to vector<16xf32>
      %mul3A_254 = arith.mulf %get3A_34, %get3A_245 : vector<16xf32>
      %mul3A_255 = arith.mulf %get3A_42, %get3A_253 : vector<16xf32>
      %add3A_256 = arith.addf %mul3A_254, %mul3A_255 : vector<16xf32>
      %swap3A_257 = arith.index_cast %scan3A_28 : i32 to index
      %swap3A_258 = arith.constant 144 : index
      %swap3A_259 = tpu.vector_load %arg9[%swap3A_257, %swap3A_258] {strides = array<i32>} : memref<32x768xf32, #tpu.memory_space<vmem>>, vector<1x16xf32>,
      %swap3A_260 = vector.shape_cast %swap3A_259 : vector<1x16xf32> to vector<16xf32>
      %swap3A_261 = vector.shape_cast %add3A_256 : vector<16xf32> to vector<1x16xf32>
      tpu.vector_store %arg9[%swap3A_257, %swap3A_258], %swap3A_261 {strides = array<i32>} : memref<32x768xf32, #tpu.memory_space<vmem>>, vector<1x16xf32>,
      %mul3A_262 = arith.constant 2 : i32
      %mul3A_263 = arith.muli %mul3A_262, %scan3A_28 : i32
      %get3A_264 = arith.index_cast %mul3A_263 : i32 to index
      %get3A_265 = arith.constant 160 : index
      %get3A_266 = tpu.vector_load %arg8[%get3A_264, %get3A_265] {strides = array<i32>} : memref<64x768xf32, #tpu.memory_space<vmem>>, vector<1x16xf32>,
      %get3A_267 = vector.shape_cast %get3A_266 : vector<1x16xf32> to vector<16xf32>
      %mul3A_268 = arith.constant 2 : i32
      %mul3A_269 = arith.muli %mul3A_268, %scan3A_28 : i32
      %add3A_270 = arith.constant 1 : i32
      %add3A_271 = arith.addi %mul3A_269, %add3A_270 : i32
      %get3A_272 = arith.index_cast %add3A_271 : i32 to index
      %get3A_273 = arith.constant 160 : index
      %get3A_274 = tpu.vector_load %arg8[%get3A_272, %get3A_273] {strides = array<i32>} : memref<64x768xf32, #tpu.memory_space<vmem>>, vector<1x16xf32>,
      %get3A_275 = vector.shape_cast %get3A_274 : vector<1x16xf32> to vector<16xf32>
      %mul3A_276 = arith.mulf %get3A_34, %get3A_267 : vector<16xf32>
      %mul3A_277 = arith.mulf %get3A_42, %get3A_275 : vector<16xf32>
      %add3A_278 = arith.addf %mul3A_276, %mul3A_277 : vector<16xf32>
      %swap3A_279 = arith.index_cast %scan3A_28 : i32 to index
      %swap3A_280 = arith.constant 160 : index
      %swap3A_281 = tpu.vector_load %arg9[%swap3A_279, %swap3A_280] {strides = array<i32>} : memref<32x768xf32, #tpu.memory_space<vmem>>, vector<1x16xf32>,
      %swap3A_282 = vector.shape_cast %swap3A_281 : vector<1x16xf32> to vector<16xf32>
      %swap3A_283 = vector.shape_cast %add3A_278 : vector<16xf32> to vector<1x16xf32>
      tpu.vector_store %arg9[%swap3A_279, %swap3A_280], %swap3A_283 {strides = array<i32>} : memref<32x768xf32, #tpu.memory_space<vmem>>, vector<1x16xf32>,
      %mul3A_284 = arith.constant 2 : i32
      %mul3A_285 = arith.muli %mul3A_284, %scan3A_28 : i32
      %get3A_286 = arith.index_cast %mul3A_285 : i32 to index
      %get3A_287 = arith.constant 176 : index
      %get3A_288 = tpu.vector_load %arg8[%get3A_286, %get3A_287] {strides = array<i32>} : memref<64x768xf32, #tpu.memory_space<vmem>>, vector<1x16xf32>,
      %get3A_289 = vector.shape_cast %get3A_288 : vector<1x16xf32> to vector<16xf32>
      %mul3A_290 = arith.constant 2 : i32
      %mul3A_291 = arith.muli %mul3A_290, %scan3A_28 : i32
      %add3A_292 = arith.constant 1 : i32
      %add3A_293 = arith.addi %mul3A_291, %add3A_292 : i32
      %get3A_294 = arith.index_cast %add3A_293 : i32 to index
      %get3A_295 = arith.constant 176 : index
      %get3A_296 = tpu.vector_load %arg8[%get3A_294, %get3A_295] {strides = array<i32>} : memref<64x768xf32, #tpu.memory_space<vmem>>, vector<1x16xf32>,
      %get3A_297 = vector.shape_cast %get3A_296 : vector<1x16xf32> to vector<16xf32>
      %mul3A_298 = arith.mulf %get3A_34, %get3A_289 : vector<16xf32>
      %mul3A_299 = arith.mulf %get3A_42, %get3A_297 : vector<16xf32>
      %add3A_300 = arith.addf %mul3A_298, %mul3A_299 : vector<16xf32>
      %swap3A_301 = arith.index_cast %scan3A_28 : i32 to index
      %swap3A_302 = arith.constant 176 : index
      %swap3A_303 = tpu.vector_load %arg9[%swap3A_301, %swap3A_302] {strides = array<i32>} : memref<32x768xf32, #tpu.memory_space<vmem>>, vector<1x16xf32>,
      %swap3A_304 = vector.shape_cast %swap3A_303 : vector<1x16xf32> to vector<16xf32>
      %swap3A_305 = vector.shape_cast %add3A_300 : vector<16xf32> to vector<1x16xf32>
      tpu.vector_store %arg9[%swap3A_301, %swap3A_302], %swap3A_305 {strides = array<i32>} : memref<32x768xf32, #tpu.memory_space<vmem>>, vector<1x16xf32>,
      %mul3A_306 = arith.constant 2 : i32
      %mul3A_307 = arith.muli %mul3A_306, %scan3A_28 : i32
      %get3A_308 = arith.index_cast %mul3A_307 : i32 to index
      %get3A_309 = arith.constant 192 : index
      %get3A_310 = tpu.vector_load %arg8[%get3A_308, %get3A_309] {strides = array<i32>} : memref<64x768xf32, #tpu.memory_space<vmem>>, vector<1x16xf32>,
      %get3A_311 = vector.shape_cast %get3A_310 : vector<1x16xf32> to vector<16xf32>
      %mul3A_312 = arith.constant 2 : i32
      %mul3A_313 = arith.muli %mul3A_312, %scan3A_28 : i32
      %add3A_314 = arith.constant 1 : i32
      %add3A_315 = arith.addi %mul3A_313, %add3A_314 : i32
      %get3A_316 = arith.index_cast %add3A_315 : i32 to index
      %get3A_317 = arith.constant 192 : index
      %get3A_318 = tpu.vector_load %arg8[%get3A_316, %get3A_317] {strides = array<i32>} : memref<64x768xf32, #tpu.memory_space<vmem>>, vector<1x16xf32>,
      %get3A_319 = vector.shape_cast %get3A_318 : vector<1x16xf32> to vector<16xf32>
      %mul3A_320 = arith.mulf %get3A_34, %get3A_311 : vector<16xf32>
      %mul3A_321 = arith.mulf %get3A_42, %get3A_319 : vector<16xf32>
      %add3A_322 = arith.addf %mul3A_320, %mul3A_321 : vector<16xf32>
      %swap3A_323 = arith.index_cast %scan3A_28 : i32 to index
      %swap3A_324 = arith.constant 192 : index
      %swap3A_325 = tpu.vector_load %arg9[%swap3A_323, %swap3A_324] {strides = array<i32>} : memref<32x768xf32, #tpu.memory_space<vmem>>, vector<1x16xf32>,
      %swap3A_326 = vector.shape_cast %swap3A_325 : vector<1x16xf32> to vector<16xf32>
      %swap3A_327 = vector.shape_cast %add3A_322 : vector<16xf32> to vector<1x16xf32>
      tpu.vector_store %arg9[%swap3A_323, %swap3A_324], %swap3A_327 {strides = array<i32>} : memref<32x768xf32, #tpu.memory_space<vmem>>, vector<1x16xf32>,
      %mul3A_328 = arith.constant 2 : i32
      %mul3A_329 = arith.muli %mul3A_328, %scan3A_28 : i32
      %get3A_330 = arith.index_cast %mul3A_329 : i32 to index
      %get3A_331 = arith.constant 208 : index
      %get3A_332 = tpu.vector_load %arg8[%get3A_330, %get3A_331] {strides = array<i32>} : memref<64x768xf32, #tpu.memory_space<vmem>>, vector<1x16xf32>,
      %get3A_333 = vector.shape_cast %get3A_332 : vector<1x16xf32> to vector<16xf32>
      %mul3A_334 = arith.constant 2 : i32
      %mul3A_335 = arith.muli %mul3A_334, %scan3A_28 : i32
      %add3A_336 = arith.constant 1 : i32
      %add3A_337 = arith.addi %mul3A_335, %add3A_336 : i32
      %get3A_338 = arith.index_cast %add3A_337 : i32 to index
      %get3A_339 = arith.constant 208 : index
      %get3A_340 = tpu.vector_load %arg8[%get3A_338, %get3A_339] {strides = array<i32>} : memref<64x768xf32, #tpu.memory_space<vmem>>, vector<1x16xf32>,
      %get3A_341 = vector.shape_cast %get3A_340 : vector<1x16xf32> to vector<16xf32>
      %mul3A_342 = arith.mulf %get3A_34, %get3A_333 : vector<16xf32>
      %mul3A_343 = arith.mulf %get3A_42, %get3A_341 : vector<16xf32>
      %add3A_344 = arith.addf %mul3A_342, %mul3A_343 : vector<16xf32>
      %swap3A_345 = arith.index_cast %scan3A_28 : i32 to index
      %swap3A_346 = arith.constant 208 : index
      %swap3A_347 = tpu.vector_load %arg9[%swap3A_345, %swap3A_346] {strides = array<i32>} : memref<32x768xf32, #tpu.memory_space<vmem>>, vector<1x16xf32>,
      %swap3A_348 = vector.shape_cast %swap3A_347 : vector<1x16xf32> to vector<16xf32>
      %swap3A_349 = vector.shape_cast %add3A_344 : vector<16xf32> to vector<1x16xf32>
      tpu.vector_store %arg9[%swap3A_345, %swap3A_346], %swap3A_349 {strides = array<i32>} : memref<32x768xf32, #tpu.memory_space<vmem>>, vector<1x16xf32>,
      %mul3A_350 = arith.constant 2 : i32
      %mul3A_351 = arith.muli %mul3A_350, %scan3A_28 : i32
      %get3A_352 = arith.index_cast %mul3A_351 : i32 to index
      %get3A_353 = arith.constant 224 : index
      %get3A_354 = tpu.vector_load %arg8[%get3A_352, %get3A_353] {strides = array<i32>} : memref<64x768xf32, #tpu.memory_space<vmem>>, vector<1x16xf32>,
      %get3A_355 = vector.shape_cast %get3A_354 : vector<1x16xf32> to vector<16xf32>
      %mul3A_356 = arith.constant 2 : i32
      %mul3A_357 = arith.muli %mul3A_356, %scan3A_28 : i32
      %add3A_358 = arith.constant 1 : i32
      %add3A_359 = arith.addi %mul3A_357, %add3A_358 : i32
      %get3A_360 = arith.index_cast %add3A_359 : i32 to index
      %get3A_361 = arith.constant 224 : index
      %get3A_362 = tpu.vector_load %arg8[%get3A_360, %get3A_361] {strides = array<i32>} : memref<64x768xf32, #tpu.memory_space<vmem>>, vector<1x16xf32>,
      %get3A_363 = vector.shape_cast %get3A_362 : vector<1x16xf32> to vector<16xf32>
      %mul3A_364 = arith.mulf %get3A_34, %get3A_355 : vector<16xf32>
      %mul3A_365 = arith.mulf %get3A_42, %get3A_363 : vector<16xf32>
      %add3A_366 = arith.addf %mul3A_364, %mul3A_365 : vector<16xf32>
      %swap3A_367 = arith.index_cast %scan3A_28 : i32 to index
      %swap3A_368 = arith.constant 224 : index
      %swap3A_369 = tpu.vector_load %arg9[%swap3A_367, %swap3A_368] {strides = array<i32>} : memref<32x768xf32, #tpu.memory_space<vmem>>, vector<1x16xf32>,
      %swap3A_370 = vector.shape_cast %swap3A_369 : vector<1x16xf32> to vector<16xf32>
      %swap3A_371 = vector.shape_cast %add3A_366 : vector<16xf32> to vector<1x16xf32>
      tpu.vector_store %arg9[%swap3A_367, %swap3A_368], %swap3A_371 {strides = array<i32>} : memref<32x768xf32, #tpu.memory_space<vmem>>, vector<1x16xf32>,
      %mul3A_372 = arith.constant 2 : i32
      %mul3A_373 = arith.muli %mul3A_372, %scan3A_28 : i32
      %get3A_374 = arith.index_cast %mul3A_373 : i32 to index
      %get3A_375 = arith.constant 240 : index
      %get3A_376 = tpu.vector_load %arg8[%get3A_374, %get3A_375] {strides = array<i32>} : memref<64x768xf32, #tpu.memory_space<vmem>>, vector<1x16xf32>,
      %get3A_377 = vector.shape_cast %get3A_376 : vector<1x16xf32> to vector<16xf32>
      %mul3A_378 = arith.constant 2 : i32
      %mul3A_379 = arith.muli %mul3A_378, %scan3A_28 : i32
      %add3A_380 = arith.constant 1 : i32
      %add3A_381 = arith.addi %mul3A_379, %add3A_380 : i32
      %get3A_382 = arith.index_cast %add3A_381 : i32 to index
      %get3A_383 = arith.constant 240 : index
      %get3A_384 = tpu.vector_load %arg8[%get3A_382, %get3A_383] {strides = array<i32>} : memref<64x768xf32, #tpu.memory_space<vmem>>, vector<1x16xf32>,
      %get3A_385 = vector.shape_cast %get3A_384 : vector<1x16xf32> to vector<16xf32>
      %mul3A_386 = arith.mulf %get3A_34, %get3A_377 : vector<16xf32>
      %mul3A_387 = arith.mulf %get3A_42, %get3A_385 : vector<16xf32>
      %add3A_388 = arith.addf %mul3A_386, %mul3A_387 : vector<16xf32>
      %swap3A_389 = arith.index_cast %scan3A_28 : i32 to index
      %swap3A_390 = arith.constant 240 : index
      %swap3A_391 = tpu.vector_load %arg9[%swap3A_389, %swap3A_390] {strides = array<i32>} : memref<32x768xf32, #tpu.memory_space<vmem>>, vector<1x16xf32>,
      %swap3A_392 = vector.shape_cast %swap3A_391 : vector<1x16xf32> to vector<16xf32>
      %swap3A_393 = vector.shape_cast %add3A_388 : vector<16xf32> to vector<1x16xf32>
      tpu.vector_store %arg9[%swap3A_389, %swap3A_390], %swap3A_393 {strides = array<i32>} : memref<32x768xf32, #tpu.memory_space<vmem>>, vector<1x16xf32>,
      %mul3A_394 = arith.constant 2 : i32
      %mul3A_395 = arith.muli %mul3A_394, %scan3A_28 : i32
      %get3A_396 = arith.index_cast %mul3A_395 : i32 to index
      %get3A_397 = arith.constant 256 : index
      %get3A_398 = tpu.vector_load %arg8[%get3A_396, %get3A_397] {strides = array<i32>} : memref<64x768xf32, #tpu.memory_space<vmem>>, vector<1x16xf32>,
      %get3A_399 = vector.shape_cast %get3A_398 : vector<1x16xf32> to vector<16xf32>
      %mul3A_400 = arith.constant 2 : i32
      %mul3A_401 = arith.muli %mul3A_400, %scan3A_28 : i32
      %add3A_402 = arith.constant 1 : i32
      %add3A_403 = arith.addi %mul3A_401, %add3A_402 : i32
      %get3A_404 = arith.index_cast %add3A_403 : i32 to index
      %get3A_405 = arith.constant 256 : index
      %get3A_406 = tpu.vector_load %arg8[%get3A_404, %get3A_405] {strides = array<i32>} : memref<64x768xf32, #tpu.memory_space<vmem>>, vector<1x16xf32>,
      %get3A_407 = vector.shape_cast %get3A_406 : vector<1x16xf32> to vector<16xf32>
      %mul3A_408 = arith.mulf %get3A_34, %get3A_399 : vector<16xf32>
      %mul3A_409 = arith.mulf %get3A_42, %get3A_407 : vector<16xf32>
      %add3A_410 = arith.addf %mul3A_408, %mul3A_409 : vector<16xf32>
      %swap3A_411 = arith.index_cast %scan3A_28 : i32 to index
      %swap3A_412 = arith.constant 256 : index
      %swap3A_413 = tpu.vector_load %arg9[%swap3A_411, %swap3A_412] {strides = array<i32>} : memref<32x768xf32, #tpu.memory_space<vmem>>, vector<1x16xf32>,
      %swap3A_414 = vector.shape_cast %swap3A_413 : vector<1x16xf32> to vector<16xf32>
      %swap3A_415 = vector.shape_cast %add3A_410 : vector<16xf32> to vector<1x16xf32>
      tpu.vector_store %arg9[%swap3A_411, %swap3A_412], %swap3A_415 {strides = array<i32>} : memref<32x768xf32, #tpu.memory_space<vmem>>, vector<1x16xf32>,
      %mul3A_416 = arith.constant 2 : i32
      %mul3A_417 = arith.muli %mul3A_416, %scan3A_28 : i32
      %get3A_418 = arith.index_cast %mul3A_417 : i32 to index
      %get3A_419 = arith.constant 272 : index
      %get3A_420 = tpu.vector_load %arg8[%get3A_418, %get3A_419] {strides = array<i32>} : memref<64x768xf32, #tpu.memory_space<vmem>>, vector<1x16xf32>,
      %get3A_421 = vector.shape_cast %get3A_420 : vector<1x16xf32> to vector<16xf32>
      %mul3A_422 = arith.constant 2 : i32
      %mul3A_423 = arith.muli %mul3A_422, %scan3A_28 : i32
      %add3A_424 = arith.constant 1 : i32
      %add3A_425 = arith.addi %mul3A_423, %add3A_424 : i32
      %get3A_426 = arith.index_cast %add3A_425 : i32 to index
      %get3A_427 = arith.constant 272 : index
      %get3A_428 = tpu.vector_load %arg8[%get3A_426, %get3A_427] {strides = array<i32>} : memref<64x768xf32, #tpu.memory_space<vmem>>, vector<1x16xf32>,
      %get3A_429 = vector.shape_cast %get3A_428 : vector<1x16xf32> to vector<16xf32>
      %mul3A_430 = arith.mulf %get3A_34, %get3A_421 : vector<16xf32>
      %mul3A_431 = arith.mulf %get3A_42, %get3A_429 : vector<16xf32>
      %add3A_432 = arith.addf %mul3A_430, %mul3A_431 : vector<16xf32>
      %swap3A_433 = arith.index_cast %scan3A_28 : i32 to index
      %swap3A_434 = arith.constant 272 : index
      %swap3A_435 = tpu.vector_load %arg9[%swap3A_433, %swap3A_434] {strides = array<i32>} : memref<32x768xf32, #tpu.memory_space<vmem>>, vector<1x16xf32>,
      %swap3A_436 = vector.shape_cast %swap3A_435 : vector<1x16xf32> to vector<16xf32>
      %swap3A_437 = vector.shape_cast %add3A_432 : vector<16xf32> to vector<1x16xf32>
      tpu.vector_store %arg9[%swap3A_433, %swap3A_434], %swap3A_437 {strides = array<i32>} : memref<32x768xf32, #tpu.memory_space<vmem>>, vector<1x16xf32>,
      %mul3A_438 = arith.constant 2 : i32
      %mul3A_439 = arith.muli %mul3A_438, %scan3A_28 : i32
      %get3A_440 = arith.index_cast %mul3A_439 : i32 to index
      %get3A_441 = arith.constant 288 : index
      %get3A_442 = tpu.vector_load %arg8[%get3A_440, %get3A_441] {strides = array<i32>} : memref<64x768xf32, #tpu.memory_space<vmem>>, vector<1x16xf32>,
      %get3A_443 = vector.shape_cast %get3A_442 : vector<1x16xf32> to vector<16xf32>
      %mul3A_444 = arith.constant 2 : i32
      %mul3A_445 = arith.muli %mul3A_444, %scan3A_28 : i32
      %add3A_446 = arith.constant 1 : i32
      %add3A_447 = arith.addi %mul3A_445, %add3A_446 : i32
      %get3A_448 = arith.index_cast %add3A_447 : i32 to index
      %get3A_449 = arith.constant 288 : index
      %get3A_450 = tpu.vector_load %arg8[%get3A_448, %get3A_449] {strides = array<i32>} : memref<64x768xf32, #tpu.memory_space<vmem>>, vector<1x16xf32>,
      %get3A_451 = vector.shape_cast %get3A_450 : vector<1x16xf32> to vector<16xf32>
      %mul3A_452 = arith.mulf %get3A_34, %get3A_443 : vector<16xf32>
      %mul3A_453 = arith.mulf %get3A_42, %get3A_451 : vector<16xf32>
      %add3A_454 = arith.addf %mul3A_452, %mul3A_453 : vector<16xf32>
      %swap3A_455 = arith.index_cast %scan3A_28 : i32 to index
      %swap3A_456 = arith.constant 288 : index
      %swap3A_457 = tpu.vector_load %arg9[%swap3A_455, %swap3A_456] {strides = array<i32>} : memref<32x768xf32, #tpu.memory_space<vmem>>, vector<1x16xf32>,
      %swap3A_458 = vector.shape_cast %swap3A_457 : vector<1x16xf32> to vector<16xf32>
      %swap3A_459 = vector.shape_cast %add3A_454 : vector<16xf32> to vector<1x16xf32>
      tpu.vector_store %arg9[%swap3A_455, %swap3A_456], %swap3A_459 {strides = array<i32>} : memref<32x768xf32, #tpu.memory_space<vmem>>, vector<1x16xf32>,
      %mul3A_460 = arith.constant 2 : i32
      %mul3A_461 = arith.muli %mul3A_460, %scan3A_28 : i32
      %get3A_462 = arith.index_cast %mul3A_461 : i32 to index
      %get3A_463 = arith.constant 304 : index
      %get3A_464 = tpu.vector_load %arg8[%get3A_462, %get3A_463] {strides = array<i32>} : memref<64x768xf32, #tpu.memory_space<vmem>>, vector<1x16xf32>,
      %get3A_465 = vector.shape_cast %get3A_464 : vector<1x16xf32> to vector<16xf32>
      %mul3A_466 = arith.constant 2 : i32
      %mul3A_467 = arith.muli %mul3A_466, %scan3A_28 : i32
      %add3A_468 = arith.constant 1 : i32
      %add3A_469 = arith.addi %mul3A_467, %add3A_468 : i32
      %get3A_470 = arith.index_cast %add3A_469 : i32 to index
      %get3A_471 = arith.constant 304 : index
      %get3A_472 = tpu.vector_load %arg8[%get3A_470, %get3A_471] {strides = array<i32>} : memref<64x768xf32, #tpu.memory_space<vmem>>, vector<1x16xf32>,
      %get3A_473 = vector.shape_cast %get3A_472 : vector<1x16xf32> to vector<16xf32>
      %mul3A_474 = arith.mulf %get3A_34, %get3A_465 : vector<16xf32>
      %mul3A_475 = arith.mulf %get3A_42, %get3A_473 : vector<16xf32>
      %add3A_476 = arith.addf %mul3A_474, %mul3A_475 : vector<16xf32>
      %swap3A_477 = arith.index_cast %scan3A_28 : i32 to index
      %swap3A_478 = arith.constant 304 : index
      %swap3A_479 = tpu.vector_load %arg9[%swap3A_477, %swap3A_478] {strides = array<i32>} : memref<32x768xf32, #tpu.memory_space<vmem>>, vector<1x16xf32>,
      %swap3A_480 = vector.shape_cast %swap3A_479 : vector<1x16xf32> to vector<16xf32>
      %swap3A_481 = vector.shape_cast %add3A_476 : vector<16xf32> to vector<1x16xf32>
      tpu.vector_store %arg9[%swap3A_477, %swap3A_478], %swap3A_481 {strides = array<i32>} : memref<32x768xf32, #tpu.memory_space<vmem>>, vector<1x16xf32>,
      %mul3A_482 = arith.constant 2 : i32
      %mul3A_483 = arith.muli %mul3A_482, %scan3A_28 : i32
      %get3A_484 = arith.index_cast %mul3A_483 : i32 to index
      %get3A_485 = arith.constant 320 : index
      %get3A_486 = tpu.vector_load %arg8[%get3A_484, %get3A_485] {strides = array<i32>} : memref<64x768xf32, #tpu.memory_space<vmem>>, vector<1x16xf32>,
      %get3A_487 = vector.shape_cast %get3A_486 : vector<1x16xf32> to vector<16xf32>
      %mul3A_488 = arith.constant 2 : i32
      %mul3A_489 = arith.muli %mul3A_488, %scan3A_28 : i32
      %add3A_490 = arith.constant 1 : i32
      %add3A_491 = arith.addi %mul3A_489, %add3A_490 : i32
      %get3A_492 = arith.index_cast %add3A_491 : i32 to index
      %get3A_493 = arith.constant 320 : index
      %get3A_494 = tpu.vector_load %arg8[%get3A_492, %get3A_493] {strides = array<i32>} : memref<64x768xf32, #tpu.memory_space<vmem>>, vector<1x16xf32>,
      %get3A_495 = vector.shape_cast %get3A_494 : vector<1x16xf32> to vector<16xf32>
      %mul3A_496 = arith.mulf %get3A_34, %get3A_487 : vector<16xf32>
      %mul3A_497 = arith.mulf %get3A_42, %get3A_495 : vector<16xf32>
      %add3A_498 = arith.addf %mul3A_496, %mul3A_497 : vector<16xf32>
      %swap3A_499 = arith.index_cast %scan3A_28 : i32 to index
      %swap3A_500 = arith.constant 320 : index
      %swap3A_501 = tpu.vector_load %arg9[%swap3A_499, %swap3A_500] {strides = array<i32>} : memref<32x768xf32, #tpu.memory_space<vmem>>, vector<1x16xf32>,
      %swap3A_502 = vector.shape_cast %swap3A_501 : vector<1x16xf32> to vector<16xf32>
      %swap3A_503 = vector.shape_cast %add3A_498 : vector<16xf32> to vector<1x16xf32>
      tpu.vector_store %arg9[%swap3A_499, %swap3A_500], %swap3A_503 {strides = array<i32>} : memref<32x768xf32, #tpu.memory_space<vmem>>, vector<1x16xf32>,
      %mul3A_504 = arith.constant 2 : i32
      %mul3A_505 = arith.muli %mul3A_504, %scan3A_28 : i32
      %get3A_506 = arith.index_cast %mul3A_505 : i32 to index
      %get3A_507 = arith.constant 336 : index
      %get3A_508 = tpu.vector_load %arg8[%get3A_506, %get3A_507] {strides = array<i32>} : memref<64x768xf32, #tpu.memory_space<vmem>>, vector<1x16xf32>,
      %get3A_509 = vector.shape_cast %get3A_508 : vector<1x16xf32> to vector<16xf32>
      %mul3A_510 = arith.constant 2 : i32
      %mul3A_511 = arith.muli %mul3A_510, %scan3A_28 : i32
      %add3A_512 = arith.constant 1 : i32
      %add3A_513 = arith.addi %mul3A_511, %add3A_512 : i32
      %get3A_514 = arith.index_cast %add3A_513 : i32 to index
      %get3A_515 = arith.constant 336 : index
      %get3A_516 = tpu.vector_load %arg8[%get3A_514, %get3A_515] {strides = array<i32>} : memref<64x768xf32, #tpu.memory_space<vmem>>, vector<1x16xf32>,
      %get3A_517 = vector.shape_cast %get3A_516 : vector<1x16xf32> to vector<16xf32>
      %mul3A_518 = arith.mulf %get3A_34, %get3A_509 : vector<16xf32>
      %mul3A_519 = arith.mulf %get3A_42, %get3A_517 : vector<16xf32>
      %add3A_520 = arith.addf %mul3A_518, %mul3A_519 : vector<16xf32>
      %swap3A_521 = arith.index_cast %scan3A_28 : i32 to index
      %swap3A_522 = arith.constant 336 : index
      %swap3A_523 = tpu.vector_load %arg9[%swap3A_521, %swap3A_522] {strides = array<i32>} : memref<32x768xf32, #tpu.memory_space<vmem>>, vector<1x16xf32>,
      %swap3A_524 = vector.shape_cast %swap3A_523 : vector<1x16xf32> to vector<16xf32>
      %swap3A_525 = vector.shape_cast %add3A_520 : vector<16xf32> to vector<1x16xf32>
      tpu.vector_store %arg9[%swap3A_521, %swap3A_522], %swap3A_525 {strides = array<i32>} : memref<32x768xf32, #tpu.memory_space<vmem>>, vector<1x16xf32>,
      %mul3A_526 = arith.constant 2 : i32
      %mul3A_527 = arith.muli %mul3A_526, %scan3A_28 : i32
      %get3A_528 = arith.index_cast %mul3A_527 : i32 to index
      %get3A_529 = arith.constant 352 : index
      %get3A_530 = tpu.vector_load %arg8[%get3A_528, %get3A_529] {strides = array<i32>} : memref<64x768xf32, #tpu.memory_space<vmem>>, vector<1x16xf32>,
      %get3A_531 = vector.shape_cast %get3A_530 : vector<1x16xf32> to vector<16xf32>
      %mul3A_532 = arith.constant 2 : i32
      %mul3A_533 = arith.muli %mul3A_532, %scan3A_28 : i32
      %add3A_534 = arith.constant 1 : i32
      %add3A_535 = arith.addi %mul3A_533, %add3A_534 : i32
      %get3A_536 = arith.index_cast %add3A_535 : i32 to index
      %get3A_537 = arith.constant 352 : index
      %get3A_538 = tpu.vector_load %arg8[%get3A_536, %get3A_537] {strides = array<i32>} : memref<64x768xf32, #tpu.memory_space<vmem>>, vector<1x16xf32>,
      %get3A_539 = vector.shape_cast %get3A_538 : vector<1x16xf32> to vector<16xf32>
      %mul3A_540 = arith.mulf %get3A_34, %get3A_531 : vector<16xf32>
      %mul3A_541 = arith.mulf %get3A_42, %get3A_539 : vector<16xf32>
      %add3A_542 = arith.addf %mul3A_540, %mul3A_541 : vector<16xf32>
      %swap3A_543 = arith.index_cast %scan3A_28 : i32 to index
      %swap3A_544 = arith.constant 352 : index
      %swap3A_545 = tpu.vector_load %arg9[%swap3A_543, %swap3A_544] {strides = array<i32>} : memref<32x768xf32, #tpu.memory_space<vmem>>, vector<1x16xf32>,
      %swap3A_546 = vector.shape_cast %swap3A_545 : vector<1x16xf32> to vector<16xf32>
      %swap3A_547 = vector.shape_cast %add3A_542 : vector<16xf32> to vector<1x16xf32>
      tpu.vector_store %arg9[%swap3A_543, %swap3A_544], %swap3A_547 {strides = array<i32>} : memref<32x768xf32, #tpu.memory_space<vmem>>, vector<1x16xf32>,
      %mul3A_548 = arith.constant 2 : i32
      %mul3A_549 = arith.muli %mul3A_548, %scan3A_28 : i32
      %get3A_550 = arith.index_cast %mul3A_549 : i32 to index
      %get3A_551 = arith.constant 368 : index
      %get3A_552 = tpu.vector_load %arg8[%get3A_550, %get3A_551] {strides = array<i32>} : memref<64x768xf32, #tpu.memory_space<vmem>>, vector<1x16xf32>,
      %get3A_553 = vector.shape_cast %get3A_552 : vector<1x16xf32> to vector<16xf32>
      %mul3A_554 = arith.constant 2 : i32
      %mul3A_555 = arith.muli %mul3A_554, %scan3A_28 : i32
      %add3A_556 = arith.constant 1 : i32
      %add3A_557 = arith.addi %mul3A_555, %add3A_556 : i32
      %get3A_558 = arith.index_cast %add3A_557 : i32 to index
      %get3A_559 = arith.constant 368 : index
      %get3A_560 = tpu.vector_load %arg8[%get3A_558, %get3A_559] {strides = array<i32>} : memref<64x768xf32, #tpu.memory_space<vmem>>, vector<1x16xf32>,
      %get3A_561 = vector.shape_cast %get3A_560 : vector<1x16xf32> to vector<16xf32>
      %mul3A_562 = arith.mulf %get3A_34, %get3A_553 : vector<16xf32>
      %mul3A_563 = arith.mulf %get3A_42, %get3A_561 : vector<16xf32>
      %add3A_564 = arith.addf %mul3A_562, %mul3A_563 : vector<16xf32>
      %swap3A_565 = arith.index_cast %scan3A_28 : i32 to index
      %swap3A_566 = arith.constant 368 : index
      %swap3A_567 = tpu.vector_load %arg9[%swap3A_565, %swap3A_566] {strides = array<i32>} : memref<32x768xf32, #tpu.memory_space<vmem>>, vector<1x16xf32>,
      %swap3A_568 = vector.shape_cast %swap3A_567 : vector<1x16xf32> to vector<16xf32>
      %swap3A_569 = vector.shape_cast %add3A_564 : vector<16xf32> to vector<1x16xf32>
      tpu.vector_store %arg9[%swap3A_565, %swap3A_566], %swap3A_569 {strides = array<i32>} : memref<32x768xf32, #tpu.memory_space<vmem>>, vector<1x16xf32>,
      %mul3A_570 = arith.constant 2 : i32
      %mul3A_571 = arith.muli %mul3A_570, %scan3A_28 : i32
      %get3A_572 = arith.index_cast %mul3A_571 : i32 to index
      %get3A_573 = arith.constant 384 : index
      %get3A_574 = tpu.vector_load %arg8[%get3A_572, %get3A_573] {strides = array<i32>} : memref<64x768xf32, #tpu.memory_space<vmem>>, vector<1x16xf32>,
      %get3A_575 = vector.shape_cast %get3A_574 : vector<1x16xf32> to vector<16xf32>
      %mul3A_576 = arith.constant 2 : i32
      %mul3A_577 = arith.muli %mul3A_576, %scan3A_28 : i32
      %add3A_578 = arith.constant 1 : i32
      %add3A_579 = arith.addi %mul3A_577, %add3A_578 : i32
      %get3A_580 = arith.index_cast %add3A_579 : i32 to index
      %get3A_581 = arith.constant 384 : index
      %get3A_582 = tpu.vector_load %arg8[%get3A_580, %get3A_581] {strides = array<i32>} : memref<64x768xf32, #tpu.memory_space<vmem>>, vector<1x16xf32>,
      %get3A_583 = vector.shape_cast %get3A_582 : vector<1x16xf32> to vector<16xf32>
      %mul3A_584 = arith.mulf %get3A_34, %get3A_575 : vector<16xf32>
      %mul3A_585 = arith.mulf %get3A_42, %get3A_583 : vector<16xf32>
      %add3A_586 = arith.addf %mul3A_584, %mul3A_585 : vector<16xf32>
      %swap3A_587 = arith.index_cast %scan3A_28 : i32 to index
      %swap3A_588 = arith.constant 384 : index
      %swap3A_589 = tpu.vector_load %arg9[%swap3A_587, %swap3A_588] {strides = array<i32>} : memref<32x768xf32, #tpu.memory_space<vmem>>, vector<1x16xf32>,
      %swap3A_590 = vector.shape_cast %swap3A_589 : vector<1x16xf32> to vector<16xf32>
      %swap3A_591 = vector.shape_cast %add3A_586 : vector<16xf32> to vector<1x16xf32>
      tpu.vector_store %arg9[%swap3A_587, %swap3A_588], %swap3A_591 {strides = array<i32>} : memref<32x768xf32, #tpu.memory_space<vmem>>, vector<1x16xf32>,
      %mul3A_592 = arith.constant 2 : i32
      %mul3A_593 = arith.muli %mul3A_592, %scan3A_28 : i32
      %get3A_594 = arith.index_cast %mul3A_593 : i32 to index
      %get3A_595 = arith.constant 400 : index
      %get3A_596 = tpu.vector_load %arg8[%get3A_594, %get3A_595] {strides = array<i32>} : memref<64x768xf32, #tpu.memory_space<vmem>>, vector<1x16xf32>,
      %get3A_597 = vector.shape_cast %get3A_596 : vector<1x16xf32> to vector<16xf32>
      %mul3A_598 = arith.constant 2 : i32
      %mul3A_599 = arith.muli %mul3A_598, %scan3A_28 : i32
      %add3A_600 = arith.constant 1 : i32
      %add3A_601 = arith.addi %mul3A_599, %add3A_600 : i32
      %get3A_602 = arith.index_cast %add3A_601 : i32 to index
      %get3A_603 = arith.constant 400 : index
      %get3A_604 = tpu.vector_load %arg8[%get3A_602, %get3A_603] {strides = array<i32>} : memref<64x768xf32, #tpu.memory_space<vmem>>, vector<1x16xf32>,
      %get3A_605 = vector.shape_cast %get3A_604 : vector<1x16xf32> to vector<16xf32>
      %mul3A_606 = arith.mulf %get3A_34, %get3A_597 : vector<16xf32>
      %mul3A_607 = arith.mulf %get3A_42, %get3A_605 : vector<16xf32>
      %add3A_608 = arith.addf %mul3A_606, %mul3A_607 : vector<16xf32>
      %swap3A_609 = arith.index_cast %scan3A_28 : i32 to index
      %swap3A_610 = arith.constant 400 : index
      %swap3A_611 = tpu.vector_load %arg9[%swap3A_609, %swap3A_610] {strides = array<i32>} : memref<32x768xf32, #tpu.memory_space<vmem>>, vector<1x16xf32>,
      %swap3A_612 = vector.shape_cast %swap3A_611 : vector<1x16xf32> to vector<16xf32>
      %swap3A_613 = vector.shape_cast %add3A_608 : vector<16xf32> to vector<1x16xf32>
      tpu.vector_store %arg9[%swap3A_609, %swap3A_610], %swap3A_613 {strides = array<i32>} : memref<32x768xf32, #tpu.memory_space<vmem>>, vector<1x16xf32>,
      %mul3A_614 = arith.constant 2 : i32
      %mul3A_615 = arith.muli %mul3A_614, %scan3A_28 : i32
      %get3A_616 = arith.index_cast %mul3A_615 : i32 to index
      %get3A_617 = arith.constant 416 : index
      %get3A_618 = tpu.vector_load %arg8[%get3A_616, %get3A_617] {strides = array<i32>} : memref<64x768xf32, #tpu.memory_space<vmem>>, vector<1x16xf32>,
      %get3A_619 = vector.shape_cast %get3A_618 : vector<1x16xf32> to vector<16xf32>
      %mul3A_620 = arith.constant 2 : i32
      %mul3A_621 = arith.muli %mul3A_620, %scan3A_28 : i32
      %add3A_622 = arith.constant 1 : i32
      %add3A_623 = arith.addi %mul3A_621, %add3A_622 : i32
      %get3A_624 = arith.index_cast %add3A_623 : i32 to index
      %get3A_625 = arith.constant 416 : index
      %get3A_626 = tpu.vector_load %arg8[%get3A_624, %get3A_625] {strides = array<i32>} : memref<64x768xf32, #tpu.memory_space<vmem>>, vector<1x16xf32>,
      %get3A_627 = vector.shape_cast %get3A_626 : vector<1x16xf32> to vector<16xf32>
      %mul3A_628 = arith.mulf %get3A_34, %get3A_619 : vector<16xf32>
      %mul3A_629 = arith.mulf %get3A_42, %get3A_627 : vector<16xf32>
      %add3A_630 = arith.addf %mul3A_628, %mul3A_629 : vector<16xf32>
      %swap3A_631 = arith.index_cast %scan3A_28 : i32 to index
      %swap3A_632 = arith.constant 416 : index
      %swap3A_633 = tpu.vector_load %arg9[%swap3A_631, %swap3A_632] {strides = array<i32>} : memref<32x768xf32, #tpu.memory_space<vmem>>, vector<1x16xf32>,
      %swap3A_634 = vector.shape_cast %swap3A_633 : vector<1x16xf32> to vector<16xf32>
      %swap3A_635 = vector.shape_cast %add3A_630 : vector<16xf32> to vector<1x16xf32>
      tpu.vector_store %arg9[%swap3A_631, %swap3A_632], %swap3A_635 {strides = array<i32>} : memref<32x768xf32, #tpu.memory_space<vmem>>, vector<1x16xf32>,
      %mul3A_636 = arith.constant 2 : i32
      %mul3A_637 = arith.muli %mul3A_636, %scan3A_28 : i32
      %get3A_638 = arith.index_cast %mul3A_637 : i32 to index
      %get3A_639 = arith.constant 432 : index
      %get3A_640 = tpu.vector_load %arg8[%get3A_638, %get3A_639] {strides = array<i32>} : memref<64x768xf32, #tpu.memory_space<vmem>>, vector<1x16xf32>,
      %get3A_641 = vector.shape_cast %get3A_640 : vector<1x16xf32> to vector<16xf32>
      %mul3A_642 = arith.constant 2 : i32
      %mul3A_643 = arith.muli %mul3A_642, %scan3A_28 : i32
      %add3A_644 = arith.constant 1 : i32
      %add3A_645 = arith.addi %mul3A_643, %add3A_644 : i32
      %get3A_646 = arith.index_cast %add3A_645 : i32 to index
      %get3A_647 = arith.constant 432 : index
      %get3A_648 = tpu.vector_load %arg8[%get3A_646, %get3A_647] {strides = array<i32>} : memref<64x768xf32, #tpu.memory_space<vmem>>, vector<1x16xf32>,
      %get3A_649 = vector.shape_cast %get3A_648 : vector<1x16xf32> to vector<16xf32>
      %mul3A_650 = arith.mulf %get3A_34, %get3A_641 : vector<16xf32>
      %mul3A_651 = arith.mulf %get3A_42, %get3A_649 : vector<16xf32>
      %add3A_652 = arith.addf %mul3A_650, %mul3A_651 : vector<16xf32>
      %swap3A_653 = arith.index_cast %scan3A_28 : i32 to index
      %swap3A_654 = arith.constant 432 : index
      %swap3A_655 = tpu.vector_load %arg9[%swap3A_653, %swap3A_654] {strides = array<i32>} : memref<32x768xf32, #tpu.memory_space<vmem>>, vector<1x16xf32>,
      %swap3A_656 = vector.shape_cast %swap3A_655 : vector<1x16xf32> to vector<16xf32>
      %swap3A_657 = vector.shape_cast %add3A_652 : vector<16xf32> to vector<1x16xf32>
      tpu.vector_store %arg9[%swap3A_653, %swap3A_654], %swap3A_657 {strides = array<i32>} : memref<32x768xf32, #tpu.memory_space<vmem>>, vector<1x16xf32>,
      %mul3A_658 = arith.constant 2 : i32
      %mul3A_659 = arith.muli %mul3A_658, %scan3A_28 : i32
      %get3A_660 = arith.index_cast %mul3A_659 : i32 to index
      %get3A_661 = arith.constant 448 : index
      %get3A_662 = tpu.vector_load %arg8[%get3A_660, %get3A_661] {strides = array<i32>} : memref<64x768xf32, #tpu.memory_space<vmem>>, vector<1x16xf32>,
      %get3A_663 = vector.shape_cast %get3A_662 : vector<1x16xf32> to vector<16xf32>
      %mul3A_664 = arith.constant 2 : i32
      %mul3A_665 = arith.muli %mul3A_664, %scan3A_28 : i32
      %add3A_666 = arith.constant 1 : i32
      %add3A_667 = arith.addi %mul3A_665, %add3A_666 : i32
      %get3A_668 = arith.index_cast %add3A_667 : i32 to index
      %get3A_669 = arith.constant 448 : index
      %get3A_670 = tpu.vector_load %arg8[%get3A_668, %get3A_669] {strides = array<i32>} : memref<64x768xf32, #tpu.memory_space<vmem>>, vector<1x16xf32>,
      %get3A_671 = vector.shape_cast %get3A_670 : vector<1x16xf32> to vector<16xf32>
      %mul3A_672 = arith.mulf %get3A_34, %get3A_663 : vector<16xf32>
      %mul3A_673 = arith.mulf %get3A_42, %get3A_671 : vector<16xf32>
      %add3A_674 = arith.addf %mul3A_672, %mul3A_673 : vector<16xf32>
      %swap3A_675 = arith.index_cast %scan3A_28 : i32 to index
      %swap3A_676 = arith.constant 448 : index
      %swap3A_677 = tpu.vector_load %arg9[%swap3A_675, %swap3A_676] {strides = array<i32>} : memref<32x768xf32, #tpu.memory_space<vmem>>, vector<1x16xf32>,
      %swap3A_678 = vector.shape_cast %swap3A_677 : vector<1x16xf32> to vector<16xf32>
      %swap3A_679 = vector.shape_cast %add3A_674 : vector<16xf32> to vector<1x16xf32>
      tpu.vector_store %arg9[%swap3A_675, %swap3A_676], %swap3A_679 {strides = array<i32>} : memref<32x768xf32, #tpu.memory_space<vmem>>, vector<1x16xf32>,
      %mul3A_680 = arith.constant 2 : i32
      %mul3A_681 = arith.muli %mul3A_680, %scan3A_28 : i32
      %get3A_682 = arith.index_cast %mul3A_681 : i32 to index
      %get3A_683 = arith.constant 464 : index
      %get3A_684 = tpu.vector_load %arg8[%get3A_682, %get3A_683] {strides = array<i32>} : memref<64x768xf32, #tpu.memory_space<vmem>>, vector<1x16xf32>,
      %get3A_685 = vector.shape_cast %get3A_684 : vector<1x16xf32> to vector<16xf32>
      %mul3A_686 = arith.constant 2 : i32
      %mul3A_687 = arith.muli %mul3A_686, %scan3A_28 : i32
      %add3A_688 = arith.constant 1 : i32
      %add3A_689 = arith.addi %mul3A_687, %add3A_688 : i32
      %get3A_690 = arith.index_cast %add3A_689 : i32 to index
      %get3A_691 = arith.constant 464 : index
      %get3A_692 = tpu.vector_load %arg8[%get3A_690, %get3A_691] {strides = array<i32>} : memref<64x768xf32, #tpu.memory_space<vmem>>, vector<1x16xf32>,
      %get3A_693 = vector.shape_cast %get3A_692 : vector<1x16xf32> to vector<16xf32>
      %mul3A_694 = arith.mulf %get3A_34, %get3A_685 : vector<16xf32>
      %mul3A_695 = arith.mulf %get3A_42, %get3A_693 : vector<16xf32>
      %add3A_696 = arith.addf %mul3A_694, %mul3A_695 : vector<16xf32>
      %swap3A_697 = arith.index_cast %scan3A_28 : i32 to index
      %swap3A_698 = arith.constant 464 : index
      %swap3A_699 = tpu.vector_load %arg9[%swap3A_697, %swap3A_698] {strides = array<i32>} : memref<32x768xf32, #tpu.memory_space<vmem>>, vector<1x16xf32>,
      %swap3A_700 = vector.shape_cast %swap3A_699 : vector<1x16xf32> to vector<16xf32>
      %swap3A_701 = vector.shape_cast %add3A_696 : vector<16xf32> to vector<1x16xf32>
      tpu.vector_store %arg9[%swap3A_697, %swap3A_698], %swap3A_701 {strides = array<i32>} : memref<32x768xf32, #tpu.memory_space<vmem>>, vector<1x16xf32>,
      %mul3A_702 = arith.constant 2 : i32
      %mul3A_703 = arith.muli %mul3A_702, %scan3A_28 : i32
      %get3A_704 = arith.index_cast %mul3A_703 : i32 to index
      %get3A_705 = arith.constant 480 : index
      %get3A_706 = tpu.vector_load %arg8[%get3A_704, %get3A_705] {strides = array<i32>} : memref<64x768xf32, #tpu.memory_space<vmem>>, vector<1x16xf32>,
      %get3A_707 = vector.shape_cast %get3A_706 : vector<1x16xf32> to vector<16xf32>
      %mul3A_708 = arith.constant 2 : i32
      %mul3A_709 = arith.muli %mul3A_708, %scan3A_28 : i32
      %add3A_710 = arith.constant 1 : i32
      %add3A_711 = arith.addi %mul3A_709, %add3A_710 : i32
      %get3A_712 = arith.index_cast %add3A_711 : i32 to index
      %get3A_713 = arith.constant 480 : index
      %get3A_714 = tpu.vector_load %arg8[%get3A_712, %get3A_713] {strides = array<i32>} : memref<64x768xf32, #tpu.memory_space<vmem>>, vector<1x16xf32>,
      %get3A_715 = vector.shape_cast %get3A_714 : vector<1x16xf32> to vector<16xf32>
      %mul3A_716 = arith.mulf %get3A_34, %get3A_707 : vector<16xf32>
      %mul3A_717 = arith.mulf %get3A_42, %get3A_715 : vector<16xf32>
      %add3A_718 = arith.addf %mul3A_716, %mul3A_717 : vector<16xf32>
      %swap3A_719 = arith.index_cast %scan3A_28 : i32 to index
      %swap3A_720 = arith.constant 480 : index
      %swap3A_721 = tpu.vector_load %arg9[%swap3A_719, %swap3A_720] {strides = array<i32>} : memref<32x768xf32, #tpu.memory_space<vmem>>, vector<1x16xf32>,
      %swap3A_722 = vector.shape_cast %swap3A_721 : vector<1x16xf32> to vector<16xf32>
      %swap3A_723 = vector.shape_cast %add3A_718 : vector<16xf32> to vector<1x16xf32>
      tpu.vector_store %arg9[%swap3A_719, %swap3A_720], %swap3A_723 {strides = array<i32>} : memref<32x768xf32, #tpu.memory_space<vmem>>, vector<1x16xf32>,
      %mul3A_724 = arith.constant 2 : i32
      %mul3A_725 = arith.muli %mul3A_724, %scan3A_28 : i32
      %get3A_726 = arith.index_cast %mul3A_725 : i32 to index
      %get3A_727 = arith.constant 496 : index
      %get3A_728 = tpu.vector_load %arg8[%get3A_726, %get3A_727] {strides = array<i32>} : memref<64x768xf32, #tpu.memory_space<vmem>>, vector<1x16xf32>,
      %get3A_729 = vector.shape_cast %get3A_728 : vector<1x16xf32> to vector<16xf32>
      %mul3A_730 = arith.constant 2 : i32
      %mul3A_731 = arith.muli %mul3A_730, %scan3A_28 : i32
      %add3A_732 = arith.constant 1 : i32
      %add3A_733 = arith.addi %mul3A_731, %add3A_732 : i32
      %get3A_734 = arith.index_cast %add3A_733 : i32 to index
      %get3A_735 = arith.constant 496 : index
      %get3A_736 = tpu.vector_load %arg8[%get3A_734, %get3A_735] {strides = array<i32>} : memref<64x768xf32, #tpu.memory_space<vmem>>, vector<1x16xf32>,
      %get3A_737 = vector.shape_cast %get3A_736 : vector<1x16xf32> to vector<16xf32>
      %mul3A_738 = arith.mulf %get3A_34, %get3A_729 : vector<16xf32>
      %mul3A_739 = arith.mulf %get3A_42, %get3A_737 : vector<16xf32>
      %add3A_740 = arith.addf %mul3A_738, %mul3A_739 : vector<16xf32>
      %swap3A_741 = arith.index_cast %scan3A_28 : i32 to index
      %swap3A_742 = arith.constant 496 : index
      %swap3A_743 = tpu.vector_load %arg9[%swap3A_741, %swap3A_742] {strides = array<i32>} : memref<32x768xf32, #tpu.memory_space<vmem>>, vector<1x16xf32>,
      %swap3A_744 = vector.shape_cast %swap3A_743 : vector<1x16xf32> to vector<16xf32>
      %swap3A_745 = vector.shape_cast %add3A_740 : vector<16xf32> to vector<1x16xf32>
      tpu.vector_store %arg9[%swap3A_741, %swap3A_742], %swap3A_745 {strides = array<i32>} : memref<32x768xf32, #tpu.memory_space<vmem>>, vector<1x16xf32>,
      %mul3A_746 = arith.constant 2 : i32
      %mul3A_747 = arith.muli %mul3A_746, %scan3A_28 : i32
      %get3A_748 = arith.index_cast %mul3A_747 : i32 to index
      %get3A_749 = arith.constant 512 : index
      %get3A_750 = tpu.vector_load %arg8[%get3A_748, %get3A_749] {strides = array<i32>} : memref<64x768xf32, #tpu.memory_space<vmem>>, vector<1x16xf32>,
      %get3A_751 = vector.shape_cast %get3A_750 : vector<1x16xf32> to vector<16xf32>
      %mul3A_752 = arith.constant 2 : i32
      %mul3A_753 = arith.muli %mul3A_752, %scan3A_28 : i32
      %add3A_754 = arith.constant 1 : i32
      %add3A_755 = arith.addi %mul3A_753, %add3A_754 : i32
      %get3A_756 = arith.index_cast %add3A_755 : i32 to index
      %get3A_757 = arith.constant 512 : index
      %get3A_758 = tpu.vector_load %arg8[%get3A_756, %get3A_757] {strides = array<i32>} : memref<64x768xf32, #tpu.memory_space<vmem>>, vector<1x16xf32>,
      %get3A_759 = vector.shape_cast %get3A_758 : vector<1x16xf32> to vector<16xf32>
      %mul3A_760 = arith.mulf %get3A_34, %get3A_751 : vector<16xf32>
      %mul3A_761 = arith.mulf %get3A_42, %get3A_759 : vector<16xf32>
      %add3A_762 = arith.addf %mul3A_760, %mul3A_761 : vector<16xf32>
      %swap3A_763 = arith.index_cast %scan3A_28 : i32 to index
      %swap3A_764 = arith.constant 512 : index
      %swap3A_765 = tpu.vector_load %arg9[%swap3A_763, %swap3A_764] {strides = array<i32>} : memref<32x768xf32, #tpu.memory_space<vmem>>, vector<1x16xf32>,
      %swap3A_766 = vector.shape_cast %swap3A_765 : vector<1x16xf32> to vector<16xf32>
      %swap3A_767 = vector.shape_cast %add3A_762 : vector<16xf32> to vector<1x16xf32>
      tpu.vector_store %arg9[%swap3A_763, %swap3A_764], %swap3A_767 {strides = array<i32>} : memref<32x768xf32, #tpu.memory_space<vmem>>, vector<1x16xf32>,
      %mul3A_768 = arith.constant 2 : i32
      %mul3A_769 = arith.muli %mul3A_768, %scan3A_28 : i32
      %get3A_770 = arith.index_cast %mul3A_769 : i32 to index
      %get3A_771 = arith.constant 528 : index
      %get3A_772 = tpu.vector_load %arg8[%get3A_770, %get3A_771] {strides = array<i32>} : memref<64x768xf32, #tpu.memory_space<vmem>>, vector<1x16xf32>,
      %get3A_773 = vector.shape_cast %get3A_772 : vector<1x16xf32> to vector<16xf32>
      %mul3A_774 = arith.constant 2 : i32
      %mul3A_775 = arith.muli %mul3A_774, %scan3A_28 : i32
      %add3A_776 = arith.constant 1 : i32
      %add3A_777 = arith.addi %mul3A_775, %add3A_776 : i32
      %get3A_778 = arith.index_cast %add3A_777 : i32 to index
      %get3A_779 = arith.constant 528 : index
      %get3A_780 = tpu.vector_load %arg8[%get3A_778, %get3A_779] {strides = array<i32>} : memref<64x768xf32, #tpu.memory_space<vmem>>, vector<1x16xf32>,
      %get3A_781 = vector.shape_cast %get3A_780 : vector<1x16xf32> to vector<16xf32>
      %mul3A_782 = arith.mulf %get3A_34, %get3A_773 : vector<16xf32>
      %mul3A_783 = arith.mulf %get3A_42, %get3A_781 : vector<16xf32>
      %add3A_784 = arith.addf %mul3A_782, %mul3A_783 : vector<16xf32>
      %swap3A_785 = arith.index_cast %scan3A_28 : i32 to index
      %swap3A_786 = arith.constant 528 : index
      %swap3A_787 = tpu.vector_load %arg9[%swap3A_785, %swap3A_786] {strides = array<i32>} : memref<32x768xf32, #tpu.memory_space<vmem>>, vector<1x16xf32>,
      %swap3A_788 = vector.shape_cast %swap3A_787 : vector<1x16xf32> to vector<16xf32>
      %swap3A_789 = vector.shape_cast %add3A_784 : vector<16xf32> to vector<1x16xf32>
      tpu.vector_store %arg9[%swap3A_785, %swap3A_786], %swap3A_789 {strides = array<i32>} : memref<32x768xf32, #tpu.memory_space<vmem>>, vector<1x16xf32>,
      %mul3A_790 = arith.constant 2 : i32
      %mul3A_791 = arith.muli %mul3A_790, %scan3A_28 : i32
      %get3A_792 = arith.index_cast %mul3A_791 : i32 to index
      %get3A_793 = arith.constant 544 : index
      %get3A_794 = tpu.vector_load %arg8[%get3A_792, %get3A_793] {strides = array<i32>} : memref<64x768xf32, #tpu.memory_space<vmem>>, vector<1x16xf32>,
      %get3A_795 = vector.shape_cast %get3A_794 : vector<1x16xf32> to vector<16xf32>
      %mul3A_796 = arith.constant 2 : i32
      %mul3A_797 = arith.muli %mul3A_796, %scan3A_28 : i32
      %add3A_798 = arith.constant 1 : i32
      %add3A_799 = arith.addi %mul3A_797, %add3A_798 : i32
      %get3A_800 = arith.index_cast %add3A_799 : i32 to index
      %get3A_801 = arith.constant 544 : index
      %get3A_802 = tpu.vector_load %arg8[%get3A_800, %get3A_801] {strides = array<i32>} : memref<64x768xf32, #tpu.memory_space<vmem>>, vector<1x16xf32>,
      %get3A_803 = vector.shape_cast %get3A_802 : vector<1x16xf32> to vector<16xf32>
      %mul3A_804 = arith.mulf %get3A_34, %get3A_795 : vector<16xf32>
      %mul3A_805 = arith.mulf %get3A_42, %get3A_803 : vector<16xf32>
      %add3A_806 = arith.addf %mul3A_804, %mul3A_805 : vector<16xf32>
      %swap3A_807 = arith.index_cast %scan3A_28 : i32 to index
      %swap3A_808 = arith.constant 544 : index
      %swap3A_809 = tpu.vector_load %arg9[%swap3A_807, %swap3A_808] {strides = array<i32>} : memref<32x768xf32, #tpu.memory_space<vmem>>, vector<1x16xf32>,
      %swap3A_810 = vector.shape_cast %swap3A_809 : vector<1x16xf32> to vector<16xf32>
      %swap3A_811 = vector.shape_cast %add3A_806 : vector<16xf32> to vector<1x16xf32>
      tpu.vector_store %arg9[%swap3A_807, %swap3A_808], %swap3A_811 {strides = array<i32>} : memref<32x768xf32, #tpu.memory_space<vmem>>, vector<1x16xf32>,
      %mul3A_812 = arith.constant 2 : i32
      %mul3A_813 = arith.muli %mul3A_812, %scan3A_28 : i32
      %get3A_814 = arith.index_cast %mul3A_813 : i32 to index
      %get3A_815 = arith.constant 560 : index
      %get3A_816 = tpu.vector_load %arg8[%get3A_814, %get3A_815] {strides = array<i32>} : memref<64x768xf32, #tpu.memory_space<vmem>>, vector<1x16xf32>,
      %get3A_817 = vector.shape_cast %get3A_816 : vector<1x16xf32> to vector<16xf32>
      %mul3A_818 = arith.constant 2 : i32
      %mul3A_819 = arith.muli %mul3A_818, %scan3A_28 : i32
      %add3A_820 = arith.constant 1 : i32
      %add3A_821 = arith.addi %mul3A_819, %add3A_820 : i32
      %get3A_822 = arith.index_cast %add3A_821 : i32 to index
      %get3A_823 = arith.constant 560 : index
      %get3A_824 = tpu.vector_load %arg8[%get3A_822, %get3A_823] {strides = array<i32>} : memref<64x768xf32, #tpu.memory_space<vmem>>, vector<1x16xf32>,
      %get3A_825 = vector.shape_cast %get3A_824 : vector<1x16xf32> to vector<16xf32>
      %mul3A_826 = arith.mulf %get3A_34, %get3A_817 : vector<16xf32>
      %mul3A_827 = arith.mulf %get3A_42, %get3A_825 : vector<16xf32>
      %add3A_828 = arith.addf %mul3A_826, %mul3A_827 : vector<16xf32>
      %swap3A_829 = arith.index_cast %scan3A_28 : i32 to index
      %swap3A_830 = arith.constant 560 : index
      %swap3A_831 = tpu.vector_load %arg9[%swap3A_829, %swap3A_830] {strides = array<i32>} : memref<32x768xf32, #tpu.memory_space<vmem>>, vector<1x16xf32>,
      %swap3A_832 = vector.shape_cast %swap3A_831 : vector<1x16xf32> to vector<16xf32>
      %swap3A_833 = vector.shape_cast %add3A_828 : vector<16xf32> to vector<1x16xf32>
      tpu.vector_store %arg9[%swap3A_829, %swap3A_830], %swap3A_833 {strides = array<i32>} : memref<32x768xf32, #tpu.memory_space<vmem>>, vector<1x16xf32>,
      %mul3A_834 = arith.constant 2 : i32
      %mul3A_835 = arith.muli %mul3A_834, %scan3A_28 : i32
      %get3A_836 = arith.index_cast %mul3A_835 : i32 to index
      %get3A_837 = arith.constant 576 : index
      %get3A_838 = tpu.vector_load %arg8[%get3A_836, %get3A_837] {strides = array<i32>} : memref<64x768xf32, #tpu.memory_space<vmem>>, vector<1x16xf32>,
      %get3A_839 = vector.shape_cast %get3A_838 : vector<1x16xf32> to vector<16xf32>
      %mul3A_840 = arith.constant 2 : i32
      %mul3A_841 = arith.muli %mul3A_840, %scan3A_28 : i32
      %add3A_842 = arith.constant 1 : i32
      %add3A_843 = arith.addi %mul3A_841, %add3A_842 : i32
      %get3A_844 = arith.index_cast %add3A_843 : i32 to index
      %get3A_845 = arith.constant 576 : index
      %get3A_846 = tpu.vector_load %arg8[%get3A_844, %get3A_845] {strides = array<i32>} : memref<64x768xf32, #tpu.memory_space<vmem>>, vector<1x16xf32>,
      %get3A_847 = vector.shape_cast %get3A_846 : vector<1x16xf32> to vector<16xf32>
      %mul3A_848 = arith.mulf %get3A_34, %get3A_839 : vector<16xf32>
      %mul3A_849 = arith.mulf %get3A_42, %get3A_847 : vector<16xf32>
      %add3A_850 = arith.addf %mul3A_848, %mul3A_849 : vector<16xf32>
      %swap3A_851 = arith.index_cast %scan3A_28 : i32 to index
      %swap3A_852 = arith.constant 576 : index
      %swap3A_853 = tpu.vector_load %arg9[%swap3A_851, %swap3A_852] {strides = array<i32>} : memref<32x768xf32, #tpu.memory_space<vmem>>, vector<1x16xf32>,
      %swap3A_854 = vector.shape_cast %swap3A_853 : vector<1x16xf32> to vector<16xf32>
      %swap3A_855 = vector.shape_cast %add3A_850 : vector<16xf32> to vector<1x16xf32>
      tpu.vector_store %arg9[%swap3A_851, %swap3A_852], %swap3A_855 {strides = array<i32>} : memref<32x768xf32, #tpu.memory_space<vmem>>, vector<1x16xf32>,
      %mul3A_856 = arith.constant 2 : i32
      %mul3A_857 = arith.muli %mul3A_856, %scan3A_28 : i32
      %get3A_858 = arith.index_cast %mul3A_857 : i32 to index
      %get3A_859 = arith.constant 592 : index
      %get3A_860 = tpu.vector_load %arg8[%get3A_858, %get3A_859] {strides = array<i32>} : memref<64x768xf32, #tpu.memory_space<vmem>>, vector<1x16xf32>,
      %get3A_861 = vector.shape_cast %get3A_860 : vector<1x16xf32> to vector<16xf32>
      %mul3A_862 = arith.constant 2 : i32
      %mul3A_863 = arith.muli %mul3A_862, %scan3A_28 : i32
      %add3A_864 = arith.constant 1 : i32
      %add3A_865 = arith.addi %mul3A_863, %add3A_864 : i32
      %get3A_866 = arith.index_cast %add3A_865 : i32 to index
      %get3A_867 = arith.constant 592 : index
      %get3A_868 = tpu.vector_load %arg8[%get3A_866, %get3A_867] {strides = array<i32>} : memref<64x768xf32, #tpu.memory_space<vmem>>, vector<1x16xf32>,
      %get3A_869 = vector.shape_cast %get3A_868 : vector<1x16xf32> to vector<16xf32>
      %mul3A_870 = arith.mulf %get3A_34, %get3A_861 : vector<16xf32>
      %mul3A_871 = arith.mulf %get3A_42, %get3A_869 : vector<16xf32>
      %add3A_872 = arith.addf %mul3A_870, %mul3A_871 : vector<16xf32>
      %swap3A_873 = arith.index_cast %scan3A_28 : i32 to index
      %swap3A_874 = arith.constant 592 : index
      %swap3A_875 = tpu.vector_load %arg9[%swap3A_873, %swap3A_874] {strides = array<i32>} : memref<32x768xf32, #tpu.memory_space<vmem>>, vector<1x16xf32>,
      %swap3A_876 = vector.shape_cast %swap3A_875 : vector<1x16xf32> to vector<16xf32>
      %swap3A_877 = vector.shape_cast %add3A_872 : vector<16xf32> to vector<1x16xf32>
      tpu.vector_store %arg9[%swap3A_873, %swap3A_874], %swap3A_877 {strides = array<i32>} : memref<32x768xf32, #tpu.memory_space<vmem>>, vector<1x16xf32>,
      %mul3A_878 = arith.constant 2 : i32
      %mul3A_879 = arith.muli %mul3A_878, %scan3A_28 : i32
      %get3A_880 = arith.index_cast %mul3A_879 : i32 to index
      %get3A_881 = arith.constant 608 : index
      %get3A_882 = tpu.vector_load %arg8[%get3A_880, %get3A_881] {strides = array<i32>} : memref<64x768xf32, #tpu.memory_space<vmem>>, vector<1x16xf32>,
      %get3A_883 = vector.shape_cast %get3A_882 : vector<1x16xf32> to vector<16xf32>
      %mul3A_884 = arith.constant 2 : i32
      %mul3A_885 = arith.muli %mul3A_884, %scan3A_28 : i32
      %add3A_886 = arith.constant 1 : i32
      %add3A_887 = arith.addi %mul3A_885, %add3A_886 : i32
      %get3A_888 = arith.index_cast %add3A_887 : i32 to index
      %get3A_889 = arith.constant 608 : index
      %get3A_890 = tpu.vector_load %arg8[%get3A_888, %get3A_889] {strides = array<i32>} : memref<64x768xf32, #tpu.memory_space<vmem>>, vector<1x16xf32>,
      %get3A_891 = vector.shape_cast %get3A_890 : vector<1x16xf32> to vector<16xf32>
      %mul3A_892 = arith.mulf %get3A_34, %get3A_883 : vector<16xf32>
      %mul3A_893 = arith.mulf %get3A_42, %get3A_891 : vector<16xf32>
      %add3A_894 = arith.addf %mul3A_892, %mul3A_893 : vector<16xf32>
      %swap3A_895 = arith.index_cast %scan3A_28 : i32 to index
      %swap3A_896 = arith.constant 608 : index
      %swap3A_897 = tpu.vector_load %arg9[%swap3A_895, %swap3A_896] {strides = array<i32>} : memref<32x768xf32, #tpu.memory_space<vmem>>, vector<1x16xf32>,
      %swap3A_898 = vector.shape_cast %swap3A_897 : vector<1x16xf32> to vector<16xf32>
      %swap3A_899 = vector.shape_cast %add3A_894 : vector<16xf32> to vector<1x16xf32>
      tpu.vector_store %arg9[%swap3A_895, %swap3A_896], %swap3A_899 {strides = array<i32>} : memref<32x768xf32, #tpu.memory_space<vmem>>, vector<1x16xf32>,
      %mul3A_900 = arith.constant 2 : i32
      %mul3A_901 = arith.muli %mul3A_900, %scan3A_28 : i32
      %get3A_902 = arith.index_cast %mul3A_901 : i32 to index
      %get3A_903 = arith.constant 624 : index
      %get3A_904 = tpu.vector_load %arg8[%get3A_902, %get3A_903] {strides = array<i32>} : memref<64x768xf32, #tpu.memory_space<vmem>>, vector<1x16xf32>,
      %get3A_905 = vector.shape_cast %get3A_904 : vector<1x16xf32> to vector<16xf32>
      %mul3A_906 = arith.constant 2 : i32
      %mul3A_907 = arith.muli %mul3A_906, %scan3A_28 : i32
      %add3A_908 = arith.constant 1 : i32
      %add3A_909 = arith.addi %mul3A_907, %add3A_908 : i32
      %get3A_910 = arith.index_cast %add3A_909 : i32 to index
      %get3A_911 = arith.constant 624 : index
      %get3A_912 = tpu.vector_load %arg8[%get3A_910, %get3A_911] {strides = array<i32>} : memref<64x768xf32, #tpu.memory_space<vmem>>, vector<1x16xf32>,
      %get3A_913 = vector.shape_cast %get3A_912 : vector<1x16xf32> to vector<16xf32>
      %mul3A_914 = arith.mulf %get3A_34, %get3A_905 : vector<16xf32>
      %mul3A_915 = arith.mulf %get3A_42, %get3A_913 : vector<16xf32>
      %add3A_916 = arith.addf %mul3A_914, %mul3A_915 : vector<16xf32>
      %swap3A_917 = arith.index_cast %scan3A_28 : i32 to index
      %swap3A_918 = arith.constant 624 : index
      %swap3A_919 = tpu.vector_load %arg9[%swap3A_917, %swap3A_918] {strides = array<i32>} : memref<32x768xf32, #tpu.memory_space<vmem>>, vector<1x16xf32>,
      %swap3A_920 = vector.shape_cast %swap3A_919 : vector<1x16xf32> to vector<16xf32>
      %swap3A_921 = vector.shape_cast %add3A_916 : vector<16xf32> to vector<1x16xf32>
      tpu.vector_store %arg9[%swap3A_917, %swap3A_918], %swap3A_921 {strides = array<i32>} : memref<32x768xf32, #tpu.memory_space<vmem>>, vector<1x16xf32>,
      %mul3A_922 = arith.constant 2 : i32
      %mul3A_923 = arith.muli %mul3A_922, %scan3A_28 : i32
      %get3A_924 = arith.index_cast %mul3A_923 : i32 to index
      %get3A_925 = arith.constant 640 : index
      %get3A_926 = tpu.vector_load %arg8[%get3A_924, %get3A_925] {strides = array<i32>} : memref<64x768xf32, #tpu.memory_space<vmem>>, vector<1x16xf32>,
      %get3A_927 = vector.shape_cast %get3A_926 : vector<1x16xf32> to vector<16xf32>
      %mul3A_928 = arith.constant 2 : i32
      %mul3A_929 = arith.muli %mul3A_928, %scan3A_28 : i32
      %add3A_930 = arith.constant 1 : i32
      %add3A_931 = arith.addi %mul3A_929, %add3A_930 : i32
      %get3A_932 = arith.index_cast %add3A_931 : i32 to index
      %get3A_933 = arith.constant 640 : index
      %get3A_934 = tpu.vector_load %arg8[%get3A_932, %get3A_933] {strides = array<i32>} : memref<64x768xf32, #tpu.memory_space<vmem>>, vector<1x16xf32>,
      %get3A_935 = vector.shape_cast %get3A_934 : vector<1x16xf32> to vector<16xf32>
      %mul3A_936 = arith.mulf %get3A_34, %get3A_927 : vector<16xf32>
      %mul3A_937 = arith.mulf %get3A_42, %get3A_935 : vector<16xf32>
      %add3A_938 = arith.addf %mul3A_936, %mul3A_937 : vector<16xf32>
      %swap3A_939 = arith.index_cast %scan3A_28 : i32 to index
      %swap3A_940 = arith.constant 640 : index
      %swap3A_941 = tpu.vector_load %arg9[%swap3A_939, %swap3A_940] {strides = array<i32>} : memref<32x768xf32, #tpu.memory_space<vmem>>, vector<1x16xf32>,
      %swap3A_942 = vector.shape_cast %swap3A_941 : vector<1x16xf32> to vector<16xf32>
      %swap3A_943 = vector.shape_cast %add3A_938 : vector<16xf32> to vector<1x16xf32>
      tpu.vector_store %arg9[%swap3A_939, %swap3A_940], %swap3A_943 {strides = array<i32>} : memref<32x768xf32, #tpu.memory_space<vmem>>, vector<1x16xf32>,
      %mul3A_944 = arith.constant 2 : i32
      %mul3A_945 = arith.muli %mul3A_944, %scan3A_28 : i32
      %get3A_946 = arith.index_cast %mul3A_945 : i32 to index
      %get3A_947 = arith.constant 656 : index
      %get3A_948 = tpu.vector_load %arg8[%get3A_946, %get3A_947] {strides = array<i32>} : memref<64x768xf32, #tpu.memory_space<vmem>>, vector<1x16xf32>,
      %get3A_949 = vector.shape_cast %get3A_948 : vector<1x16xf32> to vector<16xf32>
      %mul3A_950 = arith.constant 2 : i32
      %mul3A_951 = arith.muli %mul3A_950, %scan3A_28 : i32
      %add3A_952 = arith.constant 1 : i32
      %add3A_953 = arith.addi %mul3A_951, %add3A_952 : i32
      %get3A_954 = arith.index_cast %add3A_953 : i32 to index
      %get3A_955 = arith.constant 656 : index
      %get3A_956 = tpu.vector_load %arg8[%get3A_954, %get3A_955] {strides = array<i32>} : memref<64x768xf32, #tpu.memory_space<vmem>>, vector<1x16xf32>,
      %get3A_957 = vector.shape_cast %get3A_956 : vector<1x16xf32> to vector<16xf32>
      %mul3A_958 = arith.mulf %get3A_34, %get3A_949 : vector<16xf32>
      %mul3A_959 = arith.mulf %get3A_42, %get3A_957 : vector<16xf32>
      %add3A_960 = arith.addf %mul3A_958, %mul3A_959 : vector<16xf32>
      %swap3A_961 = arith.index_cast %scan3A_28 : i32 to index
      %swap3A_962 = arith.constant 656 : index
      %swap3A_963 = tpu.vector_load %arg9[%swap3A_961, %swap3A_962] {strides = array<i32>} : memref<32x768xf32, #tpu.memory_space<vmem>>, vector<1x16xf32>,
      %swap3A_964 = vector.shape_cast %swap3A_963 : vector<1x16xf32> to vector<16xf32>
      %swap3A_965 = vector.shape_cast %add3A_960 : vector<16xf32> to vector<1x16xf32>
      tpu.vector_store %arg9[%swap3A_961, %swap3A_962], %swap3A_965 {strides = array<i32>} : memref<32x768xf32, #tpu.memory_space<vmem>>, vector<1x16xf32>,
      %mul3A_966 = arith.constant 2 : i32
      %mul3A_967 = arith.muli %mul3A_966, %scan3A_28 : i32
      %get3A_968 = arith.index_cast %mul3A_967 : i32 to index
      %get3A_969 = arith.constant 672 : index
      %get3A_970 = tpu.vector_load %arg8[%get3A_968, %get3A_969] {strides = array<i32>} : memref<64x768xf32, #tpu.memory_space<vmem>>, vector<1x16xf32>,
      %get3A_971 = vector.shape_cast %get3A_970 : vector<1x16xf32> to vector<16xf32>
      %mul3A_972 = arith.constant 2 : i32
      %mul3A_973 = arith.muli %mul3A_972, %scan3A_28 : i32
      %add3A_974 = arith.constant 1 : i32
      %add3A_975 = arith.addi %mul3A_973, %add3A_974 : i32
      %get3A_976 = arith.index_cast %add3A_975 : i32 to index
      %get3A_977 = arith.constant 672 : index
      %get3A_978 = tpu.vector_load %arg8[%get3A_976, %get3A_977] {strides = array<i32>} : memref<64x768xf32, #tpu.memory_space<vmem>>, vector<1x16xf32>,
      %get3A_979 = vector.shape_cast %get3A_978 : vector<1x16xf32> to vector<16xf32>
      %mul3A_980 = arith.mulf %get3A_34, %get3A_971 : vector<16xf32>
      %mul3A_981 = arith.mulf %get3A_42, %get3A_979 : vector<16xf32>
      %add3A_982 = arith.addf %mul3A_980, %mul3A_981 : vector<16xf32>
      %swap3A_983 = arith.index_cast %scan3A_28 : i32 to index
      %swap3A_984 = arith.constant 672 : index
      %swap3A_985 = tpu.vector_load %arg9[%swap3A_983, %swap3A_984] {strides = array<i32>} : memref<32x768xf32, #tpu.memory_space<vmem>>, vector<1x16xf32>,
      %swap3A_986 = vector.shape_cast %swap3A_985 : vector<1x16xf32> to vector<16xf32>
      %swap3A_987 = vector.shape_cast %add3A_982 : vector<16xf32> to vector<1x16xf32>
      tpu.vector_store %arg9[%swap3A_983, %swap3A_984], %swap3A_987 {strides = array<i32>} : memref<32x768xf32, #tpu.memory_space<vmem>>, vector<1x16xf32>,
      %mul3A_988 = arith.constant 2 : i32
      %mul3A_989 = arith.muli %mul3A_988, %scan3A_28 : i32
      %get3A_990 = arith.index_cast %mul3A_989 : i32 to index
      %get3A_991 = arith.constant 688 : index
      %get3A_992 = tpu.vector_load %arg8[%get3A_990, %get3A_991] {strides = array<i32>} : memref<64x768xf32, #tpu.memory_space<vmem>>, vector<1x16xf32>,
      %get3A_993 = vector.shape_cast %get3A_992 : vector<1x16xf32> to vector<16xf32>
      %mul3A_994 = arith.constant 2 : i32
      %mul3A_995 = arith.muli %mul3A_994, %scan3A_28 : i32
      %add3A_996 = arith.constant 1 : i32
      %add3A_997 = arith.addi %mul3A_995, %add3A_996 : i32
      %get3A_998 = arith.index_cast %add3A_997 : i32 to index
      %get3A_999 = arith.constant 688 : index
      %get3A_1000 = tpu.vector_load %arg8[%get3A_998, %get3A_999] {strides = array<i32>} : memref<64x768xf32, #tpu.memory_space<vmem>>, vector<1x16xf32>,
      %get3A_1001 = vector.shape_cast %get3A_1000 : vector<1x16xf32> to vector<16xf32>
      %mul3A_1002 = arith.mulf %get3A_34, %get3A_993 : vector<16xf32>
      %mul3A_1003 = arith.mulf %get3A_42, %get3A_1001 : vector<16xf32>
      %add3A_1004 = arith.addf %mul3A_1002, %mul3A_1003 : vector<16xf32>
      %swap3A_1005 = arith.index_cast %scan3A_28 : i32 to index
      %swap3A_1006 = arith.constant 688 : index
      %swap3A_1007 = tpu.vector_load %arg9[%swap3A_1005, %swap3A_1006] {strides = array<i32>} : memref<32x768xf32, #tpu.memory_space<vmem>>, vector<1x16xf32>,
      %swap3A_1008 = vector.shape_cast %swap3A_1007 : vector<1x16xf32> to vector<16xf32>
      %swap3A_1009 = vector.shape_cast %add3A_1004 : vector<16xf32> to vector<1x16xf32>
      tpu.vector_store %arg9[%swap3A_1005, %swap3A_1006], %swap3A_1009 {strides = array<i32>} : memref<32x768xf32, #tpu.memory_space<vmem>>, vector<1x16xf32>,
      %mul3A_1010 = arith.constant 2 : i32
      %mul3A_1011 = arith.muli %mul3A_1010, %scan3A_28 : i32
      %get3A_1012 = arith.index_cast %mul3A_1011 : i32 to index
      %get3A_1013 = arith.constant 704 : index
      %get3A_1014 = tpu.vector_load %arg8[%get3A_1012, %get3A_1013] {strides = array<i32>} : memref<64x768xf32, #tpu.memory_space<vmem>>, vector<1x16xf32>,
      %get3A_1015 = vector.shape_cast %get3A_1014 : vector<1x16xf32> to vector<16xf32>
      %mul3A_1016 = arith.constant 2 : i32
      %mul3A_1017 = arith.muli %mul3A_1016, %scan3A_28 : i32
      %add3A_1018 = arith.constant 1 : i32
      %add3A_1019 = arith.addi %mul3A_1017, %add3A_1018 : i32
      %get3A_1020 = arith.index_cast %add3A_1019 : i32 to index
      %get3A_1021 = arith.constant 704 : index
      %get3A_1022 = tpu.vector_load %arg8[%get3A_1020, %get3A_1021] {strides = array<i32>} : memref<64x768xf32, #tpu.memory_space<vmem>>, vector<1x16xf32>,
      %get3A_1023 = vector.shape_cast %get3A_1022 : vector<1x16xf32> to vector<16xf32>
      %mul3A_1024 = arith.mulf %get3A_34, %get3A_1015 : vector<16xf32>
      %mul3A_1025 = arith.mulf %get3A_42, %get3A_1023 : vector<16xf32>
      %add3A_1026 = arith.addf %mul3A_1024, %mul3A_1025 : vector<16xf32>
      %swap3A_1027 = arith.index_cast %scan3A_28 : i32 to index
      %swap3A_1028 = arith.constant 704 : index
      %swap3A_1029 = tpu.vector_load %arg9[%swap3A_1027, %swap3A_1028] {strides = array<i32>} : memref<32x768xf32, #tpu.memory_space<vmem>>, vector<1x16xf32>,
      %swap3A_1030 = vector.shape_cast %swap3A_1029 : vector<1x16xf32> to vector<16xf32>
      %swap3A_1031 = vector.shape_cast %add3A_1026 : vector<16xf32> to vector<1x16xf32>
      tpu.vector_store %arg9[%swap3A_1027, %swap3A_1028], %swap3A_1031 {strides = array<i32>} : memref<32x768xf32, #tpu.memory_space<vmem>>, vector<1x16xf32>,
      %mul3A_1032 = arith.constant 2 : i32
      %mul3A_1033 = arith.muli %mul3A_1032, %scan3A_28 : i32
      %get3A_1034 = arith.index_cast %mul3A_1033 : i32 to index
      %get3A_1035 = arith.constant 720 : index
      %get3A_1036 = tpu.vector_load %arg8[%get3A_1034, %get3A_1035] {strides = array<i32>} : memref<64x768xf32, #tpu.memory_space<vmem>>, vector<1x16xf32>,
      %get3A_1037 = vector.shape_cast %get3A_1036 : vector<1x16xf32> to vector<16xf32>
      %mul3A_1038 = arith.constant 2 : i32
      %mul3A_1039 = arith.muli %mul3A_1038, %scan3A_28 : i32
      %add3A_1040 = arith.constant 1 : i32
      %add3A_1041 = arith.addi %mul3A_1039, %add3A_1040 : i32
      %get3A_1042 = arith.index_cast %add3A_1041 : i32 to index
      %get3A_1043 = arith.constant 720 : index
      %get3A_1044 = tpu.vector_load %arg8[%get3A_1042, %get3A_1043] {strides = array<i32>} : memref<64x768xf32, #tpu.memory_space<vmem>>, vector<1x16xf32>,
      %get3A_1045 = vector.shape_cast %get3A_1044 : vector<1x16xf32> to vector<16xf32>
      %mul3A_1046 = arith.mulf %get3A_34, %get3A_1037 : vector<16xf32>
      %mul3A_1047 = arith.mulf %get3A_42, %get3A_1045 : vector<16xf32>
      %add3A_1048 = arith.addf %mul3A_1046, %mul3A_1047 : vector<16xf32>
      %swap3A_1049 = arith.index_cast %scan3A_28 : i32 to index
      %swap3A_1050 = arith.constant 720 : index
      %swap3A_1051 = tpu.vector_load %arg9[%swap3A_1049, %swap3A_1050] {strides = array<i32>} : memref<32x768xf32, #tpu.memory_space<vmem>>, vector<1x16xf32>,
      %swap3A_1052 = vector.shape_cast %swap3A_1051 : vector<1x16xf32> to vector<16xf32>
      %swap3A_1053 = vector.shape_cast %add3A_1048 : vector<16xf32> to vector<1x16xf32>
      tpu.vector_store %arg9[%swap3A_1049, %swap3A_1050], %swap3A_1053 {strides = array<i32>} : memref<32x768xf32, #tpu.memory_space<vmem>>, vector<1x16xf32>,
      %mul3A_1054 = arith.constant 2 : i32
      %mul3A_1055 = arith.muli %mul3A_1054, %scan3A_28 : i32
      %get3A_1056 = arith.index_cast %mul3A_1055 : i32 to index
      %get3A_1057 = arith.constant 736 : index
      %get3A_1058 = tpu.vector_load %arg8[%get3A_1056, %get3A_1057] {strides = array<i32>} : memref<64x768xf32, #tpu.memory_space<vmem>>, vector<1x16xf32>,
      %get3A_1059 = vector.shape_cast %get3A_1058 : vector<1x16xf32> to vector<16xf32>
      %mul3A_1060 = arith.constant 2 : i32
      %mul3A_1061 = arith.muli %mul3A_1060, %scan3A_28 : i32
      %add3A_1062 = arith.constant 1 : i32
      %add3A_1063 = arith.addi %mul3A_1061, %add3A_1062 : i32
      %get3A_1064 = arith.index_cast %add3A_1063 : i32 to index
      %get3A_1065 = arith.constant 736 : index
      %get3A_1066 = tpu.vector_load %arg8[%get3A_1064, %get3A_1065] {strides = array<i32>} : memref<64x768xf32, #tpu.memory_space<vmem>>, vector<1x16xf32>,
      %get3A_1067 = vector.shape_cast %get3A_1066 : vector<1x16xf32> to vector<16xf32>
      %mul3A_1068 = arith.mulf %get3A_34, %get3A_1059 : vector<16xf32>
      %mul3A_1069 = arith.mulf %get3A_42, %get3A_1067 : vector<16xf32>
      %add3A_1070 = arith.addf %mul3A_1068, %mul3A_1069 : vector<16xf32>
      %swap3A_1071 = arith.index_cast %scan3A_28 : i32 to index
      %swap3A_1072 = arith.constant 736 : index
      %swap3A_1073 = tpu.vector_load %arg9[%swap3A_1071, %swap3A_1072] {strides = array<i32>} : memref<32x768xf32, #tpu.memory_space<vmem>>, vector<1x16xf32>,
      %swap3A_1074 = vector.shape_cast %swap3A_1073 : vector<1x16xf32> to vector<16xf32>
      %swap3A_1075 = vector.shape_cast %add3A_1070 : vector<16xf32> to vector<1x16xf32>
      tpu.vector_store %arg9[%swap3A_1071, %swap3A_1072], %swap3A_1075 {strides = array<i32>} : memref<32x768xf32, #tpu.memory_space<vmem>>, vector<1x16xf32>,
      %mul3A_1076 = arith.constant 2 : i32
      %mul3A_1077 = arith.muli %mul3A_1076, %scan3A_28 : i32
      %get3A_1078 = arith.index_cast %mul3A_1077 : i32 to index
      %get3A_1079 = arith.constant 752 : index
      %get3A_1080 = tpu.vector_load %arg8[%get3A_1078, %get3A_1079] {strides = array<i32>} : memref<64x768xf32, #tpu.memory_space<vmem>>, vector<1x16xf32>,
      %get3A_1081 = vector.shape_cast %get3A_1080 : vector<1x16xf32> to vector<16xf32>
      %mul3A_1082 = arith.constant 2 : i32
      %mul3A_1083 = arith.muli %mul3A_1082, %scan3A_28 : i32
      %add3A_1084 = arith.constant 1 : i32
      %add3A_1085 = arith.addi %mul3A_1083, %add3A_1084 : i32
      %get3A_1086 = arith.index_cast %add3A_1085 : i32 to index
      %get3A_1087 = arith.constant 752 : index
      %get3A_1088 = tpu.vector_load %arg8[%get3A_1086, %get3A_1087] {strides = array<i32>} : memref<64x768xf32, #tpu.memory_space<vmem>>, vector<1x16xf32>,
      %get3A_1089 = vector.shape_cast %get3A_1088 : vector<1x16xf32> to vector<16xf32>
      %mul3A_1090 = arith.mulf %get3A_34, %get3A_1081 : vector<16xf32>
      %mul3A_1091 = arith.mulf %get3A_42, %get3A_1089 : vector<16xf32>
      %add3A_1092 = arith.addf %mul3A_1090, %mul3A_1091 : vector<16xf32>
      %swap3A_1093 = arith.index_cast %scan3A_28 : i32 to index
      %swap3A_1094 = arith.constant 752 : index
      %swap3A_1095 = tpu.vector_load %arg9[%swap3A_1093, %swap3A_1094] {strides = array<i32>} : memref<32x768xf32, #tpu.memory_space<vmem>>, vector<1x16xf32>,
      %swap3A_1096 = vector.shape_cast %swap3A_1095 : vector<1x16xf32> to vector<16xf32>
      %swap3A_1097 = vector.shape_cast %add3A_1092 : vector<16xf32> to vector<1x16xf32>
      tpu.vector_store %arg9[%swap3A_1093, %swap3A_1094], %swap3A_1097 {strides = array<i32>} : memref<32x768xf32, #tpu.memory_space<vmem>>, vector<1x16xf32>,
      %scan3A_1098 = arith.constant 0 : i32
      scf.yield %scan3A_1098 : i32
    }
    %scan3A_12 = arith.constant 32 : i32
    %add3A_13 = arith.constant 0 : i32
    %add3A_14 = arith.addi %mul3A_2, %add3A_13 : i32
    "tpu.region"() ({
      %run_scoped3A = tpu.sem_alloc : memref<!tpu.dma_semaphore, #tpu.memory_space<semaphore_mem>>
      %dma_start3A = arith.constant 0 : i32
      %dma_start3A_28 = tpu.memref_slice %arg5[%add3A_14, %dma_start3A] : memref<2048x768xf32, #tpu.memory_space<hbm>> -> memref<32x768xf32, #tpu.memory_space<hbm>>
      %dma_start3A_29 = arith.constant 0 : i32
      %dma_start3A_30 = tpu.memref_slice %arg5[%add3A_14, %dma_start3A_29] : memref<2048x768xf32, #tpu.memory_space<hbm>> -> memref<32x768xf32, #tpu.memory_space<hbm>>
      tpu.enqueue_dma source(%arg9 : memref<32x768xf32, #tpu.memory_space<vmem>>) target(%dma_start3A_30 : memref<32x768xf32, #tpu.memory_space<hbm>>) target_semaphore(%run_scoped3A : memref<!tpu.dma_semaphore, #tpu.memory_space<semaphore_mem>>)
      %dma_wait3A = arith.constant 0 : i32
      %dma_wait3A_31 = tpu.memref_slice %arg5[%add3A_14, %dma_wait3A] : memref<2048x768xf32, #tpu.memory_space<hbm>> -> memref<32x768xf32, #tpu.memory_space<hbm>>
      %dma_wait3A_32 = arith.constant 0 : i32
      %dma_wait3A_33 = tpu.memref_slice %arg5[%add3A_14, %dma_wait3A_32] : memref<2048x768xf32, #tpu.memory_space<hbm>> -> memref<32x768xf32, #tpu.memory_space<hbm>>
      tpu.wait_dma2 semaphore(%run_scoped3A : memref<!tpu.dma_semaphore, #tpu.memory_space<semaphore_mem>>) src(%arg9 : memref<32x768xf32, #tpu.memory_space<vmem>>) dst(%dma_wait3A_33 : memref<32x768xf32, #tpu.memory_space<hbm>>)
      tpu.yield
    }) : () -> ()
    %mul3A_15 = arith.constant 2 : i32
    %mul3A_16 = arith.muli %mul3A_2, %mul3A_15 : i32
    %add3A_17 = arith.constant 64 : i32
    %add3A_18 = arith.addi %mul3A_16, %add3A_17 : i32
    "tpu.region"() ({
      %run_scoped3A = tpu.sem_alloc : memref<!tpu.dma_semaphore, #tpu.memory_space<semaphore_mem>>
      %dma_start3A = tpu.memref_slice %arg3[%add3A_18] : memref<4096xi32, #tpu.memory_space<hbm>> -> memref<64xi32, #tpu.memory_space<hbm>>
      %dma_start3A_28 = tpu.memref_slice %arg3[%add3A_18] : memref<4096xi32, #tpu.memory_space<hbm>> -> memref<64xi32, #tpu.memory_space<hbm>>
      tpu.enqueue_dma source(%dma_start3A_28 : memref<64xi32, #tpu.memory_space<hbm>>) target(%arg6 : memref<64xi32, #tpu.memory_space<vmem>>) target_semaphore(%run_scoped3A : memref<!tpu.dma_semaphore, #tpu.memory_space<semaphore_mem>>)
      %dma_wait3A = tpu.memref_slice %arg3[%add3A_18] : memref<4096xi32, #tpu.memory_space<hbm>> -> memref<64xi32, #tpu.memory_space<hbm>>
      %dma_wait3A_29 = tpu.memref_slice %arg3[%add3A_18] : memref<4096xi32, #tpu.memory_space<hbm>> -> memref<64xi32, #tpu.memory_space<hbm>>
      tpu.wait_dma2 semaphore(%run_scoped3A : memref<!tpu.dma_semaphore, #tpu.memory_space<semaphore_mem>>) src(%dma_wait3A_29 : memref<64xi32, #tpu.memory_space<hbm>>) dst(%arg6 : memref<64xi32, #tpu.memory_space<vmem>>)
      tpu.yield
    }) : () -> ()
    "tpu.region"() ({
      %run_scoped3A = tpu.sem_alloc : memref<!tpu.dma_semaphore, #tpu.memory_space<semaphore_mem>>
      %dma_start3A = arith.constant 0 : i32
      %dma_start3A_28 = tpu.memref_slice %arg4[%add3A_18, %dma_start3A] : memref<4096x16xf32, #tpu.memory_space<hbm>> -> memref<64x16xf32, #tpu.memory_space<hbm>>
      %dma_start3A_29 = arith.constant 0 : i32
      %dma_start3A_30 = tpu.memref_slice %arg4[%add3A_18, %dma_start3A_29] : memref<4096x16xf32, #tpu.memory_space<hbm>> -> memref<64x16xf32, #tpu.memory_space<hbm>>
      tpu.enqueue_dma source(%dma_start3A_30 : memref<64x16xf32, #tpu.memory_space<hbm>>) target(%arg7 : memref<64x16xf32, #tpu.memory_space<vmem>>) target_semaphore(%run_scoped3A : memref<!tpu.dma_semaphore, #tpu.memory_space<semaphore_mem>>)
      %dma_wait3A = arith.constant 0 : i32
      %dma_wait3A_31 = tpu.memref_slice %arg4[%add3A_18, %dma_wait3A] : memref<4096x16xf32, #tpu.memory_space<hbm>> -> memref<64x16xf32, #tpu.memory_space<hbm>>
      %dma_wait3A_32 = arith.constant 0 : i32
      %dma_wait3A_33 = tpu.memref_slice %arg4[%add3A_18, %dma_wait3A_32] : memref<4096x16xf32, #tpu.memory_space<hbm>> -> memref<64x16xf32, #tpu.memory_space<hbm>>
      tpu.wait_dma2 semaphore(%run_scoped3A : memref<!tpu.dma_semaphore, #tpu.memory_space<semaphore_mem>>) src(%dma_wait3A_33 : memref<64x16xf32, #tpu.memory_space<hbm>>) dst(%arg7 : memref<64x16xf32, #tpu.memory_space<vmem>>)
      tpu.yield
    }) : () -> ()
    "tpu.region"() ({
      %run_scoped3A = tpu.sem_alloc : memref<!tpu.dma_semaphore, #tpu.memory_space<semaphore_mem>>
      %dma_start3A = arith.constant 0 : i32
      %dma_start3A_28 = arith.constant 0 : i32
      %dma_start3A_29 = tpu.memref_slice %arg2[%dma_start3A, %dma_start3A_28] : memref<8192x768xf32, #tpu.memory_space<hbm>> -> memref<8192x768xf32, #tpu.memory_space<hbm>>
      tpu.enqueue_indirect_dma source(%dma_start3A_29 : memref<8192x768xf32, #tpu.memory_space<hbm>>) target(%arg8 : memref<64x768xf32, #tpu.memory_space<vmem>>) offsets(%arg6 : memref<64xi32, #tpu.memory_space<vmem>>) semaphore(%run_scoped3A : memref<!tpu.dma_semaphore, #tpu.memory_space<semaphore_mem>>)
      %dma_wait3A = arith.constant 0 : i32
      %dma_wait3A_30 = arith.constant 0 : i32
      %dma_wait3A_31 = tpu.memref_slice %arg2[%dma_wait3A, %dma_wait3A_30] : memref<8192x768xf32, #tpu.memory_space<hbm>> -> memref<8192x768xf32, #tpu.memory_space<hbm>>
      tpu.wait_indirect_dma semaphore(%run_scoped3A : memref<!tpu.dma_semaphore, #tpu.memory_space<semaphore_mem>>) src(%dma_wait3A_31 : memref<8192x768xf32, #tpu.memory_space<hbm>>) dst(%arg8 : memref<64x768xf32, #tpu.memory_space<vmem>>)
      tpu.yield
    }) : () -> ()
    %scan3A_19 = arith.constant 0 : i32
    %scan3A_20 = arith.constant 0 : i32
    %scan3A_21 = arith.constant 32 : i32
    %scan3A_22 = arith.addi %scan3A_20, %scan3A_21 : i32
    %scan3A_23 = arith.constant 1 : i32
    %scan3A_24 = scf.for %scan3A_28 = %scan3A_20 to %scan3A_22 step %scan3A_23 iter_args(%scan3A_29 = %scan3A_19) -> (i32)  : i32 {
      %mul3A_30 = arith.constant 2 : i32
      %mul3A_31 = arith.muli %mul3A_30, %scan3A_28 : i32
      %get3A = arith.index_cast %mul3A_31 : i32 to index
      %get3A_32 = arith.constant 0 : index
      %get3A_33 = tpu.vector_load %arg7[%get3A, %get3A_32] {strides = array<i32>} : memref<64x16xf32, #tpu.memory_space<vmem>>, vector<1x16xf32>,
      %get3A_34 = vector.shape_cast %get3A_33 : vector<1x16xf32> to vector<16xf32>
      %mul3A_35 = arith.constant 2 : i32
      %mul3A_36 = arith.muli %mul3A_35, %scan3A_28 : i32
      %add3A_37 = arith.constant 1 : i32
      %add3A_38 = arith.addi %mul3A_36, %add3A_37 : i32
      %get3A_39 = arith.index_cast %add3A_38 : i32 to index
      %get3A_40 = arith.constant 0 : index
      %get3A_41 = tpu.vector_load %arg7[%get3A_39, %get3A_40] {strides = array<i32>} : memref<64x16xf32, #tpu.memory_space<vmem>>, vector<1x16xf32>,
      %get3A_42 = vector.shape_cast %get3A_41 : vector<1x16xf32> to vector<16xf32>
      %mul3A_43 = arith.constant 2 : i32
      %mul3A_44 = arith.muli %mul3A_43, %scan3A_28 : i32
      %get3A_45 = arith.index_cast %mul3A_44 : i32 to index
      %get3A_46 = arith.constant 0 : index
      %get3A_47 = tpu.vector_load %arg8[%get3A_45, %get3A_46] {strides = array<i32>} : memref<64x768xf32, #tpu.memory_space<vmem>>, vector<1x16xf32>,
      %get3A_48 = vector.shape_cast %get3A_47 : vector<1x16xf32> to vector<16xf32>
      %mul3A_49 = arith.constant 2 : i32
      %mul3A_50 = arith.muli %mul3A_49, %scan3A_28 : i32
      %add3A_51 = arith.constant 1 : i32
      %add3A_52 = arith.addi %mul3A_50, %add3A_51 : i32
      %get3A_53 = arith.index_cast %add3A_52 : i32 to index
      %get3A_54 = arith.constant 0 : index
      %get3A_55 = tpu.vector_load %arg8[%get3A_53, %get3A_54] {strides = array<i32>} : memref<64x768xf32, #tpu.memory_space<vmem>>, vector<1x16xf32>,
      %get3A_56 = vector.shape_cast %get3A_55 : vector<1x16xf32> to vector<16xf32>
      %mul3A_57 = arith.mulf %get3A_34, %get3A_48 : vector<16xf32>
      %mul3A_58 = arith.mulf %get3A_42, %get3A_56 : vector<16xf32>
      %add3A_59 = arith.addf %mul3A_57, %mul3A_58 : vector<16xf32>
      %swap3A = arith.index_cast %scan3A_28 : i32 to index
      %swap3A_60 = arith.constant 0 : index
      %swap3A_61 = tpu.vector_load %arg9[%swap3A, %swap3A_60] {strides = array<i32>} : memref<32x768xf32, #tpu.memory_space<vmem>>, vector<1x16xf32>,
      %swap3A_62 = vector.shape_cast %swap3A_61 : vector<1x16xf32> to vector<16xf32>
      %swap3A_63 = vector.shape_cast %add3A_59 : vector<16xf32> to vector<1x16xf32>
      tpu.vector_store %arg9[%swap3A, %swap3A_60], %swap3A_63 {strides = array<i32>} : memref<32x768xf32, #tpu.memory_space<vmem>>, vector<1x16xf32>,
      %mul3A_64 = arith.constant 2 : i32
      %mul3A_65 = arith.muli %mul3A_64, %scan3A_28 : i32
      %get3A_66 = arith.index_cast %mul3A_65 : i32 to index
      %get3A_67 = arith.constant 16 : index
      %get3A_68 = tpu.vector_load %arg8[%get3A_66, %get3A_67] {strides = array<i32>} : memref<64x768xf32, #tpu.memory_space<vmem>>, vector<1x16xf32>,
      %get3A_69 = vector.shape_cast %get3A_68 : vector<1x16xf32> to vector<16xf32>
      %mul3A_70 = arith.constant 2 : i32
      %mul3A_71 = arith.muli %mul3A_70, %scan3A_28 : i32
      %add3A_72 = arith.constant 1 : i32
      %add3A_73 = arith.addi %mul3A_71, %add3A_72 : i32
      %get3A_74 = arith.index_cast %add3A_73 : i32 to index
      %get3A_75 = arith.constant 16 : index
      %get3A_76 = tpu.vector_load %arg8[%get3A_74, %get3A_75] {strides = array<i32>} : memref<64x768xf32, #tpu.memory_space<vmem>>, vector<1x16xf32>,
      %get3A_77 = vector.shape_cast %get3A_76 : vector<1x16xf32> to vector<16xf32>
      %mul3A_78 = arith.mulf %get3A_34, %get3A_69 : vector<16xf32>
      %mul3A_79 = arith.mulf %get3A_42, %get3A_77 : vector<16xf32>
      %add3A_80 = arith.addf %mul3A_78, %mul3A_79 : vector<16xf32>
      %swap3A_81 = arith.index_cast %scan3A_28 : i32 to index
      %swap3A_82 = arith.constant 16 : index
      %swap3A_83 = tpu.vector_load %arg9[%swap3A_81, %swap3A_82] {strides = array<i32>} : memref<32x768xf32, #tpu.memory_space<vmem>>, vector<1x16xf32>,
      %swap3A_84 = vector.shape_cast %swap3A_83 : vector<1x16xf32> to vector<16xf32>
      %swap3A_85 = vector.shape_cast %add3A_80 : vector<16xf32> to vector<1x16xf32>
      tpu.vector_store %arg9[%swap3A_81, %swap3A_82], %swap3A_85 {strides = array<i32>} : memref<32x768xf32, #tpu.memory_space<vmem>>, vector<1x16xf32>,
      %mul3A_86 = arith.constant 2 : i32
      %mul3A_87 = arith.muli %mul3A_86, %scan3A_28 : i32
      %get3A_88 = arith.index_cast %mul3A_87 : i32 to index
      %get3A_89 = arith.constant 32 : index
      %get3A_90 = tpu.vector_load %arg8[%get3A_88, %get3A_89] {strides = array<i32>} : memref<64x768xf32, #tpu.memory_space<vmem>>, vector<1x16xf32>,
      %get3A_91 = vector.shape_cast %get3A_90 : vector<1x16xf32> to vector<16xf32>
      %mul3A_92 = arith.constant 2 : i32
      %mul3A_93 = arith.muli %mul3A_92, %scan3A_28 : i32
      %add3A_94 = arith.constant 1 : i32
      %add3A_95 = arith.addi %mul3A_93, %add3A_94 : i32
      %get3A_96 = arith.index_cast %add3A_95 : i32 to index
      %get3A_97 = arith.constant 32 : index
      %get3A_98 = tpu.vector_load %arg8[%get3A_96, %get3A_97] {strides = array<i32>} : memref<64x768xf32, #tpu.memory_space<vmem>>, vector<1x16xf32>,
      %get3A_99 = vector.shape_cast %get3A_98 : vector<1x16xf32> to vector<16xf32>
      %mul3A_100 = arith.mulf %get3A_34, %get3A_91 : vector<16xf32>
      %mul3A_101 = arith.mulf %get3A_42, %get3A_99 : vector<16xf32>
      %add3A_102 = arith.addf %mul3A_100, %mul3A_101 : vector<16xf32>
      %swap3A_103 = arith.index_cast %scan3A_28 : i32 to index
      %swap3A_104 = arith.constant 32 : index
      %swap3A_105 = tpu.vector_load %arg9[%swap3A_103, %swap3A_104] {strides = array<i32>} : memref<32x768xf32, #tpu.memory_space<vmem>>, vector<1x16xf32>,
      %swap3A_106 = vector.shape_cast %swap3A_105 : vector<1x16xf32> to vector<16xf32>
      %swap3A_107 = vector.shape_cast %add3A_102 : vector<16xf32> to vector<1x16xf32>
      tpu.vector_store %arg9[%swap3A_103, %swap3A_104], %swap3A_107 {strides = array<i32>} : memref<32x768xf32, #tpu.memory_space<vmem>>, vector<1x16xf32>,
      %mul3A_108 = arith.constant 2 : i32
      %mul3A_109 = arith.muli %mul3A_108, %scan3A_28 : i32
      %get3A_110 = arith.index_cast %mul3A_109 : i32 to index
      %get3A_111 = arith.constant 48 : index
      %get3A_112 = tpu.vector_load %arg8[%get3A_110, %get3A_111] {strides = array<i32>} : memref<64x768xf32, #tpu.memory_space<vmem>>, vector<1x16xf32>,
      %get3A_113 = vector.shape_cast %get3A_112 : vector<1x16xf32> to vector<16xf32>
      %mul3A_114 = arith.constant 2 : i32
      %mul3A_115 = arith.muli %mul3A_114, %scan3A_28 : i32
      %add3A_116 = arith.constant 1 : i32
      %add3A_117 = arith.addi %mul3A_115, %add3A_116 : i32
      %get3A_118 = arith.index_cast %add3A_117 : i32 to index
      %get3A_119 = arith.constant 48 : index
      %get3A_120 = tpu.vector_load %arg8[%get3A_118, %get3A_119] {strides = array<i32>} : memref<64x768xf32, #tpu.memory_space<vmem>>, vector<1x16xf32>,
      %get3A_121 = vector.shape_cast %get3A_120 : vector<1x16xf32> to vector<16xf32>
      %mul3A_122 = arith.mulf %get3A_34, %get3A_113 : vector<16xf32>
      %mul3A_123 = arith.mulf %get3A_42, %get3A_121 : vector<16xf32>
      %add3A_124 = arith.addf %mul3A_122, %mul3A_123 : vector<16xf32>
      %swap3A_125 = arith.index_cast %scan3A_28 : i32 to index
      %swap3A_126 = arith.constant 48 : index
      %swap3A_127 = tpu.vector_load %arg9[%swap3A_125, %swap3A_126] {strides = array<i32>} : memref<32x768xf32, #tpu.memory_space<vmem>>, vector<1x16xf32>,
      %swap3A_128 = vector.shape_cast %swap3A_127 : vector<1x16xf32> to vector<16xf32>
      %swap3A_129 = vector.shape_cast %add3A_124 : vector<16xf32> to vector<1x16xf32>
      tpu.vector_store %arg9[%swap3A_125, %swap3A_126], %swap3A_129 {strides = array<i32>} : memref<32x768xf32, #tpu.memory_space<vmem>>, vector<1x16xf32>,
      %mul3A_130 = arith.constant 2 : i32
      %mul3A_131 = arith.muli %mul3A_130, %scan3A_28 : i32
      %get3A_132 = arith.index_cast %mul3A_131 : i32 to index
      %get3A_133 = arith.constant 64 : index
      %get3A_134 = tpu.vector_load %arg8[%get3A_132, %get3A_133] {strides = array<i32>} : memref<64x768xf32, #tpu.memory_space<vmem>>, vector<1x16xf32>,
      %get3A_135 = vector.shape_cast %get3A_134 : vector<1x16xf32> to vector<16xf32>
      %mul3A_136 = arith.constant 2 : i32
      %mul3A_137 = arith.muli %mul3A_136, %scan3A_28 : i32
      %add3A_138 = arith.constant 1 : i32
      %add3A_139 = arith.addi %mul3A_137, %add3A_138 : i32
      %get3A_140 = arith.index_cast %add3A_139 : i32 to index
      %get3A_141 = arith.constant 64 : index
      %get3A_142 = tpu.vector_load %arg8[%get3A_140, %get3A_141] {strides = array<i32>} : memref<64x768xf32, #tpu.memory_space<vmem>>, vector<1x16xf32>,
      %get3A_143 = vector.shape_cast %get3A_142 : vector<1x16xf32> to vector<16xf32>
      %mul3A_144 = arith.mulf %get3A_34, %get3A_135 : vector<16xf32>
      %mul3A_145 = arith.mulf %get3A_42, %get3A_143 : vector<16xf32>
      %add3A_146 = arith.addf %mul3A_144, %mul3A_145 : vector<16xf32>
      %swap3A_147 = arith.index_cast %scan3A_28 : i32 to index
      %swap3A_148 = arith.constant 64 : index
      %swap3A_149 = tpu.vector_load %arg9[%swap3A_147, %swap3A_148] {strides = array<i32>} : memref<32x768xf32, #tpu.memory_space<vmem>>, vector<1x16xf32>,
      %swap3A_150 = vector.shape_cast %swap3A_149 : vector<1x16xf32> to vector<16xf32>
      %swap3A_151 = vector.shape_cast %add3A_146 : vector<16xf32> to vector<1x16xf32>
      tpu.vector_store %arg9[%swap3A_147, %swap3A_148], %swap3A_151 {strides = array<i32>} : memref<32x768xf32, #tpu.memory_space<vmem>>, vector<1x16xf32>,
      %mul3A_152 = arith.constant 2 : i32
      %mul3A_153 = arith.muli %mul3A_152, %scan3A_28 : i32
      %get3A_154 = arith.index_cast %mul3A_153 : i32 to index
      %get3A_155 = arith.constant 80 : index
      %get3A_156 = tpu.vector_load %arg8[%get3A_154, %get3A_155] {strides = array<i32>} : memref<64x768xf32, #tpu.memory_space<vmem>>, vector<1x16xf32>,
      %get3A_157 = vector.shape_cast %get3A_156 : vector<1x16xf32> to vector<16xf32>
      %mul3A_158 = arith.constant 2 : i32
      %mul3A_159 = arith.muli %mul3A_158, %scan3A_28 : i32
      %add3A_160 = arith.constant 1 : i32
      %add3A_161 = arith.addi %mul3A_159, %add3A_160 : i32
      %get3A_162 = arith.index_cast %add3A_161 : i32 to index
      %get3A_163 = arith.constant 80 : index
      %get3A_164 = tpu.vector_load %arg8[%get3A_162, %get3A_163] {strides = array<i32>} : memref<64x768xf32, #tpu.memory_space<vmem>>, vector<1x16xf32>,
      %get3A_165 = vector.shape_cast %get3A_164 : vector<1x16xf32> to vector<16xf32>
      %mul3A_166 = arith.mulf %get3A_34, %get3A_157 : vector<16xf32>
      %mul3A_167 = arith.mulf %get3A_42, %get3A_165 : vector<16xf32>
      %add3A_168 = arith.addf %mul3A_166, %mul3A_167 : vector<16xf32>
      %swap3A_169 = arith.index_cast %scan3A_28 : i32 to index
      %swap3A_170 = arith.constant 80 : index
      %swap3A_171 = tpu.vector_load %arg9[%swap3A_169, %swap3A_170] {strides = array<i32>} : memref<32x768xf32, #tpu.memory_space<vmem>>, vector<1x16xf32>,
      %swap3A_172 = vector.shape_cast %swap3A_171 : vector<1x16xf32> to vector<16xf32>
      %swap3A_173 = vector.shape_cast %add3A_168 : vector<16xf32> to vector<1x16xf32>
      tpu.vector_store %arg9[%swap3A_169, %swap3A_170], %swap3A_173 {strides = array<i32>} : memref<32x768xf32, #tpu.memory_space<vmem>>, vector<1x16xf32>,
      %mul3A_174 = arith.constant 2 : i32
      %mul3A_175 = arith.muli %mul3A_174, %scan3A_28 : i32
      %get3A_176 = arith.index_cast %mul3A_175 : i32 to index
      %get3A_177 = arith.constant 96 : index
      %get3A_178 = tpu.vector_load %arg8[%get3A_176, %get3A_177] {strides = array<i32>} : memref<64x768xf32, #tpu.memory_space<vmem>>, vector<1x16xf32>,
      %get3A_179 = vector.shape_cast %get3A_178 : vector<1x16xf32> to vector<16xf32>
      %mul3A_180 = arith.constant 2 : i32
      %mul3A_181 = arith.muli %mul3A_180, %scan3A_28 : i32
      %add3A_182 = arith.constant 1 : i32
      %add3A_183 = arith.addi %mul3A_181, %add3A_182 : i32
      %get3A_184 = arith.index_cast %add3A_183 : i32 to index
      %get3A_185 = arith.constant 96 : index
      %get3A_186 = tpu.vector_load %arg8[%get3A_184, %get3A_185] {strides = array<i32>} : memref<64x768xf32, #tpu.memory_space<vmem>>, vector<1x16xf32>,
      %get3A_187 = vector.shape_cast %get3A_186 : vector<1x16xf32> to vector<16xf32>
      %mul3A_188 = arith.mulf %get3A_34, %get3A_179 : vector<16xf32>
      %mul3A_189 = arith.mulf %get3A_42, %get3A_187 : vector<16xf32>
      %add3A_190 = arith.addf %mul3A_188, %mul3A_189 : vector<16xf32>
      %swap3A_191 = arith.index_cast %scan3A_28 : i32 to index
      %swap3A_192 = arith.constant 96 : index
      %swap3A_193 = tpu.vector_load %arg9[%swap3A_191, %swap3A_192] {strides = array<i32>} : memref<32x768xf32, #tpu.memory_space<vmem>>, vector<1x16xf32>,
      %swap3A_194 = vector.shape_cast %swap3A_193 : vector<1x16xf32> to vector<16xf32>
      %swap3A_195 = vector.shape_cast %add3A_190 : vector<16xf32> to vector<1x16xf32>
      tpu.vector_store %arg9[%swap3A_191, %swap3A_192], %swap3A_195 {strides = array<i32>} : memref<32x768xf32, #tpu.memory_space<vmem>>, vector<1x16xf32>,
      %mul3A_196 = arith.constant 2 : i32
      %mul3A_197 = arith.muli %mul3A_196, %scan3A_28 : i32
      %get3A_198 = arith.index_cast %mul3A_197 : i32 to index
      %get3A_199 = arith.constant 112 : index
      %get3A_200 = tpu.vector_load %arg8[%get3A_198, %get3A_199] {strides = array<i32>} : memref<64x768xf32, #tpu.memory_space<vmem>>, vector<1x16xf32>,
      %get3A_201 = vector.shape_cast %get3A_200 : vector<1x16xf32> to vector<16xf32>
      %mul3A_202 = arith.constant 2 : i32
      %mul3A_203 = arith.muli %mul3A_202, %scan3A_28 : i32
      %add3A_204 = arith.constant 1 : i32
      %add3A_205 = arith.addi %mul3A_203, %add3A_204 : i32
      %get3A_206 = arith.index_cast %add3A_205 : i32 to index
      %get3A_207 = arith.constant 112 : index
      %get3A_208 = tpu.vector_load %arg8[%get3A_206, %get3A_207] {strides = array<i32>} : memref<64x768xf32, #tpu.memory_space<vmem>>, vector<1x16xf32>,
      %get3A_209 = vector.shape_cast %get3A_208 : vector<1x16xf32> to vector<16xf32>
      %mul3A_210 = arith.mulf %get3A_34, %get3A_201 : vector<16xf32>
      %mul3A_211 = arith.mulf %get3A_42, %get3A_209 : vector<16xf32>
      %add3A_212 = arith.addf %mul3A_210, %mul3A_211 : vector<16xf32>
      %swap3A_213 = arith.index_cast %scan3A_28 : i32 to index
      %swap3A_214 = arith.constant 112 : index
      %swap3A_215 = tpu.vector_load %arg9[%swap3A_213, %swap3A_214] {strides = array<i32>} : memref<32x768xf32, #tpu.memory_space<vmem>>, vector<1x16xf32>,
      %swap3A_216 = vector.shape_cast %swap3A_215 : vector<1x16xf32> to vector<16xf32>
      %swap3A_217 = vector.shape_cast %add3A_212 : vector<16xf32> to vector<1x16xf32>
      tpu.vector_store %arg9[%swap3A_213, %swap3A_214], %swap3A_217 {strides = array<i32>} : memref<32x768xf32, #tpu.memory_space<vmem>>, vector<1x16xf32>,
      %mul3A_218 = arith.constant 2 : i32
      %mul3A_219 = arith.muli %mul3A_218, %scan3A_28 : i32
      %get3A_220 = arith.index_cast %mul3A_219 : i32 to index
      %get3A_221 = arith.constant 128 : index
      %get3A_222 = tpu.vector_load %arg8[%get3A_220, %get3A_221] {strides = array<i32>} : memref<64x768xf32, #tpu.memory_space<vmem>>, vector<1x16xf32>,
      %get3A_223 = vector.shape_cast %get3A_222 : vector<1x16xf32> to vector<16xf32>
      %mul3A_224 = arith.constant 2 : i32
      %mul3A_225 = arith.muli %mul3A_224, %scan3A_28 : i32
      %add3A_226 = arith.constant 1 : i32
      %add3A_227 = arith.addi %mul3A_225, %add3A_226 : i32
      %get3A_228 = arith.index_cast %add3A_227 : i32 to index
      %get3A_229 = arith.constant 128 : index
      %get3A_230 = tpu.vector_load %arg8[%get3A_228, %get3A_229] {strides = array<i32>} : memref<64x768xf32, #tpu.memory_space<vmem>>, vector<1x16xf32>,
      %get3A_231 = vector.shape_cast %get3A_230 : vector<1x16xf32> to vector<16xf32>
      %mul3A_232 = arith.mulf %get3A_34, %get3A_223 : vector<16xf32>
      %mul3A_233 = arith.mulf %get3A_42, %get3A_231 : vector<16xf32>
      %add3A_234 = arith.addf %mul3A_232, %mul3A_233 : vector<16xf32>
      %swap3A_235 = arith.index_cast %scan3A_28 : i32 to index
      %swap3A_236 = arith.constant 128 : index
      %swap3A_237 = tpu.vector_load %arg9[%swap3A_235, %swap3A_236] {strides = array<i32>} : memref<32x768xf32, #tpu.memory_space<vmem>>, vector<1x16xf32>,
      %swap3A_238 = vector.shape_cast %swap3A_237 : vector<1x16xf32> to vector<16xf32>
      %swap3A_239 = vector.shape_cast %add3A_234 : vector<16xf32> to vector<1x16xf32>
      tpu.vector_store %arg9[%swap3A_235, %swap3A_236], %swap3A_239 {strides = array<i32>} : memref<32x768xf32, #tpu.memory_space<vmem>>, vector<1x16xf32>,
      %mul3A_240 = arith.constant 2 : i32
      %mul3A_241 = arith.muli %mul3A_240, %scan3A_28 : i32
      %get3A_242 = arith.index_cast %mul3A_241 : i32 to index
      %get3A_243 = arith.constant 144 : index
      %get3A_244 = tpu.vector_load %arg8[%get3A_242, %get3A_243] {strides = array<i32>} : memref<64x768xf32, #tpu.memory_space<vmem>>, vector<1x16xf32>,
      %get3A_245 = vector.shape_cast %get3A_244 : vector<1x16xf32> to vector<16xf32>
      %mul3A_246 = arith.constant 2 : i32
      %mul3A_247 = arith.muli %mul3A_246, %scan3A_28 : i32
      %add3A_248 = arith.constant 1 : i32
      %add3A_249 = arith.addi %mul3A_247, %add3A_248 : i32
      %get3A_250 = arith.index_cast %add3A_249 : i32 to index
      %get3A_251 = arith.constant 144 : index
      %get3A_252 = tpu.vector_load %arg8[%get3A_250, %get3A_251] {strides = array<i32>} : memref<64x768xf32, #tpu.memory_space<vmem>>, vector<1x16xf32>,
      %get3A_253 = vector.shape_cast %get3A_252 : vector<1x16xf32> to vector<16xf32>
      %mul3A_254 = arith.mulf %get3A_34, %get3A_245 : vector<16xf32>
      %mul3A_255 = arith.mulf %get3A_42, %get3A_253 : vector<16xf32>
      %add3A_256 = arith.addf %mul3A_254, %mul3A_255 : vector<16xf32>
      %swap3A_257 = arith.index_cast %scan3A_28 : i32 to index
      %swap3A_258 = arith.constant 144 : index
      %swap3A_259 = tpu.vector_load %arg9[%swap3A_257, %swap3A_258] {strides = array<i32>} : memref<32x768xf32, #tpu.memory_space<vmem>>, vector<1x16xf32>,
      %swap3A_260 = vector.shape_cast %swap3A_259 : vector<1x16xf32> to vector<16xf32>
      %swap3A_261 = vector.shape_cast %add3A_256 : vector<16xf32> to vector<1x16xf32>
      tpu.vector_store %arg9[%swap3A_257, %swap3A_258], %swap3A_261 {strides = array<i32>} : memref<32x768xf32, #tpu.memory_space<vmem>>, vector<1x16xf32>,
      %mul3A_262 = arith.constant 2 : i32
      %mul3A_263 = arith.muli %mul3A_262, %scan3A_28 : i32
      %get3A_264 = arith.index_cast %mul3A_263 : i32 to index
      %get3A_265 = arith.constant 160 : index
      %get3A_266 = tpu.vector_load %arg8[%get3A_264, %get3A_265] {strides = array<i32>} : memref<64x768xf32, #tpu.memory_space<vmem>>, vector<1x16xf32>,
      %get3A_267 = vector.shape_cast %get3A_266 : vector<1x16xf32> to vector<16xf32>
      %mul3A_268 = arith.constant 2 : i32
      %mul3A_269 = arith.muli %mul3A_268, %scan3A_28 : i32
      %add3A_270 = arith.constant 1 : i32
      %add3A_271 = arith.addi %mul3A_269, %add3A_270 : i32
      %get3A_272 = arith.index_cast %add3A_271 : i32 to index
      %get3A_273 = arith.constant 160 : index
      %get3A_274 = tpu.vector_load %arg8[%get3A_272, %get3A_273] {strides = array<i32>} : memref<64x768xf32, #tpu.memory_space<vmem>>, vector<1x16xf32>,
      %get3A_275 = vector.shape_cast %get3A_274 : vector<1x16xf32> to vector<16xf32>
      %mul3A_276 = arith.mulf %get3A_34, %get3A_267 : vector<16xf32>
      %mul3A_277 = arith.mulf %get3A_42, %get3A_275 : vector<16xf32>
      %add3A_278 = arith.addf %mul3A_276, %mul3A_277 : vector<16xf32>
      %swap3A_279 = arith.index_cast %scan3A_28 : i32 to index
      %swap3A_280 = arith.constant 160 : index
      %swap3A_281 = tpu.vector_load %arg9[%swap3A_279, %swap3A_280] {strides = array<i32>} : memref<32x768xf32, #tpu.memory_space<vmem>>, vector<1x16xf32>,
      %swap3A_282 = vector.shape_cast %swap3A_281 : vector<1x16xf32> to vector<16xf32>
      %swap3A_283 = vector.shape_cast %add3A_278 : vector<16xf32> to vector<1x16xf32>
      tpu.vector_store %arg9[%swap3A_279, %swap3A_280], %swap3A_283 {strides = array<i32>} : memref<32x768xf32, #tpu.memory_space<vmem>>, vector<1x16xf32>,
      %mul3A_284 = arith.constant 2 : i32
      %mul3A_285 = arith.muli %mul3A_284, %scan3A_28 : i32
      %get3A_286 = arith.index_cast %mul3A_285 : i32 to index
      %get3A_287 = arith.constant 176 : index
      %get3A_288 = tpu.vector_load %arg8[%get3A_286, %get3A_287] {strides = array<i32>} : memref<64x768xf32, #tpu.memory_space<vmem>>, vector<1x16xf32>,
      %get3A_289 = vector.shape_cast %get3A_288 : vector<1x16xf32> to vector<16xf32>
      %mul3A_290 = arith.constant 2 : i32
      %mul3A_291 = arith.muli %mul3A_290, %scan3A_28 : i32
      %add3A_292 = arith.constant 1 : i32
      %add3A_293 = arith.addi %mul3A_291, %add3A_292 : i32
      %get3A_294 = arith.index_cast %add3A_293 : i32 to index
      %get3A_295 = arith.constant 176 : index
      %get3A_296 = tpu.vector_load %arg8[%get3A_294, %get3A_295] {strides = array<i32>} : memref<64x768xf32, #tpu.memory_space<vmem>>, vector<1x16xf32>,
      %get3A_297 = vector.shape_cast %get3A_296 : vector<1x16xf32> to vector<16xf32>
      %mul3A_298 = arith.mulf %get3A_34, %get3A_289 : vector<16xf32>
      %mul3A_299 = arith.mulf %get3A_42, %get3A_297 : vector<16xf32>
      %add3A_300 = arith.addf %mul3A_298, %mul3A_299 : vector<16xf32>
      %swap3A_301 = arith.index_cast %scan3A_28 : i32 to index
      %swap3A_302 = arith.constant 176 : index
      %swap3A_303 = tpu.vector_load %arg9[%swap3A_301, %swap3A_302] {strides = array<i32>} : memref<32x768xf32, #tpu.memory_space<vmem>>, vector<1x16xf32>,
      %swap3A_304 = vector.shape_cast %swap3A_303 : vector<1x16xf32> to vector<16xf32>
      %swap3A_305 = vector.shape_cast %add3A_300 : vector<16xf32> to vector<1x16xf32>
      tpu.vector_store %arg9[%swap3A_301, %swap3A_302], %swap3A_305 {strides = array<i32>} : memref<32x768xf32, #tpu.memory_space<vmem>>, vector<1x16xf32>,
      %mul3A_306 = arith.constant 2 : i32
      %mul3A_307 = arith.muli %mul3A_306, %scan3A_28 : i32
      %get3A_308 = arith.index_cast %mul3A_307 : i32 to index
      %get3A_309 = arith.constant 192 : index
      %get3A_310 = tpu.vector_load %arg8[%get3A_308, %get3A_309] {strides = array<i32>} : memref<64x768xf32, #tpu.memory_space<vmem>>, vector<1x16xf32>,
      %get3A_311 = vector.shape_cast %get3A_310 : vector<1x16xf32> to vector<16xf32>
      %mul3A_312 = arith.constant 2 : i32
      %mul3A_313 = arith.muli %mul3A_312, %scan3A_28 : i32
      %add3A_314 = arith.constant 1 : i32
      %add3A_315 = arith.addi %mul3A_313, %add3A_314 : i32
      %get3A_316 = arith.index_cast %add3A_315 : i32 to index
      %get3A_317 = arith.constant 192 : index
      %get3A_318 = tpu.vector_load %arg8[%get3A_316, %get3A_317] {strides = array<i32>} : memref<64x768xf32, #tpu.memory_space<vmem>>, vector<1x16xf32>,
      %get3A_319 = vector.shape_cast %get3A_318 : vector<1x16xf32> to vector<16xf32>
      %mul3A_320 = arith.mulf %get3A_34, %get3A_311 : vector<16xf32>
      %mul3A_321 = arith.mulf %get3A_42, %get3A_319 : vector<16xf32>
      %add3A_322 = arith.addf %mul3A_320, %mul3A_321 : vector<16xf32>
      %swap3A_323 = arith.index_cast %scan3A_28 : i32 to index
      %swap3A_324 = arith.constant 192 : index
      %swap3A_325 = tpu.vector_load %arg9[%swap3A_323, %swap3A_324] {strides = array<i32>} : memref<32x768xf32, #tpu.memory_space<vmem>>, vector<1x16xf32>,
      %swap3A_326 = vector.shape_cast %swap3A_325 : vector<1x16xf32> to vector<16xf32>
      %swap3A_327 = vector.shape_cast %add3A_322 : vector<16xf32> to vector<1x16xf32>
      tpu.vector_store %arg9[%swap3A_323, %swap3A_324], %swap3A_327 {strides = array<i32>} : memref<32x768xf32, #tpu.memory_space<vmem>>, vector<1x16xf32>,
      %mul3A_328 = arith.constant 2 : i32
      %mul3A_329 = arith.muli %mul3A_328, %scan3A_28 : i32
      %get3A_330 = arith.index_cast %mul3A_329 : i32 to index
      %get3A_331 = arith.constant 208 : index
      %get3A_332 = tpu.vector_load %arg8[%get3A_330, %get3A_331] {strides = array<i32>} : memref<64x768xf32, #tpu.memory_space<vmem>>, vector<1x16xf32>,
      %get3A_333 = vector.shape_cast %get3A_332 : vector<1x16xf32> to vector<16xf32>
      %mul3A_334 = arith.constant 2 : i32
      %mul3A_335 = arith.muli %mul3A_334, %scan3A_28 : i32
      %add3A_336 = arith.constant 1 : i32
      %add3A_337 = arith.addi %mul3A_335, %add3A_336 : i32
      %get3A_338 = arith.index_cast %add3A_337 : i32 to index
      %get3A_339 = arith.constant 208 : index
      %get3A_340 = tpu.vector_load %arg8[%get3A_338, %get3A_339] {strides = array<i32>} : memref<64x768xf32, #tpu.memory_space<vmem>>, vector<1x16xf32>,
      %get3A_341 = vector.shape_cast %get3A_340 : vector<1x16xf32> to vector<16xf32>
      %mul3A_342 = arith.mulf %get3A_34, %get3A_333 : vector<16xf32>
      %mul3A_343 = arith.mulf %get3A_42, %get3A_341 : vector<16xf32>
      %add3A_344 = arith.addf %mul3A_342, %mul3A_343 : vector<16xf32>
      %swap3A_345 = arith.index_cast %scan3A_28 : i32 to index
      %swap3A_346 = arith.constant 208 : index
      %swap3A_347 = tpu.vector_load %arg9[%swap3A_345, %swap3A_346] {strides = array<i32>} : memref<32x768xf32, #tpu.memory_space<vmem>>, vector<1x16xf32>,
      %swap3A_348 = vector.shape_cast %swap3A_347 : vector<1x16xf32> to vector<16xf32>
      %swap3A_349 = vector.shape_cast %add3A_344 : vector<16xf32> to vector<1x16xf32>
      tpu.vector_store %arg9[%swap3A_345, %swap3A_346], %swap3A_349 {strides = array<i32>} : memref<32x768xf32, #tpu.memory_space<vmem>>, vector<1x16xf32>,
      %mul3A_350 = arith.constant 2 : i32
      %mul3A_351 = arith.muli %mul3A_350, %scan3A_28 : i32
      %get3A_352 = arith.index_cast %mul3A_351 : i32 to index
      %get3A_353 = arith.constant 224 : index
      %get3A_354 = tpu.vector_load %arg8[%get3A_352, %get3A_353] {strides = array<i32>} : memref<64x768xf32, #tpu.memory_space<vmem>>, vector<1x16xf32>,
      %get3A_355 = vector.shape_cast %get3A_354 : vector<1x16xf32> to vector<16xf32>
      %mul3A_356 = arith.constant 2 : i32
      %mul3A_357 = arith.muli %mul3A_356, %scan3A_28 : i32
      %add3A_358 = arith.constant 1 : i32
      %add3A_359 = arith.addi %mul3A_357, %add3A_358 : i32
      %get3A_360 = arith.index_cast %add3A_359 : i32 to index
      %get3A_361 = arith.constant 224 : index
      %get3A_362 = tpu.vector_load %arg8[%get3A_360, %get3A_361] {strides = array<i32>} : memref<64x768xf32, #tpu.memory_space<vmem>>, vector<1x16xf32>,
      %get3A_363 = vector.shape_cast %get3A_362 : vector<1x16xf32> to vector<16xf32>
      %mul3A_364 = arith.mulf %get3A_34, %get3A_355 : vector<16xf32>
      %mul3A_365 = arith.mulf %get3A_42, %get3A_363 : vector<16xf32>
      %add3A_366 = arith.addf %mul3A_364, %mul3A_365 : vector<16xf32>
      %swap3A_367 = arith.index_cast %scan3A_28 : i32 to index
      %swap3A_368 = arith.constant 224 : index
      %swap3A_369 = tpu.vector_load %arg9[%swap3A_367, %swap3A_368] {strides = array<i32>} : memref<32x768xf32, #tpu.memory_space<vmem>>, vector<1x16xf32>,
      %swap3A_370 = vector.shape_cast %swap3A_369 : vector<1x16xf32> to vector<16xf32>
      %swap3A_371 = vector.shape_cast %add3A_366 : vector<16xf32> to vector<1x16xf32>
      tpu.vector_store %arg9[%swap3A_367, %swap3A_368], %swap3A_371 {strides = array<i32>} : memref<32x768xf32, #tpu.memory_space<vmem>>, vector<1x16xf32>,
      %mul3A_372 = arith.constant 2 : i32
      %mul3A_373 = arith.muli %mul3A_372, %scan3A_28 : i32
      %get3A_374 = arith.index_cast %mul3A_373 : i32 to index
      %get3A_375 = arith.constant 240 : index
      %get3A_376 = tpu.vector_load %arg8[%get3A_374, %get3A_375] {strides = array<i32>} : memref<64x768xf32, #tpu.memory_space<vmem>>, vector<1x16xf32>,
      %get3A_377 = vector.shape_cast %get3A_376 : vector<1x16xf32> to vector<16xf32>
      %mul3A_378 = arith.constant 2 : i32
      %mul3A_379 = arith.muli %mul3A_378, %scan3A_28 : i32
      %add3A_380 = arith.constant 1 : i32
      %add3A_381 = arith.addi %mul3A_379, %add3A_380 : i32
      %get3A_382 = arith.index_cast %add3A_381 : i32 to index
      %get3A_383 = arith.constant 240 : index
      %get3A_384 = tpu.vector_load %arg8[%get3A_382, %get3A_383] {strides = array<i32>} : memref<64x768xf32, #tpu.memory_space<vmem>>, vector<1x16xf32>,
      %get3A_385 = vector.shape_cast %get3A_384 : vector<1x16xf32> to vector<16xf32>
      %mul3A_386 = arith.mulf %get3A_34, %get3A_377 : vector<16xf32>
      %mul3A_387 = arith.mulf %get3A_42, %get3A_385 : vector<16xf32>
      %add3A_388 = arith.addf %mul3A_386, %mul3A_387 : vector<16xf32>
      %swap3A_389 = arith.index_cast %scan3A_28 : i32 to index
      %swap3A_390 = arith.constant 240 : index
      %swap3A_391 = tpu.vector_load %arg9[%swap3A_389, %swap3A_390] {strides = array<i32>} : memref<32x768xf32, #tpu.memory_space<vmem>>, vector<1x16xf32>,
      %swap3A_392 = vector.shape_cast %swap3A_391 : vector<1x16xf32> to vector<16xf32>
      %swap3A_393 = vector.shape_cast %add3A_388 : vector<16xf32> to vector<1x16xf32>
      tpu.vector_store %arg9[%swap3A_389, %swap3A_390], %swap3A_393 {strides = array<i32>} : memref<32x768xf32, #tpu.memory_space<vmem>>, vector<1x16xf32>,
      %mul3A_394 = arith.constant 2 : i32
      %mul3A_395 = arith.muli %mul3A_394, %scan3A_28 : i32
      %get3A_396 = arith.index_cast %mul3A_395 : i32 to index
      %get3A_397 = arith.constant 256 : index
      %get3A_398 = tpu.vector_load %arg8[%get3A_396, %get3A_397] {strides = array<i32>} : memref<64x768xf32, #tpu.memory_space<vmem>>, vector<1x16xf32>,
      %get3A_399 = vector.shape_cast %get3A_398 : vector<1x16xf32> to vector<16xf32>
      %mul3A_400 = arith.constant 2 : i32
      %mul3A_401 = arith.muli %mul3A_400, %scan3A_28 : i32
      %add3A_402 = arith.constant 1 : i32
      %add3A_403 = arith.addi %mul3A_401, %add3A_402 : i32
      %get3A_404 = arith.index_cast %add3A_403 : i32 to index
      %get3A_405 = arith.constant 256 : index
      %get3A_406 = tpu.vector_load %arg8[%get3A_404, %get3A_405] {strides = array<i32>} : memref<64x768xf32, #tpu.memory_space<vmem>>, vector<1x16xf32>,
      %get3A_407 = vector.shape_cast %get3A_406 : vector<1x16xf32> to vector<16xf32>
      %mul3A_408 = arith.mulf %get3A_34, %get3A_399 : vector<16xf32>
      %mul3A_409 = arith.mulf %get3A_42, %get3A_407 : vector<16xf32>
      %add3A_410 = arith.addf %mul3A_408, %mul3A_409 : vector<16xf32>
      %swap3A_411 = arith.index_cast %scan3A_28 : i32 to index
      %swap3A_412 = arith.constant 256 : index
      %swap3A_413 = tpu.vector_load %arg9[%swap3A_411, %swap3A_412] {strides = array<i32>} : memref<32x768xf32, #tpu.memory_space<vmem>>, vector<1x16xf32>,
      %swap3A_414 = vector.shape_cast %swap3A_413 : vector<1x16xf32> to vector<16xf32>
      %swap3A_415 = vector.shape_cast %add3A_410 : vector<16xf32> to vector<1x16xf32>
      tpu.vector_store %arg9[%swap3A_411, %swap3A_412], %swap3A_415 {strides = array<i32>} : memref<32x768xf32, #tpu.memory_space<vmem>>, vector<1x16xf32>,
      %mul3A_416 = arith.constant 2 : i32
      %mul3A_417 = arith.muli %mul3A_416, %scan3A_28 : i32
      %get3A_418 = arith.index_cast %mul3A_417 : i32 to index
      %get3A_419 = arith.constant 272 : index
      %get3A_420 = tpu.vector_load %arg8[%get3A_418, %get3A_419] {strides = array<i32>} : memref<64x768xf32, #tpu.memory_space<vmem>>, vector<1x16xf32>,
      %get3A_421 = vector.shape_cast %get3A_420 : vector<1x16xf32> to vector<16xf32>
      %mul3A_422 = arith.constant 2 : i32
      %mul3A_423 = arith.muli %mul3A_422, %scan3A_28 : i32
      %add3A_424 = arith.constant 1 : i32
      %add3A_425 = arith.addi %mul3A_423, %add3A_424 : i32
      %get3A_426 = arith.index_cast %add3A_425 : i32 to index
      %get3A_427 = arith.constant 272 : index
      %get3A_428 = tpu.vector_load %arg8[%get3A_426, %get3A_427] {strides = array<i32>} : memref<64x768xf32, #tpu.memory_space<vmem>>, vector<1x16xf32>,
      %get3A_429 = vector.shape_cast %get3A_428 : vector<1x16xf32> to vector<16xf32>
      %mul3A_430 = arith.mulf %get3A_34, %get3A_421 : vector<16xf32>
      %mul3A_431 = arith.mulf %get3A_42, %get3A_429 : vector<16xf32>
      %add3A_432 = arith.addf %mul3A_430, %mul3A_431 : vector<16xf32>
      %swap3A_433 = arith.index_cast %scan3A_28 : i32 to index
      %swap3A_434 = arith.constant 272 : index
      %swap3A_435 = tpu.vector_load %arg9[%swap3A_433, %swap3A_434] {strides = array<i32>} : memref<32x768xf32, #tpu.memory_space<vmem>>, vector<1x16xf32>,
      %swap3A_436 = vector.shape_cast %swap3A_435 : vector<1x16xf32> to vector<16xf32>
      %swap3A_437 = vector.shape_cast %add3A_432 : vector<16xf32> to vector<1x16xf32>
      tpu.vector_store %arg9[%swap3A_433, %swap3A_434], %swap3A_437 {strides = array<i32>} : memref<32x768xf32, #tpu.memory_space<vmem>>, vector<1x16xf32>,
      %mul3A_438 = arith.constant 2 : i32
      %mul3A_439 = arith.muli %mul3A_438, %scan3A_28 : i32
      %get3A_440 = arith.index_cast %mul3A_439 : i32 to index
      %get3A_441 = arith.constant 288 : index
      %get3A_442 = tpu.vector_load %arg8[%get3A_440, %get3A_441] {strides = array<i32>} : memref<64x768xf32, #tpu.memory_space<vmem>>, vector<1x16xf32>,
      %get3A_443 = vector.shape_cast %get3A_442 : vector<1x16xf32> to vector<16xf32>
      %mul3A_444 = arith.constant 2 : i32
      %mul3A_445 = arith.muli %mul3A_444, %scan3A_28 : i32
      %add3A_446 = arith.constant 1 : i32
      %add3A_447 = arith.addi %mul3A_445, %add3A_446 : i32
      %get3A_448 = arith.index_cast %add3A_447 : i32 to index
      %get3A_449 = arith.constant 288 : index
      %get3A_450 = tpu.vector_load %arg8[%get3A_448, %get3A_449] {strides = array<i32>} : memref<64x768xf32, #tpu.memory_space<vmem>>, vector<1x16xf32>,
      %get3A_451 = vector.shape_cast %get3A_450 : vector<1x16xf32> to vector<16xf32>
      %mul3A_452 = arith.mulf %get3A_34, %get3A_443 : vector<16xf32>
      %mul3A_453 = arith.mulf %get3A_42, %get3A_451 : vector<16xf32>
      %add3A_454 = arith.addf %mul3A_452, %mul3A_453 : vector<16xf32>
      %swap3A_455 = arith.index_cast %scan3A_28 : i32 to index
      %swap3A_456 = arith.constant 288 : index
      %swap3A_457 = tpu.vector_load %arg9[%swap3A_455, %swap3A_456] {strides = array<i32>} : memref<32x768xf32, #tpu.memory_space<vmem>>, vector<1x16xf32>,
      %swap3A_458 = vector.shape_cast %swap3A_457 : vector<1x16xf32> to vector<16xf32>
      %swap3A_459 = vector.shape_cast %add3A_454 : vector<16xf32> to vector<1x16xf32>
      tpu.vector_store %arg9[%swap3A_455, %swap3A_456], %swap3A_459 {strides = array<i32>} : memref<32x768xf32, #tpu.memory_space<vmem>>, vector<1x16xf32>,
      %mul3A_460 = arith.constant 2 : i32
      %mul3A_461 = arith.muli %mul3A_460, %scan3A_28 : i32
      %get3A_462 = arith.index_cast %mul3A_461 : i32 to index
      %get3A_463 = arith.constant 304 : index
      %get3A_464 = tpu.vector_load %arg8[%get3A_462, %get3A_463] {strides = array<i32>} : memref<64x768xf32, #tpu.memory_space<vmem>>, vector<1x16xf32>,
      %get3A_465 = vector.shape_cast %get3A_464 : vector<1x16xf32> to vector<16xf32>
      %mul3A_466 = arith.constant 2 : i32
      %mul3A_467 = arith.muli %mul3A_466, %scan3A_28 : i32
      %add3A_468 = arith.constant 1 : i32
      %add3A_469 = arith.addi %mul3A_467, %add3A_468 : i32
      %get3A_470 = arith.index_cast %add3A_469 : i32 to index
      %get3A_471 = arith.constant 304 : index
      %get3A_472 = tpu.vector_load %arg8[%get3A_470, %get3A_471] {strides = array<i32>} : memref<64x768xf32, #tpu.memory_space<vmem>>, vector<1x16xf32>,
      %get3A_473 = vector.shape_cast %get3A_472 : vector<1x16xf32> to vector<16xf32>
      %mul3A_474 = arith.mulf %get3A_34, %get3A_465 : vector<16xf32>
      %mul3A_475 = arith.mulf %get3A_42, %get3A_473 : vector<16xf32>
      %add3A_476 = arith.addf %mul3A_474, %mul3A_475 : vector<16xf32>
      %swap3A_477 = arith.index_cast %scan3A_28 : i32 to index
      %swap3A_478 = arith.constant 304 : index
      %swap3A_479 = tpu.vector_load %arg9[%swap3A_477, %swap3A_478] {strides = array<i32>} : memref<32x768xf32, #tpu.memory_space<vmem>>, vector<1x16xf32>,
      %swap3A_480 = vector.shape_cast %swap3A_479 : vector<1x16xf32> to vector<16xf32>
      %swap3A_481 = vector.shape_cast %add3A_476 : vector<16xf32> to vector<1x16xf32>
      tpu.vector_store %arg9[%swap3A_477, %swap3A_478], %swap3A_481 {strides = array<i32>} : memref<32x768xf32, #tpu.memory_space<vmem>>, vector<1x16xf32>,
      %mul3A_482 = arith.constant 2 : i32
      %mul3A_483 = arith.muli %mul3A_482, %scan3A_28 : i32
      %get3A_484 = arith.index_cast %mul3A_483 : i32 to index
      %get3A_485 = arith.constant 320 : index
      %get3A_486 = tpu.vector_load %arg8[%get3A_484, %get3A_485] {strides = array<i32>} : memref<64x768xf32, #tpu.memory_space<vmem>>, vector<1x16xf32>,
      %get3A_487 = vector.shape_cast %get3A_486 : vector<1x16xf32> to vector<16xf32>
      %mul3A_488 = arith.constant 2 : i32
      %mul3A_489 = arith.muli %mul3A_488, %scan3A_28 : i32
      %add3A_490 = arith.constant 1 : i32
      %add3A_491 = arith.addi %mul3A_489, %add3A_490 : i32
      %get3A_492 = arith.index_cast %add3A_491 : i32 to index
      %get3A_493 = arith.constant 320 : index
      %get3A_494 = tpu.vector_load %arg8[%get3A_492, %get3A_493] {strides = array<i32>} : memref<64x768xf32, #tpu.memory_space<vmem>>, vector<1x16xf32>,
      %get3A_495 = vector.shape_cast %get3A_494 : vector<1x16xf32> to vector<16xf32>
      %mul3A_496 = arith.mulf %get3A_34, %get3A_487 : vector<16xf32>
      %mul3A_497 = arith.mulf %get3A_42, %get3A_495 : vector<16xf32>
      %add3A_498 = arith.addf %mul3A_496, %mul3A_497 : vector<16xf32>
      %swap3A_499 = arith.index_cast %scan3A_28 : i32 to index
      %swap3A_500 = arith.constant 320 : index
      %swap3A_501 = tpu.vector_load %arg9[%swap3A_499, %swap3A_500] {strides = array<i32>} : memref<32x768xf32, #tpu.memory_space<vmem>>, vector<1x16xf32>,
      %swap3A_502 = vector.shape_cast %swap3A_501 : vector<1x16xf32> to vector<16xf32>
      %swap3A_503 = vector.shape_cast %add3A_498 : vector<16xf32> to vector<1x16xf32>
      tpu.vector_store %arg9[%swap3A_499, %swap3A_500], %swap3A_503 {strides = array<i32>} : memref<32x768xf32, #tpu.memory_space<vmem>>, vector<1x16xf32>,
      %mul3A_504 = arith.constant 2 : i32
      %mul3A_505 = arith.muli %mul3A_504, %scan3A_28 : i32
      %get3A_506 = arith.index_cast %mul3A_505 : i32 to index
      %get3A_507 = arith.constant 336 : index
      %get3A_508 = tpu.vector_load %arg8[%get3A_506, %get3A_507] {strides = array<i32>} : memref<64x768xf32, #tpu.memory_space<vmem>>, vector<1x16xf32>,
      %get3A_509 = vector.shape_cast %get3A_508 : vector<1x16xf32> to vector<16xf32>
      %mul3A_510 = arith.constant 2 : i32
      %mul3A_511 = arith.muli %mul3A_510, %scan3A_28 : i32
      %add3A_512 = arith.constant 1 : i32
      %add3A_513 = arith.addi %mul3A_511, %add3A_512 : i32
      %get3A_514 = arith.index_cast %add3A_513 : i32 to index
      %get3A_515 = arith.constant 336 : index
      %get3A_516 = tpu.vector_load %arg8[%get3A_514, %get3A_515] {strides = array<i32>} : memref<64x768xf32, #tpu.memory_space<vmem>>, vector<1x16xf32>,
      %get3A_517 = vector.shape_cast %get3A_516 : vector<1x16xf32> to vector<16xf32>
      %mul3A_518 = arith.mulf %get3A_34, %get3A_509 : vector<16xf32>
      %mul3A_519 = arith.mulf %get3A_42, %get3A_517 : vector<16xf32>
      %add3A_520 = arith.addf %mul3A_518, %mul3A_519 : vector<16xf32>
      %swap3A_521 = arith.index_cast %scan3A_28 : i32 to index
      %swap3A_522 = arith.constant 336 : index
      %swap3A_523 = tpu.vector_load %arg9[%swap3A_521, %swap3A_522] {strides = array<i32>} : memref<32x768xf32, #tpu.memory_space<vmem>>, vector<1x16xf32>,
      %swap3A_524 = vector.shape_cast %swap3A_523 : vector<1x16xf32> to vector<16xf32>
      %swap3A_525 = vector.shape_cast %add3A_520 : vector<16xf32> to vector<1x16xf32>
      tpu.vector_store %arg9[%swap3A_521, %swap3A_522], %swap3A_525 {strides = array<i32>} : memref<32x768xf32, #tpu.memory_space<vmem>>, vector<1x16xf32>,
      %mul3A_526 = arith.constant 2 : i32
      %mul3A_527 = arith.muli %mul3A_526, %scan3A_28 : i32
      %get3A_528 = arith.index_cast %mul3A_527 : i32 to index
      %get3A_529 = arith.constant 352 : index
      %get3A_530 = tpu.vector_load %arg8[%get3A_528, %get3A_529] {strides = array<i32>} : memref<64x768xf32, #tpu.memory_space<vmem>>, vector<1x16xf32>,
      %get3A_531 = vector.shape_cast %get3A_530 : vector<1x16xf32> to vector<16xf32>
      %mul3A_532 = arith.constant 2 : i32
      %mul3A_533 = arith.muli %mul3A_532, %scan3A_28 : i32
      %add3A_534 = arith.constant 1 : i32
      %add3A_535 = arith.addi %mul3A_533, %add3A_534 : i32
      %get3A_536 = arith.index_cast %add3A_535 : i32 to index
      %get3A_537 = arith.constant 352 : index
      %get3A_538 = tpu.vector_load %arg8[%get3A_536, %get3A_537] {strides = array<i32>} : memref<64x768xf32, #tpu.memory_space<vmem>>, vector<1x16xf32>,
      %get3A_539 = vector.shape_cast %get3A_538 : vector<1x16xf32> to vector<16xf32>
      %mul3A_540 = arith.mulf %get3A_34, %get3A_531 : vector<16xf32>
      %mul3A_541 = arith.mulf %get3A_42, %get3A_539 : vector<16xf32>
      %add3A_542 = arith.addf %mul3A_540, %mul3A_541 : vector<16xf32>
      %swap3A_543 = arith.index_cast %scan3A_28 : i32 to index
      %swap3A_544 = arith.constant 352 : index
      %swap3A_545 = tpu.vector_load %arg9[%swap3A_543, %swap3A_544] {strides = array<i32>} : memref<32x768xf32, #tpu.memory_space<vmem>>, vector<1x16xf32>,
      %swap3A_546 = vector.shape_cast %swap3A_545 : vector<1x16xf32> to vector<16xf32>
      %swap3A_547 = vector.shape_cast %add3A_542 : vector<16xf32> to vector<1x16xf32>
      tpu.vector_store %arg9[%swap3A_543, %swap3A_544], %swap3A_547 {strides = array<i32>} : memref<32x768xf32, #tpu.memory_space<vmem>>, vector<1x16xf32>,
      %mul3A_548 = arith.constant 2 : i32
      %mul3A_549 = arith.muli %mul3A_548, %scan3A_28 : i32
      %get3A_550 = arith.index_cast %mul3A_549 : i32 to index
      %get3A_551 = arith.constant 368 : index
      %get3A_552 = tpu.vector_load %arg8[%get3A_550, %get3A_551] {strides = array<i32>} : memref<64x768xf32, #tpu.memory_space<vmem>>, vector<1x16xf32>,
      %get3A_553 = vector.shape_cast %get3A_552 : vector<1x16xf32> to vector<16xf32>
      %mul3A_554 = arith.constant 2 : i32
      %mul3A_555 = arith.muli %mul3A_554, %scan3A_28 : i32
      %add3A_556 = arith.constant 1 : i32
      %add3A_557 = arith.addi %mul3A_555, %add3A_556 : i32
      %get3A_558 = arith.index_cast %add3A_557 : i32 to index
      %get3A_559 = arith.constant 368 : index
      %get3A_560 = tpu.vector_load %arg8[%get3A_558, %get3A_559] {strides = array<i32>} : memref<64x768xf32, #tpu.memory_space<vmem>>, vector<1x16xf32>,
      %get3A_561 = vector.shape_cast %get3A_560 : vector<1x16xf32> to vector<16xf32>
      %mul3A_562 = arith.mulf %get3A_34, %get3A_553 : vector<16xf32>
      %mul3A_563 = arith.mulf %get3A_42, %get3A_561 : vector<16xf32>
      %add3A_564 = arith.addf %mul3A_562, %mul3A_563 : vector<16xf32>
      %swap3A_565 = arith.index_cast %scan3A_28 : i32 to index
      %swap3A_566 = arith.constant 368 : index
      %swap3A_567 = tpu.vector_load %arg9[%swap3A_565, %swap3A_566] {strides = array<i32>} : memref<32x768xf32, #tpu.memory_space<vmem>>, vector<1x16xf32>,
      %swap3A_568 = vector.shape_cast %swap3A_567 : vector<1x16xf32> to vector<16xf32>
      %swap3A_569 = vector.shape_cast %add3A_564 : vector<16xf32> to vector<1x16xf32>
      tpu.vector_store %arg9[%swap3A_565, %swap3A_566], %swap3A_569 {strides = array<i32>} : memref<32x768xf32, #tpu.memory_space<vmem>>, vector<1x16xf32>,
      %mul3A_570 = arith.constant 2 : i32
      %mul3A_571 = arith.muli %mul3A_570, %scan3A_28 : i32
      %get3A_572 = arith.index_cast %mul3A_571 : i32 to index
      %get3A_573 = arith.constant 384 : index
      %get3A_574 = tpu.vector_load %arg8[%get3A_572, %get3A_573] {strides = array<i32>} : memref<64x768xf32, #tpu.memory_space<vmem>>, vector<1x16xf32>,
      %get3A_575 = vector.shape_cast %get3A_574 : vector<1x16xf32> to vector<16xf32>
      %mul3A_576 = arith.constant 2 : i32
      %mul3A_577 = arith.muli %mul3A_576, %scan3A_28 : i32
      %add3A_578 = arith.constant 1 : i32
      %add3A_579 = arith.addi %mul3A_577, %add3A_578 : i32
      %get3A_580 = arith.index_cast %add3A_579 : i32 to index
      %get3A_581 = arith.constant 384 : index
      %get3A_582 = tpu.vector_load %arg8[%get3A_580, %get3A_581] {strides = array<i32>} : memref<64x768xf32, #tpu.memory_space<vmem>>, vector<1x16xf32>,
      %get3A_583 = vector.shape_cast %get3A_582 : vector<1x16xf32> to vector<16xf32>
      %mul3A_584 = arith.mulf %get3A_34, %get3A_575 : vector<16xf32>
      %mul3A_585 = arith.mulf %get3A_42, %get3A_583 : vector<16xf32>
      %add3A_586 = arith.addf %mul3A_584, %mul3A_585 : vector<16xf32>
      %swap3A_587 = arith.index_cast %scan3A_28 : i32 to index
      %swap3A_588 = arith.constant 384 : index
      %swap3A_589 = tpu.vector_load %arg9[%swap3A_587, %swap3A_588] {strides = array<i32>} : memref<32x768xf32, #tpu.memory_space<vmem>>, vector<1x16xf32>,
      %swap3A_590 = vector.shape_cast %swap3A_589 : vector<1x16xf32> to vector<16xf32>
      %swap3A_591 = vector.shape_cast %add3A_586 : vector<16xf32> to vector<1x16xf32>
      tpu.vector_store %arg9[%swap3A_587, %swap3A_588], %swap3A_591 {strides = array<i32>} : memref<32x768xf32, #tpu.memory_space<vmem>>, vector<1x16xf32>,
      %mul3A_592 = arith.constant 2 : i32
      %mul3A_593 = arith.muli %mul3A_592, %scan3A_28 : i32
      %get3A_594 = arith.index_cast %mul3A_593 : i32 to index
      %get3A_595 = arith.constant 400 : index
      %get3A_596 = tpu.vector_load %arg8[%get3A_594, %get3A_595] {strides = array<i32>} : memref<64x768xf32, #tpu.memory_space<vmem>>, vector<1x16xf32>,
      %get3A_597 = vector.shape_cast %get3A_596 : vector<1x16xf32> to vector<16xf32>
      %mul3A_598 = arith.constant 2 : i32
      %mul3A_599 = arith.muli %mul3A_598, %scan3A_28 : i32
      %add3A_600 = arith.constant 1 : i32
      %add3A_601 = arith.addi %mul3A_599, %add3A_600 : i32
      %get3A_602 = arith.index_cast %add3A_601 : i32 to index
      %get3A_603 = arith.constant 400 : index
      %get3A_604 = tpu.vector_load %arg8[%get3A_602, %get3A_603] {strides = array<i32>} : memref<64x768xf32, #tpu.memory_space<vmem>>, vector<1x16xf32>,
      %get3A_605 = vector.shape_cast %get3A_604 : vector<1x16xf32> to vector<16xf32>
      %mul3A_606 = arith.mulf %get3A_34, %get3A_597 : vector<16xf32>
      %mul3A_607 = arith.mulf %get3A_42, %get3A_605 : vector<16xf32>
      %add3A_608 = arith.addf %mul3A_606, %mul3A_607 : vector<16xf32>
      %swap3A_609 = arith.index_cast %scan3A_28 : i32 to index
      %swap3A_610 = arith.constant 400 : index
      %swap3A_611 = tpu.vector_load %arg9[%swap3A_609, %swap3A_610] {strides = array<i32>} : memref<32x768xf32, #tpu.memory_space<vmem>>, vector<1x16xf32>,
      %swap3A_612 = vector.shape_cast %swap3A_611 : vector<1x16xf32> to vector<16xf32>
      %swap3A_613 = vector.shape_cast %add3A_608 : vector<16xf32> to vector<1x16xf32>
      tpu.vector_store %arg9[%swap3A_609, %swap3A_610], %swap3A_613 {strides = array<i32>} : memref<32x768xf32, #tpu.memory_space<vmem>>, vector<1x16xf32>,
      %mul3A_614 = arith.constant 2 : i32
      %mul3A_615 = arith.muli %mul3A_614, %scan3A_28 : i32
      %get3A_616 = arith.index_cast %mul3A_615 : i32 to index
      %get3A_617 = arith.constant 416 : index
      %get3A_618 = tpu.vector_load %arg8[%get3A_616, %get3A_617] {strides = array<i32>} : memref<64x768xf32, #tpu.memory_space<vmem>>, vector<1x16xf32>,
      %get3A_619 = vector.shape_cast %get3A_618 : vector<1x16xf32> to vector<16xf32>
      %mul3A_620 = arith.constant 2 : i32
      %mul3A_621 = arith.muli %mul3A_620, %scan3A_28 : i32
      %add3A_622 = arith.constant 1 : i32
      %add3A_623 = arith.addi %mul3A_621, %add3A_622 : i32
      %get3A_624 = arith.index_cast %add3A_623 : i32 to index
      %get3A_625 = arith.constant 416 : index
      %get3A_626 = tpu.vector_load %arg8[%get3A_624, %get3A_625] {strides = array<i32>} : memref<64x768xf32, #tpu.memory_space<vmem>>, vector<1x16xf32>,
      %get3A_627 = vector.shape_cast %get3A_626 : vector<1x16xf32> to vector<16xf32>
      %mul3A_628 = arith.mulf %get3A_34, %get3A_619 : vector<16xf32>
      %mul3A_629 = arith.mulf %get3A_42, %get3A_627 : vector<16xf32>
      %add3A_630 = arith.addf %mul3A_628, %mul3A_629 : vector<16xf32>
      %swap3A_631 = arith.index_cast %scan3A_28 : i32 to index
      %swap3A_632 = arith.constant 416 : index
      %swap3A_633 = tpu.vector_load %arg9[%swap3A_631, %swap3A_632] {strides = array<i32>} : memref<32x768xf32, #tpu.memory_space<vmem>>, vector<1x16xf32>,
      %swap3A_634 = vector.shape_cast %swap3A_633 : vector<1x16xf32> to vector<16xf32>
      %swap3A_635 = vector.shape_cast %add3A_630 : vector<16xf32> to vector<1x16xf32>
      tpu.vector_store %arg9[%swap3A_631, %swap3A_632], %swap3A_635 {strides = array<i32>} : memref<32x768xf32, #tpu.memory_space<vmem>>, vector<1x16xf32>,
      %mul3A_636 = arith.constant 2 : i32
      %mul3A_637 = arith.muli %mul3A_636, %scan3A_28 : i32
      %get3A_638 = arith.index_cast %mul3A_637 : i32 to index
      %get3A_639 = arith.constant 432 : index
      %get3A_640 = tpu.vector_load %arg8[%get3A_638, %get3A_639] {strides = array<i32>} : memref<64x768xf32, #tpu.memory_space<vmem>>, vector<1x16xf32>,
      %get3A_641 = vector.shape_cast %get3A_640 : vector<1x16xf32> to vector<16xf32>
      %mul3A_642 = arith.constant 2 : i32
      %mul3A_643 = arith.muli %mul3A_642, %scan3A_28 : i32
      %add3A_644 = arith.constant 1 : i32
      %add3A_645 = arith.addi %mul3A_643, %add3A_644 : i32
      %get3A_646 = arith.index_cast %add3A_645 : i32 to index
      %get3A_647 = arith.constant 432 : index
      %get3A_648 = tpu.vector_load %arg8[%get3A_646, %get3A_647] {strides = array<i32>} : memref<64x768xf32, #tpu.memory_space<vmem>>, vector<1x16xf32>,
      %get3A_649 = vector.shape_cast %get3A_648 : vector<1x16xf32> to vector<16xf32>
      %mul3A_650 = arith.mulf %get3A_34, %get3A_641 : vector<16xf32>
      %mul3A_651 = arith.mulf %get3A_42, %get3A_649 : vector<16xf32>
      %add3A_652 = arith.addf %mul3A_650, %mul3A_651 : vector<16xf32>
      %swap3A_653 = arith.index_cast %scan3A_28 : i32 to index
      %swap3A_654 = arith.constant 432 : index
      %swap3A_655 = tpu.vector_load %arg9[%swap3A_653, %swap3A_654] {strides = array<i32>} : memref<32x768xf32, #tpu.memory_space<vmem>>, vector<1x16xf32>,
      %swap3A_656 = vector.shape_cast %swap3A_655 : vector<1x16xf32> to vector<16xf32>
      %swap3A_657 = vector.shape_cast %add3A_652 : vector<16xf32> to vector<1x16xf32>
      tpu.vector_store %arg9[%swap3A_653, %swap3A_654], %swap3A_657 {strides = array<i32>} : memref<32x768xf32, #tpu.memory_space<vmem>>, vector<1x16xf32>,
      %mul3A_658 = arith.constant 2 : i32
      %mul3A_659 = arith.muli %mul3A_658, %scan3A_28 : i32
      %get3A_660 = arith.index_cast %mul3A_659 : i32 to index
      %get3A_661 = arith.constant 448 : index
      %get3A_662 = tpu.vector_load %arg8[%get3A_660, %get3A_661] {strides = array<i32>} : memref<64x768xf32, #tpu.memory_space<vmem>>, vector<1x16xf32>,
      %get3A_663 = vector.shape_cast %get3A_662 : vector<1x16xf32> to vector<16xf32>
      %mul3A_664 = arith.constant 2 : i32
      %mul3A_665 = arith.muli %mul3A_664, %scan3A_28 : i32
      %add3A_666 = arith.constant 1 : i32
      %add3A_667 = arith.addi %mul3A_665, %add3A_666 : i32
      %get3A_668 = arith.index_cast %add3A_667 : i32 to index
      %get3A_669 = arith.constant 448 : index
      %get3A_670 = tpu.vector_load %arg8[%get3A_668, %get3A_669] {strides = array<i32>} : memref<64x768xf32, #tpu.memory_space<vmem>>, vector<1x16xf32>,
      %get3A_671 = vector.shape_cast %get3A_670 : vector<1x16xf32> to vector<16xf32>
      %mul3A_672 = arith.mulf %get3A_34, %get3A_663 : vector<16xf32>
      %mul3A_673 = arith.mulf %get3A_42, %get3A_671 : vector<16xf32>
      %add3A_674 = arith.addf %mul3A_672, %mul3A_673 : vector<16xf32>
      %swap3A_675 = arith.index_cast %scan3A_28 : i32 to index
      %swap3A_676 = arith.constant 448 : index
      %swap3A_677 = tpu.vector_load %arg9[%swap3A_675, %swap3A_676] {strides = array<i32>} : memref<32x768xf32, #tpu.memory_space<vmem>>, vector<1x16xf32>,
      %swap3A_678 = vector.shape_cast %swap3A_677 : vector<1x16xf32> to vector<16xf32>
      %swap3A_679 = vector.shape_cast %add3A_674 : vector<16xf32> to vector<1x16xf32>
      tpu.vector_store %arg9[%swap3A_675, %swap3A_676], %swap3A_679 {strides = array<i32>} : memref<32x768xf32, #tpu.memory_space<vmem>>, vector<1x16xf32>,
      %mul3A_680 = arith.constant 2 : i32
      %mul3A_681 = arith.muli %mul3A_680, %scan3A_28 : i32
      %get3A_682 = arith.index_cast %mul3A_681 : i32 to index
      %get3A_683 = arith.constant 464 : index
      %get3A_684 = tpu.vector_load %arg8[%get3A_682, %get3A_683] {strides = array<i32>} : memref<64x768xf32, #tpu.memory_space<vmem>>, vector<1x16xf32>,
      %get3A_685 = vector.shape_cast %get3A_684 : vector<1x16xf32> to vector<16xf32>
      %mul3A_686 = arith.constant 2 : i32
      %mul3A_687 = arith.muli %mul3A_686, %scan3A_28 : i32
      %add3A_688 = arith.constant 1 : i32
      %add3A_689 = arith.addi %mul3A_687, %add3A_688 : i32
      %get3A_690 = arith.index_cast %add3A_689 : i32 to index
      %get3A_691 = arith.constant 464 : index
      %get3A_692 = tpu.vector_load %arg8[%get3A_690, %get3A_691] {strides = array<i32>} : memref<64x768xf32, #tpu.memory_space<vmem>>, vector<1x16xf32>,
      %get3A_693 = vector.shape_cast %get3A_692 : vector<1x16xf32> to vector<16xf32>
      %mul3A_694 = arith.mulf %get3A_34, %get3A_685 : vector<16xf32>
      %mul3A_695 = arith.mulf %get3A_42, %get3A_693 : vector<16xf32>
      %add3A_696 = arith.addf %mul3A_694, %mul3A_695 : vector<16xf32>
      %swap3A_697 = arith.index_cast %scan3A_28 : i32 to index
      %swap3A_698 = arith.constant 464 : index
      %swap3A_699 = tpu.vector_load %arg9[%swap3A_697, %swap3A_698] {strides = array<i32>} : memref<32x768xf32, #tpu.memory_space<vmem>>, vector<1x16xf32>,
      %swap3A_700 = vector.shape_cast %swap3A_699 : vector<1x16xf32> to vector<16xf32>
      %swap3A_701 = vector.shape_cast %add3A_696 : vector<16xf32> to vector<1x16xf32>
      tpu.vector_store %arg9[%swap3A_697, %swap3A_698], %swap3A_701 {strides = array<i32>} : memref<32x768xf32, #tpu.memory_space<vmem>>, vector<1x16xf32>,
      %mul3A_702 = arith.constant 2 : i32
      %mul3A_703 = arith.muli %mul3A_702, %scan3A_28 : i32
      %get3A_704 = arith.index_cast %mul3A_703 : i32 to index
      %get3A_705 = arith.constant 480 : index
      %get3A_706 = tpu.vector_load %arg8[%get3A_704, %get3A_705] {strides = array<i32>} : memref<64x768xf32, #tpu.memory_space<vmem>>, vector<1x16xf32>,
      %get3A_707 = vector.shape_cast %get3A_706 : vector<1x16xf32> to vector<16xf32>
      %mul3A_708 = arith.constant 2 : i32
      %mul3A_709 = arith.muli %mul3A_708, %scan3A_28 : i32
      %add3A_710 = arith.constant 1 : i32
      %add3A_711 = arith.addi %mul3A_709, %add3A_710 : i32
      %get3A_712 = arith.index_cast %add3A_711 : i32 to index
      %get3A_713 = arith.constant 480 : index
      %get3A_714 = tpu.vector_load %arg8[%get3A_712, %get3A_713] {strides = array<i32>} : memref<64x768xf32, #tpu.memory_space<vmem>>, vector<1x16xf32>,
      %get3A_715 = vector.shape_cast %get3A_714 : vector<1x16xf32> to vector<16xf32>
      %mul3A_716 = arith.mulf %get3A_34, %get3A_707 : vector<16xf32>
      %mul3A_717 = arith.mulf %get3A_42, %get3A_715 : vector<16xf32>
      %add3A_718 = arith.addf %mul3A_716, %mul3A_717 : vector<16xf32>
      %swap3A_719 = arith.index_cast %scan3A_28 : i32 to index
      %swap3A_720 = arith.constant 480 : index
      %swap3A_721 = tpu.vector_load %arg9[%swap3A_719, %swap3A_720] {strides = array<i32>} : memref<32x768xf32, #tpu.memory_space<vmem>>, vector<1x16xf32>,
      %swap3A_722 = vector.shape_cast %swap3A_721 : vector<1x16xf32> to vector<16xf32>
      %swap3A_723 = vector.shape_cast %add3A_718 : vector<16xf32> to vector<1x16xf32>
      tpu.vector_store %arg9[%swap3A_719, %swap3A_720], %swap3A_723 {strides = array<i32>} : memref<32x768xf32, #tpu.memory_space<vmem>>, vector<1x16xf32>,
      %mul3A_724 = arith.constant 2 : i32
      %mul3A_725 = arith.muli %mul3A_724, %scan3A_28 : i32
      %get3A_726 = arith.index_cast %mul3A_725 : i32 to index
      %get3A_727 = arith.constant 496 : index
      %get3A_728 = tpu.vector_load %arg8[%get3A_726, %get3A_727] {strides = array<i32>} : memref<64x768xf32, #tpu.memory_space<vmem>>, vector<1x16xf32>,
      %get3A_729 = vector.shape_cast %get3A_728 : vector<1x16xf32> to vector<16xf32>
      %mul3A_730 = arith.constant 2 : i32
      %mul3A_731 = arith.muli %mul3A_730, %scan3A_28 : i32
      %add3A_732 = arith.constant 1 : i32
      %add3A_733 = arith.addi %mul3A_731, %add3A_732 : i32
      %get3A_734 = arith.index_cast %add3A_733 : i32 to index
      %get3A_735 = arith.constant 496 : index
      %get3A_736 = tpu.vector_load %arg8[%get3A_734, %get3A_735] {strides = array<i32>} : memref<64x768xf32, #tpu.memory_space<vmem>>, vector<1x16xf32>,
      %get3A_737 = vector.shape_cast %get3A_736 : vector<1x16xf32> to vector<16xf32>
      %mul3A_738 = arith.mulf %get3A_34, %get3A_729 : vector<16xf32>
      %mul3A_739 = arith.mulf %get3A_42, %get3A_737 : vector<16xf32>
      %add3A_740 = arith.addf %mul3A_738, %mul3A_739 : vector<16xf32>
      %swap3A_741 = arith.index_cast %scan3A_28 : i32 to index
      %swap3A_742 = arith.constant 496 : index
      %swap3A_743 = tpu.vector_load %arg9[%swap3A_741, %swap3A_742] {strides = array<i32>} : memref<32x768xf32, #tpu.memory_space<vmem>>, vector<1x16xf32>,
      %swap3A_744 = vector.shape_cast %swap3A_743 : vector<1x16xf32> to vector<16xf32>
      %swap3A_745 = vector.shape_cast %add3A_740 : vector<16xf32> to vector<1x16xf32>
      tpu.vector_store %arg9[%swap3A_741, %swap3A_742], %swap3A_745 {strides = array<i32>} : memref<32x768xf32, #tpu.memory_space<vmem>>, vector<1x16xf32>,
      %mul3A_746 = arith.constant 2 : i32
      %mul3A_747 = arith.muli %mul3A_746, %scan3A_28 : i32
      %get3A_748 = arith.index_cast %mul3A_747 : i32 to index
      %get3A_749 = arith.constant 512 : index
      %get3A_750 = tpu.vector_load %arg8[%get3A_748, %get3A_749] {strides = array<i32>} : memref<64x768xf32, #tpu.memory_space<vmem>>, vector<1x16xf32>,
      %get3A_751 = vector.shape_cast %get3A_750 : vector<1x16xf32> to vector<16xf32>
      %mul3A_752 = arith.constant 2 : i32
      %mul3A_753 = arith.muli %mul3A_752, %scan3A_28 : i32
      %add3A_754 = arith.constant 1 : i32
      %add3A_755 = arith.addi %mul3A_753, %add3A_754 : i32
      %get3A_756 = arith.index_cast %add3A_755 : i32 to index
      %get3A_757 = arith.constant 512 : index
      %get3A_758 = tpu.vector_load %arg8[%get3A_756, %get3A_757] {strides = array<i32>} : memref<64x768xf32, #tpu.memory_space<vmem>>, vector<1x16xf32>,
      %get3A_759 = vector.shape_cast %get3A_758 : vector<1x16xf32> to vector<16xf32>
      %mul3A_760 = arith.mulf %get3A_34, %get3A_751 : vector<16xf32>
      %mul3A_761 = arith.mulf %get3A_42, %get3A_759 : vector<16xf32>
      %add3A_762 = arith.addf %mul3A_760, %mul3A_761 : vector<16xf32>
      %swap3A_763 = arith.index_cast %scan3A_28 : i32 to index
      %swap3A_764 = arith.constant 512 : index
      %swap3A_765 = tpu.vector_load %arg9[%swap3A_763, %swap3A_764] {strides = array<i32>} : memref<32x768xf32, #tpu.memory_space<vmem>>, vector<1x16xf32>,
      %swap3A_766 = vector.shape_cast %swap3A_765 : vector<1x16xf32> to vector<16xf32>
      %swap3A_767 = vector.shape_cast %add3A_762 : vector<16xf32> to vector<1x16xf32>
      tpu.vector_store %arg9[%swap3A_763, %swap3A_764], %swap3A_767 {strides = array<i32>} : memref<32x768xf32, #tpu.memory_space<vmem>>, vector<1x16xf32>,
      %mul3A_768 = arith.constant 2 : i32
      %mul3A_769 = arith.muli %mul3A_768, %scan3A_28 : i32
      %get3A_770 = arith.index_cast %mul3A_769 : i32 to index
      %get3A_771 = arith.constant 528 : index
      %get3A_772 = tpu.vector_load %arg8[%get3A_770, %get3A_771] {strides = array<i32>} : memref<64x768xf32, #tpu.memory_space<vmem>>, vector<1x16xf32>,
      %get3A_773 = vector.shape_cast %get3A_772 : vector<1x16xf32> to vector<16xf32>
      %mul3A_774 = arith.constant 2 : i32
      %mul3A_775 = arith.muli %mul3A_774, %scan3A_28 : i32
      %add3A_776 = arith.constant 1 : i32
      %add3A_777 = arith.addi %mul3A_775, %add3A_776 : i32
      %get3A_778 = arith.index_cast %add3A_777 : i32 to index
      %get3A_779 = arith.constant 528 : index
      %get3A_780 = tpu.vector_load %arg8[%get3A_778, %get3A_779] {strides = array<i32>} : memref<64x768xf32, #tpu.memory_space<vmem>>, vector<1x16xf32>,
      %get3A_781 = vector.shape_cast %get3A_780 : vector<1x16xf32> to vector<16xf32>
      %mul3A_782 = arith.mulf %get3A_34, %get3A_773 : vector<16xf32>
      %mul3A_783 = arith.mulf %get3A_42, %get3A_781 : vector<16xf32>
      %add3A_784 = arith.addf %mul3A_782, %mul3A_783 : vector<16xf32>
      %swap3A_785 = arith.index_cast %scan3A_28 : i32 to index
      %swap3A_786 = arith.constant 528 : index
      %swap3A_787 = tpu.vector_load %arg9[%swap3A_785, %swap3A_786] {strides = array<i32>} : memref<32x768xf32, #tpu.memory_space<vmem>>, vector<1x16xf32>,
      %swap3A_788 = vector.shape_cast %swap3A_787 : vector<1x16xf32> to vector<16xf32>
      %swap3A_789 = vector.shape_cast %add3A_784 : vector<16xf32> to vector<1x16xf32>
      tpu.vector_store %arg9[%swap3A_785, %swap3A_786], %swap3A_789 {strides = array<i32>} : memref<32x768xf32, #tpu.memory_space<vmem>>, vector<1x16xf32>,
      %mul3A_790 = arith.constant 2 : i32
      %mul3A_791 = arith.muli %mul3A_790, %scan3A_28 : i32
      %get3A_792 = arith.index_cast %mul3A_791 : i32 to index
      %get3A_793 = arith.constant 544 : index
      %get3A_794 = tpu.vector_load %arg8[%get3A_792, %get3A_793] {strides = array<i32>} : memref<64x768xf32, #tpu.memory_space<vmem>>, vector<1x16xf32>,
      %get3A_795 = vector.shape_cast %get3A_794 : vector<1x16xf32> to vector<16xf32>
      %mul3A_796 = arith.constant 2 : i32
      %mul3A_797 = arith.muli %mul3A_796, %scan3A_28 : i32
      %add3A_798 = arith.constant 1 : i32
      %add3A_799 = arith.addi %mul3A_797, %add3A_798 : i32
      %get3A_800 = arith.index_cast %add3A_799 : i32 to index
      %get3A_801 = arith.constant 544 : index
      %get3A_802 = tpu.vector_load %arg8[%get3A_800, %get3A_801] {strides = array<i32>} : memref<64x768xf32, #tpu.memory_space<vmem>>, vector<1x16xf32>,
      %get3A_803 = vector.shape_cast %get3A_802 : vector<1x16xf32> to vector<16xf32>
      %mul3A_804 = arith.mulf %get3A_34, %get3A_795 : vector<16xf32>
      %mul3A_805 = arith.mulf %get3A_42, %get3A_803 : vector<16xf32>
      %add3A_806 = arith.addf %mul3A_804, %mul3A_805 : vector<16xf32>
      %swap3A_807 = arith.index_cast %scan3A_28 : i32 to index
      %swap3A_808 = arith.constant 544 : index
      %swap3A_809 = tpu.vector_load %arg9[%swap3A_807, %swap3A_808] {strides = array<i32>} : memref<32x768xf32, #tpu.memory_space<vmem>>, vector<1x16xf32>,
      %swap3A_810 = vector.shape_cast %swap3A_809 : vector<1x16xf32> to vector<16xf32>
      %swap3A_811 = vector.shape_cast %add3A_806 : vector<16xf32> to vector<1x16xf32>
      tpu.vector_store %arg9[%swap3A_807, %swap3A_808], %swap3A_811 {strides = array<i32>} : memref<32x768xf32, #tpu.memory_space<vmem>>, vector<1x16xf32>,
      %mul3A_812 = arith.constant 2 : i32
      %mul3A_813 = arith.muli %mul3A_812, %scan3A_28 : i32
      %get3A_814 = arith.index_cast %mul3A_813 : i32 to index
      %get3A_815 = arith.constant 560 : index
      %get3A_816 = tpu.vector_load %arg8[%get3A_814, %get3A_815] {strides = array<i32>} : memref<64x768xf32, #tpu.memory_space<vmem>>, vector<1x16xf32>,
      %get3A_817 = vector.shape_cast %get3A_816 : vector<1x16xf32> to vector<16xf32>
      %mul3A_818 = arith.constant 2 : i32
      %mul3A_819 = arith.muli %mul3A_818, %scan3A_28 : i32
      %add3A_820 = arith.constant 1 : i32
      %add3A_821 = arith.addi %mul3A_819, %add3A_820 : i32
      %get3A_822 = arith.index_cast %add3A_821 : i32 to index
      %get3A_823 = arith.constant 560 : index
      %get3A_824 = tpu.vector_load %arg8[%get3A_822, %get3A_823] {strides = array<i32>} : memref<64x768xf32, #tpu.memory_space<vmem>>, vector<1x16xf32>,
      %get3A_825 = vector.shape_cast %get3A_824 : vector<1x16xf32> to vector<16xf32>
      %mul3A_826 = arith.mulf %get3A_34, %get3A_817 : vector<16xf32>
      %mul3A_827 = arith.mulf %get3A_42, %get3A_825 : vector<16xf32>
      %add3A_828 = arith.addf %mul3A_826, %mul3A_827 : vector<16xf32>
      %swap3A_829 = arith.index_cast %scan3A_28 : i32 to index
      %swap3A_830 = arith.constant 560 : index
      %swap3A_831 = tpu.vector_load %arg9[%swap3A_829, %swap3A_830] {strides = array<i32>} : memref<32x768xf32, #tpu.memory_space<vmem>>, vector<1x16xf32>,
      %swap3A_832 = vector.shape_cast %swap3A_831 : vector<1x16xf32> to vector<16xf32>
      %swap3A_833 = vector.shape_cast %add3A_828 : vector<16xf32> to vector<1x16xf32>
      tpu.vector_store %arg9[%swap3A_829, %swap3A_830], %swap3A_833 {strides = array<i32>} : memref<32x768xf32, #tpu.memory_space<vmem>>, vector<1x16xf32>,
      %mul3A_834 = arith.constant 2 : i32
      %mul3A_835 = arith.muli %mul3A_834, %scan3A_28 : i32
      %get3A_836 = arith.index_cast %mul3A_835 : i32 to index
      %get3A_837 = arith.constant 576 : index
      %get3A_838 = tpu.vector_load %arg8[%get3A_836, %get3A_837] {strides = array<i32>} : memref<64x768xf32, #tpu.memory_space<vmem>>, vector<1x16xf32>,
      %get3A_839 = vector.shape_cast %get3A_838 : vector<1x16xf32> to vector<16xf32>
      %mul3A_840 = arith.constant 2 : i32
      %mul3A_841 = arith.muli %mul3A_840, %scan3A_28 : i32
      %add3A_842 = arith.constant 1 : i32
      %add3A_843 = arith.addi %mul3A_841, %add3A_842 : i32
      %get3A_844 = arith.index_cast %add3A_843 : i32 to index
      %get3A_845 = arith.constant 576 : index
      %get3A_846 = tpu.vector_load %arg8[%get3A_844, %get3A_845] {strides = array<i32>} : memref<64x768xf32, #tpu.memory_space<vmem>>, vector<1x16xf32>,
      %get3A_847 = vector.shape_cast %get3A_846 : vector<1x16xf32> to vector<16xf32>
      %mul3A_848 = arith.mulf %get3A_34, %get3A_839 : vector<16xf32>
      %mul3A_849 = arith.mulf %get3A_42, %get3A_847 : vector<16xf32>
      %add3A_850 = arith.addf %mul3A_848, %mul3A_849 : vector<16xf32>
      %swap3A_851 = arith.index_cast %scan3A_28 : i32 to index
      %swap3A_852 = arith.constant 576 : index
      %swap3A_853 = tpu.vector_load %arg9[%swap3A_851, %swap3A_852] {strides = array<i32>} : memref<32x768xf32, #tpu.memory_space<vmem>>, vector<1x16xf32>,
      %swap3A_854 = vector.shape_cast %swap3A_853 : vector<1x16xf32> to vector<16xf32>
      %swap3A_855 = vector.shape_cast %add3A_850 : vector<16xf32> to vector<1x16xf32>
      tpu.vector_store %arg9[%swap3A_851, %swap3A_852], %swap3A_855 {strides = array<i32>} : memref<32x768xf32, #tpu.memory_space<vmem>>, vector<1x16xf32>,
      %mul3A_856 = arith.constant 2 : i32
      %mul3A_857 = arith.muli %mul3A_856, %scan3A_28 : i32
      %get3A_858 = arith.index_cast %mul3A_857 : i32 to index
      %get3A_859 = arith.constant 592 : index
      %get3A_860 = tpu.vector_load %arg8[%get3A_858, %get3A_859] {strides = array<i32>} : memref<64x768xf32, #tpu.memory_space<vmem>>, vector<1x16xf32>,
      %get3A_861 = vector.shape_cast %get3A_860 : vector<1x16xf32> to vector<16xf32>
      %mul3A_862 = arith.constant 2 : i32
      %mul3A_863 = arith.muli %mul3A_862, %scan3A_28 : i32
      %add3A_864 = arith.constant 1 : i32
      %add3A_865 = arith.addi %mul3A_863, %add3A_864 : i32
      %get3A_866 = arith.index_cast %add3A_865 : i32 to index
      %get3A_867 = arith.constant 592 : index
      %get3A_868 = tpu.vector_load %arg8[%get3A_866, %get3A_867] {strides = array<i32>} : memref<64x768xf32, #tpu.memory_space<vmem>>, vector<1x16xf32>,
      %get3A_869 = vector.shape_cast %get3A_868 : vector<1x16xf32> to vector<16xf32>
      %mul3A_870 = arith.mulf %get3A_34, %get3A_861 : vector<16xf32>
      %mul3A_871 = arith.mulf %get3A_42, %get3A_869 : vector<16xf32>
      %add3A_872 = arith.addf %mul3A_870, %mul3A_871 : vector<16xf32>
      %swap3A_873 = arith.index_cast %scan3A_28 : i32 to index
      %swap3A_874 = arith.constant 592 : index
      %swap3A_875 = tpu.vector_load %arg9[%swap3A_873, %swap3A_874] {strides = array<i32>} : memref<32x768xf32, #tpu.memory_space<vmem>>, vector<1x16xf32>,
      %swap3A_876 = vector.shape_cast %swap3A_875 : vector<1x16xf32> to vector<16xf32>
      %swap3A_877 = vector.shape_cast %add3A_872 : vector<16xf32> to vector<1x16xf32>
      tpu.vector_store %arg9[%swap3A_873, %swap3A_874], %swap3A_877 {strides = array<i32>} : memref<32x768xf32, #tpu.memory_space<vmem>>, vector<1x16xf32>,
      %mul3A_878 = arith.constant 2 : i32
      %mul3A_879 = arith.muli %mul3A_878, %scan3A_28 : i32
      %get3A_880 = arith.index_cast %mul3A_879 : i32 to index
      %get3A_881 = arith.constant 608 : index
      %get3A_882 = tpu.vector_load %arg8[%get3A_880, %get3A_881] {strides = array<i32>} : memref<64x768xf32, #tpu.memory_space<vmem>>, vector<1x16xf32>,
      %get3A_883 = vector.shape_cast %get3A_882 : vector<1x16xf32> to vector<16xf32>
      %mul3A_884 = arith.constant 2 : i32
      %mul3A_885 = arith.muli %mul3A_884, %scan3A_28 : i32
      %add3A_886 = arith.constant 1 : i32
      %add3A_887 = arith.addi %mul3A_885, %add3A_886 : i32
      %get3A_888 = arith.index_cast %add3A_887 : i32 to index
      %get3A_889 = arith.constant 608 : index
      %get3A_890 = tpu.vector_load %arg8[%get3A_888, %get3A_889] {strides = array<i32>} : memref<64x768xf32, #tpu.memory_space<vmem>>, vector<1x16xf32>,
      %get3A_891 = vector.shape_cast %get3A_890 : vector<1x16xf32> to vector<16xf32>
      %mul3A_892 = arith.mulf %get3A_34, %get3A_883 : vector<16xf32>
      %mul3A_893 = arith.mulf %get3A_42, %get3A_891 : vector<16xf32>
      %add3A_894 = arith.addf %mul3A_892, %mul3A_893 : vector<16xf32>
      %swap3A_895 = arith.index_cast %scan3A_28 : i32 to index
      %swap3A_896 = arith.constant 608 : index
      %swap3A_897 = tpu.vector_load %arg9[%swap3A_895, %swap3A_896] {strides = array<i32>} : memref<32x768xf32, #tpu.memory_space<vmem>>, vector<1x16xf32>,
      %swap3A_898 = vector.shape_cast %swap3A_897 : vector<1x16xf32> to vector<16xf32>
      %swap3A_899 = vector.shape_cast %add3A_894 : vector<16xf32> to vector<1x16xf32>
      tpu.vector_store %arg9[%swap3A_895, %swap3A_896], %swap3A_899 {strides = array<i32>} : memref<32x768xf32, #tpu.memory_space<vmem>>, vector<1x16xf32>,
      %mul3A_900 = arith.constant 2 : i32
      %mul3A_901 = arith.muli %mul3A_900, %scan3A_28 : i32
      %get3A_902 = arith.index_cast %mul3A_901 : i32 to index
      %get3A_903 = arith.constant 624 : index
      %get3A_904 = tpu.vector_load %arg8[%get3A_902, %get3A_903] {strides = array<i32>} : memref<64x768xf32, #tpu.memory_space<vmem>>, vector<1x16xf32>,
      %get3A_905 = vector.shape_cast %get3A_904 : vector<1x16xf32> to vector<16xf32>
      %mul3A_906 = arith.constant 2 : i32
      %mul3A_907 = arith.muli %mul3A_906, %scan3A_28 : i32
      %add3A_908 = arith.constant 1 : i32
      %add3A_909 = arith.addi %mul3A_907, %add3A_908 : i32
      %get3A_910 = arith.index_cast %add3A_909 : i32 to index
      %get3A_911 = arith.constant 624 : index
      %get3A_912 = tpu.vector_load %arg8[%get3A_910, %get3A_911] {strides = array<i32>} : memref<64x768xf32, #tpu.memory_space<vmem>>, vector<1x16xf32>,
      %get3A_913 = vector.shape_cast %get3A_912 : vector<1x16xf32> to vector<16xf32>
      %mul3A_914 = arith.mulf %get3A_34, %get3A_905 : vector<16xf32>
      %mul3A_915 = arith.mulf %get3A_42, %get3A_913 : vector<16xf32>
      %add3A_916 = arith.addf %mul3A_914, %mul3A_915 : vector<16xf32>
      %swap3A_917 = arith.index_cast %scan3A_28 : i32 to index
      %swap3A_918 = arith.constant 624 : index
      %swap3A_919 = tpu.vector_load %arg9[%swap3A_917, %swap3A_918] {strides = array<i32>} : memref<32x768xf32, #tpu.memory_space<vmem>>, vector<1x16xf32>,
      %swap3A_920 = vector.shape_cast %swap3A_919 : vector<1x16xf32> to vector<16xf32>
      %swap3A_921 = vector.shape_cast %add3A_916 : vector<16xf32> to vector<1x16xf32>
      tpu.vector_store %arg9[%swap3A_917, %swap3A_918], %swap3A_921 {strides = array<i32>} : memref<32x768xf32, #tpu.memory_space<vmem>>, vector<1x16xf32>,
      %mul3A_922 = arith.constant 2 : i32
      %mul3A_923 = arith.muli %mul3A_922, %scan3A_28 : i32
      %get3A_924 = arith.index_cast %mul3A_923 : i32 to index
      %get3A_925 = arith.constant 640 : index
      %get3A_926 = tpu.vector_load %arg8[%get3A_924, %get3A_925] {strides = array<i32>} : memref<64x768xf32, #tpu.memory_space<vmem>>, vector<1x16xf32>,
      %get3A_927 = vector.shape_cast %get3A_926 : vector<1x16xf32> to vector<16xf32>
      %mul3A_928 = arith.constant 2 : i32
      %mul3A_929 = arith.muli %mul3A_928, %scan3A_28 : i32
      %add3A_930 = arith.constant 1 : i32
      %add3A_931 = arith.addi %mul3A_929, %add3A_930 : i32
      %get3A_932 = arith.index_cast %add3A_931 : i32 to index
      %get3A_933 = arith.constant 640 : index
      %get3A_934 = tpu.vector_load %arg8[%get3A_932, %get3A_933] {strides = array<i32>} : memref<64x768xf32, #tpu.memory_space<vmem>>, vector<1x16xf32>,
      %get3A_935 = vector.shape_cast %get3A_934 : vector<1x16xf32> to vector<16xf32>
      %mul3A_936 = arith.mulf %get3A_34, %get3A_927 : vector<16xf32>
      %mul3A_937 = arith.mulf %get3A_42, %get3A_935 : vector<16xf32>
      %add3A_938 = arith.addf %mul3A_936, %mul3A_937 : vector<16xf32>
      %swap3A_939 = arith.index_cast %scan3A_28 : i32 to index
      %swap3A_940 = arith.constant 640 : index
      %swap3A_941 = tpu.vector_load %arg9[%swap3A_939, %swap3A_940] {strides = array<i32>} : memref<32x768xf32, #tpu.memory_space<vmem>>, vector<1x16xf32>,
      %swap3A_942 = vector.shape_cast %swap3A_941 : vector<1x16xf32> to vector<16xf32>
      %swap3A_943 = vector.shape_cast %add3A_938 : vector<16xf32> to vector<1x16xf32>
      tpu.vector_store %arg9[%swap3A_939, %swap3A_940], %swap3A_943 {strides = array<i32>} : memref<32x768xf32, #tpu.memory_space<vmem>>, vector<1x16xf32>,
      %mul3A_944 = arith.constant 2 : i32
      %mul3A_945 = arith.muli %mul3A_944, %scan3A_28 : i32
      %get3A_946 = arith.index_cast %mul3A_945 : i32 to index
      %get3A_947 = arith.constant 656 : index
      %get3A_948 = tpu.vector_load %arg8[%get3A_946, %get3A_947] {strides = array<i32>} : memref<64x768xf32, #tpu.memory_space<vmem>>, vector<1x16xf32>,
      %get3A_949 = vector.shape_cast %get3A_948 : vector<1x16xf32> to vector<16xf32>
      %mul3A_950 = arith.constant 2 : i32
      %mul3A_951 = arith.muli %mul3A_950, %scan3A_28 : i32
      %add3A_952 = arith.constant 1 : i32
      %add3A_953 = arith.addi %mul3A_951, %add3A_952 : i32
      %get3A_954 = arith.index_cast %add3A_953 : i32 to index
      %get3A_955 = arith.constant 656 : index
      %get3A_956 = tpu.vector_load %arg8[%get3A_954, %get3A_955] {strides = array<i32>} : memref<64x768xf32, #tpu.memory_space<vmem>>, vector<1x16xf32>,
      %get3A_957 = vector.shape_cast %get3A_956 : vector<1x16xf32> to vector<16xf32>
      %mul3A_958 = arith.mulf %get3A_34, %get3A_949 : vector<16xf32>
      %mul3A_959 = arith.mulf %get3A_42, %get3A_957 : vector<16xf32>
      %add3A_960 = arith.addf %mul3A_958, %mul3A_959 : vector<16xf32>
      %swap3A_961 = arith.index_cast %scan3A_28 : i32 to index
      %swap3A_962 = arith.constant 656 : index
      %swap3A_963 = tpu.vector_load %arg9[%swap3A_961, %swap3A_962] {strides = array<i32>} : memref<32x768xf32, #tpu.memory_space<vmem>>, vector<1x16xf32>,
      %swap3A_964 = vector.shape_cast %swap3A_963 : vector<1x16xf32> to vector<16xf32>
      %swap3A_965 = vector.shape_cast %add3A_960 : vector<16xf32> to vector<1x16xf32>
      tpu.vector_store %arg9[%swap3A_961, %swap3A_962], %swap3A_965 {strides = array<i32>} : memref<32x768xf32, #tpu.memory_space<vmem>>, vector<1x16xf32>,
      %mul3A_966 = arith.constant 2 : i32
      %mul3A_967 = arith.muli %mul3A_966, %scan3A_28 : i32
      %get3A_968 = arith.index_cast %mul3A_967 : i32 to index
      %get3A_969 = arith.constant 672 : index
      %get3A_970 = tpu.vector_load %arg8[%get3A_968, %get3A_969] {strides = array<i32>} : memref<64x768xf32, #tpu.memory_space<vmem>>, vector<1x16xf32>,
      %get3A_971 = vector.shape_cast %get3A_970 : vector<1x16xf32> to vector<16xf32>
      %mul3A_972 = arith.constant 2 : i32
      %mul3A_973 = arith.muli %mul3A_972, %scan3A_28 : i32
      %add3A_974 = arith.constant 1 : i32
      %add3A_975 = arith.addi %mul3A_973, %add3A_974 : i32
      %get3A_976 = arith.index_cast %add3A_975 : i32 to index
      %get3A_977 = arith.constant 672 : index
      %get3A_978 = tpu.vector_load %arg8[%get3A_976, %get3A_977] {strides = array<i32>} : memref<64x768xf32, #tpu.memory_space<vmem>>, vector<1x16xf32>,
      %get3A_979 = vector.shape_cast %get3A_978 : vector<1x16xf32> to vector<16xf32>
      %mul3A_980 = arith.mulf %get3A_34, %get3A_971 : vector<16xf32>
      %mul3A_981 = arith.mulf %get3A_42, %get3A_979 : vector<16xf32>
      %add3A_982 = arith.addf %mul3A_980, %mul3A_981 : vector<16xf32>
      %swap3A_983 = arith.index_cast %scan3A_28 : i32 to index
      %swap3A_984 = arith.constant 672 : index
      %swap3A_985 = tpu.vector_load %arg9[%swap3A_983, %swap3A_984] {strides = array<i32>} : memref<32x768xf32, #tpu.memory_space<vmem>>, vector<1x16xf32>,
      %swap3A_986 = vector.shape_cast %swap3A_985 : vector<1x16xf32> to vector<16xf32>
      %swap3A_987 = vector.shape_cast %add3A_982 : vector<16xf32> to vector<1x16xf32>
      tpu.vector_store %arg9[%swap3A_983, %swap3A_984], %swap3A_987 {strides = array<i32>} : memref<32x768xf32, #tpu.memory_space<vmem>>, vector<1x16xf32>,
      %mul3A_988 = arith.constant 2 : i32
      %mul3A_989 = arith.muli %mul3A_988, %scan3A_28 : i32
      %get3A_990 = arith.index_cast %mul3A_989 : i32 to index
      %get3A_991 = arith.constant 688 : index
      %get3A_992 = tpu.vector_load %arg8[%get3A_990, %get3A_991] {strides = array<i32>} : memref<64x768xf32, #tpu.memory_space<vmem>>, vector<1x16xf32>,
      %get3A_993 = vector.shape_cast %get3A_992 : vector<1x16xf32> to vector<16xf32>
      %mul3A_994 = arith.constant 2 : i32
      %mul3A_995 = arith.muli %mul3A_994, %scan3A_28 : i32
      %add3A_996 = arith.constant 1 : i32
      %add3A_997 = arith.addi %mul3A_995, %add3A_996 : i32
      %get3A_998 = arith.index_cast %add3A_997 : i32 to index
      %get3A_999 = arith.constant 688 : index
      %get3A_1000 = tpu.vector_load %arg8[%get3A_998, %get3A_999] {strides = array<i32>} : memref<64x768xf32, #tpu.memory_space<vmem>>, vector<1x16xf32>,
      %get3A_1001 = vector.shape_cast %get3A_1000 : vector<1x16xf32> to vector<16xf32>
      %mul3A_1002 = arith.mulf %get3A_34, %get3A_993 : vector<16xf32>
      %mul3A_1003 = arith.mulf %get3A_42, %get3A_1001 : vector<16xf32>
      %add3A_1004 = arith.addf %mul3A_1002, %mul3A_1003 : vector<16xf32>
      %swap3A_1005 = arith.index_cast %scan3A_28 : i32 to index
      %swap3A_1006 = arith.constant 688 : index
      %swap3A_1007 = tpu.vector_load %arg9[%swap3A_1005, %swap3A_1006] {strides = array<i32>} : memref<32x768xf32, #tpu.memory_space<vmem>>, vector<1x16xf32>,
      %swap3A_1008 = vector.shape_cast %swap3A_1007 : vector<1x16xf32> to vector<16xf32>
      %swap3A_1009 = vector.shape_cast %add3A_1004 : vector<16xf32> to vector<1x16xf32>
      tpu.vector_store %arg9[%swap3A_1005, %swap3A_1006], %swap3A_1009 {strides = array<i32>} : memref<32x768xf32, #tpu.memory_space<vmem>>, vector<1x16xf32>,
      %mul3A_1010 = arith.constant 2 : i32
      %mul3A_1011 = arith.muli %mul3A_1010, %scan3A_28 : i32
      %get3A_1012 = arith.index_cast %mul3A_1011 : i32 to index
      %get3A_1013 = arith.constant 704 : index
      %get3A_1014 = tpu.vector_load %arg8[%get3A_1012, %get3A_1013] {strides = array<i32>} : memref<64x768xf32, #tpu.memory_space<vmem>>, vector<1x16xf32>,
      %get3A_1015 = vector.shape_cast %get3A_1014 : vector<1x16xf32> to vector<16xf32>
      %mul3A_1016 = arith.constant 2 : i32
      %mul3A_1017 = arith.muli %mul3A_1016, %scan3A_28 : i32
      %add3A_1018 = arith.constant 1 : i32
      %add3A_1019 = arith.addi %mul3A_1017, %add3A_1018 : i32
      %get3A_1020 = arith.index_cast %add3A_1019 : i32 to index
      %get3A_1021 = arith.constant 704 : index
      %get3A_1022 = tpu.vector_load %arg8[%get3A_1020, %get3A_1021] {strides = array<i32>} : memref<64x768xf32, #tpu.memory_space<vmem>>, vector<1x16xf32>,
      %get3A_1023 = vector.shape_cast %get3A_1022 : vector<1x16xf32> to vector<16xf32>
      %mul3A_1024 = arith.mulf %get3A_34, %get3A_1015 : vector<16xf32>
      %mul3A_1025 = arith.mulf %get3A_42, %get3A_1023 : vector<16xf32>
      %add3A_1026 = arith.addf %mul3A_1024, %mul3A_1025 : vector<16xf32>
      %swap3A_1027 = arith.index_cast %scan3A_28 : i32 to index
      %swap3A_1028 = arith.constant 704 : index
      %swap3A_1029 = tpu.vector_load %arg9[%swap3A_1027, %swap3A_1028] {strides = array<i32>} : memref<32x768xf32, #tpu.memory_space<vmem>>, vector<1x16xf32>,
      %swap3A_1030 = vector.shape_cast %swap3A_1029 : vector<1x16xf32> to vector<16xf32>
      %swap3A_1031 = vector.shape_cast %add3A_1026 : vector<16xf32> to vector<1x16xf32>
      tpu.vector_store %arg9[%swap3A_1027, %swap3A_1028], %swap3A_1031 {strides = array<i32>} : memref<32x768xf32, #tpu.memory_space<vmem>>, vector<1x16xf32>,
      %mul3A_1032 = arith.constant 2 : i32
      %mul3A_1033 = arith.muli %mul3A_1032, %scan3A_28 : i32
      %get3A_1034 = arith.index_cast %mul3A_1033 : i32 to index
      %get3A_1035 = arith.constant 720 : index
      %get3A_1036 = tpu.vector_load %arg8[%get3A_1034, %get3A_1035] {strides = array<i32>} : memref<64x768xf32, #tpu.memory_space<vmem>>, vector<1x16xf32>,
      %get3A_1037 = vector.shape_cast %get3A_1036 : vector<1x16xf32> to vector<16xf32>
      %mul3A_1038 = arith.constant 2 : i32
      %mul3A_1039 = arith.muli %mul3A_1038, %scan3A_28 : i32
      %add3A_1040 = arith.constant 1 : i32
      %add3A_1041 = arith.addi %mul3A_1039, %add3A_1040 : i32
      %get3A_1042 = arith.index_cast %add3A_1041 : i32 to index
      %get3A_1043 = arith.constant 720 : index
      %get3A_1044 = tpu.vector_load %arg8[%get3A_1042, %get3A_1043] {strides = array<i32>} : memref<64x768xf32, #tpu.memory_space<vmem>>, vector<1x16xf32>,
      %get3A_1045 = vector.shape_cast %get3A_1044 : vector<1x16xf32> to vector<16xf32>
      %mul3A_1046 = arith.mulf %get3A_34, %get3A_1037 : vector<16xf32>
      %mul3A_1047 = arith.mulf %get3A_42, %get3A_1045 : vector<16xf32>
      %add3A_1048 = arith.addf %mul3A_1046, %mul3A_1047 : vector<16xf32>
      %swap3A_1049 = arith.index_cast %scan3A_28 : i32 to index
      %swap3A_1050 = arith.constant 720 : index
      %swap3A_1051 = tpu.vector_load %arg9[%swap3A_1049, %swap3A_1050] {strides = array<i32>} : memref<32x768xf32, #tpu.memory_space<vmem>>, vector<1x16xf32>,
      %swap3A_1052 = vector.shape_cast %swap3A_1051 : vector<1x16xf32> to vector<16xf32>
      %swap3A_1053 = vector.shape_cast %add3A_1048 : vector<16xf32> to vector<1x16xf32>
      tpu.vector_store %arg9[%swap3A_1049, %swap3A_1050], %swap3A_1053 {strides = array<i32>} : memref<32x768xf32, #tpu.memory_space<vmem>>, vector<1x16xf32>,
      %mul3A_1054 = arith.constant 2 : i32
      %mul3A_1055 = arith.muli %mul3A_1054, %scan3A_28 : i32
      %get3A_1056 = arith.index_cast %mul3A_1055 : i32 to index
      %get3A_1057 = arith.constant 736 : index
      %get3A_1058 = tpu.vector_load %arg8[%get3A_1056, %get3A_1057] {strides = array<i32>} : memref<64x768xf32, #tpu.memory_space<vmem>>, vector<1x16xf32>,
      %get3A_1059 = vector.shape_cast %get3A_1058 : vector<1x16xf32> to vector<16xf32>
      %mul3A_1060 = arith.constant 2 : i32
      %mul3A_1061 = arith.muli %mul3A_1060, %scan3A_28 : i32
      %add3A_1062 = arith.constant 1 : i32
      %add3A_1063 = arith.addi %mul3A_1061, %add3A_1062 : i32
      %get3A_1064 = arith.index_cast %add3A_1063 : i32 to index
      %get3A_1065 = arith.constant 736 : index
      %get3A_1066 = tpu.vector_load %arg8[%get3A_1064, %get3A_1065] {strides = array<i32>} : memref<64x768xf32, #tpu.memory_space<vmem>>, vector<1x16xf32>,
      %get3A_1067 = vector.shape_cast %get3A_1066 : vector<1x16xf32> to vector<16xf32>
      %mul3A_1068 = arith.mulf %get3A_34, %get3A_1059 : vector<16xf32>
      %mul3A_1069 = arith.mulf %get3A_42, %get3A_1067 : vector<16xf32>
      %add3A_1070 = arith.addf %mul3A_1068, %mul3A_1069 : vector<16xf32>
      %swap3A_1071 = arith.index_cast %scan3A_28 : i32 to index
      %swap3A_1072 = arith.constant 736 : index
      %swap3A_1073 = tpu.vector_load %arg9[%swap3A_1071, %swap3A_1072] {strides = array<i32>} : memref<32x768xf32, #tpu.memory_space<vmem>>, vector<1x16xf32>,
      %swap3A_1074 = vector.shape_cast %swap3A_1073 : vector<1x16xf32> to vector<16xf32>
      %swap3A_1075 = vector.shape_cast %add3A_1070 : vector<16xf32> to vector<1x16xf32>
      tpu.vector_store %arg9[%swap3A_1071, %swap3A_1072], %swap3A_1075 {strides = array<i32>} : memref<32x768xf32, #tpu.memory_space<vmem>>, vector<1x16xf32>,
      %mul3A_1076 = arith.constant 2 : i32
      %mul3A_1077 = arith.muli %mul3A_1076, %scan3A_28 : i32
      %get3A_1078 = arith.index_cast %mul3A_1077 : i32 to index
      %get3A_1079 = arith.constant 752 : index
      %get3A_1080 = tpu.vector_load %arg8[%get3A_1078, %get3A_1079] {strides = array<i32>} : memref<64x768xf32, #tpu.memory_space<vmem>>, vector<1x16xf32>,
      %get3A_1081 = vector.shape_cast %get3A_1080 : vector<1x16xf32> to vector<16xf32>
      %mul3A_1082 = arith.constant 2 : i32
      %mul3A_1083 = arith.muli %mul3A_1082, %scan3A_28 : i32
      %add3A_1084 = arith.constant 1 : i32
      %add3A_1085 = arith.addi %mul3A_1083, %add3A_1084 : i32
      %get3A_1086 = arith.index_cast %add3A_1085 : i32 to index
      %get3A_1087 = arith.constant 752 : index
      %get3A_1088 = tpu.vector_load %arg8[%get3A_1086, %get3A_1087] {strides = array<i32>} : memref<64x768xf32, #tpu.memory_space<vmem>>, vector<1x16xf32>,
      %get3A_1089 = vector.shape_cast %get3A_1088 : vector<1x16xf32> to vector<16xf32>
      %mul3A_1090 = arith.mulf %get3A_34, %get3A_1081 : vector<16xf32>
      %mul3A_1091 = arith.mulf %get3A_42, %get3A_1089 : vector<16xf32>
      %add3A_1092 = arith.addf %mul3A_1090, %mul3A_1091 : vector<16xf32>
      %swap3A_1093 = arith.index_cast %scan3A_28 : i32 to index
      %swap3A_1094 = arith.constant 752 : index
      %swap3A_1095 = tpu.vector_load %arg9[%swap3A_1093, %swap3A_1094] {strides = array<i32>} : memref<32x768xf32, #tpu.memory_space<vmem>>, vector<1x16xf32>,
      %swap3A_1096 = vector.shape_cast %swap3A_1095 : vector<1x16xf32> to vector<16xf32>
      %swap3A_1097 = vector.shape_cast %add3A_1092 : vector<16xf32> to vector<1x16xf32>
      tpu.vector_store %arg9[%swap3A_1093, %swap3A_1094], %swap3A_1097 {strides = array<i32>} : memref<32x768xf32, #tpu.memory_space<vmem>>, vector<1x16xf32>,
      %scan3A_1098 = arith.constant 0 : i32
      scf.yield %scan3A_1098 : i32
    }
    %scan3A_25 = arith.constant 32 : i32
    %add3A_26 = arith.constant 32 : i32
    %add3A_27 = arith.addi %mul3A_2, %add3A_26 : i32
    "tpu.region"() ({
      %run_scoped3A = tpu.sem_alloc : memref<!tpu.dma_semaphore, #tpu.memory_space<semaphore_mem>>
      %dma_start3A = arith.constant 0 : i32
      %dma_start3A_28 = tpu.memref_slice %arg5[%add3A_27, %dma_start3A] : memref<2048x768xf32, #tpu.memory_space<hbm>> -> memref<32x768xf32, #tpu.memory_space<hbm>>
      %dma_start3A_29 = arith.constant 0 : i32
      %dma_start3A_30 = tpu.memref_slice %arg5[%add3A_27, %dma_start3A_29] : memref<2048x768xf32, #tpu.memory_space<hbm>> -> memref<32x768xf32, #tpu.memory_space<hbm>>
      tpu.enqueue_dma source(%arg9 : memref<32x768xf32, #tpu.memory_space<vmem>>) target(%dma_start3A_30 : memref<32x768xf32, #tpu.memory_space<hbm>>) target_semaphore(%run_scoped3A : memref<!tpu.dma_semaphore, #tpu.memory_space<semaphore_mem>>)
      %dma_wait3A = arith.constant 0 : i32
      %dma_wait3A_31 = tpu.memref_slice %arg5[%add3A_27, %dma_wait3A] : memref<2048x768xf32, #tpu.memory_space<hbm>> -> memref<32x768xf32, #tpu.memory_space<hbm>>
      %dma_wait3A_32 = arith.constant 0 : i32
      %dma_wait3A_33 = tpu.memref_slice %arg5[%add3A_27, %dma_wait3A_32] : memref<2048x768xf32, #tpu.memory_space<hbm>> -> memref<32x768xf32, #tpu.memory_space<hbm>>
      tpu.wait_dma2 semaphore(%run_scoped3A : memref<!tpu.dma_semaphore, #tpu.memory_space<semaphore_mem>>) src(%arg9 : memref<32x768xf32, #tpu.memory_space<vmem>>) dst(%dma_wait3A_33 : memref<32x768xf32, #tpu.memory_space<hbm>>)
      tpu.yield
    }) : () -> ()
    return
  }
}

#map = affine_map<(d0, d1) -> (0, 0)>
#map1 = affine_map<(d0, d1) -> (0)>
module attributes {stable_mosaic.version = 14 : i64} {
  func.func @k(%arg0: i32, %arg1: i32, %arg2: memref<2048x768xf32, #tpu.memory_space<hbm>>, %arg3: memref<2048xi32, #tpu.memory_space<hbm>>, %arg4: memref<2048xi32, #tpu.memory_space<hbm>>, %arg5: memref<8192x768xf32, #tpu.memory_space<hbm>>, %arg6: memref<64xi32, #tpu.memory_space<vmem>>, %arg7: memref<64xi32, #tpu.memory_space<vmem>>, %arg8: memref<64x768xf32, #tpu.memory_space<vmem>>) attributes {dimension_semantics = [#tpu.dimension_semantics<core_parallel>, #tpu.dimension_semantics<subcore_parallel>], iteration_bounds = array<i64: 2, 16>, scalar_prefetch = 0 : i64, scratch_operands = 3 : i64, tpu.core_type = #tpu.core_type<sc_vector_subcore>, window_params = [{transform_indices = #map}, {transform_indices = #map1}, {transform_indices = #map1}, {transform_indices = #map}]} {
    %mul3A = arith.constant 2 : i32
    %mul3A_0 = arith.muli %arg1, %mul3A : i32
    %add3A = arith.addi %mul3A_0, %arg0 : i32
    %mul3A_1 = arith.constant 64 : i32
    %mul3A_2 = arith.muli %add3A, %mul3A_1 : i32
    "tpu.region"() ({
      %run_scoped3A = tpu.sem_alloc : memref<!tpu.dma_semaphore, #tpu.memory_space<semaphore_mem>>
      %dma_start3A = tpu.memref_slice %arg3[%mul3A_2] : memref<2048xi32, #tpu.memory_space<hbm>> -> memref<64xi32, #tpu.memory_space<hbm>>
      %dma_start3A_3 = tpu.memref_slice %arg3[%mul3A_2] : memref<2048xi32, #tpu.memory_space<hbm>> -> memref<64xi32, #tpu.memory_space<hbm>>
      tpu.enqueue_dma source(%dma_start3A_3 : memref<64xi32, #tpu.memory_space<hbm>>) target(%arg6 : memref<64xi32, #tpu.memory_space<vmem>>) target_semaphore(%run_scoped3A : memref<!tpu.dma_semaphore, #tpu.memory_space<semaphore_mem>>)
      %dma_wait3A = tpu.memref_slice %arg3[%mul3A_2] : memref<2048xi32, #tpu.memory_space<hbm>> -> memref<64xi32, #tpu.memory_space<hbm>>
      %dma_wait3A_4 = tpu.memref_slice %arg3[%mul3A_2] : memref<2048xi32, #tpu.memory_space<hbm>> -> memref<64xi32, #tpu.memory_space<hbm>>
      tpu.wait_dma2 semaphore(%run_scoped3A : memref<!tpu.dma_semaphore, #tpu.memory_space<semaphore_mem>>) src(%dma_wait3A_4 : memref<64xi32, #tpu.memory_space<hbm>>) dst(%arg6 : memref<64xi32, #tpu.memory_space<vmem>>)
      tpu.yield
    }) : () -> ()
    "tpu.region"() ({
      %run_scoped3A = tpu.sem_alloc : memref<!tpu.dma_semaphore, #tpu.memory_space<semaphore_mem>>
      %dma_start3A = tpu.memref_slice %arg4[%mul3A_2] : memref<2048xi32, #tpu.memory_space<hbm>> -> memref<64xi32, #tpu.memory_space<hbm>>
      %dma_start3A_3 = tpu.memref_slice %arg4[%mul3A_2] : memref<2048xi32, #tpu.memory_space<hbm>> -> memref<64xi32, #tpu.memory_space<hbm>>
      tpu.enqueue_dma source(%dma_start3A_3 : memref<64xi32, #tpu.memory_space<hbm>>) target(%arg7 : memref<64xi32, #tpu.memory_space<vmem>>) target_semaphore(%run_scoped3A : memref<!tpu.dma_semaphore, #tpu.memory_space<semaphore_mem>>)
      %dma_wait3A = tpu.memref_slice %arg4[%mul3A_2] : memref<2048xi32, #tpu.memory_space<hbm>> -> memref<64xi32, #tpu.memory_space<hbm>>
      %dma_wait3A_4 = tpu.memref_slice %arg4[%mul3A_2] : memref<2048xi32, #tpu.memory_space<hbm>> -> memref<64xi32, #tpu.memory_space<hbm>>
      tpu.wait_dma2 semaphore(%run_scoped3A : memref<!tpu.dma_semaphore, #tpu.memory_space<semaphore_mem>>) src(%dma_wait3A_4 : memref<64xi32, #tpu.memory_space<hbm>>) dst(%arg7 : memref<64xi32, #tpu.memory_space<vmem>>)
      tpu.yield
    }) : () -> ()
    "tpu.region"() ({
      %run_scoped3A = tpu.sem_alloc : memref<!tpu.dma_semaphore, #tpu.memory_space<semaphore_mem>>
      %dma_start3A = arith.constant 0 : i32
      %dma_start3A_3 = tpu.memref_slice %arg2[%mul3A_2, %dma_start3A] : memref<2048x768xf32, #tpu.memory_space<hbm>> -> memref<64x768xf32, #tpu.memory_space<hbm>>
      %dma_start3A_4 = arith.constant 0 : i32
      %dma_start3A_5 = tpu.memref_slice %arg2[%mul3A_2, %dma_start3A_4] : memref<2048x768xf32, #tpu.memory_space<hbm>> -> memref<64x768xf32, #tpu.memory_space<hbm>>
      tpu.enqueue_dma source(%dma_start3A_5 : memref<64x768xf32, #tpu.memory_space<hbm>>) target(%arg8 : memref<64x768xf32, #tpu.memory_space<vmem>>) target_semaphore(%run_scoped3A : memref<!tpu.dma_semaphore, #tpu.memory_space<semaphore_mem>>)
      %dma_wait3A = arith.constant 0 : i32
      %dma_wait3A_6 = tpu.memref_slice %arg2[%mul3A_2, %dma_wait3A] : memref<2048x768xf32, #tpu.memory_space<hbm>> -> memref<64x768xf32, #tpu.memory_space<hbm>>
      %dma_wait3A_7 = arith.constant 0 : i32
      %dma_wait3A_8 = tpu.memref_slice %arg2[%mul3A_2, %dma_wait3A_7] : memref<2048x768xf32, #tpu.memory_space<hbm>> -> memref<64x768xf32, #tpu.memory_space<hbm>>
      tpu.wait_dma2 semaphore(%run_scoped3A : memref<!tpu.dma_semaphore, #tpu.memory_space<semaphore_mem>>) src(%dma_wait3A_8 : memref<64x768xf32, #tpu.memory_space<hbm>>) dst(%arg8 : memref<64x768xf32, #tpu.memory_space<vmem>>)
      tpu.yield
    }) : () -> ()
    "tpu.region"() ({
      %run_scoped3A = tpu.sem_alloc : memref<!tpu.dma_semaphore, #tpu.memory_space<semaphore_mem>>
      %dma_start3A = arith.constant 0 : i32
      %dma_start3A_3 = arith.constant 0 : i32
      %dma_start3A_4 = tpu.memref_slice %arg5[%dma_start3A, %dma_start3A_3] : memref<8192x768xf32, #tpu.memory_space<hbm>> -> memref<8192x768xf32, #tpu.memory_space<hbm>>
      tpu.enqueue_indirect_dma source(%arg8 : memref<64x768xf32, #tpu.memory_space<vmem>>) target(%dma_start3A_4 : memref<8192x768xf32, #tpu.memory_space<hbm>>) offsets(%arg6 : memref<64xi32, #tpu.memory_space<vmem>>) semaphore(%run_scoped3A : memref<!tpu.dma_semaphore, #tpu.memory_space<semaphore_mem>>)
      %dma_wait3A = arith.constant 0 : i32
      %dma_wait3A_5 = arith.constant 0 : i32
      %dma_wait3A_6 = tpu.memref_slice %arg5[%dma_wait3A, %dma_wait3A_5] : memref<8192x768xf32, #tpu.memory_space<hbm>> -> memref<8192x768xf32, #tpu.memory_space<hbm>>
      tpu.wait_indirect_dma semaphore(%run_scoped3A : memref<!tpu.dma_semaphore, #tpu.memory_space<semaphore_mem>>) src(%arg8 : memref<64x768xf32, #tpu.memory_space<vmem>>) dst(%dma_wait3A_6 : memref<8192x768xf32, #tpu.memory_space<hbm>>)
      tpu.yield
    }) : () -> ()
    "tpu.region"() ({
      %run_scoped3A = tpu.sem_alloc : memref<!tpu.dma_semaphore, #tpu.memory_space<semaphore_mem>>
      %dma_start3A = arith.constant 0 : i32
      %dma_start3A_3 = arith.constant 0 : i32
      %dma_start3A_4 = tpu.memref_slice %arg5[%dma_start3A, %dma_start3A_3] : memref<8192x768xf32, #tpu.memory_space<hbm>> -> memref<8192x768xf32, #tpu.memory_space<hbm>>
      tpu.enqueue_indirect_dma source(%arg8 : memref<64x768xf32, #tpu.memory_space<vmem>>) target(%dma_start3A_4 : memref<8192x768xf32, #tpu.memory_space<hbm>>) offsets(%arg7 : memref<64xi32, #tpu.memory_space<vmem>>) semaphore(%run_scoped3A : memref<!tpu.dma_semaphore, #tpu.memory_space<semaphore_mem>>)
      %dma_wait3A = arith.constant 0 : i32
      %dma_wait3A_5 = arith.constant 0 : i32
      %dma_wait3A_6 = tpu.memref_slice %arg5[%dma_wait3A, %dma_wait3A_5] : memref<8192x768xf32, #tpu.memory_space<hbm>> -> memref<8192x768xf32, #tpu.memory_space<hbm>>
      tpu.wait_indirect_dma semaphore(%run_scoped3A : memref<!tpu.dma_semaphore, #tpu.memory_space<semaphore_mem>>) src(%arg8 : memref<64x768xf32, #tpu.memory_space<vmem>>) dst(%dma_wait3A_6 : memref<8192x768xf32, #tpu.memory_space<hbm>>)
      tpu.yield
    }) : () -> ()
    return
  }
}

module attributes {stable_mosaic.version = 14 : i64} {
  func.func @_meta_body(%arg0: memref<32x128xi32, #tpu.memory_space<vmem>>, %arg1: memref<32x128xi32, #tpu.memory_space<vmem>>, %arg2: memref<1x128xi32, #tpu.memory_space<vmem>>, %arg3: memref<1x128xi32, #tpu.memory_space<vmem>>) attributes {dimension_semantics = [], scalar_prefetch = 0 : i64, scratch_operands = 0 : i64, tpu.core_type = #tpu.core_type<tc>} {
    %broadcast_in_dim3A = arith.constant 0.000000e+00 : f32
    %broadcast_in_dim3A_0 = vector.broadcast %broadcast_in_dim3A : f32 to vector<64x1xf32>
    %iota3A = tpu.iota {dimensions = array<i32: 0>} : vector<64x128xi32>
    %iota3A_1 = tpu.iota {dimensions = array<i32: 0>} : vector<128x128xi32>
    %iota3A_2 = tpu.iota {dimensions = array<i32: 1>} : vector<128x128xi32>
    %le3A = arith.cmpi sle, %iota3A_1, %iota3A_2 : vector<128x128xi32>
    %jit3A = arith.constant 1.000000e+00 : f32
    %jit3A_3 = arith.constant 0.000000e+00 : f32
    %broadcast_in_dim3A_4 = vector.broadcast %jit3A : f32 to vector<128x128xf32>
    %broadcast_in_dim3A_5 = vector.broadcast %jit3A_3 : f32 to vector<128x128xf32>
    %select_n3A = arith.select %le3A, %broadcast_in_dim3A_4, %broadcast_in_dim3A_5 : vector<128x128xi1>, vector<128x128xf32>
    %convert_element_type3A = arith.truncf %select_n3A : vector<128x128xf32> to vector<128x128xbf16>
    %get3A = arith.constant 0 : index
    %get3A_6 = arith.constant 0 : index
    %get3A_7 = vector.load %arg0[%get3A, %get3A_6] : memref<32x128xi32, #tpu.memory_space<vmem>>, vector<1x128xi32>
    %eq3A = vector.broadcast %get3A_7 : vector<1x128xi32> to vector<64x128xi32>
    %eq3A_8 = arith.cmpi eq, %eq3A, %iota3A : vector<64x128xi32>
    %jit3A_9 = arith.constant 1.000000e+00 : f32
    %jit3A_10 = arith.constant 0.000000e+00 : f32
    %broadcast_in_dim3A_11 = vector.broadcast %jit3A_9 : f32 to vector<64x128xf32>
    %broadcast_in_dim3A_12 = vector.broadcast %jit3A_10 : f32 to vector<64x128xf32>
    %select_n3A_13 = arith.select %eq3A_8, %broadcast_in_dim3A_11, %broadcast_in_dim3A_12 : vector<64x128xi1>, vector<64x128xf32>
    %convert_element_type3A_14 = arith.truncf %select_n3A_13 : vector<64x128xf32> to vector<64x128xbf16>
    %dot_general3A = arith.constant dense<0.000000e+00> : vector<64x128xf32>
    %dot_general3A_15 = tpu.matmul %convert_element_type3A_14, %convert_element_type3A, %dot_general3A {dimension_numbers = #tpu.dot_dimension_numbers<[1], [0], [0], [1], [0, 0, 1, 1], [], []>, transpose_lhs_hint = false} : vector<64x128xbf16>, vector<128x128xbf16>, vector<64x128xf32> -> vector<64x128xf32>
    %sub3A = arith.constant 1.000000e+00 : f32
    %sub3A_16 = vector.broadcast %sub3A : f32 to vector<64x128xf32>
    %sub3A_17 = arith.subf %dot_general3A_15, %sub3A_16 : vector<64x128xf32>
    %add3A = vector.broadcast %broadcast_in_dim3A_0 : vector<64x1xf32> to vector<64x128xf32>
    %add3A_18 = arith.addf %sub3A_17, %add3A : vector<64x128xf32>
    %mul3A = arith.mulf %select_n3A_13, %add3A_18 : vector<64x128xf32>
    %reduce_sum3A = arith.constant dense<0.000000e+00> : vector<128xf32>
    %reduce_sum3A_19 = vector.multi_reduction <add>, %mul3A, %reduce_sum3A [0] : vector<64x128xf32> to vector<128xf32>
    %broadcast_in_dim3A_20 = vector.shape_cast %reduce_sum3A_19 : vector<128xf32> to vector<1x128xf32>
    %reduce_sum3A_21 = arith.constant dense<0.000000e+00> : vector<64xf32>
    %reduce_sum3A_22 = vector.multi_reduction <add>, %select_n3A_13, %reduce_sum3A_21 [1] : vector<64x128xf32> to vector<64xf32>
    %broadcast_in_dim3A_23 = vector.shape_cast %reduce_sum3A_22 : vector<64xf32> to vector<64x1xf32>
    %add3A_24 = arith.addf %broadcast_in_dim3A_0, %broadcast_in_dim3A_23 : vector<64x1xf32>
    %get3A_25 = arith.constant 1 : index
    %get3A_26 = arith.constant 0 : index
    %get3A_27 = vector.load %arg0[%get3A_25, %get3A_26] : memref<32x128xi32, #tpu.memory_space<vmem>>, vector<1x128xi32>
    %eq3A_28 = vector.broadcast %get3A_27 : vector<1x128xi32> to vector<64x128xi32>
    %eq3A_29 = arith.cmpi eq, %eq3A_28, %iota3A : vector<64x128xi32>
    %jit3A_30 = arith.constant 1.000000e+00 : f32
    %jit3A_31 = arith.constant 0.000000e+00 : f32
    %broadcast_in_dim3A_32 = vector.broadcast %jit3A_30 : f32 to vector<64x128xf32>
    %broadcast_in_dim3A_33 = vector.broadcast %jit3A_31 : f32 to vector<64x128xf32>
    %select_n3A_34 = arith.select %eq3A_29, %broadcast_in_dim3A_32, %broadcast_in_dim3A_33 : vector<64x128xi1>, vector<64x128xf32>
    %convert_element_type3A_35 = arith.truncf %select_n3A_34 : vector<64x128xf32> to vector<64x128xbf16>
    %dot_general3A_36 = arith.constant dense<0.000000e+00> : vector<64x128xf32>
    %dot_general3A_37 = tpu.matmul %convert_element_type3A_35, %convert_element_type3A, %dot_general3A_36 {dimension_numbers = #tpu.dot_dimension_numbers<[1], [0], [0], [1], [0, 0, 1, 1], [], []>, transpose_lhs_hint = false} : vector<64x128xbf16>, vector<128x128xbf16>, vector<64x128xf32> -> vector<64x128xf32>
    %sub3A_38 = arith.constant 1.000000e+00 : f32
    %sub3A_39 = vector.broadcast %sub3A_38 : f32 to vector<64x128xf32>
    %sub3A_40 = arith.subf %dot_general3A_37, %sub3A_39 : vector<64x128xf32>
    %add3A_41 = vector.broadcast %add3A_24 : vector<64x1xf32> to vector<64x128xf32>
    %add3A_42 = arith.addf %sub3A_40, %add3A_41 : vector<64x128xf32>
    %mul3A_43 = arith.mulf %select_n3A_34, %add3A_42 : vector<64x128xf32>
    %reduce_sum3A_44 = arith.constant dense<0.000000e+00> : vector<128xf32>
    %reduce_sum3A_45 = vector.multi_reduction <add>, %mul3A_43, %reduce_sum3A_44 [0] : vector<64x128xf32> to vector<128xf32>
    %broadcast_in_dim3A_46 = vector.shape_cast %reduce_sum3A_45 : vector<128xf32> to vector<1x128xf32>
    %reduce_sum3A_47 = arith.constant dense<0.000000e+00> : vector<64xf32>
    %reduce_sum3A_48 = vector.multi_reduction <add>, %select_n3A_34, %reduce_sum3A_47 [1] : vector<64x128xf32> to vector<64xf32>
    %broadcast_in_dim3A_49 = vector.shape_cast %reduce_sum3A_48 : vector<64xf32> to vector<64x1xf32>
    %add3A_50 = arith.addf %add3A_24, %broadcast_in_dim3A_49 : vector<64x1xf32>
    %get3A_51 = arith.constant 2 : index
    %get3A_52 = arith.constant 0 : index
    %get3A_53 = vector.load %arg0[%get3A_51, %get3A_52] : memref<32x128xi32, #tpu.memory_space<vmem>>, vector<1x128xi32>
    %eq3A_54 = vector.broadcast %get3A_53 : vector<1x128xi32> to vector<64x128xi32>
    %eq3A_55 = arith.cmpi eq, %eq3A_54, %iota3A : vector<64x128xi32>
    %jit3A_56 = arith.constant 1.000000e+00 : f32
    %jit3A_57 = arith.constant 0.000000e+00 : f32
    %broadcast_in_dim3A_58 = vector.broadcast %jit3A_56 : f32 to vector<64x128xf32>
    %broadcast_in_dim3A_59 = vector.broadcast %jit3A_57 : f32 to vector<64x128xf32>
    %select_n3A_60 = arith.select %eq3A_55, %broadcast_in_dim3A_58, %broadcast_in_dim3A_59 : vector<64x128xi1>, vector<64x128xf32>
    %convert_element_type3A_61 = arith.truncf %select_n3A_60 : vector<64x128xf32> to vector<64x128xbf16>
    %dot_general3A_62 = arith.constant dense<0.000000e+00> : vector<64x128xf32>
    %dot_general3A_63 = tpu.matmul %convert_element_type3A_61, %convert_element_type3A, %dot_general3A_62 {dimension_numbers = #tpu.dot_dimension_numbers<[1], [0], [0], [1], [0, 0, 1, 1], [], []>, transpose_lhs_hint = false} : vector<64x128xbf16>, vector<128x128xbf16>, vector<64x128xf32> -> vector<64x128xf32>
    %sub3A_64 = arith.constant 1.000000e+00 : f32
    %sub3A_65 = vector.broadcast %sub3A_64 : f32 to vector<64x128xf32>
    %sub3A_66 = arith.subf %dot_general3A_63, %sub3A_65 : vector<64x128xf32>
    %add3A_67 = vector.broadcast %add3A_50 : vector<64x1xf32> to vector<64x128xf32>
    %add3A_68 = arith.addf %sub3A_66, %add3A_67 : vector<64x128xf32>
    %mul3A_69 = arith.mulf %select_n3A_60, %add3A_68 : vector<64x128xf32>
    %reduce_sum3A_70 = arith.constant dense<0.000000e+00> : vector<128xf32>
    %reduce_sum3A_71 = vector.multi_reduction <add>, %mul3A_69, %reduce_sum3A_70 [0] : vector<64x128xf32> to vector<128xf32>
    %broadcast_in_dim3A_72 = vector.shape_cast %reduce_sum3A_71 : vector<128xf32> to vector<1x128xf32>
    %reduce_sum3A_73 = arith.constant dense<0.000000e+00> : vector<64xf32>
    %reduce_sum3A_74 = vector.multi_reduction <add>, %select_n3A_60, %reduce_sum3A_73 [1] : vector<64x128xf32> to vector<64xf32>
    %broadcast_in_dim3A_75 = vector.shape_cast %reduce_sum3A_74 : vector<64xf32> to vector<64x1xf32>
    %add3A_76 = arith.addf %add3A_50, %broadcast_in_dim3A_75 : vector<64x1xf32>
    %get3A_77 = arith.constant 3 : index
    %get3A_78 = arith.constant 0 : index
    %get3A_79 = vector.load %arg0[%get3A_77, %get3A_78] : memref<32x128xi32, #tpu.memory_space<vmem>>, vector<1x128xi32>
    %eq3A_80 = vector.broadcast %get3A_79 : vector<1x128xi32> to vector<64x128xi32>
    %eq3A_81 = arith.cmpi eq, %eq3A_80, %iota3A : vector<64x128xi32>
    %jit3A_82 = arith.constant 1.000000e+00 : f32
    %jit3A_83 = arith.constant 0.000000e+00 : f32
    %broadcast_in_dim3A_84 = vector.broadcast %jit3A_82 : f32 to vector<64x128xf32>
    %broadcast_in_dim3A_85 = vector.broadcast %jit3A_83 : f32 to vector<64x128xf32>
    %select_n3A_86 = arith.select %eq3A_81, %broadcast_in_dim3A_84, %broadcast_in_dim3A_85 : vector<64x128xi1>, vector<64x128xf32>
    %convert_element_type3A_87 = arith.truncf %select_n3A_86 : vector<64x128xf32> to vector<64x128xbf16>
    %dot_general3A_88 = arith.constant dense<0.000000e+00> : vector<64x128xf32>
    %dot_general3A_89 = tpu.matmul %convert_element_type3A_87, %convert_element_type3A, %dot_general3A_88 {dimension_numbers = #tpu.dot_dimension_numbers<[1], [0], [0], [1], [0, 0, 1, 1], [], []>, transpose_lhs_hint = false} : vector<64x128xbf16>, vector<128x128xbf16>, vector<64x128xf32> -> vector<64x128xf32>
    %sub3A_90 = arith.constant 1.000000e+00 : f32
    %sub3A_91 = vector.broadcast %sub3A_90 : f32 to vector<64x128xf32>
    %sub3A_92 = arith.subf %dot_general3A_89, %sub3A_91 : vector<64x128xf32>
    %add3A_93 = vector.broadcast %add3A_76 : vector<64x1xf32> to vector<64x128xf32>
    %add3A_94 = arith.addf %sub3A_92, %add3A_93 : vector<64x128xf32>
    %mul3A_95 = arith.mulf %select_n3A_86, %add3A_94 : vector<64x128xf32>
    %reduce_sum3A_96 = arith.constant dense<0.000000e+00> : vector<128xf32>
    %reduce_sum3A_97 = vector.multi_reduction <add>, %mul3A_95, %reduce_sum3A_96 [0] : vector<64x128xf32> to vector<128xf32>
    %broadcast_in_dim3A_98 = vector.shape_cast %reduce_sum3A_97 : vector<128xf32> to vector<1x128xf32>
    %reduce_sum3A_99 = arith.constant dense<0.000000e+00> : vector<64xf32>
    %reduce_sum3A_100 = vector.multi_reduction <add>, %select_n3A_86, %reduce_sum3A_99 [1] : vector<64x128xf32> to vector<64xf32>
    %broadcast_in_dim3A_101 = vector.shape_cast %reduce_sum3A_100 : vector<64xf32> to vector<64x1xf32>
    %add3A_102 = arith.addf %add3A_76, %broadcast_in_dim3A_101 : vector<64x1xf32>
    %get3A_103 = arith.constant 4 : index
    %get3A_104 = arith.constant 0 : index
    %get3A_105 = vector.load %arg0[%get3A_103, %get3A_104] : memref<32x128xi32, #tpu.memory_space<vmem>>, vector<1x128xi32>
    %eq3A_106 = vector.broadcast %get3A_105 : vector<1x128xi32> to vector<64x128xi32>
    %eq3A_107 = arith.cmpi eq, %eq3A_106, %iota3A : vector<64x128xi32>
    %jit3A_108 = arith.constant 1.000000e+00 : f32
    %jit3A_109 = arith.constant 0.000000e+00 : f32
    %broadcast_in_dim3A_110 = vector.broadcast %jit3A_108 : f32 to vector<64x128xf32>
    %broadcast_in_dim3A_111 = vector.broadcast %jit3A_109 : f32 to vector<64x128xf32>
    %select_n3A_112 = arith.select %eq3A_107, %broadcast_in_dim3A_110, %broadcast_in_dim3A_111 : vector<64x128xi1>, vector<64x128xf32>
    %convert_element_type3A_113 = arith.truncf %select_n3A_112 : vector<64x128xf32> to vector<64x128xbf16>
    %dot_general3A_114 = arith.constant dense<0.000000e+00> : vector<64x128xf32>
    %dot_general3A_115 = tpu.matmul %convert_element_type3A_113, %convert_element_type3A, %dot_general3A_114 {dimension_numbers = #tpu.dot_dimension_numbers<[1], [0], [0], [1], [0, 0, 1, 1], [], []>, transpose_lhs_hint = false} : vector<64x128xbf16>, vector<128x128xbf16>, vector<64x128xf32> -> vector<64x128xf32>
    %sub3A_116 = arith.constant 1.000000e+00 : f32
    %sub3A_117 = vector.broadcast %sub3A_116 : f32 to vector<64x128xf32>
    %sub3A_118 = arith.subf %dot_general3A_115, %sub3A_117 : vector<64x128xf32>
    %add3A_119 = vector.broadcast %add3A_102 : vector<64x1xf32> to vector<64x128xf32>
    %add3A_120 = arith.addf %sub3A_118, %add3A_119 : vector<64x128xf32>
    %mul3A_121 = arith.mulf %select_n3A_112, %add3A_120 : vector<64x128xf32>
    %reduce_sum3A_122 = arith.constant dense<0.000000e+00> : vector<128xf32>
    %reduce_sum3A_123 = vector.multi_reduction <add>, %mul3A_121, %reduce_sum3A_122 [0] : vector<64x128xf32> to vector<128xf32>
    %broadcast_in_dim3A_124 = vector.shape_cast %reduce_sum3A_123 : vector<128xf32> to vector<1x128xf32>
    %reduce_sum3A_125 = arith.constant dense<0.000000e+00> : vector<64xf32>
    %reduce_sum3A_126 = vector.multi_reduction <add>, %select_n3A_112, %reduce_sum3A_125 [1] : vector<64x128xf32> to vector<64xf32>
    %broadcast_in_dim3A_127 = vector.shape_cast %reduce_sum3A_126 : vector<64xf32> to vector<64x1xf32>
    %add3A_128 = arith.addf %add3A_102, %broadcast_in_dim3A_127 : vector<64x1xf32>
    %get3A_129 = arith.constant 5 : index
    %get3A_130 = arith.constant 0 : index
    %get3A_131 = vector.load %arg0[%get3A_129, %get3A_130] : memref<32x128xi32, #tpu.memory_space<vmem>>, vector<1x128xi32>
    %eq3A_132 = vector.broadcast %get3A_131 : vector<1x128xi32> to vector<64x128xi32>
    %eq3A_133 = arith.cmpi eq, %eq3A_132, %iota3A : vector<64x128xi32>
    %jit3A_134 = arith.constant 1.000000e+00 : f32
    %jit3A_135 = arith.constant 0.000000e+00 : f32
    %broadcast_in_dim3A_136 = vector.broadcast %jit3A_134 : f32 to vector<64x128xf32>
    %broadcast_in_dim3A_137 = vector.broadcast %jit3A_135 : f32 to vector<64x128xf32>
    %select_n3A_138 = arith.select %eq3A_133, %broadcast_in_dim3A_136, %broadcast_in_dim3A_137 : vector<64x128xi1>, vector<64x128xf32>
    %convert_element_type3A_139 = arith.truncf %select_n3A_138 : vector<64x128xf32> to vector<64x128xbf16>
    %dot_general3A_140 = arith.constant dense<0.000000e+00> : vector<64x128xf32>
    %dot_general3A_141 = tpu.matmul %convert_element_type3A_139, %convert_element_type3A, %dot_general3A_140 {dimension_numbers = #tpu.dot_dimension_numbers<[1], [0], [0], [1], [0, 0, 1, 1], [], []>, transpose_lhs_hint = false} : vector<64x128xbf16>, vector<128x128xbf16>, vector<64x128xf32> -> vector<64x128xf32>
    %sub3A_142 = arith.constant 1.000000e+00 : f32
    %sub3A_143 = vector.broadcast %sub3A_142 : f32 to vector<64x128xf32>
    %sub3A_144 = arith.subf %dot_general3A_141, %sub3A_143 : vector<64x128xf32>
    %add3A_145 = vector.broadcast %add3A_128 : vector<64x1xf32> to vector<64x128xf32>
    %add3A_146 = arith.addf %sub3A_144, %add3A_145 : vector<64x128xf32>
    %mul3A_147 = arith.mulf %select_n3A_138, %add3A_146 : vector<64x128xf32>
    %reduce_sum3A_148 = arith.constant dense<0.000000e+00> : vector<128xf32>
    %reduce_sum3A_149 = vector.multi_reduction <add>, %mul3A_147, %reduce_sum3A_148 [0] : vector<64x128xf32> to vector<128xf32>
    %broadcast_in_dim3A_150 = vector.shape_cast %reduce_sum3A_149 : vector<128xf32> to vector<1x128xf32>
    %reduce_sum3A_151 = arith.constant dense<0.000000e+00> : vector<64xf32>
    %reduce_sum3A_152 = vector.multi_reduction <add>, %select_n3A_138, %reduce_sum3A_151 [1] : vector<64x128xf32> to vector<64xf32>
    %broadcast_in_dim3A_153 = vector.shape_cast %reduce_sum3A_152 : vector<64xf32> to vector<64x1xf32>
    %add3A_154 = arith.addf %add3A_128, %broadcast_in_dim3A_153 : vector<64x1xf32>
    %get3A_155 = arith.constant 6 : index
    %get3A_156 = arith.constant 0 : index
    %get3A_157 = vector.load %arg0[%get3A_155, %get3A_156] : memref<32x128xi32, #tpu.memory_space<vmem>>, vector<1x128xi32>
    %eq3A_158 = vector.broadcast %get3A_157 : vector<1x128xi32> to vector<64x128xi32>
    %eq3A_159 = arith.cmpi eq, %eq3A_158, %iota3A : vector<64x128xi32>
    %jit3A_160 = arith.constant 1.000000e+00 : f32
    %jit3A_161 = arith.constant 0.000000e+00 : f32
    %broadcast_in_dim3A_162 = vector.broadcast %jit3A_160 : f32 to vector<64x128xf32>
    %broadcast_in_dim3A_163 = vector.broadcast %jit3A_161 : f32 to vector<64x128xf32>
    %select_n3A_164 = arith.select %eq3A_159, %broadcast_in_dim3A_162, %broadcast_in_dim3A_163 : vector<64x128xi1>, vector<64x128xf32>
    %convert_element_type3A_165 = arith.truncf %select_n3A_164 : vector<64x128xf32> to vector<64x128xbf16>
    %dot_general3A_166 = arith.constant dense<0.000000e+00> : vector<64x128xf32>
    %dot_general3A_167 = tpu.matmul %convert_element_type3A_165, %convert_element_type3A, %dot_general3A_166 {dimension_numbers = #tpu.dot_dimension_numbers<[1], [0], [0], [1], [0, 0, 1, 1], [], []>, transpose_lhs_hint = false} : vector<64x128xbf16>, vector<128x128xbf16>, vector<64x128xf32> -> vector<64x128xf32>
    %sub3A_168 = arith.constant 1.000000e+00 : f32
    %sub3A_169 = vector.broadcast %sub3A_168 : f32 to vector<64x128xf32>
    %sub3A_170 = arith.subf %dot_general3A_167, %sub3A_169 : vector<64x128xf32>
    %add3A_171 = vector.broadcast %add3A_154 : vector<64x1xf32> to vector<64x128xf32>
    %add3A_172 = arith.addf %sub3A_170, %add3A_171 : vector<64x128xf32>
    %mul3A_173 = arith.mulf %select_n3A_164, %add3A_172 : vector<64x128xf32>
    %reduce_sum3A_174 = arith.constant dense<0.000000e+00> : vector<128xf32>
    %reduce_sum3A_175 = vector.multi_reduction <add>, %mul3A_173, %reduce_sum3A_174 [0] : vector<64x128xf32> to vector<128xf32>
    %broadcast_in_dim3A_176 = vector.shape_cast %reduce_sum3A_175 : vector<128xf32> to vector<1x128xf32>
    %reduce_sum3A_177 = arith.constant dense<0.000000e+00> : vector<64xf32>
    %reduce_sum3A_178 = vector.multi_reduction <add>, %select_n3A_164, %reduce_sum3A_177 [1] : vector<64x128xf32> to vector<64xf32>
    %broadcast_in_dim3A_179 = vector.shape_cast %reduce_sum3A_178 : vector<64xf32> to vector<64x1xf32>
    %add3A_180 = arith.addf %add3A_154, %broadcast_in_dim3A_179 : vector<64x1xf32>
    %get3A_181 = arith.constant 7 : index
    %get3A_182 = arith.constant 0 : index
    %get3A_183 = vector.load %arg0[%get3A_181, %get3A_182] : memref<32x128xi32, #tpu.memory_space<vmem>>, vector<1x128xi32>
    %eq3A_184 = vector.broadcast %get3A_183 : vector<1x128xi32> to vector<64x128xi32>
    %eq3A_185 = arith.cmpi eq, %eq3A_184, %iota3A : vector<64x128xi32>
    %jit3A_186 = arith.constant 1.000000e+00 : f32
    %jit3A_187 = arith.constant 0.000000e+00 : f32
    %broadcast_in_dim3A_188 = vector.broadcast %jit3A_186 : f32 to vector<64x128xf32>
    %broadcast_in_dim3A_189 = vector.broadcast %jit3A_187 : f32 to vector<64x128xf32>
    %select_n3A_190 = arith.select %eq3A_185, %broadcast_in_dim3A_188, %broadcast_in_dim3A_189 : vector<64x128xi1>, vector<64x128xf32>
    %convert_element_type3A_191 = arith.truncf %select_n3A_190 : vector<64x128xf32> to vector<64x128xbf16>
    %dot_general3A_192 = arith.constant dense<0.000000e+00> : vector<64x128xf32>
    %dot_general3A_193 = tpu.matmul %convert_element_type3A_191, %convert_element_type3A, %dot_general3A_192 {dimension_numbers = #tpu.dot_dimension_numbers<[1], [0], [0], [1], [0, 0, 1, 1], [], []>, transpose_lhs_hint = false} : vector<64x128xbf16>, vector<128x128xbf16>, vector<64x128xf32> -> vector<64x128xf32>
    %sub3A_194 = arith.constant 1.000000e+00 : f32
    %sub3A_195 = vector.broadcast %sub3A_194 : f32 to vector<64x128xf32>
    %sub3A_196 = arith.subf %dot_general3A_193, %sub3A_195 : vector<64x128xf32>
    %add3A_197 = vector.broadcast %add3A_180 : vector<64x1xf32> to vector<64x128xf32>
    %add3A_198 = arith.addf %sub3A_196, %add3A_197 : vector<64x128xf32>
    %mul3A_199 = arith.mulf %select_n3A_190, %add3A_198 : vector<64x128xf32>
    %reduce_sum3A_200 = arith.constant dense<0.000000e+00> : vector<128xf32>
    %reduce_sum3A_201 = vector.multi_reduction <add>, %mul3A_199, %reduce_sum3A_200 [0] : vector<64x128xf32> to vector<128xf32>
    %broadcast_in_dim3A_202 = vector.shape_cast %reduce_sum3A_201 : vector<128xf32> to vector<1x128xf32>
    %reduce_sum3A_203 = arith.constant dense<0.000000e+00> : vector<64xf32>
    %reduce_sum3A_204 = vector.multi_reduction <add>, %select_n3A_190, %reduce_sum3A_203 [1] : vector<64x128xf32> to vector<64xf32>
    %broadcast_in_dim3A_205 = vector.shape_cast %reduce_sum3A_204 : vector<64xf32> to vector<64x1xf32>
    %add3A_206 = arith.addf %add3A_180, %broadcast_in_dim3A_205 : vector<64x1xf32>
    %get3A_207 = arith.constant 8 : index
    %get3A_208 = arith.constant 0 : index
    %get3A_209 = vector.load %arg0[%get3A_207, %get3A_208] : memref<32x128xi32, #tpu.memory_space<vmem>>, vector<1x128xi32>
    %eq3A_210 = vector.broadcast %get3A_209 : vector<1x128xi32> to vector<64x128xi32>
    %eq3A_211 = arith.cmpi eq, %eq3A_210, %iota3A : vector<64x128xi32>
    %jit3A_212 = arith.constant 1.000000e+00 : f32
    %jit3A_213 = arith.constant 0.000000e+00 : f32
    %broadcast_in_dim3A_214 = vector.broadcast %jit3A_212 : f32 to vector<64x128xf32>
    %broadcast_in_dim3A_215 = vector.broadcast %jit3A_213 : f32 to vector<64x128xf32>
    %select_n3A_216 = arith.select %eq3A_211, %broadcast_in_dim3A_214, %broadcast_in_dim3A_215 : vector<64x128xi1>, vector<64x128xf32>
    %convert_element_type3A_217 = arith.truncf %select_n3A_216 : vector<64x128xf32> to vector<64x128xbf16>
    %dot_general3A_218 = arith.constant dense<0.000000e+00> : vector<64x128xf32>
    %dot_general3A_219 = tpu.matmul %convert_element_type3A_217, %convert_element_type3A, %dot_general3A_218 {dimension_numbers = #tpu.dot_dimension_numbers<[1], [0], [0], [1], [0, 0, 1, 1], [], []>, transpose_lhs_hint = false} : vector<64x128xbf16>, vector<128x128xbf16>, vector<64x128xf32> -> vector<64x128xf32>
    %sub3A_220 = arith.constant 1.000000e+00 : f32
    %sub3A_221 = vector.broadcast %sub3A_220 : f32 to vector<64x128xf32>
    %sub3A_222 = arith.subf %dot_general3A_219, %sub3A_221 : vector<64x128xf32>
    %add3A_223 = vector.broadcast %add3A_206 : vector<64x1xf32> to vector<64x128xf32>
    %add3A_224 = arith.addf %sub3A_222, %add3A_223 : vector<64x128xf32>
    %mul3A_225 = arith.mulf %select_n3A_216, %add3A_224 : vector<64x128xf32>
    %reduce_sum3A_226 = arith.constant dense<0.000000e+00> : vector<128xf32>
    %reduce_sum3A_227 = vector.multi_reduction <add>, %mul3A_225, %reduce_sum3A_226 [0] : vector<64x128xf32> to vector<128xf32>
    %broadcast_in_dim3A_228 = vector.shape_cast %reduce_sum3A_227 : vector<128xf32> to vector<1x128xf32>
    %reduce_sum3A_229 = arith.constant dense<0.000000e+00> : vector<64xf32>
    %reduce_sum3A_230 = vector.multi_reduction <add>, %select_n3A_216, %reduce_sum3A_229 [1] : vector<64x128xf32> to vector<64xf32>
    %broadcast_in_dim3A_231 = vector.shape_cast %reduce_sum3A_230 : vector<64xf32> to vector<64x1xf32>
    %add3A_232 = arith.addf %add3A_206, %broadcast_in_dim3A_231 : vector<64x1xf32>
    %get3A_233 = arith.constant 9 : index
    %get3A_234 = arith.constant 0 : index
    %get3A_235 = vector.load %arg0[%get3A_233, %get3A_234] : memref<32x128xi32, #tpu.memory_space<vmem>>, vector<1x128xi32>
    %eq3A_236 = vector.broadcast %get3A_235 : vector<1x128xi32> to vector<64x128xi32>
    %eq3A_237 = arith.cmpi eq, %eq3A_236, %iota3A : vector<64x128xi32>
    %jit3A_238 = arith.constant 1.000000e+00 : f32
    %jit3A_239 = arith.constant 0.000000e+00 : f32
    %broadcast_in_dim3A_240 = vector.broadcast %jit3A_238 : f32 to vector<64x128xf32>
    %broadcast_in_dim3A_241 = vector.broadcast %jit3A_239 : f32 to vector<64x128xf32>
    %select_n3A_242 = arith.select %eq3A_237, %broadcast_in_dim3A_240, %broadcast_in_dim3A_241 : vector<64x128xi1>, vector<64x128xf32>
    %convert_element_type3A_243 = arith.truncf %select_n3A_242 : vector<64x128xf32> to vector<64x128xbf16>
    %dot_general3A_244 = arith.constant dense<0.000000e+00> : vector<64x128xf32>
    %dot_general3A_245 = tpu.matmul %convert_element_type3A_243, %convert_element_type3A, %dot_general3A_244 {dimension_numbers = #tpu.dot_dimension_numbers<[1], [0], [0], [1], [0, 0, 1, 1], [], []>, transpose_lhs_hint = false} : vector<64x128xbf16>, vector<128x128xbf16>, vector<64x128xf32> -> vector<64x128xf32>
    %sub3A_246 = arith.constant 1.000000e+00 : f32
    %sub3A_247 = vector.broadcast %sub3A_246 : f32 to vector<64x128xf32>
    %sub3A_248 = arith.subf %dot_general3A_245, %sub3A_247 : vector<64x128xf32>
    %add3A_249 = vector.broadcast %add3A_232 : vector<64x1xf32> to vector<64x128xf32>
    %add3A_250 = arith.addf %sub3A_248, %add3A_249 : vector<64x128xf32>
    %mul3A_251 = arith.mulf %select_n3A_242, %add3A_250 : vector<64x128xf32>
    %reduce_sum3A_252 = arith.constant dense<0.000000e+00> : vector<128xf32>
    %reduce_sum3A_253 = vector.multi_reduction <add>, %mul3A_251, %reduce_sum3A_252 [0] : vector<64x128xf32> to vector<128xf32>
    %broadcast_in_dim3A_254 = vector.shape_cast %reduce_sum3A_253 : vector<128xf32> to vector<1x128xf32>
    %reduce_sum3A_255 = arith.constant dense<0.000000e+00> : vector<64xf32>
    %reduce_sum3A_256 = vector.multi_reduction <add>, %select_n3A_242, %reduce_sum3A_255 [1] : vector<64x128xf32> to vector<64xf32>
    %broadcast_in_dim3A_257 = vector.shape_cast %reduce_sum3A_256 : vector<64xf32> to vector<64x1xf32>
    %add3A_258 = arith.addf %add3A_232, %broadcast_in_dim3A_257 : vector<64x1xf32>
    %get3A_259 = arith.constant 10 : index
    %get3A_260 = arith.constant 0 : index
    %get3A_261 = vector.load %arg0[%get3A_259, %get3A_260] : memref<32x128xi32, #tpu.memory_space<vmem>>, vector<1x128xi32>
    %eq3A_262 = vector.broadcast %get3A_261 : vector<1x128xi32> to vector<64x128xi32>
    %eq3A_263 = arith.cmpi eq, %eq3A_262, %iota3A : vector<64x128xi32>
    %jit3A_264 = arith.constant 1.000000e+00 : f32
    %jit3A_265 = arith.constant 0.000000e+00 : f32
    %broadcast_in_dim3A_266 = vector.broadcast %jit3A_264 : f32 to vector<64x128xf32>
    %broadcast_in_dim3A_267 = vector.broadcast %jit3A_265 : f32 to vector<64x128xf32>
    %select_n3A_268 = arith.select %eq3A_263, %broadcast_in_dim3A_266, %broadcast_in_dim3A_267 : vector<64x128xi1>, vector<64x128xf32>
    %convert_element_type3A_269 = arith.truncf %select_n3A_268 : vector<64x128xf32> to vector<64x128xbf16>
    %dot_general3A_270 = arith.constant dense<0.000000e+00> : vector<64x128xf32>
    %dot_general3A_271 = tpu.matmul %convert_element_type3A_269, %convert_element_type3A, %dot_general3A_270 {dimension_numbers = #tpu.dot_dimension_numbers<[1], [0], [0], [1], [0, 0, 1, 1], [], []>, transpose_lhs_hint = false} : vector<64x128xbf16>, vector<128x128xbf16>, vector<64x128xf32> -> vector<64x128xf32>
    %sub3A_272 = arith.constant 1.000000e+00 : f32
    %sub3A_273 = vector.broadcast %sub3A_272 : f32 to vector<64x128xf32>
    %sub3A_274 = arith.subf %dot_general3A_271, %sub3A_273 : vector<64x128xf32>
    %add3A_275 = vector.broadcast %add3A_258 : vector<64x1xf32> to vector<64x128xf32>
    %add3A_276 = arith.addf %sub3A_274, %add3A_275 : vector<64x128xf32>
    %mul3A_277 = arith.mulf %select_n3A_268, %add3A_276 : vector<64x128xf32>
    %reduce_sum3A_278 = arith.constant dense<0.000000e+00> : vector<128xf32>
    %reduce_sum3A_279 = vector.multi_reduction <add>, %mul3A_277, %reduce_sum3A_278 [0] : vector<64x128xf32> to vector<128xf32>
    %broadcast_in_dim3A_280 = vector.shape_cast %reduce_sum3A_279 : vector<128xf32> to vector<1x128xf32>
    %reduce_sum3A_281 = arith.constant dense<0.000000e+00> : vector<64xf32>
    %reduce_sum3A_282 = vector.multi_reduction <add>, %select_n3A_268, %reduce_sum3A_281 [1] : vector<64x128xf32> to vector<64xf32>
    %broadcast_in_dim3A_283 = vector.shape_cast %reduce_sum3A_282 : vector<64xf32> to vector<64x1xf32>
    %add3A_284 = arith.addf %add3A_258, %broadcast_in_dim3A_283 : vector<64x1xf32>
    %get3A_285 = arith.constant 11 : index
    %get3A_286 = arith.constant 0 : index
    %get3A_287 = vector.load %arg0[%get3A_285, %get3A_286] : memref<32x128xi32, #tpu.memory_space<vmem>>, vector<1x128xi32>
    %eq3A_288 = vector.broadcast %get3A_287 : vector<1x128xi32> to vector<64x128xi32>
    %eq3A_289 = arith.cmpi eq, %eq3A_288, %iota3A : vector<64x128xi32>
    %jit3A_290 = arith.constant 1.000000e+00 : f32
    %jit3A_291 = arith.constant 0.000000e+00 : f32
    %broadcast_in_dim3A_292 = vector.broadcast %jit3A_290 : f32 to vector<64x128xf32>
    %broadcast_in_dim3A_293 = vector.broadcast %jit3A_291 : f32 to vector<64x128xf32>
    %select_n3A_294 = arith.select %eq3A_289, %broadcast_in_dim3A_292, %broadcast_in_dim3A_293 : vector<64x128xi1>, vector<64x128xf32>
    %convert_element_type3A_295 = arith.truncf %select_n3A_294 : vector<64x128xf32> to vector<64x128xbf16>
    %dot_general3A_296 = arith.constant dense<0.000000e+00> : vector<64x128xf32>
    %dot_general3A_297 = tpu.matmul %convert_element_type3A_295, %convert_element_type3A, %dot_general3A_296 {dimension_numbers = #tpu.dot_dimension_numbers<[1], [0], [0], [1], [0, 0, 1, 1], [], []>, transpose_lhs_hint = false} : vector<64x128xbf16>, vector<128x128xbf16>, vector<64x128xf32> -> vector<64x128xf32>
    %sub3A_298 = arith.constant 1.000000e+00 : f32
    %sub3A_299 = vector.broadcast %sub3A_298 : f32 to vector<64x128xf32>
    %sub3A_300 = arith.subf %dot_general3A_297, %sub3A_299 : vector<64x128xf32>
    %add3A_301 = vector.broadcast %add3A_284 : vector<64x1xf32> to vector<64x128xf32>
    %add3A_302 = arith.addf %sub3A_300, %add3A_301 : vector<64x128xf32>
    %mul3A_303 = arith.mulf %select_n3A_294, %add3A_302 : vector<64x128xf32>
    %reduce_sum3A_304 = arith.constant dense<0.000000e+00> : vector<128xf32>
    %reduce_sum3A_305 = vector.multi_reduction <add>, %mul3A_303, %reduce_sum3A_304 [0] : vector<64x128xf32> to vector<128xf32>
    %broadcast_in_dim3A_306 = vector.shape_cast %reduce_sum3A_305 : vector<128xf32> to vector<1x128xf32>
    %reduce_sum3A_307 = arith.constant dense<0.000000e+00> : vector<64xf32>
    %reduce_sum3A_308 = vector.multi_reduction <add>, %select_n3A_294, %reduce_sum3A_307 [1] : vector<64x128xf32> to vector<64xf32>
    %broadcast_in_dim3A_309 = vector.shape_cast %reduce_sum3A_308 : vector<64xf32> to vector<64x1xf32>
    %add3A_310 = arith.addf %add3A_284, %broadcast_in_dim3A_309 : vector<64x1xf32>
    %get3A_311 = arith.constant 12 : index
    %get3A_312 = arith.constant 0 : index
    %get3A_313 = vector.load %arg0[%get3A_311, %get3A_312] : memref<32x128xi32, #tpu.memory_space<vmem>>, vector<1x128xi32>
    %eq3A_314 = vector.broadcast %get3A_313 : vector<1x128xi32> to vector<64x128xi32>
    %eq3A_315 = arith.cmpi eq, %eq3A_314, %iota3A : vector<64x128xi32>
    %jit3A_316 = arith.constant 1.000000e+00 : f32
    %jit3A_317 = arith.constant 0.000000e+00 : f32
    %broadcast_in_dim3A_318 = vector.broadcast %jit3A_316 : f32 to vector<64x128xf32>
    %broadcast_in_dim3A_319 = vector.broadcast %jit3A_317 : f32 to vector<64x128xf32>
    %select_n3A_320 = arith.select %eq3A_315, %broadcast_in_dim3A_318, %broadcast_in_dim3A_319 : vector<64x128xi1>, vector<64x128xf32>
    %convert_element_type3A_321 = arith.truncf %select_n3A_320 : vector<64x128xf32> to vector<64x128xbf16>
    %dot_general3A_322 = arith.constant dense<0.000000e+00> : vector<64x128xf32>
    %dot_general3A_323 = tpu.matmul %convert_element_type3A_321, %convert_element_type3A, %dot_general3A_322 {dimension_numbers = #tpu.dot_dimension_numbers<[1], [0], [0], [1], [0, 0, 1, 1], [], []>, transpose_lhs_hint = false} : vector<64x128xbf16>, vector<128x128xbf16>, vector<64x128xf32> -> vector<64x128xf32>
    %sub3A_324 = arith.constant 1.000000e+00 : f32
    %sub3A_325 = vector.broadcast %sub3A_324 : f32 to vector<64x128xf32>
    %sub3A_326 = arith.subf %dot_general3A_323, %sub3A_325 : vector<64x128xf32>
    %add3A_327 = vector.broadcast %add3A_310 : vector<64x1xf32> to vector<64x128xf32>
    %add3A_328 = arith.addf %sub3A_326, %add3A_327 : vector<64x128xf32>
    %mul3A_329 = arith.mulf %select_n3A_320, %add3A_328 : vector<64x128xf32>
    %reduce_sum3A_330 = arith.constant dense<0.000000e+00> : vector<128xf32>
    %reduce_sum3A_331 = vector.multi_reduction <add>, %mul3A_329, %reduce_sum3A_330 [0] : vector<64x128xf32> to vector<128xf32>
    %broadcast_in_dim3A_332 = vector.shape_cast %reduce_sum3A_331 : vector<128xf32> to vector<1x128xf32>
    %reduce_sum3A_333 = arith.constant dense<0.000000e+00> : vector<64xf32>
    %reduce_sum3A_334 = vector.multi_reduction <add>, %select_n3A_320, %reduce_sum3A_333 [1] : vector<64x128xf32> to vector<64xf32>
    %broadcast_in_dim3A_335 = vector.shape_cast %reduce_sum3A_334 : vector<64xf32> to vector<64x1xf32>
    %add3A_336 = arith.addf %add3A_310, %broadcast_in_dim3A_335 : vector<64x1xf32>
    %get3A_337 = arith.constant 13 : index
    %get3A_338 = arith.constant 0 : index
    %get3A_339 = vector.load %arg0[%get3A_337, %get3A_338] : memref<32x128xi32, #tpu.memory_space<vmem>>, vector<1x128xi32>
    %eq3A_340 = vector.broadcast %get3A_339 : vector<1x128xi32> to vector<64x128xi32>
    %eq3A_341 = arith.cmpi eq, %eq3A_340, %iota3A : vector<64x128xi32>
    %jit3A_342 = arith.constant 1.000000e+00 : f32
    %jit3A_343 = arith.constant 0.000000e+00 : f32
    %broadcast_in_dim3A_344 = vector.broadcast %jit3A_342 : f32 to vector<64x128xf32>
    %broadcast_in_dim3A_345 = vector.broadcast %jit3A_343 : f32 to vector<64x128xf32>
    %select_n3A_346 = arith.select %eq3A_341, %broadcast_in_dim3A_344, %broadcast_in_dim3A_345 : vector<64x128xi1>, vector<64x128xf32>
    %convert_element_type3A_347 = arith.truncf %select_n3A_346 : vector<64x128xf32> to vector<64x128xbf16>
    %dot_general3A_348 = arith.constant dense<0.000000e+00> : vector<64x128xf32>
    %dot_general3A_349 = tpu.matmul %convert_element_type3A_347, %convert_element_type3A, %dot_general3A_348 {dimension_numbers = #tpu.dot_dimension_numbers<[1], [0], [0], [1], [0, 0, 1, 1], [], []>, transpose_lhs_hint = false} : vector<64x128xbf16>, vector<128x128xbf16>, vector<64x128xf32> -> vector<64x128xf32>
    %sub3A_350 = arith.constant 1.000000e+00 : f32
    %sub3A_351 = vector.broadcast %sub3A_350 : f32 to vector<64x128xf32>
    %sub3A_352 = arith.subf %dot_general3A_349, %sub3A_351 : vector<64x128xf32>
    %add3A_353 = vector.broadcast %add3A_336 : vector<64x1xf32> to vector<64x128xf32>
    %add3A_354 = arith.addf %sub3A_352, %add3A_353 : vector<64x128xf32>
    %mul3A_355 = arith.mulf %select_n3A_346, %add3A_354 : vector<64x128xf32>
    %reduce_sum3A_356 = arith.constant dense<0.000000e+00> : vector<128xf32>
    %reduce_sum3A_357 = vector.multi_reduction <add>, %mul3A_355, %reduce_sum3A_356 [0] : vector<64x128xf32> to vector<128xf32>
    %broadcast_in_dim3A_358 = vector.shape_cast %reduce_sum3A_357 : vector<128xf32> to vector<1x128xf32>
    %reduce_sum3A_359 = arith.constant dense<0.000000e+00> : vector<64xf32>
    %reduce_sum3A_360 = vector.multi_reduction <add>, %select_n3A_346, %reduce_sum3A_359 [1] : vector<64x128xf32> to vector<64xf32>
    %broadcast_in_dim3A_361 = vector.shape_cast %reduce_sum3A_360 : vector<64xf32> to vector<64x1xf32>
    %add3A_362 = arith.addf %add3A_336, %broadcast_in_dim3A_361 : vector<64x1xf32>
    %get3A_363 = arith.constant 14 : index
    %get3A_364 = arith.constant 0 : index
    %get3A_365 = vector.load %arg0[%get3A_363, %get3A_364] : memref<32x128xi32, #tpu.memory_space<vmem>>, vector<1x128xi32>
    %eq3A_366 = vector.broadcast %get3A_365 : vector<1x128xi32> to vector<64x128xi32>
    %eq3A_367 = arith.cmpi eq, %eq3A_366, %iota3A : vector<64x128xi32>
    %jit3A_368 = arith.constant 1.000000e+00 : f32
    %jit3A_369 = arith.constant 0.000000e+00 : f32
    %broadcast_in_dim3A_370 = vector.broadcast %jit3A_368 : f32 to vector<64x128xf32>
    %broadcast_in_dim3A_371 = vector.broadcast %jit3A_369 : f32 to vector<64x128xf32>
    %select_n3A_372 = arith.select %eq3A_367, %broadcast_in_dim3A_370, %broadcast_in_dim3A_371 : vector<64x128xi1>, vector<64x128xf32>
    %convert_element_type3A_373 = arith.truncf %select_n3A_372 : vector<64x128xf32> to vector<64x128xbf16>
    %dot_general3A_374 = arith.constant dense<0.000000e+00> : vector<64x128xf32>
    %dot_general3A_375 = tpu.matmul %convert_element_type3A_373, %convert_element_type3A, %dot_general3A_374 {dimension_numbers = #tpu.dot_dimension_numbers<[1], [0], [0], [1], [0, 0, 1, 1], [], []>, transpose_lhs_hint = false} : vector<64x128xbf16>, vector<128x128xbf16>, vector<64x128xf32> -> vector<64x128xf32>
    %sub3A_376 = arith.constant 1.000000e+00 : f32
    %sub3A_377 = vector.broadcast %sub3A_376 : f32 to vector<64x128xf32>
    %sub3A_378 = arith.subf %dot_general3A_375, %sub3A_377 : vector<64x128xf32>
    %add3A_379 = vector.broadcast %add3A_362 : vector<64x1xf32> to vector<64x128xf32>
    %add3A_380 = arith.addf %sub3A_378, %add3A_379 : vector<64x128xf32>
    %mul3A_381 = arith.mulf %select_n3A_372, %add3A_380 : vector<64x128xf32>
    %reduce_sum3A_382 = arith.constant dense<0.000000e+00> : vector<128xf32>
    %reduce_sum3A_383 = vector.multi_reduction <add>, %mul3A_381, %reduce_sum3A_382 [0] : vector<64x128xf32> to vector<128xf32>
    %broadcast_in_dim3A_384 = vector.shape_cast %reduce_sum3A_383 : vector<128xf32> to vector<1x128xf32>
    %reduce_sum3A_385 = arith.constant dense<0.000000e+00> : vector<64xf32>
    %reduce_sum3A_386 = vector.multi_reduction <add>, %select_n3A_372, %reduce_sum3A_385 [1] : vector<64x128xf32> to vector<64xf32>
    %broadcast_in_dim3A_387 = vector.shape_cast %reduce_sum3A_386 : vector<64xf32> to vector<64x1xf32>
    %add3A_388 = arith.addf %add3A_362, %broadcast_in_dim3A_387 : vector<64x1xf32>
    %get3A_389 = arith.constant 15 : index
    %get3A_390 = arith.constant 0 : index
    %get3A_391 = vector.load %arg0[%get3A_389, %get3A_390] : memref<32x128xi32, #tpu.memory_space<vmem>>, vector<1x128xi32>
    %eq3A_392 = vector.broadcast %get3A_391 : vector<1x128xi32> to vector<64x128xi32>
    %eq3A_393 = arith.cmpi eq, %eq3A_392, %iota3A : vector<64x128xi32>
    %jit3A_394 = arith.constant 1.000000e+00 : f32
    %jit3A_395 = arith.constant 0.000000e+00 : f32
    %broadcast_in_dim3A_396 = vector.broadcast %jit3A_394 : f32 to vector<64x128xf32>
    %broadcast_in_dim3A_397 = vector.broadcast %jit3A_395 : f32 to vector<64x128xf32>
    %select_n3A_398 = arith.select %eq3A_393, %broadcast_in_dim3A_396, %broadcast_in_dim3A_397 : vector<64x128xi1>, vector<64x128xf32>
    %convert_element_type3A_399 = arith.truncf %select_n3A_398 : vector<64x128xf32> to vector<64x128xbf16>
    %dot_general3A_400 = arith.constant dense<0.000000e+00> : vector<64x128xf32>
    %dot_general3A_401 = tpu.matmul %convert_element_type3A_399, %convert_element_type3A, %dot_general3A_400 {dimension_numbers = #tpu.dot_dimension_numbers<[1], [0], [0], [1], [0, 0, 1, 1], [], []>, transpose_lhs_hint = false} : vector<64x128xbf16>, vector<128x128xbf16>, vector<64x128xf32> -> vector<64x128xf32>
    %sub3A_402 = arith.constant 1.000000e+00 : f32
    %sub3A_403 = vector.broadcast %sub3A_402 : f32 to vector<64x128xf32>
    %sub3A_404 = arith.subf %dot_general3A_401, %sub3A_403 : vector<64x128xf32>
    %add3A_405 = vector.broadcast %add3A_388 : vector<64x1xf32> to vector<64x128xf32>
    %add3A_406 = arith.addf %sub3A_404, %add3A_405 : vector<64x128xf32>
    %mul3A_407 = arith.mulf %select_n3A_398, %add3A_406 : vector<64x128xf32>
    %reduce_sum3A_408 = arith.constant dense<0.000000e+00> : vector<128xf32>
    %reduce_sum3A_409 = vector.multi_reduction <add>, %mul3A_407, %reduce_sum3A_408 [0] : vector<64x128xf32> to vector<128xf32>
    %broadcast_in_dim3A_410 = vector.shape_cast %reduce_sum3A_409 : vector<128xf32> to vector<1x128xf32>
    %reduce_sum3A_411 = arith.constant dense<0.000000e+00> : vector<64xf32>
    %reduce_sum3A_412 = vector.multi_reduction <add>, %select_n3A_398, %reduce_sum3A_411 [1] : vector<64x128xf32> to vector<64xf32>
    %broadcast_in_dim3A_413 = vector.shape_cast %reduce_sum3A_412 : vector<64xf32> to vector<64x1xf32>
    %add3A_414 = arith.addf %add3A_388, %broadcast_in_dim3A_413 : vector<64x1xf32>
    %get3A_415 = arith.constant 16 : index
    %get3A_416 = arith.constant 0 : index
    %get3A_417 = vector.load %arg0[%get3A_415, %get3A_416] : memref<32x128xi32, #tpu.memory_space<vmem>>, vector<1x128xi32>
    %eq3A_418 = vector.broadcast %get3A_417 : vector<1x128xi32> to vector<64x128xi32>
    %eq3A_419 = arith.cmpi eq, %eq3A_418, %iota3A : vector<64x128xi32>
    %jit3A_420 = arith.constant 1.000000e+00 : f32
    %jit3A_421 = arith.constant 0.000000e+00 : f32
    %broadcast_in_dim3A_422 = vector.broadcast %jit3A_420 : f32 to vector<64x128xf32>
    %broadcast_in_dim3A_423 = vector.broadcast %jit3A_421 : f32 to vector<64x128xf32>
    %select_n3A_424 = arith.select %eq3A_419, %broadcast_in_dim3A_422, %broadcast_in_dim3A_423 : vector<64x128xi1>, vector<64x128xf32>
    %convert_element_type3A_425 = arith.truncf %select_n3A_424 : vector<64x128xf32> to vector<64x128xbf16>
    %dot_general3A_426 = arith.constant dense<0.000000e+00> : vector<64x128xf32>
    %dot_general3A_427 = tpu.matmul %convert_element_type3A_425, %convert_element_type3A, %dot_general3A_426 {dimension_numbers = #tpu.dot_dimension_numbers<[1], [0], [0], [1], [0, 0, 1, 1], [], []>, transpose_lhs_hint = false} : vector<64x128xbf16>, vector<128x128xbf16>, vector<64x128xf32> -> vector<64x128xf32>
    %sub3A_428 = arith.constant 1.000000e+00 : f32
    %sub3A_429 = vector.broadcast %sub3A_428 : f32 to vector<64x128xf32>
    %sub3A_430 = arith.subf %dot_general3A_427, %sub3A_429 : vector<64x128xf32>
    %add3A_431 = vector.broadcast %add3A_414 : vector<64x1xf32> to vector<64x128xf32>
    %add3A_432 = arith.addf %sub3A_430, %add3A_431 : vector<64x128xf32>
    %mul3A_433 = arith.mulf %select_n3A_424, %add3A_432 : vector<64x128xf32>
    %reduce_sum3A_434 = arith.constant dense<0.000000e+00> : vector<128xf32>
    %reduce_sum3A_435 = vector.multi_reduction <add>, %mul3A_433, %reduce_sum3A_434 [0] : vector<64x128xf32> to vector<128xf32>
    %broadcast_in_dim3A_436 = vector.shape_cast %reduce_sum3A_435 : vector<128xf32> to vector<1x128xf32>
    %reduce_sum3A_437 = arith.constant dense<0.000000e+00> : vector<64xf32>
    %reduce_sum3A_438 = vector.multi_reduction <add>, %select_n3A_424, %reduce_sum3A_437 [1] : vector<64x128xf32> to vector<64xf32>
    %broadcast_in_dim3A_439 = vector.shape_cast %reduce_sum3A_438 : vector<64xf32> to vector<64x1xf32>
    %add3A_440 = arith.addf %add3A_414, %broadcast_in_dim3A_439 : vector<64x1xf32>
    %get3A_441 = arith.constant 17 : index
    %get3A_442 = arith.constant 0 : index
    %get3A_443 = vector.load %arg0[%get3A_441, %get3A_442] : memref<32x128xi32, #tpu.memory_space<vmem>>, vector<1x128xi32>
    %eq3A_444 = vector.broadcast %get3A_443 : vector<1x128xi32> to vector<64x128xi32>
    %eq3A_445 = arith.cmpi eq, %eq3A_444, %iota3A : vector<64x128xi32>
    %jit3A_446 = arith.constant 1.000000e+00 : f32
    %jit3A_447 = arith.constant 0.000000e+00 : f32
    %broadcast_in_dim3A_448 = vector.broadcast %jit3A_446 : f32 to vector<64x128xf32>
    %broadcast_in_dim3A_449 = vector.broadcast %jit3A_447 : f32 to vector<64x128xf32>
    %select_n3A_450 = arith.select %eq3A_445, %broadcast_in_dim3A_448, %broadcast_in_dim3A_449 : vector<64x128xi1>, vector<64x128xf32>
    %convert_element_type3A_451 = arith.truncf %select_n3A_450 : vector<64x128xf32> to vector<64x128xbf16>
    %dot_general3A_452 = arith.constant dense<0.000000e+00> : vector<64x128xf32>
    %dot_general3A_453 = tpu.matmul %convert_element_type3A_451, %convert_element_type3A, %dot_general3A_452 {dimension_numbers = #tpu.dot_dimension_numbers<[1], [0], [0], [1], [0, 0, 1, 1], [], []>, transpose_lhs_hint = false} : vector<64x128xbf16>, vector<128x128xbf16>, vector<64x128xf32> -> vector<64x128xf32>
    %sub3A_454 = arith.constant 1.000000e+00 : f32
    %sub3A_455 = vector.broadcast %sub3A_454 : f32 to vector<64x128xf32>
    %sub3A_456 = arith.subf %dot_general3A_453, %sub3A_455 : vector<64x128xf32>
    %add3A_457 = vector.broadcast %add3A_440 : vector<64x1xf32> to vector<64x128xf32>
    %add3A_458 = arith.addf %sub3A_456, %add3A_457 : vector<64x128xf32>
    %mul3A_459 = arith.mulf %select_n3A_450, %add3A_458 : vector<64x128xf32>
    %reduce_sum3A_460 = arith.constant dense<0.000000e+00> : vector<128xf32>
    %reduce_sum3A_461 = vector.multi_reduction <add>, %mul3A_459, %reduce_sum3A_460 [0] : vector<64x128xf32> to vector<128xf32>
    %broadcast_in_dim3A_462 = vector.shape_cast %reduce_sum3A_461 : vector<128xf32> to vector<1x128xf32>
    %reduce_sum3A_463 = arith.constant dense<0.000000e+00> : vector<64xf32>
    %reduce_sum3A_464 = vector.multi_reduction <add>, %select_n3A_450, %reduce_sum3A_463 [1] : vector<64x128xf32> to vector<64xf32>
    %broadcast_in_dim3A_465 = vector.shape_cast %reduce_sum3A_464 : vector<64xf32> to vector<64x1xf32>
    %add3A_466 = arith.addf %add3A_440, %broadcast_in_dim3A_465 : vector<64x1xf32>
    %get3A_467 = arith.constant 18 : index
    %get3A_468 = arith.constant 0 : index
    %get3A_469 = vector.load %arg0[%get3A_467, %get3A_468] : memref<32x128xi32, #tpu.memory_space<vmem>>, vector<1x128xi32>
    %eq3A_470 = vector.broadcast %get3A_469 : vector<1x128xi32> to vector<64x128xi32>
    %eq3A_471 = arith.cmpi eq, %eq3A_470, %iota3A : vector<64x128xi32>
    %jit3A_472 = arith.constant 1.000000e+00 : f32
    %jit3A_473 = arith.constant 0.000000e+00 : f32
    %broadcast_in_dim3A_474 = vector.broadcast %jit3A_472 : f32 to vector<64x128xf32>
    %broadcast_in_dim3A_475 = vector.broadcast %jit3A_473 : f32 to vector<64x128xf32>
    %select_n3A_476 = arith.select %eq3A_471, %broadcast_in_dim3A_474, %broadcast_in_dim3A_475 : vector<64x128xi1>, vector<64x128xf32>
    %convert_element_type3A_477 = arith.truncf %select_n3A_476 : vector<64x128xf32> to vector<64x128xbf16>
    %dot_general3A_478 = arith.constant dense<0.000000e+00> : vector<64x128xf32>
    %dot_general3A_479 = tpu.matmul %convert_element_type3A_477, %convert_element_type3A, %dot_general3A_478 {dimension_numbers = #tpu.dot_dimension_numbers<[1], [0], [0], [1], [0, 0, 1, 1], [], []>, transpose_lhs_hint = false} : vector<64x128xbf16>, vector<128x128xbf16>, vector<64x128xf32> -> vector<64x128xf32>
    %sub3A_480 = arith.constant 1.000000e+00 : f32
    %sub3A_481 = vector.broadcast %sub3A_480 : f32 to vector<64x128xf32>
    %sub3A_482 = arith.subf %dot_general3A_479, %sub3A_481 : vector<64x128xf32>
    %add3A_483 = vector.broadcast %add3A_466 : vector<64x1xf32> to vector<64x128xf32>
    %add3A_484 = arith.addf %sub3A_482, %add3A_483 : vector<64x128xf32>
    %mul3A_485 = arith.mulf %select_n3A_476, %add3A_484 : vector<64x128xf32>
    %reduce_sum3A_486 = arith.constant dense<0.000000e+00> : vector<128xf32>
    %reduce_sum3A_487 = vector.multi_reduction <add>, %mul3A_485, %reduce_sum3A_486 [0] : vector<64x128xf32> to vector<128xf32>
    %broadcast_in_dim3A_488 = vector.shape_cast %reduce_sum3A_487 : vector<128xf32> to vector<1x128xf32>
    %reduce_sum3A_489 = arith.constant dense<0.000000e+00> : vector<64xf32>
    %reduce_sum3A_490 = vector.multi_reduction <add>, %select_n3A_476, %reduce_sum3A_489 [1] : vector<64x128xf32> to vector<64xf32>
    %broadcast_in_dim3A_491 = vector.shape_cast %reduce_sum3A_490 : vector<64xf32> to vector<64x1xf32>
    %add3A_492 = arith.addf %add3A_466, %broadcast_in_dim3A_491 : vector<64x1xf32>
    %get3A_493 = arith.constant 19 : index
    %get3A_494 = arith.constant 0 : index
    %get3A_495 = vector.load %arg0[%get3A_493, %get3A_494] : memref<32x128xi32, #tpu.memory_space<vmem>>, vector<1x128xi32>
    %eq3A_496 = vector.broadcast %get3A_495 : vector<1x128xi32> to vector<64x128xi32>
    %eq3A_497 = arith.cmpi eq, %eq3A_496, %iota3A : vector<64x128xi32>
    %jit3A_498 = arith.constant 1.000000e+00 : f32
    %jit3A_499 = arith.constant 0.000000e+00 : f32
    %broadcast_in_dim3A_500 = vector.broadcast %jit3A_498 : f32 to vector<64x128xf32>
    %broadcast_in_dim3A_501 = vector.broadcast %jit3A_499 : f32 to vector<64x128xf32>
    %select_n3A_502 = arith.select %eq3A_497, %broadcast_in_dim3A_500, %broadcast_in_dim3A_501 : vector<64x128xi1>, vector<64x128xf32>
    %convert_element_type3A_503 = arith.truncf %select_n3A_502 : vector<64x128xf32> to vector<64x128xbf16>
    %dot_general3A_504 = arith.constant dense<0.000000e+00> : vector<64x128xf32>
    %dot_general3A_505 = tpu.matmul %convert_element_type3A_503, %convert_element_type3A, %dot_general3A_504 {dimension_numbers = #tpu.dot_dimension_numbers<[1], [0], [0], [1], [0, 0, 1, 1], [], []>, transpose_lhs_hint = false} : vector<64x128xbf16>, vector<128x128xbf16>, vector<64x128xf32> -> vector<64x128xf32>
    %sub3A_506 = arith.constant 1.000000e+00 : f32
    %sub3A_507 = vector.broadcast %sub3A_506 : f32 to vector<64x128xf32>
    %sub3A_508 = arith.subf %dot_general3A_505, %sub3A_507 : vector<64x128xf32>
    %add3A_509 = vector.broadcast %add3A_492 : vector<64x1xf32> to vector<64x128xf32>
    %add3A_510 = arith.addf %sub3A_508, %add3A_509 : vector<64x128xf32>
    %mul3A_511 = arith.mulf %select_n3A_502, %add3A_510 : vector<64x128xf32>
    %reduce_sum3A_512 = arith.constant dense<0.000000e+00> : vector<128xf32>
    %reduce_sum3A_513 = vector.multi_reduction <add>, %mul3A_511, %reduce_sum3A_512 [0] : vector<64x128xf32> to vector<128xf32>
    %broadcast_in_dim3A_514 = vector.shape_cast %reduce_sum3A_513 : vector<128xf32> to vector<1x128xf32>
    %reduce_sum3A_515 = arith.constant dense<0.000000e+00> : vector<64xf32>
    %reduce_sum3A_516 = vector.multi_reduction <add>, %select_n3A_502, %reduce_sum3A_515 [1] : vector<64x128xf32> to vector<64xf32>
    %broadcast_in_dim3A_517 = vector.shape_cast %reduce_sum3A_516 : vector<64xf32> to vector<64x1xf32>
    %add3A_518 = arith.addf %add3A_492, %broadcast_in_dim3A_517 : vector<64x1xf32>
    %get3A_519 = arith.constant 20 : index
    %get3A_520 = arith.constant 0 : index
    %get3A_521 = vector.load %arg0[%get3A_519, %get3A_520] : memref<32x128xi32, #tpu.memory_space<vmem>>, vector<1x128xi32>
    %eq3A_522 = vector.broadcast %get3A_521 : vector<1x128xi32> to vector<64x128xi32>
    %eq3A_523 = arith.cmpi eq, %eq3A_522, %iota3A : vector<64x128xi32>
    %jit3A_524 = arith.constant 1.000000e+00 : f32
    %jit3A_525 = arith.constant 0.000000e+00 : f32
    %broadcast_in_dim3A_526 = vector.broadcast %jit3A_524 : f32 to vector<64x128xf32>
    %broadcast_in_dim3A_527 = vector.broadcast %jit3A_525 : f32 to vector<64x128xf32>
    %select_n3A_528 = arith.select %eq3A_523, %broadcast_in_dim3A_526, %broadcast_in_dim3A_527 : vector<64x128xi1>, vector<64x128xf32>
    %convert_element_type3A_529 = arith.truncf %select_n3A_528 : vector<64x128xf32> to vector<64x128xbf16>
    %dot_general3A_530 = arith.constant dense<0.000000e+00> : vector<64x128xf32>
    %dot_general3A_531 = tpu.matmul %convert_element_type3A_529, %convert_element_type3A, %dot_general3A_530 {dimension_numbers = #tpu.dot_dimension_numbers<[1], [0], [0], [1], [0, 0, 1, 1], [], []>, transpose_lhs_hint = false} : vector<64x128xbf16>, vector<128x128xbf16>, vector<64x128xf32> -> vector<64x128xf32>
    %sub3A_532 = arith.constant 1.000000e+00 : f32
    %sub3A_533 = vector.broadcast %sub3A_532 : f32 to vector<64x128xf32>
    %sub3A_534 = arith.subf %dot_general3A_531, %sub3A_533 : vector<64x128xf32>
    %add3A_535 = vector.broadcast %add3A_518 : vector<64x1xf32> to vector<64x128xf32>
    %add3A_536 = arith.addf %sub3A_534, %add3A_535 : vector<64x128xf32>
    %mul3A_537 = arith.mulf %select_n3A_528, %add3A_536 : vector<64x128xf32>
    %reduce_sum3A_538 = arith.constant dense<0.000000e+00> : vector<128xf32>
    %reduce_sum3A_539 = vector.multi_reduction <add>, %mul3A_537, %reduce_sum3A_538 [0] : vector<64x128xf32> to vector<128xf32>
    %broadcast_in_dim3A_540 = vector.shape_cast %reduce_sum3A_539 : vector<128xf32> to vector<1x128xf32>
    %reduce_sum3A_541 = arith.constant dense<0.000000e+00> : vector<64xf32>
    %reduce_sum3A_542 = vector.multi_reduction <add>, %select_n3A_528, %reduce_sum3A_541 [1] : vector<64x128xf32> to vector<64xf32>
    %broadcast_in_dim3A_543 = vector.shape_cast %reduce_sum3A_542 : vector<64xf32> to vector<64x1xf32>
    %add3A_544 = arith.addf %add3A_518, %broadcast_in_dim3A_543 : vector<64x1xf32>
    %get3A_545 = arith.constant 21 : index
    %get3A_546 = arith.constant 0 : index
    %get3A_547 = vector.load %arg0[%get3A_545, %get3A_546] : memref<32x128xi32, #tpu.memory_space<vmem>>, vector<1x128xi32>
    %eq3A_548 = vector.broadcast %get3A_547 : vector<1x128xi32> to vector<64x128xi32>
    %eq3A_549 = arith.cmpi eq, %eq3A_548, %iota3A : vector<64x128xi32>
    %jit3A_550 = arith.constant 1.000000e+00 : f32
    %jit3A_551 = arith.constant 0.000000e+00 : f32
    %broadcast_in_dim3A_552 = vector.broadcast %jit3A_550 : f32 to vector<64x128xf32>
    %broadcast_in_dim3A_553 = vector.broadcast %jit3A_551 : f32 to vector<64x128xf32>
    %select_n3A_554 = arith.select %eq3A_549, %broadcast_in_dim3A_552, %broadcast_in_dim3A_553 : vector<64x128xi1>, vector<64x128xf32>
    %convert_element_type3A_555 = arith.truncf %select_n3A_554 : vector<64x128xf32> to vector<64x128xbf16>
    %dot_general3A_556 = arith.constant dense<0.000000e+00> : vector<64x128xf32>
    %dot_general3A_557 = tpu.matmul %convert_element_type3A_555, %convert_element_type3A, %dot_general3A_556 {dimension_numbers = #tpu.dot_dimension_numbers<[1], [0], [0], [1], [0, 0, 1, 1], [], []>, transpose_lhs_hint = false} : vector<64x128xbf16>, vector<128x128xbf16>, vector<64x128xf32> -> vector<64x128xf32>
    %sub3A_558 = arith.constant 1.000000e+00 : f32
    %sub3A_559 = vector.broadcast %sub3A_558 : f32 to vector<64x128xf32>
    %sub3A_560 = arith.subf %dot_general3A_557, %sub3A_559 : vector<64x128xf32>
    %add3A_561 = vector.broadcast %add3A_544 : vector<64x1xf32> to vector<64x128xf32>
    %add3A_562 = arith.addf %sub3A_560, %add3A_561 : vector<64x128xf32>
    %mul3A_563 = arith.mulf %select_n3A_554, %add3A_562 : vector<64x128xf32>
    %reduce_sum3A_564 = arith.constant dense<0.000000e+00> : vector<128xf32>
    %reduce_sum3A_565 = vector.multi_reduction <add>, %mul3A_563, %reduce_sum3A_564 [0] : vector<64x128xf32> to vector<128xf32>
    %broadcast_in_dim3A_566 = vector.shape_cast %reduce_sum3A_565 : vector<128xf32> to vector<1x128xf32>
    %reduce_sum3A_567 = arith.constant dense<0.000000e+00> : vector<64xf32>
    %reduce_sum3A_568 = vector.multi_reduction <add>, %select_n3A_554, %reduce_sum3A_567 [1] : vector<64x128xf32> to vector<64xf32>
    %broadcast_in_dim3A_569 = vector.shape_cast %reduce_sum3A_568 : vector<64xf32> to vector<64x1xf32>
    %add3A_570 = arith.addf %add3A_544, %broadcast_in_dim3A_569 : vector<64x1xf32>
    %get3A_571 = arith.constant 22 : index
    %get3A_572 = arith.constant 0 : index
    %get3A_573 = vector.load %arg0[%get3A_571, %get3A_572] : memref<32x128xi32, #tpu.memory_space<vmem>>, vector<1x128xi32>
    %eq3A_574 = vector.broadcast %get3A_573 : vector<1x128xi32> to vector<64x128xi32>
    %eq3A_575 = arith.cmpi eq, %eq3A_574, %iota3A : vector<64x128xi32>
    %jit3A_576 = arith.constant 1.000000e+00 : f32
    %jit3A_577 = arith.constant 0.000000e+00 : f32
    %broadcast_in_dim3A_578 = vector.broadcast %jit3A_576 : f32 to vector<64x128xf32>
    %broadcast_in_dim3A_579 = vector.broadcast %jit3A_577 : f32 to vector<64x128xf32>
    %select_n3A_580 = arith.select %eq3A_575, %broadcast_in_dim3A_578, %broadcast_in_dim3A_579 : vector<64x128xi1>, vector<64x128xf32>
    %convert_element_type3A_581 = arith.truncf %select_n3A_580 : vector<64x128xf32> to vector<64x128xbf16>
    %dot_general3A_582 = arith.constant dense<0.000000e+00> : vector<64x128xf32>
    %dot_general3A_583 = tpu.matmul %convert_element_type3A_581, %convert_element_type3A, %dot_general3A_582 {dimension_numbers = #tpu.dot_dimension_numbers<[1], [0], [0], [1], [0, 0, 1, 1], [], []>, transpose_lhs_hint = false} : vector<64x128xbf16>, vector<128x128xbf16>, vector<64x128xf32> -> vector<64x128xf32>
    %sub3A_584 = arith.constant 1.000000e+00 : f32
    %sub3A_585 = vector.broadcast %sub3A_584 : f32 to vector<64x128xf32>
    %sub3A_586 = arith.subf %dot_general3A_583, %sub3A_585 : vector<64x128xf32>
    %add3A_587 = vector.broadcast %add3A_570 : vector<64x1xf32> to vector<64x128xf32>
    %add3A_588 = arith.addf %sub3A_586, %add3A_587 : vector<64x128xf32>
    %mul3A_589 = arith.mulf %select_n3A_580, %add3A_588 : vector<64x128xf32>
    %reduce_sum3A_590 = arith.constant dense<0.000000e+00> : vector<128xf32>
    %reduce_sum3A_591 = vector.multi_reduction <add>, %mul3A_589, %reduce_sum3A_590 [0] : vector<64x128xf32> to vector<128xf32>
    %broadcast_in_dim3A_592 = vector.shape_cast %reduce_sum3A_591 : vector<128xf32> to vector<1x128xf32>
    %reduce_sum3A_593 = arith.constant dense<0.000000e+00> : vector<64xf32>
    %reduce_sum3A_594 = vector.multi_reduction <add>, %select_n3A_580, %reduce_sum3A_593 [1] : vector<64x128xf32> to vector<64xf32>
    %broadcast_in_dim3A_595 = vector.shape_cast %reduce_sum3A_594 : vector<64xf32> to vector<64x1xf32>
    %add3A_596 = arith.addf %add3A_570, %broadcast_in_dim3A_595 : vector<64x1xf32>
    %get3A_597 = arith.constant 23 : index
    %get3A_598 = arith.constant 0 : index
    %get3A_599 = vector.load %arg0[%get3A_597, %get3A_598] : memref<32x128xi32, #tpu.memory_space<vmem>>, vector<1x128xi32>
    %eq3A_600 = vector.broadcast %get3A_599 : vector<1x128xi32> to vector<64x128xi32>
    %eq3A_601 = arith.cmpi eq, %eq3A_600, %iota3A : vector<64x128xi32>
    %jit3A_602 = arith.constant 1.000000e+00 : f32
    %jit3A_603 = arith.constant 0.000000e+00 : f32
    %broadcast_in_dim3A_604 = vector.broadcast %jit3A_602 : f32 to vector<64x128xf32>
    %broadcast_in_dim3A_605 = vector.broadcast %jit3A_603 : f32 to vector<64x128xf32>
    %select_n3A_606 = arith.select %eq3A_601, %broadcast_in_dim3A_604, %broadcast_in_dim3A_605 : vector<64x128xi1>, vector<64x128xf32>
    %convert_element_type3A_607 = arith.truncf %select_n3A_606 : vector<64x128xf32> to vector<64x128xbf16>
    %dot_general3A_608 = arith.constant dense<0.000000e+00> : vector<64x128xf32>
    %dot_general3A_609 = tpu.matmul %convert_element_type3A_607, %convert_element_type3A, %dot_general3A_608 {dimension_numbers = #tpu.dot_dimension_numbers<[1], [0], [0], [1], [0, 0, 1, 1], [], []>, transpose_lhs_hint = false} : vector<64x128xbf16>, vector<128x128xbf16>, vector<64x128xf32> -> vector<64x128xf32>
    %sub3A_610 = arith.constant 1.000000e+00 : f32
    %sub3A_611 = vector.broadcast %sub3A_610 : f32 to vector<64x128xf32>
    %sub3A_612 = arith.subf %dot_general3A_609, %sub3A_611 : vector<64x128xf32>
    %add3A_613 = vector.broadcast %add3A_596 : vector<64x1xf32> to vector<64x128xf32>
    %add3A_614 = arith.addf %sub3A_612, %add3A_613 : vector<64x128xf32>
    %mul3A_615 = arith.mulf %select_n3A_606, %add3A_614 : vector<64x128xf32>
    %reduce_sum3A_616 = arith.constant dense<0.000000e+00> : vector<128xf32>
    %reduce_sum3A_617 = vector.multi_reduction <add>, %mul3A_615, %reduce_sum3A_616 [0] : vector<64x128xf32> to vector<128xf32>
    %broadcast_in_dim3A_618 = vector.shape_cast %reduce_sum3A_617 : vector<128xf32> to vector<1x128xf32>
    %reduce_sum3A_619 = arith.constant dense<0.000000e+00> : vector<64xf32>
    %reduce_sum3A_620 = vector.multi_reduction <add>, %select_n3A_606, %reduce_sum3A_619 [1] : vector<64x128xf32> to vector<64xf32>
    %broadcast_in_dim3A_621 = vector.shape_cast %reduce_sum3A_620 : vector<64xf32> to vector<64x1xf32>
    %add3A_622 = arith.addf %add3A_596, %broadcast_in_dim3A_621 : vector<64x1xf32>
    %get3A_623 = arith.constant 24 : index
    %get3A_624 = arith.constant 0 : index
    %get3A_625 = vector.load %arg0[%get3A_623, %get3A_624] : memref<32x128xi32, #tpu.memory_space<vmem>>, vector<1x128xi32>
    %eq3A_626 = vector.broadcast %get3A_625 : vector<1x128xi32> to vector<64x128xi32>
    %eq3A_627 = arith.cmpi eq, %eq3A_626, %iota3A : vector<64x128xi32>
    %jit3A_628 = arith.constant 1.000000e+00 : f32
    %jit3A_629 = arith.constant 0.000000e+00 : f32
    %broadcast_in_dim3A_630 = vector.broadcast %jit3A_628 : f32 to vector<64x128xf32>
    %broadcast_in_dim3A_631 = vector.broadcast %jit3A_629 : f32 to vector<64x128xf32>
    %select_n3A_632 = arith.select %eq3A_627, %broadcast_in_dim3A_630, %broadcast_in_dim3A_631 : vector<64x128xi1>, vector<64x128xf32>
    %convert_element_type3A_633 = arith.truncf %select_n3A_632 : vector<64x128xf32> to vector<64x128xbf16>
    %dot_general3A_634 = arith.constant dense<0.000000e+00> : vector<64x128xf32>
    %dot_general3A_635 = tpu.matmul %convert_element_type3A_633, %convert_element_type3A, %dot_general3A_634 {dimension_numbers = #tpu.dot_dimension_numbers<[1], [0], [0], [1], [0, 0, 1, 1], [], []>, transpose_lhs_hint = false} : vector<64x128xbf16>, vector<128x128xbf16>, vector<64x128xf32> -> vector<64x128xf32>
    %sub3A_636 = arith.constant 1.000000e+00 : f32
    %sub3A_637 = vector.broadcast %sub3A_636 : f32 to vector<64x128xf32>
    %sub3A_638 = arith.subf %dot_general3A_635, %sub3A_637 : vector<64x128xf32>
    %add3A_639 = vector.broadcast %add3A_622 : vector<64x1xf32> to vector<64x128xf32>
    %add3A_640 = arith.addf %sub3A_638, %add3A_639 : vector<64x128xf32>
    %mul3A_641 = arith.mulf %select_n3A_632, %add3A_640 : vector<64x128xf32>
    %reduce_sum3A_642 = arith.constant dense<0.000000e+00> : vector<128xf32>
    %reduce_sum3A_643 = vector.multi_reduction <add>, %mul3A_641, %reduce_sum3A_642 [0] : vector<64x128xf32> to vector<128xf32>
    %broadcast_in_dim3A_644 = vector.shape_cast %reduce_sum3A_643 : vector<128xf32> to vector<1x128xf32>
    %reduce_sum3A_645 = arith.constant dense<0.000000e+00> : vector<64xf32>
    %reduce_sum3A_646 = vector.multi_reduction <add>, %select_n3A_632, %reduce_sum3A_645 [1] : vector<64x128xf32> to vector<64xf32>
    %broadcast_in_dim3A_647 = vector.shape_cast %reduce_sum3A_646 : vector<64xf32> to vector<64x1xf32>
    %add3A_648 = arith.addf %add3A_622, %broadcast_in_dim3A_647 : vector<64x1xf32>
    %get3A_649 = arith.constant 25 : index
    %get3A_650 = arith.constant 0 : index
    %get3A_651 = vector.load %arg0[%get3A_649, %get3A_650] : memref<32x128xi32, #tpu.memory_space<vmem>>, vector<1x128xi32>
    %eq3A_652 = vector.broadcast %get3A_651 : vector<1x128xi32> to vector<64x128xi32>
    %eq3A_653 = arith.cmpi eq, %eq3A_652, %iota3A : vector<64x128xi32>
    %jit3A_654 = arith.constant 1.000000e+00 : f32
    %jit3A_655 = arith.constant 0.000000e+00 : f32
    %broadcast_in_dim3A_656 = vector.broadcast %jit3A_654 : f32 to vector<64x128xf32>
    %broadcast_in_dim3A_657 = vector.broadcast %jit3A_655 : f32 to vector<64x128xf32>
    %select_n3A_658 = arith.select %eq3A_653, %broadcast_in_dim3A_656, %broadcast_in_dim3A_657 : vector<64x128xi1>, vector<64x128xf32>
    %convert_element_type3A_659 = arith.truncf %select_n3A_658 : vector<64x128xf32> to vector<64x128xbf16>
    %dot_general3A_660 = arith.constant dense<0.000000e+00> : vector<64x128xf32>
    %dot_general3A_661 = tpu.matmul %convert_element_type3A_659, %convert_element_type3A, %dot_general3A_660 {dimension_numbers = #tpu.dot_dimension_numbers<[1], [0], [0], [1], [0, 0, 1, 1], [], []>, transpose_lhs_hint = false} : vector<64x128xbf16>, vector<128x128xbf16>, vector<64x128xf32> -> vector<64x128xf32>
    %sub3A_662 = arith.constant 1.000000e+00 : f32
    %sub3A_663 = vector.broadcast %sub3A_662 : f32 to vector<64x128xf32>
    %sub3A_664 = arith.subf %dot_general3A_661, %sub3A_663 : vector<64x128xf32>
    %add3A_665 = vector.broadcast %add3A_648 : vector<64x1xf32> to vector<64x128xf32>
    %add3A_666 = arith.addf %sub3A_664, %add3A_665 : vector<64x128xf32>
    %mul3A_667 = arith.mulf %select_n3A_658, %add3A_666 : vector<64x128xf32>
    %reduce_sum3A_668 = arith.constant dense<0.000000e+00> : vector<128xf32>
    %reduce_sum3A_669 = vector.multi_reduction <add>, %mul3A_667, %reduce_sum3A_668 [0] : vector<64x128xf32> to vector<128xf32>
    %broadcast_in_dim3A_670 = vector.shape_cast %reduce_sum3A_669 : vector<128xf32> to vector<1x128xf32>
    %reduce_sum3A_671 = arith.constant dense<0.000000e+00> : vector<64xf32>
    %reduce_sum3A_672 = vector.multi_reduction <add>, %select_n3A_658, %reduce_sum3A_671 [1] : vector<64x128xf32> to vector<64xf32>
    %broadcast_in_dim3A_673 = vector.shape_cast %reduce_sum3A_672 : vector<64xf32> to vector<64x1xf32>
    %add3A_674 = arith.addf %add3A_648, %broadcast_in_dim3A_673 : vector<64x1xf32>
    %get3A_675 = arith.constant 26 : index
    %get3A_676 = arith.constant 0 : index
    %get3A_677 = vector.load %arg0[%get3A_675, %get3A_676] : memref<32x128xi32, #tpu.memory_space<vmem>>, vector<1x128xi32>
    %eq3A_678 = vector.broadcast %get3A_677 : vector<1x128xi32> to vector<64x128xi32>
    %eq3A_679 = arith.cmpi eq, %eq3A_678, %iota3A : vector<64x128xi32>
    %jit3A_680 = arith.constant 1.000000e+00 : f32
    %jit3A_681 = arith.constant 0.000000e+00 : f32
    %broadcast_in_dim3A_682 = vector.broadcast %jit3A_680 : f32 to vector<64x128xf32>
    %broadcast_in_dim3A_683 = vector.broadcast %jit3A_681 : f32 to vector<64x128xf32>
    %select_n3A_684 = arith.select %eq3A_679, %broadcast_in_dim3A_682, %broadcast_in_dim3A_683 : vector<64x128xi1>, vector<64x128xf32>
    %convert_element_type3A_685 = arith.truncf %select_n3A_684 : vector<64x128xf32> to vector<64x128xbf16>
    %dot_general3A_686 = arith.constant dense<0.000000e+00> : vector<64x128xf32>
    %dot_general3A_687 = tpu.matmul %convert_element_type3A_685, %convert_element_type3A, %dot_general3A_686 {dimension_numbers = #tpu.dot_dimension_numbers<[1], [0], [0], [1], [0, 0, 1, 1], [], []>, transpose_lhs_hint = false} : vector<64x128xbf16>, vector<128x128xbf16>, vector<64x128xf32> -> vector<64x128xf32>
    %sub3A_688 = arith.constant 1.000000e+00 : f32
    %sub3A_689 = vector.broadcast %sub3A_688 : f32 to vector<64x128xf32>
    %sub3A_690 = arith.subf %dot_general3A_687, %sub3A_689 : vector<64x128xf32>
    %add3A_691 = vector.broadcast %add3A_674 : vector<64x1xf32> to vector<64x128xf32>
    %add3A_692 = arith.addf %sub3A_690, %add3A_691 : vector<64x128xf32>
    %mul3A_693 = arith.mulf %select_n3A_684, %add3A_692 : vector<64x128xf32>
    %reduce_sum3A_694 = arith.constant dense<0.000000e+00> : vector<128xf32>
    %reduce_sum3A_695 = vector.multi_reduction <add>, %mul3A_693, %reduce_sum3A_694 [0] : vector<64x128xf32> to vector<128xf32>
    %broadcast_in_dim3A_696 = vector.shape_cast %reduce_sum3A_695 : vector<128xf32> to vector<1x128xf32>
    %reduce_sum3A_697 = arith.constant dense<0.000000e+00> : vector<64xf32>
    %reduce_sum3A_698 = vector.multi_reduction <add>, %select_n3A_684, %reduce_sum3A_697 [1] : vector<64x128xf32> to vector<64xf32>
    %broadcast_in_dim3A_699 = vector.shape_cast %reduce_sum3A_698 : vector<64xf32> to vector<64x1xf32>
    %add3A_700 = arith.addf %add3A_674, %broadcast_in_dim3A_699 : vector<64x1xf32>
    %get3A_701 = arith.constant 27 : index
    %get3A_702 = arith.constant 0 : index
    %get3A_703 = vector.load %arg0[%get3A_701, %get3A_702] : memref<32x128xi32, #tpu.memory_space<vmem>>, vector<1x128xi32>
    %eq3A_704 = vector.broadcast %get3A_703 : vector<1x128xi32> to vector<64x128xi32>
    %eq3A_705 = arith.cmpi eq, %eq3A_704, %iota3A : vector<64x128xi32>
    %jit3A_706 = arith.constant 1.000000e+00 : f32
    %jit3A_707 = arith.constant 0.000000e+00 : f32
    %broadcast_in_dim3A_708 = vector.broadcast %jit3A_706 : f32 to vector<64x128xf32>
    %broadcast_in_dim3A_709 = vector.broadcast %jit3A_707 : f32 to vector<64x128xf32>
    %select_n3A_710 = arith.select %eq3A_705, %broadcast_in_dim3A_708, %broadcast_in_dim3A_709 : vector<64x128xi1>, vector<64x128xf32>
    %convert_element_type3A_711 = arith.truncf %select_n3A_710 : vector<64x128xf32> to vector<64x128xbf16>
    %dot_general3A_712 = arith.constant dense<0.000000e+00> : vector<64x128xf32>
    %dot_general3A_713 = tpu.matmul %convert_element_type3A_711, %convert_element_type3A, %dot_general3A_712 {dimension_numbers = #tpu.dot_dimension_numbers<[1], [0], [0], [1], [0, 0, 1, 1], [], []>, transpose_lhs_hint = false} : vector<64x128xbf16>, vector<128x128xbf16>, vector<64x128xf32> -> vector<64x128xf32>
    %sub3A_714 = arith.constant 1.000000e+00 : f32
    %sub3A_715 = vector.broadcast %sub3A_714 : f32 to vector<64x128xf32>
    %sub3A_716 = arith.subf %dot_general3A_713, %sub3A_715 : vector<64x128xf32>
    %add3A_717 = vector.broadcast %add3A_700 : vector<64x1xf32> to vector<64x128xf32>
    %add3A_718 = arith.addf %sub3A_716, %add3A_717 : vector<64x128xf32>
    %mul3A_719 = arith.mulf %select_n3A_710, %add3A_718 : vector<64x128xf32>
    %reduce_sum3A_720 = arith.constant dense<0.000000e+00> : vector<128xf32>
    %reduce_sum3A_721 = vector.multi_reduction <add>, %mul3A_719, %reduce_sum3A_720 [0] : vector<64x128xf32> to vector<128xf32>
    %broadcast_in_dim3A_722 = vector.shape_cast %reduce_sum3A_721 : vector<128xf32> to vector<1x128xf32>
    %reduce_sum3A_723 = arith.constant dense<0.000000e+00> : vector<64xf32>
    %reduce_sum3A_724 = vector.multi_reduction <add>, %select_n3A_710, %reduce_sum3A_723 [1] : vector<64x128xf32> to vector<64xf32>
    %broadcast_in_dim3A_725 = vector.shape_cast %reduce_sum3A_724 : vector<64xf32> to vector<64x1xf32>
    %add3A_726 = arith.addf %add3A_700, %broadcast_in_dim3A_725 : vector<64x1xf32>
    %get3A_727 = arith.constant 28 : index
    %get3A_728 = arith.constant 0 : index
    %get3A_729 = vector.load %arg0[%get3A_727, %get3A_728] : memref<32x128xi32, #tpu.memory_space<vmem>>, vector<1x128xi32>
    %eq3A_730 = vector.broadcast %get3A_729 : vector<1x128xi32> to vector<64x128xi32>
    %eq3A_731 = arith.cmpi eq, %eq3A_730, %iota3A : vector<64x128xi32>
    %jit3A_732 = arith.constant 1.000000e+00 : f32
    %jit3A_733 = arith.constant 0.000000e+00 : f32
    %broadcast_in_dim3A_734 = vector.broadcast %jit3A_732 : f32 to vector<64x128xf32>
    %broadcast_in_dim3A_735 = vector.broadcast %jit3A_733 : f32 to vector<64x128xf32>
    %select_n3A_736 = arith.select %eq3A_731, %broadcast_in_dim3A_734, %broadcast_in_dim3A_735 : vector<64x128xi1>, vector<64x128xf32>
    %convert_element_type3A_737 = arith.truncf %select_n3A_736 : vector<64x128xf32> to vector<64x128xbf16>
    %dot_general3A_738 = arith.constant dense<0.000000e+00> : vector<64x128xf32>
    %dot_general3A_739 = tpu.matmul %convert_element_type3A_737, %convert_element_type3A, %dot_general3A_738 {dimension_numbers = #tpu.dot_dimension_numbers<[1], [0], [0], [1], [0, 0, 1, 1], [], []>, transpose_lhs_hint = false} : vector<64x128xbf16>, vector<128x128xbf16>, vector<64x128xf32> -> vector<64x128xf32>
    %sub3A_740 = arith.constant 1.000000e+00 : f32
    %sub3A_741 = vector.broadcast %sub3A_740 : f32 to vector<64x128xf32>
    %sub3A_742 = arith.subf %dot_general3A_739, %sub3A_741 : vector<64x128xf32>
    %add3A_743 = vector.broadcast %add3A_726 : vector<64x1xf32> to vector<64x128xf32>
    %add3A_744 = arith.addf %sub3A_742, %add3A_743 : vector<64x128xf32>
    %mul3A_745 = arith.mulf %select_n3A_736, %add3A_744 : vector<64x128xf32>
    %reduce_sum3A_746 = arith.constant dense<0.000000e+00> : vector<128xf32>
    %reduce_sum3A_747 = vector.multi_reduction <add>, %mul3A_745, %reduce_sum3A_746 [0] : vector<64x128xf32> to vector<128xf32>
    %broadcast_in_dim3A_748 = vector.shape_cast %reduce_sum3A_747 : vector<128xf32> to vector<1x128xf32>
    %reduce_sum3A_749 = arith.constant dense<0.000000e+00> : vector<64xf32>
    %reduce_sum3A_750 = vector.multi_reduction <add>, %select_n3A_736, %reduce_sum3A_749 [1] : vector<64x128xf32> to vector<64xf32>
    %broadcast_in_dim3A_751 = vector.shape_cast %reduce_sum3A_750 : vector<64xf32> to vector<64x1xf32>
    %add3A_752 = arith.addf %add3A_726, %broadcast_in_dim3A_751 : vector<64x1xf32>
    %get3A_753 = arith.constant 29 : index
    %get3A_754 = arith.constant 0 : index
    %get3A_755 = vector.load %arg0[%get3A_753, %get3A_754] : memref<32x128xi32, #tpu.memory_space<vmem>>, vector<1x128xi32>
    %eq3A_756 = vector.broadcast %get3A_755 : vector<1x128xi32> to vector<64x128xi32>
    %eq3A_757 = arith.cmpi eq, %eq3A_756, %iota3A : vector<64x128xi32>
    %jit3A_758 = arith.constant 1.000000e+00 : f32
    %jit3A_759 = arith.constant 0.000000e+00 : f32
    %broadcast_in_dim3A_760 = vector.broadcast %jit3A_758 : f32 to vector<64x128xf32>
    %broadcast_in_dim3A_761 = vector.broadcast %jit3A_759 : f32 to vector<64x128xf32>
    %select_n3A_762 = arith.select %eq3A_757, %broadcast_in_dim3A_760, %broadcast_in_dim3A_761 : vector<64x128xi1>, vector<64x128xf32>
    %convert_element_type3A_763 = arith.truncf %select_n3A_762 : vector<64x128xf32> to vector<64x128xbf16>
    %dot_general3A_764 = arith.constant dense<0.000000e+00> : vector<64x128xf32>
    %dot_general3A_765 = tpu.matmul %convert_element_type3A_763, %convert_element_type3A, %dot_general3A_764 {dimension_numbers = #tpu.dot_dimension_numbers<[1], [0], [0], [1], [0, 0, 1, 1], [], []>, transpose_lhs_hint = false} : vector<64x128xbf16>, vector<128x128xbf16>, vector<64x128xf32> -> vector<64x128xf32>
    %sub3A_766 = arith.constant 1.000000e+00 : f32
    %sub3A_767 = vector.broadcast %sub3A_766 : f32 to vector<64x128xf32>
    %sub3A_768 = arith.subf %dot_general3A_765, %sub3A_767 : vector<64x128xf32>
    %add3A_769 = vector.broadcast %add3A_752 : vector<64x1xf32> to vector<64x128xf32>
    %add3A_770 = arith.addf %sub3A_768, %add3A_769 : vector<64x128xf32>
    %mul3A_771 = arith.mulf %select_n3A_762, %add3A_770 : vector<64x128xf32>
    %reduce_sum3A_772 = arith.constant dense<0.000000e+00> : vector<128xf32>
    %reduce_sum3A_773 = vector.multi_reduction <add>, %mul3A_771, %reduce_sum3A_772 [0] : vector<64x128xf32> to vector<128xf32>
    %broadcast_in_dim3A_774 = vector.shape_cast %reduce_sum3A_773 : vector<128xf32> to vector<1x128xf32>
    %reduce_sum3A_775 = arith.constant dense<0.000000e+00> : vector<64xf32>
    %reduce_sum3A_776 = vector.multi_reduction <add>, %select_n3A_762, %reduce_sum3A_775 [1] : vector<64x128xf32> to vector<64xf32>
    %broadcast_in_dim3A_777 = vector.shape_cast %reduce_sum3A_776 : vector<64xf32> to vector<64x1xf32>
    %add3A_778 = arith.addf %add3A_752, %broadcast_in_dim3A_777 : vector<64x1xf32>
    %get3A_779 = arith.constant 30 : index
    %get3A_780 = arith.constant 0 : index
    %get3A_781 = vector.load %arg0[%get3A_779, %get3A_780] : memref<32x128xi32, #tpu.memory_space<vmem>>, vector<1x128xi32>
    %eq3A_782 = vector.broadcast %get3A_781 : vector<1x128xi32> to vector<64x128xi32>
    %eq3A_783 = arith.cmpi eq, %eq3A_782, %iota3A : vector<64x128xi32>
    %jit3A_784 = arith.constant 1.000000e+00 : f32
    %jit3A_785 = arith.constant 0.000000e+00 : f32
    %broadcast_in_dim3A_786 = vector.broadcast %jit3A_784 : f32 to vector<64x128xf32>
    %broadcast_in_dim3A_787 = vector.broadcast %jit3A_785 : f32 to vector<64x128xf32>
    %select_n3A_788 = arith.select %eq3A_783, %broadcast_in_dim3A_786, %broadcast_in_dim3A_787 : vector<64x128xi1>, vector<64x128xf32>
    %convert_element_type3A_789 = arith.truncf %select_n3A_788 : vector<64x128xf32> to vector<64x128xbf16>
    %dot_general3A_790 = arith.constant dense<0.000000e+00> : vector<64x128xf32>
    %dot_general3A_791 = tpu.matmul %convert_element_type3A_789, %convert_element_type3A, %dot_general3A_790 {dimension_numbers = #tpu.dot_dimension_numbers<[1], [0], [0], [1], [0, 0, 1, 1], [], []>, transpose_lhs_hint = false} : vector<64x128xbf16>, vector<128x128xbf16>, vector<64x128xf32> -> vector<64x128xf32>
    %sub3A_792 = arith.constant 1.000000e+00 : f32
    %sub3A_793 = vector.broadcast %sub3A_792 : f32 to vector<64x128xf32>
    %sub3A_794 = arith.subf %dot_general3A_791, %sub3A_793 : vector<64x128xf32>
    %add3A_795 = vector.broadcast %add3A_778 : vector<64x1xf32> to vector<64x128xf32>
    %add3A_796 = arith.addf %sub3A_794, %add3A_795 : vector<64x128xf32>
    %mul3A_797 = arith.mulf %select_n3A_788, %add3A_796 : vector<64x128xf32>
    %reduce_sum3A_798 = arith.constant dense<0.000000e+00> : vector<128xf32>
    %reduce_sum3A_799 = vector.multi_reduction <add>, %mul3A_797, %reduce_sum3A_798 [0] : vector<64x128xf32> to vector<128xf32>
    %broadcast_in_dim3A_800 = vector.shape_cast %reduce_sum3A_799 : vector<128xf32> to vector<1x128xf32>
    %reduce_sum3A_801 = arith.constant dense<0.000000e+00> : vector<64xf32>
    %reduce_sum3A_802 = vector.multi_reduction <add>, %select_n3A_788, %reduce_sum3A_801 [1] : vector<64x128xf32> to vector<64xf32>
    %broadcast_in_dim3A_803 = vector.shape_cast %reduce_sum3A_802 : vector<64xf32> to vector<64x1xf32>
    %add3A_804 = arith.addf %add3A_778, %broadcast_in_dim3A_803 : vector<64x1xf32>
    %get3A_805 = arith.constant 31 : index
    %get3A_806 = arith.constant 0 : index
    %get3A_807 = vector.load %arg0[%get3A_805, %get3A_806] : memref<32x128xi32, #tpu.memory_space<vmem>>, vector<1x128xi32>
    %eq3A_808 = vector.broadcast %get3A_807 : vector<1x128xi32> to vector<64x128xi32>
    %eq3A_809 = arith.cmpi eq, %eq3A_808, %iota3A : vector<64x128xi32>
    %jit3A_810 = arith.constant 1.000000e+00 : f32
    %jit3A_811 = arith.constant 0.000000e+00 : f32
    %broadcast_in_dim3A_812 = vector.broadcast %jit3A_810 : f32 to vector<64x128xf32>
    %broadcast_in_dim3A_813 = vector.broadcast %jit3A_811 : f32 to vector<64x128xf32>
    %select_n3A_814 = arith.select %eq3A_809, %broadcast_in_dim3A_812, %broadcast_in_dim3A_813 : vector<64x128xi1>, vector<64x128xf32>
    %convert_element_type3A_815 = arith.truncf %select_n3A_814 : vector<64x128xf32> to vector<64x128xbf16>
    %dot_general3A_816 = arith.constant dense<0.000000e+00> : vector<64x128xf32>
    %dot_general3A_817 = tpu.matmul %convert_element_type3A_815, %convert_element_type3A, %dot_general3A_816 {dimension_numbers = #tpu.dot_dimension_numbers<[1], [0], [0], [1], [0, 0, 1, 1], [], []>, transpose_lhs_hint = false} : vector<64x128xbf16>, vector<128x128xbf16>, vector<64x128xf32> -> vector<64x128xf32>
    %sub3A_818 = arith.constant 1.000000e+00 : f32
    %sub3A_819 = vector.broadcast %sub3A_818 : f32 to vector<64x128xf32>
    %sub3A_820 = arith.subf %dot_general3A_817, %sub3A_819 : vector<64x128xf32>
    %add3A_821 = vector.broadcast %add3A_804 : vector<64x1xf32> to vector<64x128xf32>
    %add3A_822 = arith.addf %sub3A_820, %add3A_821 : vector<64x128xf32>
    %mul3A_823 = arith.mulf %select_n3A_814, %add3A_822 : vector<64x128xf32>
    %reduce_sum3A_824 = arith.constant dense<0.000000e+00> : vector<128xf32>
    %reduce_sum3A_825 = vector.multi_reduction <add>, %mul3A_823, %reduce_sum3A_824 [0] : vector<64x128xf32> to vector<128xf32>
    %broadcast_in_dim3A_826 = vector.shape_cast %reduce_sum3A_825 : vector<128xf32> to vector<1x128xf32>
    %reduce_sum3A_827 = arith.constant dense<0.000000e+00> : vector<64xf32>
    %reduce_sum3A_828 = vector.multi_reduction <add>, %select_n3A_814, %reduce_sum3A_827 [1] : vector<64x128xf32> to vector<64xf32>
    %broadcast_in_dim3A_829 = vector.shape_cast %reduce_sum3A_828 : vector<64xf32> to vector<64x1xf32>
    %add3A_830 = arith.addf %add3A_804, %broadcast_in_dim3A_829 : vector<64x1xf32>
    %add3A_831 = arith.constant 6.300000e+01 : f32
    %add3A_832 = vector.broadcast %add3A_831 : f32 to vector<64x1xf32>
    %add3A_833 = arith.addf %add3A_830, %add3A_832 : vector<64x1xf32>
    %mul3A_834 = arith.constant 1.562500e-02 : f32
    %mul3A_835 = vector.broadcast %mul3A_834 : f32 to vector<64x1xf32>
    %mul3A_836 = arith.mulf %add3A_833, %mul3A_835 : vector<64x1xf32>
    %floor3A = math.floor %mul3A_836 : vector<64x1xf32>
    %mul3A_837 = arith.constant 6.400000e+01 : f32
    %mul3A_838 = vector.broadcast %mul3A_837 : f32 to vector<64x1xf32>
    %mul3A_839 = arith.mulf %floor3A, %mul3A_838 : vector<64x1xf32>
    %jit3A_840 = arith.constant 0 : i32
    %convert_element_type3A_841 = arith.sitofp %jit3A_840 : i32 to f32
    %pad3A = vector.broadcast %convert_element_type3A_841 : f32 to vector<1x1xf32>
    %pad3A_842 = tpu.concatenate %pad3A, %mul3A_839 in 0 : vector<1x1xf32>, vector<64x1xf32> -> vector<65x1xf32>
    %slice3A = vector.extract_strided_slice %pad3A_842 {offsets = [0, 0], sizes = [64, 1], strides = [1, 1]} : vector<65x1xf32> to vector<64x1xf32>
    %add3A_843 = arith.addf %mul3A_839, %slice3A : vector<64x1xf32>
    %jit3A_844 = arith.constant 0 : i32
    %convert_element_type3A_845 = arith.sitofp %jit3A_844 : i32 to f32
    %pad3A_846 = vector.broadcast %convert_element_type3A_845 : f32 to vector<2x1xf32>
    %pad3A_847 = tpu.concatenate %pad3A_846, %add3A_843 in 0 : vector<2x1xf32>, vector<64x1xf32> -> vector<66x1xf32>
    %slice3A_848 = vector.extract_strided_slice %pad3A_847 {offsets = [0, 0], sizes = [64, 1], strides = [1, 1]} : vector<66x1xf32> to vector<64x1xf32>
    %add3A_849 = arith.addf %add3A_843, %slice3A_848 : vector<64x1xf32>
    %jit3A_850 = arith.constant 0 : i32
    %convert_element_type3A_851 = arith.sitofp %jit3A_850 : i32 to f32
    %pad3A_852 = vector.broadcast %convert_element_type3A_851 : f32 to vector<4x1xf32>
    %pad3A_853 = tpu.concatenate %pad3A_852, %add3A_849 in 0 : vector<4x1xf32>, vector<64x1xf32> -> vector<68x1xf32>
    %slice3A_854 = vector.extract_strided_slice %pad3A_853 {offsets = [0, 0], sizes = [64, 1], strides = [1, 1]} : vector<68x1xf32> to vector<64x1xf32>
    %add3A_855 = arith.addf %add3A_849, %slice3A_854 : vector<64x1xf32>
    %jit3A_856 = arith.constant 0 : i32
    %convert_element_type3A_857 = arith.sitofp %jit3A_856 : i32 to f32
    %pad3A_858 = vector.broadcast %convert_element_type3A_857 : f32 to vector<8x1xf32>
    %pad3A_859 = tpu.concatenate %pad3A_858, %add3A_855 in 0 : vector<8x1xf32>, vector<64x1xf32> -> vector<72x1xf32>
    %slice3A_860 = vector.extract_strided_slice %pad3A_859 {offsets = [0, 0], sizes = [64, 1], strides = [1, 1]} : vector<72x1xf32> to vector<64x1xf32>
    %add3A_861 = arith.addf %add3A_855, %slice3A_860 : vector<64x1xf32>
    %jit3A_862 = arith.constant 0 : i32
    %convert_element_type3A_863 = arith.sitofp %jit3A_862 : i32 to f32
    %pad3A_864 = vector.broadcast %convert_element_type3A_863 : f32 to vector<16x1xf32>
    %pad3A_865 = tpu.concatenate %pad3A_864, %add3A_861 in 0 : vector<16x1xf32>, vector<64x1xf32> -> vector<80x1xf32>
    %slice3A_866 = vector.extract_strided_slice %pad3A_865 {offsets = [0, 0], sizes = [64, 1], strides = [1, 1]} : vector<80x1xf32> to vector<64x1xf32>
    %add3A_867 = arith.addf %add3A_861, %slice3A_866 : vector<64x1xf32>
    %jit3A_868 = arith.constant 0 : i32
    %convert_element_type3A_869 = arith.sitofp %jit3A_868 : i32 to f32
    %pad3A_870 = vector.broadcast %convert_element_type3A_869 : f32 to vector<32x1xf32>
    %pad3A_871 = tpu.concatenate %pad3A_870, %add3A_867 in 0 : vector<32x1xf32>, vector<64x1xf32> -> vector<96x1xf32>
    %slice3A_872 = vector.extract_strided_slice %pad3A_871 {offsets = [0, 0], sizes = [64, 1], strides = [1, 1]} : vector<96x1xf32> to vector<64x1xf32>
    %add3A_873 = arith.addf %add3A_867, %slice3A_872 : vector<64x1xf32>
    %sub3A_874 = arith.subf %add3A_873, %mul3A_839 : vector<64x1xf32>
    %reduce_sum3A_875 = vector.shape_cast %mul3A_839 : vector<64x1xf32> to vector<1x64x1xf32>
    %reduce_sum3A_876 = arith.constant dense<0.000000e+00> : vector<1xf32>
    %reduce_sum3A_877 = vector.multi_reduction <add>, %reduce_sum3A_875, %reduce_sum3A_876 [1, 2] : vector<1x64x1xf32> to vector<1xf32>
    %reduce_sum3A_878 = vector.shape_cast %reduce_sum3A_877 : vector<1xf32> to vector<1x1x1xf32>
    %reduce_sum3A_879 = vector.extract %reduce_sum3A_878[0, 0, 0] : f32 from vector<1x1x1xf32>
    %mul3A_880 = vector.broadcast %sub3A_874 : vector<64x1xf32> to vector<64x128xf32>
    %mul3A_881 = arith.mulf %select_n3A_13, %mul3A_880 : vector<64x128xf32>
    %reduce_sum3A_882 = arith.constant dense<0.000000e+00> : vector<128xf32>
    %reduce_sum3A_883 = vector.multi_reduction <add>, %mul3A_881, %reduce_sum3A_882 [0] : vector<64x128xf32> to vector<128xf32>
    %broadcast_in_dim3A_884 = vector.shape_cast %reduce_sum3A_883 : vector<128xf32> to vector<1x128xf32>
    %add3A_885 = arith.addf %broadcast_in_dim3A_20, %broadcast_in_dim3A_884 : vector<1x128xf32>
    %reshape3A = vector.shape_cast %add3A_885 : vector<1x128xf32> to vector<128xf32>
    %convert_element_type3A_886 = arith.fptosi %reshape3A : vector<128xf32> to vector<128xi32>
    %swap3A = arith.constant 0 : index
    %swap3A_887 = arith.constant 0 : index
    %swap3A_888 = vector.load %arg1[%swap3A, %swap3A_887] : memref<32x128xi32, #tpu.memory_space<vmem>>, vector<1x128xi32>
    %swap3A_889 = vector.shape_cast %swap3A_888 : vector<1x128xi32> to vector<128xi32>
    %swap3A_890 = vector.shape_cast %convert_element_type3A_886 : vector<128xi32> to vector<1x128xi32>
    tpu.vector_store %arg1[%swap3A, %swap3A_887], %swap3A_890 {strides = array<i32>} : memref<32x128xi32, #tpu.memory_space<vmem>>, vector<1x128xi32>,
    %mul3A_891 = vector.broadcast %sub3A_874 : vector<64x1xf32> to vector<64x128xf32>
    %mul3A_892 = arith.mulf %select_n3A_34, %mul3A_891 : vector<64x128xf32>
    %reduce_sum3A_893 = arith.constant dense<0.000000e+00> : vector<128xf32>
    %reduce_sum3A_894 = vector.multi_reduction <add>, %mul3A_892, %reduce_sum3A_893 [0] : vector<64x128xf32> to vector<128xf32>
    %broadcast_in_dim3A_895 = vector.shape_cast %reduce_sum3A_894 : vector<128xf32> to vector<1x128xf32>
    %add3A_896 = arith.addf %broadcast_in_dim3A_46, %broadcast_in_dim3A_895 : vector<1x128xf32>
    %reshape3A_897 = vector.shape_cast %add3A_896 : vector<1x128xf32> to vector<128xf32>
    %convert_element_type3A_898 = arith.fptosi %reshape3A_897 : vector<128xf32> to vector<128xi32>
    %swap3A_899 = arith.constant 1 : index
    %swap3A_900 = arith.constant 0 : index
    %swap3A_901 = vector.load %arg1[%swap3A_899, %swap3A_900] : memref<32x128xi32, #tpu.memory_space<vmem>>, vector<1x128xi32>
    %swap3A_902 = vector.shape_cast %swap3A_901 : vector<1x128xi32> to vector<128xi32>
    %swap3A_903 = vector.shape_cast %convert_element_type3A_898 : vector<128xi32> to vector<1x128xi32>
    tpu.vector_store %arg1[%swap3A_899, %swap3A_900], %swap3A_903 {strides = array<i32>} : memref<32x128xi32, #tpu.memory_space<vmem>>, vector<1x128xi32>,
    %mul3A_904 = vector.broadcast %sub3A_874 : vector<64x1xf32> to vector<64x128xf32>
    %mul3A_905 = arith.mulf %select_n3A_60, %mul3A_904 : vector<64x128xf32>
    %reduce_sum3A_906 = arith.constant dense<0.000000e+00> : vector<128xf32>
    %reduce_sum3A_907 = vector.multi_reduction <add>, %mul3A_905, %reduce_sum3A_906 [0] : vector<64x128xf32> to vector<128xf32>
    %broadcast_in_dim3A_908 = vector.shape_cast %reduce_sum3A_907 : vector<128xf32> to vector<1x128xf32>
    %add3A_909 = arith.addf %broadcast_in_dim3A_72, %broadcast_in_dim3A_908 : vector<1x128xf32>
    %reshape3A_910 = vector.shape_cast %add3A_909 : vector<1x128xf32> to vector<128xf32>
    %convert_element_type3A_911 = arith.fptosi %reshape3A_910 : vector<128xf32> to vector<128xi32>
    %swap3A_912 = arith.constant 2 : index
    %swap3A_913 = arith.constant 0 : index
    %swap3A_914 = vector.load %arg1[%swap3A_912, %swap3A_913] : memref<32x128xi32, #tpu.memory_space<vmem>>, vector<1x128xi32>
    %swap3A_915 = vector.shape_cast %swap3A_914 : vector<1x128xi32> to vector<128xi32>
    %swap3A_916 = vector.shape_cast %convert_element_type3A_911 : vector<128xi32> to vector<1x128xi32>
    tpu.vector_store %arg1[%swap3A_912, %swap3A_913], %swap3A_916 {strides = array<i32>} : memref<32x128xi32, #tpu.memory_space<vmem>>, vector<1x128xi32>,
    %mul3A_917 = vector.broadcast %sub3A_874 : vector<64x1xf32> to vector<64x128xf32>
    %mul3A_918 = arith.mulf %select_n3A_86, %mul3A_917 : vector<64x128xf32>
    %reduce_sum3A_919 = arith.constant dense<0.000000e+00> : vector<128xf32>
    %reduce_sum3A_920 = vector.multi_reduction <add>, %mul3A_918, %reduce_sum3A_919 [0] : vector<64x128xf32> to vector<128xf32>
    %broadcast_in_dim3A_921 = vector.shape_cast %reduce_sum3A_920 : vector<128xf32> to vector<1x128xf32>
    %add3A_922 = arith.addf %broadcast_in_dim3A_98, %broadcast_in_dim3A_921 : vector<1x128xf32>
    %reshape3A_923 = vector.shape_cast %add3A_922 : vector<1x128xf32> to vector<128xf32>
    %convert_element_type3A_924 = arith.fptosi %reshape3A_923 : vector<128xf32> to vector<128xi32>
    %swap3A_925 = arith.constant 3 : index
    %swap3A_926 = arith.constant 0 : index
    %swap3A_927 = vector.load %arg1[%swap3A_925, %swap3A_926] : memref<32x128xi32, #tpu.memory_space<vmem>>, vector<1x128xi32>
    %swap3A_928 = vector.shape_cast %swap3A_927 : vector<1x128xi32> to vector<128xi32>
    %swap3A_929 = vector.shape_cast %convert_element_type3A_924 : vector<128xi32> to vector<1x128xi32>
    tpu.vector_store %arg1[%swap3A_925, %swap3A_926], %swap3A_929 {strides = array<i32>} : memref<32x128xi32, #tpu.memory_space<vmem>>, vector<1x128xi32>,
    %mul3A_930 = vector.broadcast %sub3A_874 : vector<64x1xf32> to vector<64x128xf32>
    %mul3A_931 = arith.mulf %select_n3A_112, %mul3A_930 : vector<64x128xf32>
    %reduce_sum3A_932 = arith.constant dense<0.000000e+00> : vector<128xf32>
    %reduce_sum3A_933 = vector.multi_reduction <add>, %mul3A_931, %reduce_sum3A_932 [0] : vector<64x128xf32> to vector<128xf32>
    %broadcast_in_dim3A_934 = vector.shape_cast %reduce_sum3A_933 : vector<128xf32> to vector<1x128xf32>
    %add3A_935 = arith.addf %broadcast_in_dim3A_124, %broadcast_in_dim3A_934 : vector<1x128xf32>
    %reshape3A_936 = vector.shape_cast %add3A_935 : vector<1x128xf32> to vector<128xf32>
    %convert_element_type3A_937 = arith.fptosi %reshape3A_936 : vector<128xf32> to vector<128xi32>
    %swap3A_938 = arith.constant 4 : index
    %swap3A_939 = arith.constant 0 : index
    %swap3A_940 = vector.load %arg1[%swap3A_938, %swap3A_939] : memref<32x128xi32, #tpu.memory_space<vmem>>, vector<1x128xi32>
    %swap3A_941 = vector.shape_cast %swap3A_940 : vector<1x128xi32> to vector<128xi32>
    %swap3A_942 = vector.shape_cast %convert_element_type3A_937 : vector<128xi32> to vector<1x128xi32>
    tpu.vector_store %arg1[%swap3A_938, %swap3A_939], %swap3A_942 {strides = array<i32>} : memref<32x128xi32, #tpu.memory_space<vmem>>, vector<1x128xi32>,
    %mul3A_943 = vector.broadcast %sub3A_874 : vector<64x1xf32> to vector<64x128xf32>
    %mul3A_944 = arith.mulf %select_n3A_138, %mul3A_943 : vector<64x128xf32>
    %reduce_sum3A_945 = arith.constant dense<0.000000e+00> : vector<128xf32>
    %reduce_sum3A_946 = vector.multi_reduction <add>, %mul3A_944, %reduce_sum3A_945 [0] : vector<64x128xf32> to vector<128xf32>
    %broadcast_in_dim3A_947 = vector.shape_cast %reduce_sum3A_946 : vector<128xf32> to vector<1x128xf32>
    %add3A_948 = arith.addf %broadcast_in_dim3A_150, %broadcast_in_dim3A_947 : vector<1x128xf32>
    %reshape3A_949 = vector.shape_cast %add3A_948 : vector<1x128xf32> to vector<128xf32>
    %convert_element_type3A_950 = arith.fptosi %reshape3A_949 : vector<128xf32> to vector<128xi32>
    %swap3A_951 = arith.constant 5 : index
    %swap3A_952 = arith.constant 0 : index
    %swap3A_953 = vector.load %arg1[%swap3A_951, %swap3A_952] : memref<32x128xi32, #tpu.memory_space<vmem>>, vector<1x128xi32>
    %swap3A_954 = vector.shape_cast %swap3A_953 : vector<1x128xi32> to vector<128xi32>
    %swap3A_955 = vector.shape_cast %convert_element_type3A_950 : vector<128xi32> to vector<1x128xi32>
    tpu.vector_store %arg1[%swap3A_951, %swap3A_952], %swap3A_955 {strides = array<i32>} : memref<32x128xi32, #tpu.memory_space<vmem>>, vector<1x128xi32>,
    %mul3A_956 = vector.broadcast %sub3A_874 : vector<64x1xf32> to vector<64x128xf32>
    %mul3A_957 = arith.mulf %select_n3A_164, %mul3A_956 : vector<64x128xf32>
    %reduce_sum3A_958 = arith.constant dense<0.000000e+00> : vector<128xf32>
    %reduce_sum3A_959 = vector.multi_reduction <add>, %mul3A_957, %reduce_sum3A_958 [0] : vector<64x128xf32> to vector<128xf32>
    %broadcast_in_dim3A_960 = vector.shape_cast %reduce_sum3A_959 : vector<128xf32> to vector<1x128xf32>
    %add3A_961 = arith.addf %broadcast_in_dim3A_176, %broadcast_in_dim3A_960 : vector<1x128xf32>
    %reshape3A_962 = vector.shape_cast %add3A_961 : vector<1x128xf32> to vector<128xf32>
    %convert_element_type3A_963 = arith.fptosi %reshape3A_962 : vector<128xf32> to vector<128xi32>
    %swap3A_964 = arith.constant 6 : index
    %swap3A_965 = arith.constant 0 : index
    %swap3A_966 = vector.load %arg1[%swap3A_964, %swap3A_965] : memref<32x128xi32, #tpu.memory_space<vmem>>, vector<1x128xi32>
    %swap3A_967 = vector.shape_cast %swap3A_966 : vector<1x128xi32> to vector<128xi32>
    %swap3A_968 = vector.shape_cast %convert_element_type3A_963 : vector<128xi32> to vector<1x128xi32>
    tpu.vector_store %arg1[%swap3A_964, %swap3A_965], %swap3A_968 {strides = array<i32>} : memref<32x128xi32, #tpu.memory_space<vmem>>, vector<1x128xi32>,
    %mul3A_969 = vector.broadcast %sub3A_874 : vector<64x1xf32> to vector<64x128xf32>
    %mul3A_970 = arith.mulf %select_n3A_190, %mul3A_969 : vector<64x128xf32>
    %reduce_sum3A_971 = arith.constant dense<0.000000e+00> : vector<128xf32>
    %reduce_sum3A_972 = vector.multi_reduction <add>, %mul3A_970, %reduce_sum3A_971 [0] : vector<64x128xf32> to vector<128xf32>
    %broadcast_in_dim3A_973 = vector.shape_cast %reduce_sum3A_972 : vector<128xf32> to vector<1x128xf32>
    %add3A_974 = arith.addf %broadcast_in_dim3A_202, %broadcast_in_dim3A_973 : vector<1x128xf32>
    %reshape3A_975 = vector.shape_cast %add3A_974 : vector<1x128xf32> to vector<128xf32>
    %convert_element_type3A_976 = arith.fptosi %reshape3A_975 : vector<128xf32> to vector<128xi32>
    %swap3A_977 = arith.constant 7 : index
    %swap3A_978 = arith.constant 0 : index
    %swap3A_979 = vector.load %arg1[%swap3A_977, %swap3A_978] : memref<32x128xi32, #tpu.memory_space<vmem>>, vector<1x128xi32>
    %swap3A_980 = vector.shape_cast %swap3A_979 : vector<1x128xi32> to vector<128xi32>
    %swap3A_981 = vector.shape_cast %convert_element_type3A_976 : vector<128xi32> to vector<1x128xi32>
    tpu.vector_store %arg1[%swap3A_977, %swap3A_978], %swap3A_981 {strides = array<i32>} : memref<32x128xi32, #tpu.memory_space<vmem>>, vector<1x128xi32>,
    %mul3A_982 = vector.broadcast %sub3A_874 : vector<64x1xf32> to vector<64x128xf32>
    %mul3A_983 = arith.mulf %select_n3A_216, %mul3A_982 : vector<64x128xf32>
    %reduce_sum3A_984 = arith.constant dense<0.000000e+00> : vector<128xf32>
    %reduce_sum3A_985 = vector.multi_reduction <add>, %mul3A_983, %reduce_sum3A_984 [0] : vector<64x128xf32> to vector<128xf32>
    %broadcast_in_dim3A_986 = vector.shape_cast %reduce_sum3A_985 : vector<128xf32> to vector<1x128xf32>
    %add3A_987 = arith.addf %broadcast_in_dim3A_228, %broadcast_in_dim3A_986 : vector<1x128xf32>
    %reshape3A_988 = vector.shape_cast %add3A_987 : vector<1x128xf32> to vector<128xf32>
    %convert_element_type3A_989 = arith.fptosi %reshape3A_988 : vector<128xf32> to vector<128xi32>
    %swap3A_990 = arith.constant 8 : index
    %swap3A_991 = arith.constant 0 : index
    %swap3A_992 = vector.load %arg1[%swap3A_990, %swap3A_991] : memref<32x128xi32, #tpu.memory_space<vmem>>, vector<1x128xi32>
    %swap3A_993 = vector.shape_cast %swap3A_992 : vector<1x128xi32> to vector<128xi32>
    %swap3A_994 = vector.shape_cast %convert_element_type3A_989 : vector<128xi32> to vector<1x128xi32>
    tpu.vector_store %arg1[%swap3A_990, %swap3A_991], %swap3A_994 {strides = array<i32>} : memref<32x128xi32, #tpu.memory_space<vmem>>, vector<1x128xi32>,
    %mul3A_995 = vector.broadcast %sub3A_874 : vector<64x1xf32> to vector<64x128xf32>
    %mul3A_996 = arith.mulf %select_n3A_242, %mul3A_995 : vector<64x128xf32>
    %reduce_sum3A_997 = arith.constant dense<0.000000e+00> : vector<128xf32>
    %reduce_sum3A_998 = vector.multi_reduction <add>, %mul3A_996, %reduce_sum3A_997 [0] : vector<64x128xf32> to vector<128xf32>
    %broadcast_in_dim3A_999 = vector.shape_cast %reduce_sum3A_998 : vector<128xf32> to vector<1x128xf32>
    %add3A_1000 = arith.addf %broadcast_in_dim3A_254, %broadcast_in_dim3A_999 : vector<1x128xf32>
    %reshape3A_1001 = vector.shape_cast %add3A_1000 : vector<1x128xf32> to vector<128xf32>
    %convert_element_type3A_1002 = arith.fptosi %reshape3A_1001 : vector<128xf32> to vector<128xi32>
    %swap3A_1003 = arith.constant 9 : index
    %swap3A_1004 = arith.constant 0 : index
    %swap3A_1005 = vector.load %arg1[%swap3A_1003, %swap3A_1004] : memref<32x128xi32, #tpu.memory_space<vmem>>, vector<1x128xi32>
    %swap3A_1006 = vector.shape_cast %swap3A_1005 : vector<1x128xi32> to vector<128xi32>
    %swap3A_1007 = vector.shape_cast %convert_element_type3A_1002 : vector<128xi32> to vector<1x128xi32>
    tpu.vector_store %arg1[%swap3A_1003, %swap3A_1004], %swap3A_1007 {strides = array<i32>} : memref<32x128xi32, #tpu.memory_space<vmem>>, vector<1x128xi32>,
    %mul3A_1008 = vector.broadcast %sub3A_874 : vector<64x1xf32> to vector<64x128xf32>
    %mul3A_1009 = arith.mulf %select_n3A_268, %mul3A_1008 : vector<64x128xf32>
    %reduce_sum3A_1010 = arith.constant dense<0.000000e+00> : vector<128xf32>
    %reduce_sum3A_1011 = vector.multi_reduction <add>, %mul3A_1009, %reduce_sum3A_1010 [0] : vector<64x128xf32> to vector<128xf32>
    %broadcast_in_dim3A_1012 = vector.shape_cast %reduce_sum3A_1011 : vector<128xf32> to vector<1x128xf32>
    %add3A_1013 = arith.addf %broadcast_in_dim3A_280, %broadcast_in_dim3A_1012 : vector<1x128xf32>
    %reshape3A_1014 = vector.shape_cast %add3A_1013 : vector<1x128xf32> to vector<128xf32>
    %convert_element_type3A_1015 = arith.fptosi %reshape3A_1014 : vector<128xf32> to vector<128xi32>
    %swap3A_1016 = arith.constant 10 : index
    %swap3A_1017 = arith.constant 0 : index
    %swap3A_1018 = vector.load %arg1[%swap3A_1016, %swap3A_1017] : memref<32x128xi32, #tpu.memory_space<vmem>>, vector<1x128xi32>
    %swap3A_1019 = vector.shape_cast %swap3A_1018 : vector<1x128xi32> to vector<128xi32>
    %swap3A_1020 = vector.shape_cast %convert_element_type3A_1015 : vector<128xi32> to vector<1x128xi32>
    tpu.vector_store %arg1[%swap3A_1016, %swap3A_1017], %swap3A_1020 {strides = array<i32>} : memref<32x128xi32, #tpu.memory_space<vmem>>, vector<1x128xi32>,
    %mul3A_1021 = vector.broadcast %sub3A_874 : vector<64x1xf32> to vector<64x128xf32>
    %mul3A_1022 = arith.mulf %select_n3A_294, %mul3A_1021 : vector<64x128xf32>
    %reduce_sum3A_1023 = arith.constant dense<0.000000e+00> : vector<128xf32>
    %reduce_sum3A_1024 = vector.multi_reduction <add>, %mul3A_1022, %reduce_sum3A_1023 [0] : vector<64x128xf32> to vector<128xf32>
    %broadcast_in_dim3A_1025 = vector.shape_cast %reduce_sum3A_1024 : vector<128xf32> to vector<1x128xf32>
    %add3A_1026 = arith.addf %broadcast_in_dim3A_306, %broadcast_in_dim3A_1025 : vector<1x128xf32>
    %reshape3A_1027 = vector.shape_cast %add3A_1026 : vector<1x128xf32> to vector<128xf32>
    %convert_element_type3A_1028 = arith.fptosi %reshape3A_1027 : vector<128xf32> to vector<128xi32>
    %swap3A_1029 = arith.constant 11 : index
    %swap3A_1030 = arith.constant 0 : index
    %swap3A_1031 = vector.load %arg1[%swap3A_1029, %swap3A_1030] : memref<32x128xi32, #tpu.memory_space<vmem>>, vector<1x128xi32>
    %swap3A_1032 = vector.shape_cast %swap3A_1031 : vector<1x128xi32> to vector<128xi32>
    %swap3A_1033 = vector.shape_cast %convert_element_type3A_1028 : vector<128xi32> to vector<1x128xi32>
    tpu.vector_store %arg1[%swap3A_1029, %swap3A_1030], %swap3A_1033 {strides = array<i32>} : memref<32x128xi32, #tpu.memory_space<vmem>>, vector<1x128xi32>,
    %mul3A_1034 = vector.broadcast %sub3A_874 : vector<64x1xf32> to vector<64x128xf32>
    %mul3A_1035 = arith.mulf %select_n3A_320, %mul3A_1034 : vector<64x128xf32>
    %reduce_sum3A_1036 = arith.constant dense<0.000000e+00> : vector<128xf32>
    %reduce_sum3A_1037 = vector.multi_reduction <add>, %mul3A_1035, %reduce_sum3A_1036 [0] : vector<64x128xf32> to vector<128xf32>
    %broadcast_in_dim3A_1038 = vector.shape_cast %reduce_sum3A_1037 : vector<128xf32> to vector<1x128xf32>
    %add3A_1039 = arith.addf %broadcast_in_dim3A_332, %broadcast_in_dim3A_1038 : vector<1x128xf32>
    %reshape3A_1040 = vector.shape_cast %add3A_1039 : vector<1x128xf32> to vector<128xf32>
    %convert_element_type3A_1041 = arith.fptosi %reshape3A_1040 : vector<128xf32> to vector<128xi32>
    %swap3A_1042 = arith.constant 12 : index
    %swap3A_1043 = arith.constant 0 : index
    %swap3A_1044 = vector.load %arg1[%swap3A_1042, %swap3A_1043] : memref<32x128xi32, #tpu.memory_space<vmem>>, vector<1x128xi32>
    %swap3A_1045 = vector.shape_cast %swap3A_1044 : vector<1x128xi32> to vector<128xi32>
    %swap3A_1046 = vector.shape_cast %convert_element_type3A_1041 : vector<128xi32> to vector<1x128xi32>
    tpu.vector_store %arg1[%swap3A_1042, %swap3A_1043], %swap3A_1046 {strides = array<i32>} : memref<32x128xi32, #tpu.memory_space<vmem>>, vector<1x128xi32>,
    %mul3A_1047 = vector.broadcast %sub3A_874 : vector<64x1xf32> to vector<64x128xf32>
    %mul3A_1048 = arith.mulf %select_n3A_346, %mul3A_1047 : vector<64x128xf32>
    %reduce_sum3A_1049 = arith.constant dense<0.000000e+00> : vector<128xf32>
    %reduce_sum3A_1050 = vector.multi_reduction <add>, %mul3A_1048, %reduce_sum3A_1049 [0] : vector<64x128xf32> to vector<128xf32>
    %broadcast_in_dim3A_1051 = vector.shape_cast %reduce_sum3A_1050 : vector<128xf32> to vector<1x128xf32>
    %add3A_1052 = arith.addf %broadcast_in_dim3A_358, %broadcast_in_dim3A_1051 : vector<1x128xf32>
    %reshape3A_1053 = vector.shape_cast %add3A_1052 : vector<1x128xf32> to vector<128xf32>
    %convert_element_type3A_1054 = arith.fptosi %reshape3A_1053 : vector<128xf32> to vector<128xi32>
    %swap3A_1055 = arith.constant 13 : index
    %swap3A_1056 = arith.constant 0 : index
    %swap3A_1057 = vector.load %arg1[%swap3A_1055, %swap3A_1056] : memref<32x128xi32, #tpu.memory_space<vmem>>, vector<1x128xi32>
    %swap3A_1058 = vector.shape_cast %swap3A_1057 : vector<1x128xi32> to vector<128xi32>
    %swap3A_1059 = vector.shape_cast %convert_element_type3A_1054 : vector<128xi32> to vector<1x128xi32>
    tpu.vector_store %arg1[%swap3A_1055, %swap3A_1056], %swap3A_1059 {strides = array<i32>} : memref<32x128xi32, #tpu.memory_space<vmem>>, vector<1x128xi32>,
    %mul3A_1060 = vector.broadcast %sub3A_874 : vector<64x1xf32> to vector<64x128xf32>
    %mul3A_1061 = arith.mulf %select_n3A_372, %mul3A_1060 : vector<64x128xf32>
    %reduce_sum3A_1062 = arith.constant dense<0.000000e+00> : vector<128xf32>
    %reduce_sum3A_1063 = vector.multi_reduction <add>, %mul3A_1061, %reduce_sum3A_1062 [0] : vector<64x128xf32> to vector<128xf32>
    %broadcast_in_dim3A_1064 = vector.shape_cast %reduce_sum3A_1063 : vector<128xf32> to vector<1x128xf32>
    %add3A_1065 = arith.addf %broadcast_in_dim3A_384, %broadcast_in_dim3A_1064 : vector<1x128xf32>
    %reshape3A_1066 = vector.shape_cast %add3A_1065 : vector<1x128xf32> to vector<128xf32>
    %convert_element_type3A_1067 = arith.fptosi %reshape3A_1066 : vector<128xf32> to vector<128xi32>
    %swap3A_1068 = arith.constant 14 : index
    %swap3A_1069 = arith.constant 0 : index
    %swap3A_1070 = vector.load %arg1[%swap3A_1068, %swap3A_1069] : memref<32x128xi32, #tpu.memory_space<vmem>>, vector<1x128xi32>
    %swap3A_1071 = vector.shape_cast %swap3A_1070 : vector<1x128xi32> to vector<128xi32>
    %swap3A_1072 = vector.shape_cast %convert_element_type3A_1067 : vector<128xi32> to vector<1x128xi32>
    tpu.vector_store %arg1[%swap3A_1068, %swap3A_1069], %swap3A_1072 {strides = array<i32>} : memref<32x128xi32, #tpu.memory_space<vmem>>, vector<1x128xi32>,
    %mul3A_1073 = vector.broadcast %sub3A_874 : vector<64x1xf32> to vector<64x128xf32>
    %mul3A_1074 = arith.mulf %select_n3A_398, %mul3A_1073 : vector<64x128xf32>
    %reduce_sum3A_1075 = arith.constant dense<0.000000e+00> : vector<128xf32>
    %reduce_sum3A_1076 = vector.multi_reduction <add>, %mul3A_1074, %reduce_sum3A_1075 [0] : vector<64x128xf32> to vector<128xf32>
    %broadcast_in_dim3A_1077 = vector.shape_cast %reduce_sum3A_1076 : vector<128xf32> to vector<1x128xf32>
    %add3A_1078 = arith.addf %broadcast_in_dim3A_410, %broadcast_in_dim3A_1077 : vector<1x128xf32>
    %reshape3A_1079 = vector.shape_cast %add3A_1078 : vector<1x128xf32> to vector<128xf32>
    %convert_element_type3A_1080 = arith.fptosi %reshape3A_1079 : vector<128xf32> to vector<128xi32>
    %swap3A_1081 = arith.constant 15 : index
    %swap3A_1082 = arith.constant 0 : index
    %swap3A_1083 = vector.load %arg1[%swap3A_1081, %swap3A_1082] : memref<32x128xi32, #tpu.memory_space<vmem>>, vector<1x128xi32>
    %swap3A_1084 = vector.shape_cast %swap3A_1083 : vector<1x128xi32> to vector<128xi32>
    %swap3A_1085 = vector.shape_cast %convert_element_type3A_1080 : vector<128xi32> to vector<1x128xi32>
    tpu.vector_store %arg1[%swap3A_1081, %swap3A_1082], %swap3A_1085 {strides = array<i32>} : memref<32x128xi32, #tpu.memory_space<vmem>>, vector<1x128xi32>,
    %mul3A_1086 = vector.broadcast %sub3A_874 : vector<64x1xf32> to vector<64x128xf32>
    %mul3A_1087 = arith.mulf %select_n3A_424, %mul3A_1086 : vector<64x128xf32>
    %reduce_sum3A_1088 = arith.constant dense<0.000000e+00> : vector<128xf32>
    %reduce_sum3A_1089 = vector.multi_reduction <add>, %mul3A_1087, %reduce_sum3A_1088 [0] : vector<64x128xf32> to vector<128xf32>
    %broadcast_in_dim3A_1090 = vector.shape_cast %reduce_sum3A_1089 : vector<128xf32> to vector<1x128xf32>
    %add3A_1091 = arith.addf %broadcast_in_dim3A_436, %broadcast_in_dim3A_1090 : vector<1x128xf32>
    %reshape3A_1092 = vector.shape_cast %add3A_1091 : vector<1x128xf32> to vector<128xf32>
    %convert_element_type3A_1093 = arith.fptosi %reshape3A_1092 : vector<128xf32> to vector<128xi32>
    %swap3A_1094 = arith.constant 16 : index
    %swap3A_1095 = arith.constant 0 : index
    %swap3A_1096 = vector.load %arg1[%swap3A_1094, %swap3A_1095] : memref<32x128xi32, #tpu.memory_space<vmem>>, vector<1x128xi32>
    %swap3A_1097 = vector.shape_cast %swap3A_1096 : vector<1x128xi32> to vector<128xi32>
    %swap3A_1098 = vector.shape_cast %convert_element_type3A_1093 : vector<128xi32> to vector<1x128xi32>
    tpu.vector_store %arg1[%swap3A_1094, %swap3A_1095], %swap3A_1098 {strides = array<i32>} : memref<32x128xi32, #tpu.memory_space<vmem>>, vector<1x128xi32>,
    %mul3A_1099 = vector.broadcast %sub3A_874 : vector<64x1xf32> to vector<64x128xf32>
    %mul3A_1100 = arith.mulf %select_n3A_450, %mul3A_1099 : vector<64x128xf32>
    %reduce_sum3A_1101 = arith.constant dense<0.000000e+00> : vector<128xf32>
    %reduce_sum3A_1102 = vector.multi_reduction <add>, %mul3A_1100, %reduce_sum3A_1101 [0] : vector<64x128xf32> to vector<128xf32>
    %broadcast_in_dim3A_1103 = vector.shape_cast %reduce_sum3A_1102 : vector<128xf32> to vector<1x128xf32>
    %add3A_1104 = arith.addf %broadcast_in_dim3A_462, %broadcast_in_dim3A_1103 : vector<1x128xf32>
    %reshape3A_1105 = vector.shape_cast %add3A_1104 : vector<1x128xf32> to vector<128xf32>
    %convert_element_type3A_1106 = arith.fptosi %reshape3A_1105 : vector<128xf32> to vector<128xi32>
    %swap3A_1107 = arith.constant 17 : index
    %swap3A_1108 = arith.constant 0 : index
    %swap3A_1109 = vector.load %arg1[%swap3A_1107, %swap3A_1108] : memref<32x128xi32, #tpu.memory_space<vmem>>, vector<1x128xi32>
    %swap3A_1110 = vector.shape_cast %swap3A_1109 : vector<1x128xi32> to vector<128xi32>
    %swap3A_1111 = vector.shape_cast %convert_element_type3A_1106 : vector<128xi32> to vector<1x128xi32>
    tpu.vector_store %arg1[%swap3A_1107, %swap3A_1108], %swap3A_1111 {strides = array<i32>} : memref<32x128xi32, #tpu.memory_space<vmem>>, vector<1x128xi32>,
    %mul3A_1112 = vector.broadcast %sub3A_874 : vector<64x1xf32> to vector<64x128xf32>
    %mul3A_1113 = arith.mulf %select_n3A_476, %mul3A_1112 : vector<64x128xf32>
    %reduce_sum3A_1114 = arith.constant dense<0.000000e+00> : vector<128xf32>
    %reduce_sum3A_1115 = vector.multi_reduction <add>, %mul3A_1113, %reduce_sum3A_1114 [0] : vector<64x128xf32> to vector<128xf32>
    %broadcast_in_dim3A_1116 = vector.shape_cast %reduce_sum3A_1115 : vector<128xf32> to vector<1x128xf32>
    %add3A_1117 = arith.addf %broadcast_in_dim3A_488, %broadcast_in_dim3A_1116 : vector<1x128xf32>
    %reshape3A_1118 = vector.shape_cast %add3A_1117 : vector<1x128xf32> to vector<128xf32>
    %convert_element_type3A_1119 = arith.fptosi %reshape3A_1118 : vector<128xf32> to vector<128xi32>
    %swap3A_1120 = arith.constant 18 : index
    %swap3A_1121 = arith.constant 0 : index
    %swap3A_1122 = vector.load %arg1[%swap3A_1120, %swap3A_1121] : memref<32x128xi32, #tpu.memory_space<vmem>>, vector<1x128xi32>
    %swap3A_1123 = vector.shape_cast %swap3A_1122 : vector<1x128xi32> to vector<128xi32>
    %swap3A_1124 = vector.shape_cast %convert_element_type3A_1119 : vector<128xi32> to vector<1x128xi32>
    tpu.vector_store %arg1[%swap3A_1120, %swap3A_1121], %swap3A_1124 {strides = array<i32>} : memref<32x128xi32, #tpu.memory_space<vmem>>, vector<1x128xi32>,
    %mul3A_1125 = vector.broadcast %sub3A_874 : vector<64x1xf32> to vector<64x128xf32>
    %mul3A_1126 = arith.mulf %select_n3A_502, %mul3A_1125 : vector<64x128xf32>
    %reduce_sum3A_1127 = arith.constant dense<0.000000e+00> : vector<128xf32>
    %reduce_sum3A_1128 = vector.multi_reduction <add>, %mul3A_1126, %reduce_sum3A_1127 [0] : vector<64x128xf32> to vector<128xf32>
    %broadcast_in_dim3A_1129 = vector.shape_cast %reduce_sum3A_1128 : vector<128xf32> to vector<1x128xf32>
    %add3A_1130 = arith.addf %broadcast_in_dim3A_514, %broadcast_in_dim3A_1129 : vector<1x128xf32>
    %reshape3A_1131 = vector.shape_cast %add3A_1130 : vector<1x128xf32> to vector<128xf32>
    %convert_element_type3A_1132 = arith.fptosi %reshape3A_1131 : vector<128xf32> to vector<128xi32>
    %swap3A_1133 = arith.constant 19 : index
    %swap3A_1134 = arith.constant 0 : index
    %swap3A_1135 = vector.load %arg1[%swap3A_1133, %swap3A_1134] : memref<32x128xi32, #tpu.memory_space<vmem>>, vector<1x128xi32>
    %swap3A_1136 = vector.shape_cast %swap3A_1135 : vector<1x128xi32> to vector<128xi32>
    %swap3A_1137 = vector.shape_cast %convert_element_type3A_1132 : vector<128xi32> to vector<1x128xi32>
    tpu.vector_store %arg1[%swap3A_1133, %swap3A_1134], %swap3A_1137 {strides = array<i32>} : memref<32x128xi32, #tpu.memory_space<vmem>>, vector<1x128xi32>,
    %mul3A_1138 = vector.broadcast %sub3A_874 : vector<64x1xf32> to vector<64x128xf32>
    %mul3A_1139 = arith.mulf %select_n3A_528, %mul3A_1138 : vector<64x128xf32>
    %reduce_sum3A_1140 = arith.constant dense<0.000000e+00> : vector<128xf32>
    %reduce_sum3A_1141 = vector.multi_reduction <add>, %mul3A_1139, %reduce_sum3A_1140 [0] : vector<64x128xf32> to vector<128xf32>
    %broadcast_in_dim3A_1142 = vector.shape_cast %reduce_sum3A_1141 : vector<128xf32> to vector<1x128xf32>
    %add3A_1143 = arith.addf %broadcast_in_dim3A_540, %broadcast_in_dim3A_1142 : vector<1x128xf32>
    %reshape3A_1144 = vector.shape_cast %add3A_1143 : vector<1x128xf32> to vector<128xf32>
    %convert_element_type3A_1145 = arith.fptosi %reshape3A_1144 : vector<128xf32> to vector<128xi32>
    %swap3A_1146 = arith.constant 20 : index
    %swap3A_1147 = arith.constant 0 : index
    %swap3A_1148 = vector.load %arg1[%swap3A_1146, %swap3A_1147] : memref<32x128xi32, #tpu.memory_space<vmem>>, vector<1x128xi32>
    %swap3A_1149 = vector.shape_cast %swap3A_1148 : vector<1x128xi32> to vector<128xi32>
    %swap3A_1150 = vector.shape_cast %convert_element_type3A_1145 : vector<128xi32> to vector<1x128xi32>
    tpu.vector_store %arg1[%swap3A_1146, %swap3A_1147], %swap3A_1150 {strides = array<i32>} : memref<32x128xi32, #tpu.memory_space<vmem>>, vector<1x128xi32>,
    %mul3A_1151 = vector.broadcast %sub3A_874 : vector<64x1xf32> to vector<64x128xf32>
    %mul3A_1152 = arith.mulf %select_n3A_554, %mul3A_1151 : vector<64x128xf32>
    %reduce_sum3A_1153 = arith.constant dense<0.000000e+00> : vector<128xf32>
    %reduce_sum3A_1154 = vector.multi_reduction <add>, %mul3A_1152, %reduce_sum3A_1153 [0] : vector<64x128xf32> to vector<128xf32>
    %broadcast_in_dim3A_1155 = vector.shape_cast %reduce_sum3A_1154 : vector<128xf32> to vector<1x128xf32>
    %add3A_1156 = arith.addf %broadcast_in_dim3A_566, %broadcast_in_dim3A_1155 : vector<1x128xf32>
    %reshape3A_1157 = vector.shape_cast %add3A_1156 : vector<1x128xf32> to vector<128xf32>
    %convert_element_type3A_1158 = arith.fptosi %reshape3A_1157 : vector<128xf32> to vector<128xi32>
    %swap3A_1159 = arith.constant 21 : index
    %swap3A_1160 = arith.constant 0 : index
    %swap3A_1161 = vector.load %arg1[%swap3A_1159, %swap3A_1160] : memref<32x128xi32, #tpu.memory_space<vmem>>, vector<1x128xi32>
    %swap3A_1162 = vector.shape_cast %swap3A_1161 : vector<1x128xi32> to vector<128xi32>
    %swap3A_1163 = vector.shape_cast %convert_element_type3A_1158 : vector<128xi32> to vector<1x128xi32>
    tpu.vector_store %arg1[%swap3A_1159, %swap3A_1160], %swap3A_1163 {strides = array<i32>} : memref<32x128xi32, #tpu.memory_space<vmem>>, vector<1x128xi32>,
    %mul3A_1164 = vector.broadcast %sub3A_874 : vector<64x1xf32> to vector<64x128xf32>
    %mul3A_1165 = arith.mulf %select_n3A_580, %mul3A_1164 : vector<64x128xf32>
    %reduce_sum3A_1166 = arith.constant dense<0.000000e+00> : vector<128xf32>
    %reduce_sum3A_1167 = vector.multi_reduction <add>, %mul3A_1165, %reduce_sum3A_1166 [0] : vector<64x128xf32> to vector<128xf32>
    %broadcast_in_dim3A_1168 = vector.shape_cast %reduce_sum3A_1167 : vector<128xf32> to vector<1x128xf32>
    %add3A_1169 = arith.addf %broadcast_in_dim3A_592, %broadcast_in_dim3A_1168 : vector<1x128xf32>
    %reshape3A_1170 = vector.shape_cast %add3A_1169 : vector<1x128xf32> to vector<128xf32>
    %convert_element_type3A_1171 = arith.fptosi %reshape3A_1170 : vector<128xf32> to vector<128xi32>
    %swap3A_1172 = arith.constant 22 : index
    %swap3A_1173 = arith.constant 0 : index
    %swap3A_1174 = vector.load %arg1[%swap3A_1172, %swap3A_1173] : memref<32x128xi32, #tpu.memory_space<vmem>>, vector<1x128xi32>
    %swap3A_1175 = vector.shape_cast %swap3A_1174 : vector<1x128xi32> to vector<128xi32>
    %swap3A_1176 = vector.shape_cast %convert_element_type3A_1171 : vector<128xi32> to vector<1x128xi32>
    tpu.vector_store %arg1[%swap3A_1172, %swap3A_1173], %swap3A_1176 {strides = array<i32>} : memref<32x128xi32, #tpu.memory_space<vmem>>, vector<1x128xi32>,
    %mul3A_1177 = vector.broadcast %sub3A_874 : vector<64x1xf32> to vector<64x128xf32>
    %mul3A_1178 = arith.mulf %select_n3A_606, %mul3A_1177 : vector<64x128xf32>
    %reduce_sum3A_1179 = arith.constant dense<0.000000e+00> : vector<128xf32>
    %reduce_sum3A_1180 = vector.multi_reduction <add>, %mul3A_1178, %reduce_sum3A_1179 [0] : vector<64x128xf32> to vector<128xf32>
    %broadcast_in_dim3A_1181 = vector.shape_cast %reduce_sum3A_1180 : vector<128xf32> to vector<1x128xf32>
    %add3A_1182 = arith.addf %broadcast_in_dim3A_618, %broadcast_in_dim3A_1181 : vector<1x128xf32>
    %reshape3A_1183 = vector.shape_cast %add3A_1182 : vector<1x128xf32> to vector<128xf32>
    %convert_element_type3A_1184 = arith.fptosi %reshape3A_1183 : vector<128xf32> to vector<128xi32>
    %swap3A_1185 = arith.constant 23 : index
    %swap3A_1186 = arith.constant 0 : index
    %swap3A_1187 = vector.load %arg1[%swap3A_1185, %swap3A_1186] : memref<32x128xi32, #tpu.memory_space<vmem>>, vector<1x128xi32>
    %swap3A_1188 = vector.shape_cast %swap3A_1187 : vector<1x128xi32> to vector<128xi32>
    %swap3A_1189 = vector.shape_cast %convert_element_type3A_1184 : vector<128xi32> to vector<1x128xi32>
    tpu.vector_store %arg1[%swap3A_1185, %swap3A_1186], %swap3A_1189 {strides = array<i32>} : memref<32x128xi32, #tpu.memory_space<vmem>>, vector<1x128xi32>,
    %mul3A_1190 = vector.broadcast %sub3A_874 : vector<64x1xf32> to vector<64x128xf32>
    %mul3A_1191 = arith.mulf %select_n3A_632, %mul3A_1190 : vector<64x128xf32>
    %reduce_sum3A_1192 = arith.constant dense<0.000000e+00> : vector<128xf32>
    %reduce_sum3A_1193 = vector.multi_reduction <add>, %mul3A_1191, %reduce_sum3A_1192 [0] : vector<64x128xf32> to vector<128xf32>
    %broadcast_in_dim3A_1194 = vector.shape_cast %reduce_sum3A_1193 : vector<128xf32> to vector<1x128xf32>
    %add3A_1195 = arith.addf %broadcast_in_dim3A_644, %broadcast_in_dim3A_1194 : vector<1x128xf32>
    %reshape3A_1196 = vector.shape_cast %add3A_1195 : vector<1x128xf32> to vector<128xf32>
    %convert_element_type3A_1197 = arith.fptosi %reshape3A_1196 : vector<128xf32> to vector<128xi32>
    %swap3A_1198 = arith.constant 24 : index
    %swap3A_1199 = arith.constant 0 : index
    %swap3A_1200 = vector.load %arg1[%swap3A_1198, %swap3A_1199] : memref<32x128xi32, #tpu.memory_space<vmem>>, vector<1x128xi32>
    %swap3A_1201 = vector.shape_cast %swap3A_1200 : vector<1x128xi32> to vector<128xi32>
    %swap3A_1202 = vector.shape_cast %convert_element_type3A_1197 : vector<128xi32> to vector<1x128xi32>
    tpu.vector_store %arg1[%swap3A_1198, %swap3A_1199], %swap3A_1202 {strides = array<i32>} : memref<32x128xi32, #tpu.memory_space<vmem>>, vector<1x128xi32>,
    %mul3A_1203 = vector.broadcast %sub3A_874 : vector<64x1xf32> to vector<64x128xf32>
    %mul3A_1204 = arith.mulf %select_n3A_658, %mul3A_1203 : vector<64x128xf32>
    %reduce_sum3A_1205 = arith.constant dense<0.000000e+00> : vector<128xf32>
    %reduce_sum3A_1206 = vector.multi_reduction <add>, %mul3A_1204, %reduce_sum3A_1205 [0] : vector<64x128xf32> to vector<128xf32>
    %broadcast_in_dim3A_1207 = vector.shape_cast %reduce_sum3A_1206 : vector<128xf32> to vector<1x128xf32>
    %add3A_1208 = arith.addf %broadcast_in_dim3A_670, %broadcast_in_dim3A_1207 : vector<1x128xf32>
    %reshape3A_1209 = vector.shape_cast %add3A_1208 : vector<1x128xf32> to vector<128xf32>
    %convert_element_type3A_1210 = arith.fptosi %reshape3A_1209 : vector<128xf32> to vector<128xi32>
    %swap3A_1211 = arith.constant 25 : index
    %swap3A_1212 = arith.constant 0 : index
    %swap3A_1213 = vector.load %arg1[%swap3A_1211, %swap3A_1212] : memref<32x128xi32, #tpu.memory_space<vmem>>, vector<1x128xi32>
    %swap3A_1214 = vector.shape_cast %swap3A_1213 : vector<1x128xi32> to vector<128xi32>
    %swap3A_1215 = vector.shape_cast %convert_element_type3A_1210 : vector<128xi32> to vector<1x128xi32>
    tpu.vector_store %arg1[%swap3A_1211, %swap3A_1212], %swap3A_1215 {strides = array<i32>} : memref<32x128xi32, #tpu.memory_space<vmem>>, vector<1x128xi32>,
    %mul3A_1216 = vector.broadcast %sub3A_874 : vector<64x1xf32> to vector<64x128xf32>
    %mul3A_1217 = arith.mulf %select_n3A_684, %mul3A_1216 : vector<64x128xf32>
    %reduce_sum3A_1218 = arith.constant dense<0.000000e+00> : vector<128xf32>
    %reduce_sum3A_1219 = vector.multi_reduction <add>, %mul3A_1217, %reduce_sum3A_1218 [0] : vector<64x128xf32> to vector<128xf32>
    %broadcast_in_dim3A_1220 = vector.shape_cast %reduce_sum3A_1219 : vector<128xf32> to vector<1x128xf32>
    %add3A_1221 = arith.addf %broadcast_in_dim3A_696, %broadcast_in_dim3A_1220 : vector<1x128xf32>
    %reshape3A_1222 = vector.shape_cast %add3A_1221 : vector<1x128xf32> to vector<128xf32>
    %convert_element_type3A_1223 = arith.fptosi %reshape3A_1222 : vector<128xf32> to vector<128xi32>
    %swap3A_1224 = arith.constant 26 : index
    %swap3A_1225 = arith.constant 0 : index
    %swap3A_1226 = vector.load %arg1[%swap3A_1224, %swap3A_1225] : memref<32x128xi32, #tpu.memory_space<vmem>>, vector<1x128xi32>
    %swap3A_1227 = vector.shape_cast %swap3A_1226 : vector<1x128xi32> to vector<128xi32>
    %swap3A_1228 = vector.shape_cast %convert_element_type3A_1223 : vector<128xi32> to vector<1x128xi32>
    tpu.vector_store %arg1[%swap3A_1224, %swap3A_1225], %swap3A_1228 {strides = array<i32>} : memref<32x128xi32, #tpu.memory_space<vmem>>, vector<1x128xi32>,
    %mul3A_1229 = vector.broadcast %sub3A_874 : vector<64x1xf32> to vector<64x128xf32>
    %mul3A_1230 = arith.mulf %select_n3A_710, %mul3A_1229 : vector<64x128xf32>
    %reduce_sum3A_1231 = arith.constant dense<0.000000e+00> : vector<128xf32>
    %reduce_sum3A_1232 = vector.multi_reduction <add>, %mul3A_1230, %reduce_sum3A_1231 [0] : vector<64x128xf32> to vector<128xf32>
    %broadcast_in_dim3A_1233 = vector.shape_cast %reduce_sum3A_1232 : vector<128xf32> to vector<1x128xf32>
    %add3A_1234 = arith.addf %broadcast_in_dim3A_722, %broadcast_in_dim3A_1233 : vector<1x128xf32>
    %reshape3A_1235 = vector.shape_cast %add3A_1234 : vector<1x128xf32> to vector<128xf32>
    %convert_element_type3A_1236 = arith.fptosi %reshape3A_1235 : vector<128xf32> to vector<128xi32>
    %swap3A_1237 = arith.constant 27 : index
    %swap3A_1238 = arith.constant 0 : index
    %swap3A_1239 = vector.load %arg1[%swap3A_1237, %swap3A_1238] : memref<32x128xi32, #tpu.memory_space<vmem>>, vector<1x128xi32>
    %swap3A_1240 = vector.shape_cast %swap3A_1239 : vector<1x128xi32> to vector<128xi32>
    %swap3A_1241 = vector.shape_cast %convert_element_type3A_1236 : vector<128xi32> to vector<1x128xi32>
    tpu.vector_store %arg1[%swap3A_1237, %swap3A_1238], %swap3A_1241 {strides = array<i32>} : memref<32x128xi32, #tpu.memory_space<vmem>>, vector<1x128xi32>,
    %mul3A_1242 = vector.broadcast %sub3A_874 : vector<64x1xf32> to vector<64x128xf32>
    %mul3A_1243 = arith.mulf %select_n3A_736, %mul3A_1242 : vector<64x128xf32>
    %reduce_sum3A_1244 = arith.constant dense<0.000000e+00> : vector<128xf32>
    %reduce_sum3A_1245 = vector.multi_reduction <add>, %mul3A_1243, %reduce_sum3A_1244 [0] : vector<64x128xf32> to vector<128xf32>
    %broadcast_in_dim3A_1246 = vector.shape_cast %reduce_sum3A_1245 : vector<128xf32> to vector<1x128xf32>
    %add3A_1247 = arith.addf %broadcast_in_dim3A_748, %broadcast_in_dim3A_1246 : vector<1x128xf32>
    %reshape3A_1248 = vector.shape_cast %add3A_1247 : vector<1x128xf32> to vector<128xf32>
    %convert_element_type3A_1249 = arith.fptosi %reshape3A_1248 : vector<128xf32> to vector<128xi32>
    %swap3A_1250 = arith.constant 28 : index
    %swap3A_1251 = arith.constant 0 : index
    %swap3A_1252 = vector.load %arg1[%swap3A_1250, %swap3A_1251] : memref<32x128xi32, #tpu.memory_space<vmem>>, vector<1x128xi32>
    %swap3A_1253 = vector.shape_cast %swap3A_1252 : vector<1x128xi32> to vector<128xi32>
    %swap3A_1254 = vector.shape_cast %convert_element_type3A_1249 : vector<128xi32> to vector<1x128xi32>
    tpu.vector_store %arg1[%swap3A_1250, %swap3A_1251], %swap3A_1254 {strides = array<i32>} : memref<32x128xi32, #tpu.memory_space<vmem>>, vector<1x128xi32>,
    %mul3A_1255 = vector.broadcast %sub3A_874 : vector<64x1xf32> to vector<64x128xf32>
    %mul3A_1256 = arith.mulf %select_n3A_762, %mul3A_1255 : vector<64x128xf32>
    %reduce_sum3A_1257 = arith.constant dense<0.000000e+00> : vector<128xf32>
    %reduce_sum3A_1258 = vector.multi_reduction <add>, %mul3A_1256, %reduce_sum3A_1257 [0] : vector<64x128xf32> to vector<128xf32>
    %broadcast_in_dim3A_1259 = vector.shape_cast %reduce_sum3A_1258 : vector<128xf32> to vector<1x128xf32>
    %add3A_1260 = arith.addf %broadcast_in_dim3A_774, %broadcast_in_dim3A_1259 : vector<1x128xf32>
    %reshape3A_1261 = vector.shape_cast %add3A_1260 : vector<1x128xf32> to vector<128xf32>
    %convert_element_type3A_1262 = arith.fptosi %reshape3A_1261 : vector<128xf32> to vector<128xi32>
    %swap3A_1263 = arith.constant 29 : index
    %swap3A_1264 = arith.constant 0 : index
    %swap3A_1265 = vector.load %arg1[%swap3A_1263, %swap3A_1264] : memref<32x128xi32, #tpu.memory_space<vmem>>, vector<1x128xi32>
    %swap3A_1266 = vector.shape_cast %swap3A_1265 : vector<1x128xi32> to vector<128xi32>
    %swap3A_1267 = vector.shape_cast %convert_element_type3A_1262 : vector<128xi32> to vector<1x128xi32>
    tpu.vector_store %arg1[%swap3A_1263, %swap3A_1264], %swap3A_1267 {strides = array<i32>} : memref<32x128xi32, #tpu.memory_space<vmem>>, vector<1x128xi32>,
    %mul3A_1268 = vector.broadcast %sub3A_874 : vector<64x1xf32> to vector<64x128xf32>
    %mul3A_1269 = arith.mulf %select_n3A_788, %mul3A_1268 : vector<64x128xf32>
    %reduce_sum3A_1270 = arith.constant dense<0.000000e+00> : vector<128xf32>
    %reduce_sum3A_1271 = vector.multi_reduction <add>, %mul3A_1269, %reduce_sum3A_1270 [0] : vector<64x128xf32> to vector<128xf32>
    %broadcast_in_dim3A_1272 = vector.shape_cast %reduce_sum3A_1271 : vector<128xf32> to vector<1x128xf32>
    %add3A_1273 = arith.addf %broadcast_in_dim3A_800, %broadcast_in_dim3A_1272 : vector<1x128xf32>
    %reshape3A_1274 = vector.shape_cast %add3A_1273 : vector<1x128xf32> to vector<128xf32>
    %convert_element_type3A_1275 = arith.fptosi %reshape3A_1274 : vector<128xf32> to vector<128xi32>
    %swap3A_1276 = arith.constant 30 : index
    %swap3A_1277 = arith.constant 0 : index
    %swap3A_1278 = vector.load %arg1[%swap3A_1276, %swap3A_1277] : memref<32x128xi32, #tpu.memory_space<vmem>>, vector<1x128xi32>
    %swap3A_1279 = vector.shape_cast %swap3A_1278 : vector<1x128xi32> to vector<128xi32>
    %swap3A_1280 = vector.shape_cast %convert_element_type3A_1275 : vector<128xi32> to vector<1x128xi32>
    tpu.vector_store %arg1[%swap3A_1276, %swap3A_1277], %swap3A_1280 {strides = array<i32>} : memref<32x128xi32, #tpu.memory_space<vmem>>, vector<1x128xi32>,
    %mul3A_1281 = vector.broadcast %sub3A_874 : vector<64x1xf32> to vector<64x128xf32>
    %mul3A_1282 = arith.mulf %select_n3A_814, %mul3A_1281 : vector<64x128xf32>
    %reduce_sum3A_1283 = arith.constant dense<0.000000e+00> : vector<128xf32>
    %reduce_sum3A_1284 = vector.multi_reduction <add>, %mul3A_1282, %reduce_sum3A_1283 [0] : vector<64x128xf32> to vector<128xf32>
    %broadcast_in_dim3A_1285 = vector.shape_cast %reduce_sum3A_1284 : vector<128xf32> to vector<1x128xf32>
    %add3A_1286 = arith.addf %broadcast_in_dim3A_826, %broadcast_in_dim3A_1285 : vector<1x128xf32>
    %reshape3A_1287 = vector.shape_cast %add3A_1286 : vector<1x128xf32> to vector<128xf32>
    %convert_element_type3A_1288 = arith.fptosi %reshape3A_1287 : vector<128xf32> to vector<128xi32>
    %swap3A_1289 = arith.constant 31 : index
    %swap3A_1290 = arith.constant 0 : index
    %swap3A_1291 = vector.load %arg1[%swap3A_1289, %swap3A_1290] : memref<32x128xi32, #tpu.memory_space<vmem>>, vector<1x128xi32>
    %swap3A_1292 = vector.shape_cast %swap3A_1291 : vector<1x128xi32> to vector<128xi32>
    %swap3A_1293 = vector.shape_cast %convert_element_type3A_1288 : vector<128xi32> to vector<1x128xi32>
    tpu.vector_store %arg1[%swap3A_1289, %swap3A_1290], %swap3A_1293 {strides = array<i32>} : memref<32x128xi32, #tpu.memory_space<vmem>>, vector<1x128xi32>,
    %iota3A_1294 = tpu.iota {dimensions = array<i32: 1>} : vector<1x128xi32>
    %mul3A_1295 = arith.constant 64 : i32
    %mul3A_1296 = vector.broadcast %mul3A_1295 : i32 to vector<1x128xi32>
    %mul3A_1297 = arith.muli %iota3A_1294, %mul3A_1296 : vector<1x128xi32>
    %convert_element_type3A_1298 = arith.sitofp %mul3A_1297 : vector<1x128xi32> to vector<1x128xf32>
    %le3A_1299 = vector.broadcast %sub3A_874 : vector<64x1xf32> to vector<64x128xf32>
    %le3A_1300 = vector.broadcast %convert_element_type3A_1298 : vector<1x128xf32> to vector<64x128xf32>
    %le3A_1301 = arith.cmpf ole, %le3A_1299, %le3A_1300 : vector<64x128xf32>
    %jit3A_1302 = arith.constant 1.000000e+00 : f32
    %jit3A_1303 = arith.constant 0.000000e+00 : f32
    %broadcast_in_dim3A_1304 = vector.broadcast %jit3A_1302 : f32 to vector<64x128xf32>
    %broadcast_in_dim3A_1305 = vector.broadcast %jit3A_1303 : f32 to vector<64x128xf32>
    %select_n3A_1306 = arith.select %le3A_1301, %broadcast_in_dim3A_1304, %broadcast_in_dim3A_1305 : vector<64x128xi1>, vector<64x128xf32>
    %reduce_sum3A_1307 = arith.constant dense<0.000000e+00> : vector<128xf32>
    %reduce_sum3A_1308 = vector.multi_reduction <add>, %select_n3A_1306, %reduce_sum3A_1307 [0] : vector<64x128xf32> to vector<128xf32>
    %broadcast_in_dim3A_1309 = vector.shape_cast %reduce_sum3A_1308 : vector<128xf32> to vector<1x128xf32>
    %sub3A_1310 = arith.constant 1.000000e+00 : f32
    %sub3A_1311 = vector.broadcast %sub3A_1310 : f32 to vector<1x128xf32>
    %sub3A_1312 = arith.subf %broadcast_in_dim3A_1309, %sub3A_1311 : vector<1x128xf32>
    %sub3A_1313 = arith.constant 1.000000e+00 : f32
    %sub3A_1314 = arith.subf %reduce_sum3A_879, %sub3A_1313 : f32
    %mul3A_1315 = arith.constant 1.562500e-02 : f32
    %mul3A_1316 = arith.mulf %sub3A_1314, %mul3A_1315 : f32
    %floor3A_1317 = math.floor %mul3A_1316 : f32
    %mul3A_1318 = arith.constant 6.400000e+01 : f32
    %mul3A_1319 = arith.mulf %floor3A_1317, %mul3A_1318 : f32
    %le3A_1320 = vector.broadcast %mul3A_1319 : f32 to vector<64x1xf32>
    %le3A_1321 = arith.cmpf ole, %sub3A_874, %le3A_1320 : vector<64x1xf32>
    %jit3A_1322 = arith.constant 1.000000e+00 : f32
    %jit3A_1323 = arith.constant 0.000000e+00 : f32
    %broadcast_in_dim3A_1324 = vector.broadcast %jit3A_1322 : f32 to vector<64x1xf32>
    %broadcast_in_dim3A_1325 = vector.broadcast %jit3A_1323 : f32 to vector<64x1xf32>
    %select_n3A_1326 = arith.select %le3A_1321, %broadcast_in_dim3A_1324, %broadcast_in_dim3A_1325 : vector<64x1xi1>, vector<64x1xf32>
    %reduce_sum3A_1327 = vector.shape_cast %select_n3A_1326 : vector<64x1xf32> to vector<1x64x1xf32>
    %reduce_sum3A_1328 = arith.constant dense<0.000000e+00> : vector<1xf32>
    %reduce_sum3A_1329 = vector.multi_reduction <add>, %reduce_sum3A_1327, %reduce_sum3A_1328 [1, 2] : vector<1x64x1xf32> to vector<1xf32>
    %reduce_sum3A_1330 = vector.shape_cast %reduce_sum3A_1329 : vector<1xf32> to vector<1x1x1xf32>
    %reduce_sum3A_1331 = vector.extract %reduce_sum3A_1330[0, 0, 0] : f32 from vector<1x1x1xf32>
    %sub3A_1332 = arith.constant 1.000000e+00 : f32
    %sub3A_1333 = arith.subf %reduce_sum3A_1331, %sub3A_1332 : f32
    %lt3A = vector.broadcast %reduce_sum3A_879 : f32 to vector<1x128xf32>
    %lt3A_1334 = arith.cmpf olt, %convert_element_type3A_1298, %lt3A : vector<1x128xf32>
    %broadcast_in_dim3A_1335 = vector.broadcast %sub3A_1333 : f32 to vector<1x128xf32>
    %select_n3A_1336 = arith.select %lt3A_1334, %sub3A_1312, %broadcast_in_dim3A_1335 : vector<1x128xi1>, vector<1x128xf32>
    %convert_element_type3A_1337 = arith.fptosi %select_n3A_1336 : vector<1x128xf32> to vector<1x128xi32>
    %swap3A_1338 = arith.constant 0 : index
    %swap3A_1339 = arith.constant 0 : index
    %swap3A_1340 = vector.load %arg2[%swap3A_1338, %swap3A_1339] : memref<1x128xi32, #tpu.memory_space<vmem>>, vector<1x128xi32>
    tpu.vector_store %arg2[%swap3A_1338, %swap3A_1339], %convert_element_type3A_1337 {strides = array<i32>} : memref<1x128xi32, #tpu.memory_space<vmem>>, vector<1x128xi32>,
    %broadcast_in_dim3A_1341 = vector.broadcast %reduce_sum3A_879 : f32 to vector<1x128xf32>
    %convert_element_type3A_1342 = arith.fptosi %broadcast_in_dim3A_1341 : vector<1x128xf32> to vector<1x128xi32>
    %swap3A_1343 = arith.constant 0 : index
    %swap3A_1344 = arith.constant 0 : index
    %swap3A_1345 = vector.load %arg3[%swap3A_1343, %swap3A_1344] : memref<1x128xi32, #tpu.memory_space<vmem>>, vector<1x128xi32>
    tpu.vector_store %arg3[%swap3A_1343, %swap3A_1344], %convert_element_type3A_1342 {strides = array<i32>} : memref<1x128xi32, #tpu.memory_space<vmem>>, vector<1x128xi32>,
    return
  }
}

module attributes {stable_mosaic.version = 14 : i64} {
  func.func @_mlp_body(%arg0: i32, %arg1: memref<128xi32, #tpu.memory_space<smem>>, %arg2: memref<1xi32, #tpu.memory_space<smem>>, %arg3: memref<64x768xf32, #tpu.memory_space<vmem>>, %arg4: memref<1x768x1536xf32, #tpu.memory_space<vmem>>, %arg5: memref<1x1x1536xf32, #tpu.memory_space<vmem>>, %arg6: memref<1x768x768xf32, #tpu.memory_space<vmem>>, %arg7: memref<1x1x768xf32, #tpu.memory_space<vmem>>, %arg8: memref<1536x768xbf16, #tpu.memory_space<vmem>>, %arg9: memref<1536x768xbf16, #tpu.memory_space<vmem>>, %arg10: memref<64x768xf32, #tpu.memory_space<vmem>>) attributes {dimension_semantics = [#tpu.dimension_semantics<arbitrary>], iteration_bounds = array<i64: 128>, scalar_prefetch = 2 : i64, scratch_operands = 0 : i64, tpu.core_type = #tpu.core_type<tc>, window_params = [{transform_indices = @transform_0, window_bounds = array<i64: 64, 768>}, {transform_indices = @transform_1, window_bounds = array<i64: 1, 768, 1536>}, {transform_indices = @transform_2, window_bounds = array<i64: 1, 1, 1536>}, {transform_indices = @transform_3, window_bounds = array<i64: 1, 768, 768>}, {transform_indices = @transform_4, window_bounds = array<i64: 1, 1, 768>}, {pipeline_mode = #tpu.pipeline_mode<synchronous>, transform_indices = @transform_5, window_bounds = array<i64: 1536, 768>}, {pipeline_mode = #tpu.pipeline_mode<synchronous>, transform_indices = @transform_6, window_bounds = array<i64: 1536, 768>}, {transform_indices = @transform_7, window_bounds = array<i64: 64, 768>}]} {
    %mul3A = arith.constant 64 : i32
    %mul3A_0 = arith.muli %arg0, %mul3A : i32
    %get3A = arith.constant 0 : index
    %get3A_1 = memref.load %arg2[%get3A] : memref<1xi32, #tpu.memory_space<smem>>
    %lt3A = arith.cmpi slt, %mul3A_0, %get3A_1 : i32
    %convert_element_type3A = arith.extui %lt3A : i1 to i32
    %cond3A = arith.constant 0 : i32
    %cond3A_2 = arith.cmpi ne, %convert_element_type3A, %cond3A : i32
    scf.if %cond3A_2 {
      %get3A_3 = arith.constant 0 : index
      %get3A_4 = arith.constant 0 : index
      %get3A_5 = vector.load %arg3[%get3A_3, %get3A_4] : memref<64x768xf32, #tpu.memory_space<vmem>>, vector<64x768xf32>
      %get3A_6 = arith.constant 0 : index
      %get3A_7 = arith.constant 0 : index
      %get3A_8 = arith.constant 0 : index
      %get3A_9 = vector.load %arg4[%get3A_6, %get3A_7, %get3A_8] : memref<1x768x1536xf32, #tpu.memory_space<vmem>>, vector<1x768x1536xf32>
      %get3A_10 = vector.shape_cast %get3A_9 : vector<1x768x1536xf32> to vector<768x1536xf32>
      %dot_general3A = arith.constant dense<0.000000e+00> : vector<64x1536xf32>
      %dot_general3A_11 = tpu.matmul %get3A_5, %get3A_10, %dot_general3A {dimension_numbers = #tpu.dot_dimension_numbers<[1], [0], [0], [1], [0, 0, 1, 1], [], []>, transpose_lhs_hint = false} : vector<64x768xf32>, vector<768x1536xf32>, vector<64x1536xf32> -> vector<64x1536xf32>
      %get3A_12 = arith.constant 0 : index
      %get3A_13 = arith.constant 0 : index
      %get3A_14 = arith.constant 0 : index
      %get3A_15 = vector.load %arg5[%get3A_12, %get3A_13, %get3A_14] : memref<1x1x1536xf32, #tpu.memory_space<vmem>>, vector<1x1x1536xf32>
      %get3A_16 = vector.shape_cast %get3A_15 : vector<1x1x1536xf32> to vector<1x1536xf32>
      %add3A = vector.broadcast %get3A_16 : vector<1x1536xf32> to vector<64x1536xf32>
      %add3A_17 = arith.addf %dot_general3A_11, %add3A : vector<64x1536xf32>
      %convert_element_type3A_18 = arith.truncf %add3A_17 : vector<64x1536xf32> to vector<64x1536xbf16>
      %get3A_19 = arith.constant 0 : index
      %get3A_20 = arith.constant 0 : index
      %get3A_21 = vector.load %arg8[%get3A_19, %get3A_20] : memref<1536x768xbf16, #tpu.memory_space<vmem>>, vector<1536x768xbf16>
      %dot_general3A_22 = arith.constant dense<0.000000e+00> : vector<64x768xf32>
      %dot_general3A_23 = tpu.matmul %convert_element_type3A_18, %get3A_21, %dot_general3A_22 {dimension_numbers = #tpu.dot_dimension_numbers<[1], [0], [0], [1], [0, 0, 1, 1], [], []>, transpose_lhs_hint = false} : vector<64x1536xbf16>, vector<1536x768xbf16>, vector<64x768xf32> -> vector<64x768xf32>
      %get3A_24 = arith.constant 0 : index
      %get3A_25 = arith.constant 0 : index
      %get3A_26 = vector.load %arg9[%get3A_24, %get3A_25] : memref<1536x768xbf16, #tpu.memory_space<vmem>>, vector<1536x768xbf16>
      %dot_general3A_27 = arith.constant dense<0.000000e+00> : vector<64x768xf32>
      %dot_general3A_28 = tpu.matmul %convert_element_type3A_18, %get3A_26, %dot_general3A_27 {dimension_numbers = #tpu.dot_dimension_numbers<[1], [0], [0], [1], [0, 0, 1, 1], [], []>, transpose_lhs_hint = false} : vector<64x1536xbf16>, vector<1536x768xbf16>, vector<64x768xf32> -> vector<64x768xf32>
      %min3A = arith.constant 7.000000e+00 : f32
      %min3A_29 = vector.broadcast %min3A : f32 to vector<64x768xf32>
      %min3A_30 = arith.minimumf %dot_general3A_23, %min3A_29 : vector<64x768xf32>
      %jit3A = arith.constant -7.000000e+00 : f32
      %jit3A_31 = arith.constant 7.000000e+00 : f32
      %max3A = vector.broadcast %jit3A : f32 to vector<64x768xf32>
      %max3A_32 = arith.maximumf %max3A, %dot_general3A_28 : vector<64x768xf32>
      %min3A_33 = vector.broadcast %jit3A_31 : f32 to vector<64x768xf32>
      %min3A_34 = arith.minimumf %min3A_33, %max3A_32 : vector<64x768xf32>
      %mul3A_35 = arith.constant 1.702000e+00 : f32
      %mul3A_36 = vector.broadcast %mul3A_35 : f32 to vector<64x768xf32>
      %mul3A_37 = arith.mulf %min3A_30, %mul3A_36 : vector<64x768xf32>
      %logistic3A = arith.negf %mul3A_37 : vector<64x768xf32>
      %logistic3A_38 = math.exp %logistic3A : vector<64x768xf32>
      %logistic3A_39 = arith.constant 1.000000e+00 : f32
      %logistic3A_40 = vector.broadcast %logistic3A_39 : f32 to vector<64x768xf32>
      %logistic3A_41 = arith.addf %logistic3A_40, %logistic3A_38 : vector<64x768xf32>
      %logistic3A_42 = arith.divf %logistic3A_40, %logistic3A_41 : vector<64x768xf32>
      %mul3A_43 = arith.mulf %min3A_30, %logistic3A_42 : vector<64x768xf32>
      %add3A_44 = arith.constant 1.000000e+00 : f32
      %add3A_45 = vector.broadcast %add3A_44 : f32 to vector<64x768xf32>
      %add3A_46 = arith.addf %min3A_34, %add3A_45 : vector<64x768xf32>
      %mul3A_47 = arith.mulf %add3A_46, %mul3A_43 : vector<64x768xf32>
      %get3A_48 = arith.constant 0 : index
      %get3A_49 = arith.constant 0 : index
      %get3A_50 = arith.constant 0 : index
      %get3A_51 = vector.load %arg6[%get3A_48, %get3A_49, %get3A_50] : memref<1x768x768xf32, #tpu.memory_space<vmem>>, vector<1x768x768xf32>
      %get3A_52 = vector.shape_cast %get3A_51 : vector<1x768x768xf32> to vector<768x768xf32>
      %dot_general3A_53 = arith.constant dense<0.000000e+00> : vector<64x768xf32>
      %dot_general3A_54 = tpu.matmul %mul3A_47, %get3A_52, %dot_general3A_53 {dimension_numbers = #tpu.dot_dimension_numbers<[1], [0], [0], [1], [0, 0, 1, 1], [], []>, transpose_lhs_hint = false} : vector<64x768xf32>, vector<768x768xf32>, vector<64x768xf32> -> vector<64x768xf32>
      %get3A_55 = arith.constant 0 : index
      %get3A_56 = arith.constant 0 : index
      %get3A_57 = arith.constant 0 : index
      %get3A_58 = vector.load %arg7[%get3A_55, %get3A_56, %get3A_57] : memref<1x1x768xf32, #tpu.memory_space<vmem>>, vector<1x1x768xf32>
      %get3A_59 = vector.shape_cast %get3A_58 : vector<1x1x768xf32> to vector<1x768xf32>
      %add3A_60 = vector.broadcast %get3A_59 : vector<1x768xf32> to vector<64x768xf32>
      %add3A_61 = arith.addf %dot_general3A_54, %add3A_60 : vector<64x768xf32>
      %swap3A = arith.constant 0 : index
      %swap3A_62 = arith.constant 0 : index
      %swap3A_63 = vector.load %arg10[%swap3A, %swap3A_62] : memref<64x768xf32, #tpu.memory_space<vmem>>, vector<64x768xf32>
      tpu.vector_store %arg10[%swap3A, %swap3A_62], %add3A_61 {strides = array<i32>} : memref<64x768xf32, #tpu.memory_space<vmem>>, vector<64x768xf32>,
    } else {
    }
    return
  }
  func.func @transform_0(%arg0: i32, %arg1: memref<128xi32, #tpu.memory_space<smem>>, %arg2: memref<1xi32, #tpu.memory_space<smem>>) -> (i32, i32) {
    %c0_i32 = arith.constant 0 : i32
    %c0_i32_0 = arith.constant 0 : i32
    return %arg0, %c0_i32 : i32, i32
  }
  func.func @transform_1(%arg0: i32, %arg1: memref<128xi32, #tpu.memory_space<smem>>, %arg2: memref<1xi32, #tpu.memory_space<smem>>) -> (i32, i32, i32) {
    %get3A = arith.index_cast %arg0 : i32 to index
    %get3A_0 = memref.load %arg1[%get3A] : memref<128xi32, #tpu.memory_space<smem>>
    %c0_i32 = arith.constant 0 : i32
    %c0_i32_1 = arith.constant 0 : i32
    %c0_i32_2 = arith.constant 0 : i32
    return %get3A_0, %c0_i32, %c0_i32_1 : i32, i32, i32
  }
  func.func @transform_2(%arg0: i32, %arg1: memref<128xi32, #tpu.memory_space<smem>>, %arg2: memref<1xi32, #tpu.memory_space<smem>>) -> (i32, i32, i32) {
    %get3A = arith.index_cast %arg0 : i32 to index
    %get3A_0 = memref.load %arg1[%get3A] : memref<128xi32, #tpu.memory_space<smem>>
    %c0_i32 = arith.constant 0 : i32
    %c0_i32_1 = arith.constant 0 : i32
    %c0_i32_2 = arith.constant 0 : i32
    return %get3A_0, %c0_i32, %c0_i32_1 : i32, i32, i32
  }
  func.func @transform_3(%arg0: i32, %arg1: memref<128xi32, #tpu.memory_space<smem>>, %arg2: memref<1xi32, #tpu.memory_space<smem>>) -> (i32, i32, i32) {
    %get3A = arith.index_cast %arg0 : i32 to index
    %get3A_0 = memref.load %arg1[%get3A] : memref<128xi32, #tpu.memory_space<smem>>
    %c0_i32 = arith.constant 0 : i32
    %c0_i32_1 = arith.constant 0 : i32
    %c0_i32_2 = arith.constant 0 : i32
    return %get3A_0, %c0_i32, %c0_i32_1 : i32, i32, i32
  }
  func.func @transform_4(%arg0: i32, %arg1: memref<128xi32, #tpu.memory_space<smem>>, %arg2: memref<1xi32, #tpu.memory_space<smem>>) -> (i32, i32, i32) {
    %get3A = arith.index_cast %arg0 : i32 to index
    %get3A_0 = memref.load %arg1[%get3A] : memref<128xi32, #tpu.memory_space<smem>>
    %c0_i32 = arith.constant 0 : i32
    %c0_i32_1 = arith.constant 0 : i32
    %c0_i32_2 = arith.constant 0 : i32
    return %get3A_0, %c0_i32, %c0_i32_1 : i32, i32, i32
  }
  func.func @transform_5(%arg0: i32, %arg1: memref<128xi32, #tpu.memory_space<smem>>, %arg2: memref<1xi32, #tpu.memory_space<smem>>) -> (i32, i32) {
    %c0_i32 = arith.constant 0 : i32
    %c0_i32_0 = arith.constant 0 : i32
    %c0_i32_1 = arith.constant 0 : i32
    return %c0_i32, %c0_i32_0 : i32, i32
  }
  func.func @transform_6(%arg0: i32, %arg1: memref<128xi32, #tpu.memory_space<smem>>, %arg2: memref<1xi32, #tpu.memory_space<smem>>) -> (i32, i32) {
    %c0_i32 = arith.constant 0 : i32
    %c0_i32_0 = arith.constant 0 : i32
    %c0_i32_1 = arith.constant 0 : i32
    return %c0_i32, %c0_i32_0 : i32, i32
  }
  func.func @transform_7(%arg0: i32, %arg1: memref<128xi32, #tpu.memory_space<smem>>, %arg2: memref<1xi32, #tpu.memory_space<smem>>) -> (i32, i32) {
    %c0_i32 = arith.constant 0 : i32
    %c0_i32_0 = arith.constant 0 : i32
    return %arg0, %c0_i32 : i32, i32
  }
}

</mosaic_0001>

<sc_bundles>
// kernel: gather_offload_async_start
scs
__scs_entry_jumppad:
0x0: {  	(pc) =	sbr.rel $0x88, $3  }
0x1: {  	(tag) =	ssettag $0x0;
	lr =	simm.s32 $0x1  }
0x2: {  	[smem:$0x3F9A] =	sst lr;
	_ =	strace $0xD0000000  }
0x3: {  	_ = 	snop  }
0x4: {  	_ = 	snop  }
0x5: {  	_ = 	snop  }
0x6: {  	_ = 	snop  }
0x7: {  	_ = 	snop  }
__scs_overlays_trampoline_lowered:
0x8: {  	[smem:$0x3FA9] =	sst s0  }
0x9: {  	[smem:$0x3FAA] =	sst s1  }
0xa: {  	[smem:$0x3FAB] =	sst s2  }
0xb: {  	[smem:$0x3FAC] =	sst s3  }
0xc: {  	[smem:$0x3FAD] =	sst s4  }
0xd: {  	[smem:$0x3FAE] =	sst s5  }
0xe: {  	[smem:$0x3FAF] =	sst s6  }
0xf: {  	[smem:$0x3FB0] =	sst s7  }
0x10: {  	[smem:$0x3FB1] =	sst s8  }
0x11: {  	[smem:$0x3FB2] =	sst s9;
	s0 =	simm.s32 @!p0 $0x0  }
0x12: {  	s1 =	sld [smem:$0x3F98];
	s0 =	simm.s32 @p0 $0x1  }
0x13: {  	[smem:$0x3FB3] =	sst s0;
	s0 =	simm.s32 @!p1 $0x0  }
0x14: {  	s2 =	sld [smem:$0x3F97];
	s0 =	simm.s32 @p1 $0x1  }
0x15: {  	[smem:$0x3FB4] =	sst s0;
	s0 =	simm.s32 @!p2 $0x0  }
0x16: {  	s3 =	sld [smem:$0x3FDB];
	s0 =	simm.s32 @p2 $0x1  }
0x17: {  	s4 =	simm.s32 $0x1BF5;
	[smem:$0x3FB6] =	sst s0  }
0x18: {  	s0 =	sld [smem:$0x3F99];
	_ =	swait.ge [sflag:s4], $0x0  }
0x19: {  	s7 =	sld [smem:$0x3F9A]  }
0x1a: {  	s8 =	sadd.s32 $0xFFFFE003, lr  }
0x1b: {  	s9 =	sadd.s32 $0xFFFFFEF7, lr;
	s5 =	simm.s32 $0xFFFFFFFF;
	p2 =	slt.u32 s8, $0xFFFFF086  }
0x1c: {  	p1 =	slt.u32 s9, $0xF7A;
	s5 =	simm.s32 @!p2 $0x0  }
0x1d: {  	s5 =	simm.s32 @p1 $0x1;
	p0 =	seq.s32 s7, s2  }
0x1e: {  	s7 =	smul.u32 @!p0 $0xF7A, s2;
	p2 =	seq.s32 @!p0 s5, $0x0  }
0x1f: {  	s9 =	smul.u32 $0xF7A, s1;
	s8 =	simm.s32 @!p0 $0x1BF5;
	p2 =	por !p2, p0  }
0x20: {  	[sflag:s8] =	ssyncset.s32 @!p0 $0xFFFFF086;
	s6 =	sadd.s32 @!p0 s3, s7;
	s7 =	simm.s32 @!p0 $0x108  }
0x21: {  	s3 =	sadd.s32 s3, s9;
	s6 =	sadd.s32 @!p0 $0x88, s6;
	s7 =	simm.s32 @p2 $0x1082  }
0x22: {  	[simem:s7], [sflag:s8] =	dma.local @!p0 [hbm:s6], $0xF7A  }
0x23: {  	s9 =	sor.u32 $0xD0000000, s2;
	s6 =	simm.s32 $0x108;
	_ =	swait.ge @!p0 [sflag:s8], $0x0  }
0x24: {  	s3 =	sadd.s32 $0x88, s3;
	s6 =	simm.s32 @!p1 $0x1082;
	[sflag:s4] =	ssyncset.s32 $0xFFFFF086  }
0x25: {  	[simem:s6], [sflag:s4] =	dma.local [hbm:s3], $0xF7A  }
0x26: {  	[smem:$0x3F9A] =	sst s1;
	(tag) =	ssettag s2;
	_ =	strace s9  }
0x27: {  	s1 =	sld [smem:$0x3FAA]  }
0x28: {  	s2 =	sld [smem:$0x3FAB]  }
0x29: {  	s4 =	sld [smem:$0x3FAD]  }
0x2a: {  	p0 =	seq.s32 s5, $0x0;
	s5 =	sld [smem:$0x3FAE]  }
0x2b: {  	s6 =	sld [smem:$0x3FAF]  }
0x2c: {  	s7 =	sld [smem:$0x3FB0]  }
0x2d: {  	s3 =	simm.s32 $0x108;
	s8 =	sld [smem:$0x3FB1]  }
0x2e: {  	s3 =	simm.s32 @!p0 $0x1082;
	s9 =	sld [smem:$0x3FB2]  }
0x2f: {  	lr =	sadd.s32 s0, s3;
	s0 =	sld [smem:$0x3FA9]  }
0x30: {  	s3 =	sld [smem:$0x3FAC]  }
0x31: {  	[smem:$0x3FB5] =	sst s10  }
0x32: {  	s10 =	sld [smem:$0x3FB3];
	_ =	sdelay $0x3  }
0x33: {  	p0 =	seq.s32 s10, $0x1;
	s10 =	sld [smem:$0x3FB5];
	_ =	sdelay $0x3  }
0x34: {  	[smem:$0x3FB5] =	sst s10  }
0x35: {  	s10 =	sld [smem:$0x3FB4];
	_ =	sdelay $0x3  }
0x36: {  	p1 =	seq.s32 s10, $0x1;
	s10 =	sld [smem:$0x3FB5];
	_ =	sdelay $0x3  }
0x37: {  	[smem:$0x3FB5] =	sst s10  }
0x38: {  	s10 =	sld [smem:$0x3FB6]  }
0x39: {  	_ = 	snop;
	(pc) =	sbr.ind lr, $3  }
0x3a: {  	_ = 	snop  }
0x3b: {  	_ = 	snop  }
0x3c: {  	p2 =	seq.s32 s10, $0x1;
	s10 =	sld [smem:$0x3FB5]  }
0x3d: {  	_ =	shalt  }
0x3e: {  	_ =	shalt  }
0x3f: {  	_ =	shalt  }
0x40: {  	_ =	shalt  }
0x41: {  	_ =	shalt  }
0x42: {  	_ =	shalt  }
0x43: {  	_ =	shalt  }
0x44: {  	_ =	shalt  }
0x45: {  	_ =	shalt  }
0x46: {  	_ =	shalt  }
0x47: {  	_ =	shalt  }
0x48: {  	_ =	shalt  }
0x49: {  	_ =	shalt  }
0x4a: {  	_ =	shalt  }
0x4b: {  	_ =	shalt  }
0x4c: {  	_ =	shalt  }
0x4d: {  	_ =	shalt  }
0x4e: {  	_ =	shalt  }
0x4f: {  	_ =	shalt  }
0x50: {  	_ =	shalt  }
0x51: {  	_ =	shalt  }
0x52: {  	_ =	shalt  }
0x53: {  	_ =	shalt  }
0x54: {  	_ =	shalt  }
0x55: {  	_ =	shalt  }
0x56: {  	_ =	shalt  }
0x57: {  	_ =	shalt  }
0x58: {  	_ =	shalt  }
0x59: {  	_ =	shalt  }
0x5a: {  	_ =	shalt  }
0x5b: {  	_ =	shalt  }
0x5c: {  	_ =	shalt  }
0x5d: {  	_ =	shalt  }
0x5e: {  	_ =	shalt  }
0x5f: {  	_ =	shalt  }
0x60: {  	_ =	shalt  }
0x61: {  	_ =	shalt  }
0x62: {  	_ =	shalt  }
0x63: {  	_ =	shalt  }
0x64: {  	_ =	shalt  }
0x65: {  	_ =	shalt  }
0x66: {  	_ =	shalt  }
0x67: {  	_ =	shalt  }
0x68: {  	_ =	shalt  }
0x69: {  	_ =	shalt  }
0x6a: {  	_ =	shalt  }
0x6b: {  	_ =	shalt  }
0x6c: {  	_ =	shalt  }
0x6d: {  	_ =	shalt  }
0x6e: {  	_ =	shalt  }
0x6f: {  	_ =	shalt  }
0x70: {  	_ =	shalt  }
0x71: {  	_ =	shalt  }
0x72: {  	_ =	shalt  }
0x73: {  	_ =	shalt  }
0x74: {  	_ =	shalt  }
0x75: {  	_ =	shalt  }
0x76: {  	_ =	shalt  }
0x77: {  	_ =	shalt  }
0x78: {  	_ =	shalt  }
0x79: {  	_ =	shalt  }
0x7a: {  	_ =	shalt  }
0x7b: {  	_ =	shalt  }
0x7c: {  	_ =	shalt  }
0x7d: {  	_ =	shalt  }
0x7e: {  	_ =	shalt  }
0x7f: {  	_ =	shalt  }
0x80: {  	_ =	shalt  }
0x81: {  	_ =	shalt  }
0x82: {  	_ =	shalt  }
0x83: {  	_ =	shalt  }
0x84: {  	_ =	shalt  }
0x85: {  	_ =	shalt  }
0x86: {  	_ =	shalt  }
0x87: {  	_ =	shalt  }
.Lfunc_end0:
.L_simem_size_0:
called_computation_lowered:
.L_overlay_start_0:
0x88: {  	s2 =	sld [smem:$0x3FD9]  }
0x89: {  	s3 =	sld [smem:$0x3FFE];
	_ =	sdelay $0x1  }
0x8a: {  	s1 =	srdreg.scid  }
0x8b: {  	s0 =	sand.u32 $0x1, s1  }
0x8c: {  	s17 =	sshll.u32 s0, $0xA;
	s2 =	sadd.s32 s3, s2  }
0x8d: {  	s2 =	sadd.s32 s2, s17  }
0x8e: {  	[smem:$0x3FC1] =	sst s2  }
0x8f: {  	_ = 	snop  }
0x90: {  	s2 =	sld [smem:$0x3FC7]  }
0x91: {  	s18 =	sld [smem:$0x3FD0];
	(tm) =	ssettm $0x1  }
0x92: {  	s4 =	sld [smem:$0x3FFB];
	_ =	sdelay $0x3  }
0x93: {  	_ =	strace s4  }
0x94: {  	s4 =	sld [smem:$0x3FFC];
	_ =	sdelay $0x3  }
0x95: {  	_ =	strace s4  }
0x96: {  	s4 =	sld [smem:$0x3FFD];
	_ =	sdelay $0x3  }
0x97: {  	_ =	strace s4  }
0x98: {  	_ =	strace $0x8FFFFFFF  }
0x99: {  	s19 =	sld [smem:$0x3FDB];
	_ =	sdelay $0x1  }
0x9a: {  	s5 =	simm.s32 $_scs_section_size  }
0x9b: {  	s6 =	simm.s32 $_size__tile_overlayer_lowered;
	s7 =	simm.s32 $_tile_overlayer_lowered  }
0x9c: {  	s22 =	simm.s32 $0x1BFF;
	s21 =	sshll.u32 s7, $0x1;
	s4 =	sadd.s32 s5, s19  }
0x9d: {  	s8 =	simm.s32 $0x0;
	s20 =	sshll.u32 s6, $0x1;
	s6 =	sadd.s32 s21, s4  }
0x9e: {  	[timem:s8], [sflag:s22] =	dma.local [hbm:s6], s20  }
0x9f: {  	_ =	swait.ge [sflag:s22], s20  }
0xa0: {  	s5 =	ssub.s32 $0x0, s20;
	[sflag:s22] =	ssyncset.done $0x0  }
0xa1: {  	[sflag:s22] =	ssyncadd.s32 s5;
	_ =	sdelay $0x1  }
0xa2: {  	s23 =	simm.s32 $0x1B8B  }
0xa3: {  	_ =	swait.ge [sflag:s23], $0x1  }
0xa4: {  	[sflag:s23] =	ssyncset.done $0x0  }
0xa5: {  	s25 =	simm.s32 $0x1B8E;
	s24 =	sld [smem:$0x3FFE];
	[sflag:s23] =	ssyncadd.s32 $0xFFFFFFFF  }
0xa6: {  	s26 =	simm.s32 $execute0_lowered;
	[smem:$0x3FD2] =	sst s25  }
0xa7: {  	s6 =	sshll.u32 s26, $0x1;
	_ =	strace $0x80000046;
	[dreg:$0x1] =	wrdreg $0xFFFFFFFF  }
0xa8: {  	s28 =	simm.s32 $_size_execute0_lowered;
	s4 =	sadd.s32 s4, s6;
	[dreg:$0x0] =	wrdreg $0x0  }
0xa9: {  	s6 =	sshll.u32 s28, $0x1;
	[dreg:$0x2] =	wrdreg s4  }
0xaa: {  	[dreg:$0x3] =	wrdreg s6  }
0xab: {  	[dreg:$0x4] =	wrdreg $0xC0  }
0xac: {  	_ =	task [dreg:s8], $0x5FFFF  }
0xad: {  	[dreg:$0x1] =	wrdreg $0xFFFFFFFF  }
0xae: {  	[dreg:$0x0] =	wrdreg $0x60  }
0xaf: {  	[dreg:$0x2] =	wrdreg s2  }
0xb0: {  	[dreg:$0x3] =	wrdreg s18  }
0xb1: {  	[dreg:$0x4] =	wrdreg s24  }
0xb2: {  	[dreg:$0x5] =	wrdreg $0x9  }
0xb3: {  	_ =	task.clear_ibuf [dreg:s8], $0x6FFFF;
	_ =	strace $0x90000046  }
0xb4: {  	s29 =	simm.s32 $0x9;
	_ =	strace $0x80000048  }
0xb5: {  	_ =	swait.ge [sflag:s29], $0x1  }
0xb6: {  	[sflag:s29] =	ssyncadd.s32 $0xFFFFFFFF  }
0xb7: {  	_ =	strace $0x90000048  }
0xb8: {  	_ =	sfence  }
0xb9: {  	s30 =	sld [smem:$0x0];
	_ =	sdelay $0x2  }
0xba: {  	s31 =	sshll.u32 s1, $0xD;
	s1 =	sshrl.u32 s1, $0x2  }
0xbb: {  	s3 =	sand.u32 $0x4000, s31;
	s1 =	sadd.s32 s1, s30  }
0xbc: {  	s0 =	sor.u32 s3, s0;
	s1 =	sshll.u32 s1, $0x11  }
0xbd: {  	s0 =	sor.u32 s1, s0  }
0xbe: {  	s0 =	sadd.s32 $0x8F2B, s0  }
0xbf: {  	[sflag:s0] =	ssyncadd.remote.s32 $0x1  }
0xc0: {  	_ =	sfence.sel $0xFFFF  }
0xc1: {  	[dreg:$0x0] =	wrdreg $0xFFFFFFFF;
	(pc) =	sbr.abs _section_cstart, $3  }
0xc2: {  	[dreg:$0x1] =	wrdreg $0xFFFFFFFF  }
0xc3: {  	_ =	task.clear_ibuf [dreg:s8], $0x2FFFF;
	_ =	strace $0x9FFFFFFF  }
0xc4: {  	(tm) =	ssettm $0x7FFFFFFF  }
0xc5: {  	_ =	shalt  }
tec
execute0_lowered:
.L_overlay_start_1:
0x0: {  	(tag) =	ssettag $0x1  }
0x1: {  	s2 =	rddreg [dreg:$0x0]  }
0x2: {  	s1 =	srdreg.scid;
	s3 =	rddreg [dreg:$0x1]  }
0x3: {  	s0 =	stileid.u32;
	s5 =	rddreg [dreg:$0x2]  }
0x4: {  	s9 =	simm.s32 $0x1;
	s10 =	simm.s32 $0x3;
	s1 =	sshll.u32 s1, $0x6  }
0x5: {  	s13 =	simm.s32 $0x0;
	s4 =	sshll.u32 s0, $0x7;
	s6 =	sand.u32 $0x40, s1  }
0x6: {  	s12 =	simm.s32 $0x0;
	s5 =	sadd.s32 $0x2C00, s5;
	s4 =	sor.u32 s4, s6  }
0x7: {  	s1 =	rddreg [dreg:$0x3];
	_ =	strace $0x80000047;
	s8 =	ssub.s32 $0x1000, s4  }
.Ltmp0:
0x8: {  	s6 =	simm.s32 $0x1;
	s7 =	sand.u32 $0x7C0, s8;
	(pc) =	sbr.rel .LBB2_1-.Ltmp0, $4  }
0x9: {  	[sflag:s6] =	ssyncpa.u1 $0x0;
	s11 =	smov.u32 s4;
	p0 =	sne.s32 s7, $0x0  }
0xa: {  	s8 =	sshrl.u32 s8, $0xB;
	s7 =	simm.s32 $0x2;
	s9 =	simm.s32 @!p0 $0x0  }
0xb: {  	[sflag:s7] =	ssyncpa.u1 $0x0;
	p0 =	por $0x0, $0x0;
	s8 =	sadd.s32 s9, s8  }
0xc: {  	vm0 =	vmmov $0xffff;
	[sflag:s10] =	ssyncpa.u1 $0x0;
	s10 =	simm.s32 $0x0;
	s9 =	sadd.s32 $0x1, s8  }
.LBB2_4:
0xd: {  	vm1 =	veq.s32 v0, $0x80000000;
	v63 =	vand.u32 $0x7FF, v0;
	v2 =	vand.u32 $0x3F, v2  }
0xe: {  	v0 =	vsel vm1, $0xFFFFFFFF, v63;
	v2 =	vsel vm1, $0xFFFFFFFF, v2  }
0xf: {  	v3 =	vshll.u32 v2, $0xB;
	v4 =	vshll.u32 v0, $0x3  }
0x10: {  	v2 =	vshll.u32 v2, $0x7;
	v3 =	vand.u32 $0xFFFFC000, v3;
	v4 =	vand.u32 $0xFFFFFC00, v4  }
0x11: {  	v2 =	vand.u32 $0x380, v2;
	v3 =	vadd.s32 v4, v3  }
0x12: {  	v0 =	vand.u32 $0x7F, v0;
	v2 =	vor.u32 v2, v3  }
0x13: {  	v0 =	vor.u32 v0, v2;
	_ =	sdelay $0x1  }
0x14: {  	(ifvalue) =	ssetifvalue $0x7FFFFFFF;
	s14 =	sadd.s32 $0x10, s14  }
0x15: {  	[tilespmem:s14], [sflag:$0x1] =	stream.indirect_vreg.gather [hbm4b:s2+s10], $0x1, v1, vm0, $0x4038;
	[tilespmem:$0x100] =	vst v63  }
0x16: {  	(ifvalue) =	ssetifvalue $0x7FFFFFFF;
	s14 =	sadd.s32 $0x10, s14  }
0x17: {  	[tilespmem:s14], [sflag:$0x1] =	stream.indirect_vreg.gather [hbm4b:s2+s10], $0x1, v0, vm0, $0x4038;
	[tilespmem:$0x100] =	vst v63  }
0x18: {  	_ =	swait.ge [sflag:s6], $0x40  }
0x19: {  	s30 =	sshrl.u32 s13, $0x3;
	[sflag:s6] =	ssyncset.done $0x0  }
0x1a: {  	s31 =	sand.u32 $0x7, s13;
	s14 =	sadd.s32 s5, s30;
	[sflag:s6] =	ssyncadd.s32 $0xFFFFFFC0  }
0x1b: {  	[hbm4b:s14+s31] =	stream.linear.scatter [tilespmem:s15], [sflag:$0x3], $0x40, $0x38;
	[tilespmem:$0x100] =	vst v63  }
.LBB2_5:
0x1c: {  	s15 =	sadd.s32 $0x800, s11  }
0x1d: {  	p2 =	sgt.s32 s15, $0xFFF  }
0x1e: {  	s15 =	smov.u32 @p2 s4;
	p2 =	sne.s32 s12, s9  }
.Ltmp1:
0x1f: {  	p1 =	slt.u32 s12, $0x2;
	(pc) =	sbr.rel @!p2 .LBB2_6-.Ltmp1, $4  }
0x20: {  	s14 =	simm.s32 @!p1 $0x3  }
0x21: {  	s16 =	sadd.s32 $0x1, s12;
	_ =	swait.ge @!p1 [sflag:s14], $0x40  }
0x22: {  	s13 =	smov.u32 s11;
	p0 =	por !p0, !p0;
	[sflag:s14] =	ssyncset.done @!p1 $0x0  }
0x23: {  	s12 =	smov.u32 s16;
	s11 =	smov.u32 s15;
	[sflag:s14] =	ssyncadd.s32 @!p1 $0xFFFFFFC0  }
.LBB2_1:
0x24: {  	p1 =	sge.u32 s12, s8  }
0x25: {  	s14 =	sxor.u32 @!p1 $0xFFFFFFFF, s12  }
0x26: {  	s31 =	sadd.s32 $0xFFFFFFFF, s12;
	s15 =	sshrl.u32 @!p1 s11, $0x3;
	s14 =	sshll.u32 @!p1 s14, $0x6  }
0x27: {  	s16 =	sand.u32 @!p1 $0x7, s11;
	s15 =	sadd.s32 @!p1 s3, s15;
	s14 =	sand.u32 @!p1 $0x40, s14  }
0x28: {  	[tilespmem:s14], [sflag:$0x2] =	stream.linear.gather @!p1 [hbm4b:s15+s16], $0x40, $0x38;
	[tilespmem:$0x100] =	vst v63  }
0x29: {  	p1 =	sge.u32 s31, s8  }
.Ltmp2:
0x2a: {  	_ = 	snop;
	(pc) =	sbr.rel @p1 .LBB2_5-.Ltmp2, $1  }
0x2b: {  	_ =	sdelay $0x3  }
0x2c: {  	s14 =	simm.s32 $0x1  }
0x2d: {  	_ =	swait.ge [sflag:s7], $0x40;
	s14 =	simm.s32 @!p0 $0x0  }
0x2e: {  	[sflag:s7] =	ssyncset.done $0x0;
	s14 =	sshll.u32 s14, $0x6  }
0x2f: {  	[sflag:s7] =	ssyncadd.s32 $0xFFFFFFC0;
	(ifvalue) =	ssetifvalue $0x7FFFFFFF;
	v0 =	vld.msk [tilespmem:s14+$0x0 ss:$0x1], $0xffff;
	_ =	sdelay $0x4  }
0x30: {  	s15 =	sadd.s32 $0x10, s14;
	v1 =	vshrl.u32 v0, $0xB  }
0x31: {  	v2 =	vld.msk [tilespmem:s15+$0x0 ss:$0x1], $0xffff;
	vm1 =	veq.s32 v0, $0x80000000;
	v0 =	vand.u32 $0x7FF, v0;
	v1 =	vand.u32 $0x3F, v1  }
0x32: {  	v0 =	vsel vm1, $0xFFFFFFFF, v0;
	v1 =	vsel vm1, $0xFFFFFFFF, v1  }
0x33: {  	v4 =	vshll.u32 v0, $0x3;
	v3 =	vshll.u32 v1, $0xB  }
0x34: {  	v4 =	vand.u32 $0xFFFFFC00, v4;
	v1 =	vshll.u32 v1, $0x7;
	v3 =	vand.u32 $0xFFFFC000, v3  }
0x35: {  	v0 =	vand.u32 $0x7F, v0;
	v1 =	vand.u32 $0x380, v1;
	v3 =	vadd.s32 v4, v3  }
0x36: {  	vm1 =	veq.s32 v2, $0x80000000;
	v1 =	vor.u32 v1, v3;
	v3 =	vshrl.u32 v2, $0xB  }
0x37: {  	s17 =	sadd.s32 $0x10, s15;
	v2 =	vand.u32 $0x7FF, v2;
	v1 =	vor.u32 v0, v1;
	v3 =	vand.u32 $0x3F, v3  }
0x38: {  	v0 =	vld.msk [tilespmem:s17+$0x0 ss:$0x1], $0xffff;
	v2 =	vsel vm1, $0xFFFFFFFF, v2;
	v3 =	vsel vm1, $0xFFFFFFFF, v3  }
0x39: {  	v5 =	vshll.u32 v2, $0x3;
	v63 =	vshll.u32 v3, $0xB  }
0x3a: {  	s31 =	sshll.u32 s12, $0x6;
	v5 =	vand.u32 $0xFFFFFC00, v5;
	v3 =	vshll.u32 v3, $0x7;
	v4 =	vand.u32 $0xFFFFC000, v63  }
0x3b: {  	s14 =	sor.u32 $0x80, s14;
	s15 =	sand.u32 $0x40, s31;
	(ifvalue) =	ssetifvalue $0x7FFFFFFF;
	v3 =	vand.u32 $0x380, v3;
	v4 =	vadd.s32 v5, v4  }
0x3c: {  	[tilespmem:s14], [sflag:$0x1] =	stream.indirect_vreg.gather [hbm4b:s2+s10], $0x1, v1, vm0, $0x4038;
	v1 =	vand.u32 $0x7F, v2;
	v3 =	vor.u32 v3, v4;
	[tilespmem:$0x100] =	vst v63  }
0x3d: {  	s16 =	simm.s32 $0x20;
	s15 =	sor.u32 $0x80, s15;
	s17 =	sadd.s32 $0x10, s17;
	v2 =	vshrl.u32 v0, $0xB;
	v1 =	vor.u32 v1, v3  }
.LBB2_3:
0x3e: {  	s16 =	sadd.s32 $0x10, s16;
	vm1 =	veq.s32 v0, $0x80000000;
	v3 =	vand.u32 $0x7FF, v0;
	v0 =	vld.msk [tilespmem:s17+$0x0 ss:$0x1], $0xffff;
	v2 =	vand.u32 $0x3F, v2  }
0x3f: {  	p1 =	slt.u32 s16, $0x30;
	v3 =	vsel vm1, $0xFFFFFFFF, v3;
	v2 =	vsel vm1, $0xFFFFFFFF, v2  }
.Ltmp3:
0x40: {  	v4 =	vshll.u32 v2, $0xB;
	v5 =	vshll.u32 v3, $0x3;
	(pc) =	sbr.rel @p1 .LBB2_3-.Ltmp3, $4  }
0x41: {  	s14 =	sadd.s32 $0x10, s14;
	v2 =	vshll.u32 v2, $0x7;
	v4 =	vand.u32 $0xFFFFC000, v4;
	v5 =	vand.u32 $0xFFFFFC00, v5;
	(ifvalue) =	ssetifvalue $0x7FFFFFFF  }
0x42: {  	v2 =	vand.u32 $0x380, v2;
	v4 =	vadd.s32 v5, v4;
	[tilespmem:s14], [sflag:$0x1] =	stream.indirect_vreg.gather [hbm4b:s2+s10], $0x1, v1, vm0, $0x4038;
	[tilespmem:$0x100] =	vst v63  }
0x43: {  	v1 =	vand.u32 $0x7F, v3;
	v3 =	vor.u32 v2, v4  }
0x44: {  	s17 =	sadd.s32 $0x10, s17;
	v2 =	vshrl.u32 v0, $0xB;
	v1 =	vor.u32 v1, v3  }
.Ltmp4:
0x45: {  	_ = 	snop;
	(pc) =	sbr.rel .LBB2_4-.Ltmp4, $1  }
0x46: {  	_ =	sdelay $0x3  }
.LBB2_6:
0x47: {  	_ =	sfence.sel $0x180000  }
0x48: {  	s2 =	simm.s32 $0x2;
	[bflag:$0x0] =	sbarrier.arrive $0xFFFF  }
0x49: {  	s30 =	simm.s32 $0x3;
	[sflag:s2] =	ssyncpa.u1 $0x1  }
0x4a: {  	s31 =	simm.s32 $0x1;
	[sflag:s30] =	ssyncpa.u1 $0x1  }
0x4b: {  	[sflag:s31] =	ssyncpa.u1 $0x1  }
0x4c: {  	p0 =	sne.s32 s0, $0x0;
	_ =	strace $0x90000047  }
0x4d: {  	s0 =	sadd.s32 @!p0 $0x100000, s1;
	[bflag:$0x2] =	sbarrier.arrive $0xFFFF  }
0x4e: {  	[sflag:s0] =	ssyncadd.tile.s32 @!p0 $0x1;
	_ =	shalt  }
.Lfunc_end2:
_tile_overlayer_lowered:
.L_overlay_start_2:
0x4f: {  	(tag) =	ssettag $0x2  }
0x50: {  	s0 =	rddreg [dreg:$0x0];
	s2 =	stileid.u32  }
0x51: {  	s1 =	rddreg [dreg:$0x1];
	p0 =	sne.s32 s2, $0x0  }
0x52: {  	s3 =	rddreg [dreg:$0x2];
	[bflag:$0x3] =	sbarrier.arrive $0xFFFF;
	s2 =	simm.s32 @!p0 $0x1C01  }
0x53: {  	[timem:s3], [sflag:s2] =	dma.local @!p0 [hbm:s0], s1  }
0x54: {  	s0 =	simm.s32 @!p0 $0x1  }
0x55: {  	_ =	swait.ge @!p0 [sflag:s0], s1  }
0x56: {  	s1 =	ssub.s32 @!p0 $0x0, s1;
	[sflag:s0] =	ssyncset.done @!p0 $0x0  }
0x57: {  	[sflag:s0] =	ssyncadd.s32 @!p0 s1  }
0x58: {  	[bflag:$0x3] =	sbarrier.arrive $0xFFFF  }
0x59: {  	_ =	shalt  }

// kernel: kernel.6.cloned.1.call-start
scs
__scs_entry_jumppad:
0x0: {  	(pc) =	sbr.rel $0x88, $3  }
0x1: {  	(tag) =	ssettag $0x0;
	lr =	simm.s32 $0x1  }
0x2: {  	[smem:$0x3F9A] =	sst lr;
	_ =	strace $0xD0000000  }
0x3: {  	_ = 	snop  }
0x4: {  	_ = 	snop  }
0x5: {  	_ = 	snop  }
0x6: {  	_ = 	snop  }
0x7: {  	_ = 	snop  }
__scs_overlays_trampoline_lowered:
0x8: {  	[smem:$0x3FA9] =	sst s0  }
0x9: {  	[smem:$0x3FAA] =	sst s1  }
0xa: {  	[smem:$0x3FAB] =	sst s2  }
0xb: {  	[smem:$0x3FAC] =	sst s3  }
0xc: {  	[smem:$0x3FAD] =	sst s4  }
0xd: {  	[smem:$0x3FAE] =	sst s5  }
0xe: {  	[smem:$0x3FAF] =	sst s6  }
0xf: {  	[smem:$0x3FB0] =	sst s7  }
0x10: {  	[smem:$0x3FB1] =	sst s8  }
0x11: {  	[smem:$0x3FB2] =	sst s9;
	s0 =	simm.s32 @!p0 $0x0  }
0x12: {  	s1 =	sld [smem:$0x3F98];
	s0 =	simm.s32 @p0 $0x1  }
0x13: {  	[smem:$0x3FB3] =	sst s0;
	s0 =	simm.s32 @!p1 $0x0  }
0x14: {  	s2 =	sld [smem:$0x3F97];
	s0 =	simm.s32 @p1 $0x1  }
0x15: {  	[smem:$0x3FB4] =	sst s0;
	s0 =	simm.s32 @!p2 $0x0  }
0x16: {  	s3 =	sld [smem:$0x3FDB];
	s0 =	simm.s32 @p2 $0x1  }
0x17: {  	s4 =	simm.s32 $0x1BF5;
	[smem:$0x3FB6] =	sst s0  }
0x18: {  	s0 =	sld [smem:$0x3F99];
	_ =	swait.ge [sflag:s4], $0x0  }
0x19: {  	s7 =	sld [smem:$0x3F9A]  }
0x1a: {  	s8 =	sadd.s32 $0xFFFFE003, lr  }
0x1b: {  	s9 =	sadd.s32 $0xFFFFFEF7, lr;
	s5 =	simm.s32 $0xFFFFFFFF;
	p2 =	slt.u32 s8, $0xFFFFF086  }
0x1c: {  	p1 =	slt.u32 s9, $0xF7A;
	s5 =	simm.s32 @!p2 $0x0  }
0x1d: {  	s5 =	simm.s32 @p1 $0x1;
	p0 =	seq.s32 s7, s2  }
0x1e: {  	s7 =	smul.u32 @!p0 $0xF7A, s2;
	p2 =	seq.s32 @!p0 s5, $0x0  }
0x1f: {  	s9 =	smul.u32 $0xF7A, s1;
	s8 =	simm.s32 @!p0 $0x1BF5;
	p2 =	por !p2, p0  }
0x20: {  	[sflag:s8] =	ssyncset.s32 @!p0 $0xFFFFF086;
	s6 =	sadd.s32 @!p0 s3, s7;
	s7 =	simm.s32 @!p0 $0x108  }
0x21: {  	s3 =	sadd.s32 s3, s9;
	s6 =	sadd.s32 @!p0 $0x88, s6;
	s7 =	simm.s32 @p2 $0x1082  }
0x22: {  	[simem:s7], [sflag:s8] =	dma.local @!p0 [hbm:s6], $0xF7A  }
0x23: {  	s9 =	sor.u32 $0xD0000000, s2;
	s6 =	simm.s32 $0x108;
	_ =	swait.ge @!p0 [sflag:s8], $0x0  }
0x24: {  	s3 =	sadd.s32 $0x88, s3;
	s6 =	simm.s32 @!p1 $0x1082;
	[sflag:s4] =	ssyncset.s32 $0xFFFFF086  }
0x25: {  	[simem:s6], [sflag:s4] =	dma.local [hbm:s3], $0xF7A  }
0x26: {  	[smem:$0x3F9A] =	sst s1;
	(tag) =	ssettag s2;
	_ =	strace s9  }
0x27: {  	s1 =	sld [smem:$0x3FAA]  }
0x28: {  	s2 =	sld [smem:$0x3FAB]  }
0x29: {  	s4 =	sld [smem:$0x3FAD]  }
0x2a: {  	p0 =	seq.s32 s5, $0x0;
	s5 =	sld [smem:$0x3FAE]  }
0x2b: {  	s6 =	sld [smem:$0x3FAF]  }
0x2c: {  	s7 =	sld [smem:$0x3FB0]  }
0x2d: {  	s3 =	simm.s32 $0x108;
	s8 =	sld [smem:$0x3FB1]  }
0x2e: {  	s3 =	simm.s32 @!p0 $0x1082;
	s9 =	sld [smem:$0x3FB2]  }
0x2f: {  	lr =	sadd.s32 s0, s3;
	s0 =	sld [smem:$0x3FA9]  }
0x30: {  	s3 =	sld [smem:$0x3FAC]  }
0x31: {  	[smem:$0x3FB5] =	sst s10  }
0x32: {  	s10 =	sld [smem:$0x3FB3];
	_ =	sdelay $0x3  }
0x33: {  	p0 =	seq.s32 s10, $0x1;
	s10 =	sld [smem:$0x3FB5];
	_ =	sdelay $0x3  }
0x34: {  	[smem:$0x3FB5] =	sst s10  }
0x35: {  	s10 =	sld [smem:$0x3FB4];
	_ =	sdelay $0x3  }
0x36: {  	p1 =	seq.s32 s10, $0x1;
	s10 =	sld [smem:$0x3FB5];
	_ =	sdelay $0x3  }
0x37: {  	[smem:$0x3FB5] =	sst s10  }
0x38: {  	s10 =	sld [smem:$0x3FB6]  }
0x39: {  	_ = 	snop;
	(pc) =	sbr.ind lr, $3  }
0x3a: {  	_ = 	snop  }
0x3b: {  	_ = 	snop  }
0x3c: {  	p2 =	seq.s32 s10, $0x1;
	s10 =	sld [smem:$0x3FB5]  }
0x3d: {  	_ =	shalt  }
0x3e: {  	_ =	shalt  }
0x3f: {  	_ =	shalt  }
0x40: {  	_ =	shalt  }
0x41: {  	_ =	shalt  }
0x42: {  	_ =	shalt  }
0x43: {  	_ =	shalt  }
0x44: {  	_ =	shalt  }
0x45: {  	_ =	shalt  }
0x46: {  	_ =	shalt  }
0x47: {  	_ =	shalt  }
0x48: {  	_ =	shalt  }
0x49: {  	_ =	shalt  }
0x4a: {  	_ =	shalt  }
0x4b: {  	_ =	shalt  }
0x4c: {  	_ =	shalt  }
0x4d: {  	_ =	shalt  }
0x4e: {  	_ =	shalt  }
0x4f: {  	_ =	shalt  }
0x50: {  	_ =	shalt  }
0x51: {  	_ =	shalt  }
0x52: {  	_ =	shalt  }
0x53: {  	_ =	shalt  }
0x54: {  	_ =	shalt  }
0x55: {  	_ =	shalt  }
0x56: {  	_ =	shalt  }
0x57: {  	_ =	shalt  }
0x58: {  	_ =	shalt  }
0x59: {  	_ =	shalt  }
0x5a: {  	_ =	shalt  }
0x5b: {  	_ =	shalt  }
0x5c: {  	_ =	shalt  }
0x5d: {  	_ =	shalt  }
0x5e: {  	_ =	shalt  }
0x5f: {  	_ =	shalt  }
0x60: {  	_ =	shalt  }
0x61: {  	_ =	shalt  }
0x62: {  	_ =	shalt  }
0x63: {  	_ =	shalt  }
0x64: {  	_ =	shalt  }
0x65: {  	_ =	shalt  }
0x66: {  	_ =	shalt  }
0x67: {  	_ =	shalt  }
0x68: {  	_ =	shalt  }
0x69: {  	_ =	shalt  }
0x6a: {  	_ =	shalt  }
0x6b: {  	_ =	shalt  }
0x6c: {  	_ =	shalt  }
0x6d: {  	_ =	shalt  }
0x6e: {  	_ =	shalt  }
0x6f: {  	_ =	shalt  }
0x70: {  	_ =	shalt  }
0x71: {  	_ =	shalt  }
0x72: {  	_ =	shalt  }
0x73: {  	_ =	shalt  }
0x74: {  	_ =	shalt  }
0x75: {  	_ =	shalt  }
0x76: {  	_ =	shalt  }
0x77: {  	_ =	shalt  }
0x78: {  	_ =	shalt  }
0x79: {  	_ =	shalt  }
0x7a: {  	_ =	shalt  }
0x7b: {  	_ =	shalt  }
0x7c: {  	_ =	shalt  }
0x7d: {  	_ =	shalt  }
0x7e: {  	_ =	shalt  }
0x7f: {  	_ =	shalt  }
0x80: {  	_ =	shalt  }
0x81: {  	_ =	shalt  }
0x82: {  	_ =	shalt  }
0x83: {  	_ =	shalt  }
0x84: {  	_ =	shalt  }
0x85: {  	_ =	shalt  }
0x86: {  	_ =	shalt  }
0x87: {  	_ =	shalt  }
.Lfunc_end0:
.L_simem_size_0:
called_computation.1_lowered:
.L_overlay_start_0:
0x88: {  	s2 =	sld [smem:$0x3FD9]  }
0x89: {  	s3 =	sld [smem:$0x3FFE];
	_ =	sdelay $0x1  }
0x8a: {  	s1 =	srdreg.scid  }
0x8b: {  	s0 =	sand.u32 $0x1, s1  }
0x8c: {  	s17 =	sshll.u32 s0, $0xA;
	s2 =	sadd.s32 s3, s2  }
0x8d: {  	s2 =	sadd.s32 s2, s17  }
0x8e: {  	[smem:$0x3FC1] =	sst s2  }
0x8f: {  	_ = 	snop  }
0x90: {  	s18 =	sld [smem:$0x3FC9];
	(tm) =	ssettm $0x1  }
0x91: {  	s19 =	sld [smem:$0x3FFB];
	_ =	sdelay $0x3  }
0x92: {  	_ =	strace s19  }
0x93: {  	s2 =	sld [smem:$0x3FFC];
	_ =	sdelay $0x3  }
0x94: {  	_ =	strace s2  }
0x95: {  	s2 =	sld [smem:$0x3FFD];
	_ =	sdelay $0x3  }
0x96: {  	_ =	strace s2  }
0x97: {  	_ =	strace $0x8FFFFFFF  }
0x98: {  	s20 =	sld [smem:$0x3FDB];
	_ =	sdelay $0x1  }
0x99: {  	s4 =	simm.s32 $_scs_section_size  }
0x9a: {  	s5 =	simm.s32 $_size__tile_overlayer_lowered;
	s6 =	simm.s32 $_tile_overlayer_lowered  }
0x9b: {  	s7 =	simm.s32 $0x1BFF;
	s21 =	sshll.u32 s6, $0x1;
	s4 =	sadd.s32 s4, s20  }
0x9c: {  	s22 =	simm.s32 $0x0;
	s5 =	sshll.u32 s5, $0x1;
	s6 =	sadd.s32 s21, s4  }
0x9d: {  	[timem:s22], [sflag:s7] =	dma.local [hbm:s6], s5  }
0x9e: {  	_ =	swait.ge [sflag:s7], s5  }
0x9f: {  	s5 =	ssub.s32 $0x0, s5;
	[sflag:s7] =	ssyncset.done $0x0  }
0xa0: {  	[sflag:s7] =	ssyncadd.s32 s5;
	_ =	sdelay $0x1  }
0xa1: {  	s23 =	simm.s32 $0x1B8B  }
0xa2: {  	_ =	swait.ge [sflag:s23], $0x1  }
0xa3: {  	[sflag:s23] =	ssyncset.done $0x0  }
0xa4: {  	[sflag:s23] =	ssyncadd.s32 $0xFFFFFFFF  }
0xa5: {  	s5 =	sld [smem:$0x0]  }
0xa6: {  	s6 =	sand.u32 $0xFFFFFFFE, s1  }
0xa7: {  	p0 =	sne.s32 s1, s6  }
0xa8: {  	s6 =	sshll.u32 @p0 s6, $0xE  }
0xa9: {  	s6 =	sadd.s32 @p0 $0x11B8D, s6;
	s7 =	sshll.u32 @p0 s5, $0x11  }
0xaa: {  	s6 =	sor.u32 @p0 s7, s6  }
0xab: {  	[sflag:s6] =	ssyncadd.remote.s32 @p0 $0x1;
	_ =	sdelay $0x1  }
0xac: {  	s6 =	simm.s32 @p0 $0x1B8D  }
0xad: {  	_ =	swait.eq @p0 [sflag:s6], $0x1  }
0xae: {  	[sflag:s6] =	ssyncadd.s32 @p0 $0xFFFFFFFF  }
0xaf: {  	s7 =	sshll.u32 @!p0 s1, $0xE  }
0xb0: {  	s7 =	sor.u32 @!p0 $0x4000, s7;
	s6 =	simm.s32 @!p0 $0x1B8D  }
0xb1: {  	s5 =	sshll.u32 @!p0 s5, $0x11;
	s7 =	sadd.s32 @!p0 $0x11B8D, s7;
	_ =	swait.eq @!p0 [sflag:s6], $0x1  }
0xb2: {  	s5 =	sor.u32 @!p0 s5, s7;
	[sflag:s6] =	ssyncadd.s32 @!p0 $0xFFFFFFFF  }
0xb3: {  	s25 =	simm.s32 $0x1B8E;
	s24 =	sld [smem:$0x3FFE];
	[sflag:s5] =	ssyncadd.remote.s32 @!p0 $0x1  }
0xb4: {  	s26 =	simm.s32 $execute0_lowered;
	[smem:$0x3FD2] =	sst s25  }
0xb5: {  	s6 =	sshll.u32 s26, $0x1;
	_ =	strace $0x80000049;
	[dreg:$0x1] =	wrdreg $0xFFFFFFFF  }
0xb6: {  	s28 =	simm.s32 $_size_execute0_lowered;
	s4 =	sadd.s32 s4, s6;
	[dreg:$0x0] =	wrdreg $0x0  }
0xb7: {  	s6 =	sshll.u32 s28, $0x1;
	[dreg:$0x2] =	wrdreg s4  }
0xb8: {  	[dreg:$0x3] =	wrdreg s6  }
0xb9: {  	[dreg:$0x4] =	wrdreg $0xC0  }
0xba: {  	_ =	task [dreg:s22], $0x5FFFF  }
0xbb: {  	[dreg:$0x1] =	wrdreg $0xFFFFFFFF  }
0xbc: {  	[dreg:$0x0] =	wrdreg $0x60  }
0xbd: {  	[dreg:$0x2] =	wrdreg s18  }
0xbe: {  	[dreg:$0x3] =	wrdreg s24  }
0xbf: {  	[dreg:$0x4] =	wrdreg $0xA  }
0xc0: {  	_ =	task.clear_ibuf [dreg:s22], $0x5FFFF;
	_ =	strace $0x90000049  }
0xc1: {  	s29 =	simm.s32 $0xA;
	_ =	strace $0x8000004B  }
0xc2: {  	_ =	swait.ge [sflag:s29], $0x1  }
0xc3: {  	[sflag:s29] =	ssyncadd.s32 $0xFFFFFFFF  }
0xc4: {  	_ =	strace $0x9000004B  }
0xc5: {  	_ =	sfence  }
0xc6: {  	s30 =	sld [smem:$0x0];
	_ =	sdelay $0x2  }
0xc7: {  	s31 =	sshll.u32 s1, $0xD;
	s1 =	sshrl.u32 s1, $0x2  }
0xc8: {  	s4 =	sand.u32 $0x4000, s31;
	s1 =	sadd.s32 s1, s30  }
0xc9: {  	s0 =	sor.u32 s4, s0;
	s1 =	sshll.u32 s1, $0x11  }
0xca: {  	s0 =	sor.u32 s1, s0  }
0xcb: {  	s0 =	sadd.s32 $0x8F2B, s0  }
0xcc: {  	[sflag:s0] =	ssyncadd.remote.s32 $0x1  }
0xcd: {  	_ =	sfence.sel $0xFFFF  }
0xce: {  	[dreg:$0x0] =	wrdreg $0xFFFFFFFF;
	(pc) =	sbr.abs _section_cstart, $3  }
0xcf: {  	[dreg:$0x1] =	wrdreg $0xFFFFFFFF  }
0xd0: {  	_ =	task.clear_ibuf [dreg:s22], $0x2FFFF;
	_ =	strace $0x9FFFFFFF  }
0xd1: {  	(tm) =	ssettm $0x7FFFFFFF  }
tec
execute0_lowered:
.L_overlay_start_1:
0x0: {  	(tag) =	ssettag $0x1  }
0x1: {  	s1 =	srdreg.scid;
	s3 =	rddreg [dreg:$0x0]  }
0x2: {  	s0 =	stileid.u32;
	s5 =	rddreg [dreg:$0x1]  }
0x3: {  	s2 =	simm.s32 $0x0;
	s8 =	simm.s32 $0x80;
	s10 =	simm.s32 $0x1100  }
0x4: {  	s11 =	simm.s32 $0x1900;
	s12 =	simm.s32 $0x2100;
	s13 =	simm.s32 $0x2900  }
0x5: {  	s14 =	simm.s32 $0x3100;
	s15 =	simm.s32 $0x3900;
	s16 =	simm.s32 $0x4100  }
0x6: {  	s17 =	simm.s32 $0x4900;
	s18 =	simm.s32 $0x5100;
	s19 =	simm.s32 $0x5900  }
0x7: {  	s20 =	simm.s32 $0x6100;
	s21 =	simm.s32 $0x6900;
	s22 =	simm.s32 $0x7100  }
0x8: {  	s23 =	simm.s32 $0x7900;
	s24 =	simm.s32 $0x8100;
	s25 =	simm.s32 $0x8900  }
0x9: {  	s28 =	simm.s32 $0x9900;
	s29 =	simm.s32 $0xA100;
	s30 =	simm.s32 $0xA900  }
0xa: {  	s31 =	simm.s32 $0xB100;
	s1 =	sand.u32 $0x1, s1;
	[smem:$0x7FF] =	sst s2  }
0xb: {  	s4 =	sshll.u32 s0, $0x4;
	s6 =	sshll.u32 s1, $0x3;
	_ =	strace $0x8000004A  }
0xc: {  	s1 =	ssub.s32 $0x2, s1;
	[dreg:$0x6] =	wrdreg s8;
	s4 =	sor.u32 s6, s4  }
0xd: {  	s8 =	simm.s32 $0x100;
	s26 =	sshrl.u32 s1, $0x1;
	s6 =	sadd.s32 s4, s5  }
0xe: {  	s4 =	smul.u32 $0x300, s4;
	s1 =	ssub.s32 s1, s26;
	s7 =	sadd.s32 $0x2800, s6  }
0xf: {  	s26 =	simm.s32 $0x9100;
	s6 =	sadd.s32 $0x2A00, s6;
	[dreg:$0x3] =	wrdreg s7  }
0x10: {  	v2 =	vlaneseq.u32;
	[dreg:$0x4] =	wrdreg s6;
	s4 =	sadd.s32 s3, s4;
	s3 =	sadd.s32 $0x2E00, s5  }
0x11: {  	vm0 =	vmmov $0xffff;
	v1 =	vshrl.u32 v2, $0x3;
	s6 =	smax.u32 s1, $0x1;
	s7 =	simm.s32 $0x1;
	s1 =	simm.s32 $0xB900  }
0x12: {  	v0 =	vand.u32 $0x7, v2;
	v2 =	vor.u32 $0x8, v2;
	v1 =	vmul.u32 $0x8, v1;
	[dreg:$0x5] =	wrdreg s4;
	s4 =	sadd.s32 $0x2F00, s5;
	s5 =	sadd.s32 $0x3000, s5  }
.LBB2_1:
0x13: {  	s0 =	rddreg [dreg:$0x3]  }
0x14: {  	[tilespmem:s2], [sflag:$0x1] =	stream.linear.gather [hbm4b:s0+s2], $0x40, $0x38;
	[tilespmem:$0xC100] =	vst v63  }
0x15: {  	_ =	swait.ge [sflag:s7], $0x40  }
0x16: {  	s0 =	rddreg [dreg:$0x4];
	[sflag:s7] =	ssyncset.done $0x0  }
0x17: {  	s9 =	rddreg [dreg:$0x6];
	[sflag:s7] =	ssyncadd.s32 $0xFFFFFFC0  }
0x18: {  	[tilespmem:s9], [sflag:$0x1] =	stream.linear.gather [hbm4b:s0+s2], $0x40, $0x38;
	[tilespmem:$0xC100] =	vst v63  }
0x19: {  	_ =	swait.ge [sflag:s7], $0x40  }
0x1a: {  	[sflag:s7] =	ssyncset.done $0x0  }
0x1b: {  	s9 =	rddreg [dreg:$0x5];
	[sflag:s7] =	ssyncadd.s32 $0xFFFFFFC0  }
0x1c: {  	[tilespmem:s8], [sflag:$0x1] =	stream.linear.gather [hbm4b:s9+s2], $0xC000, $0x38;
	[tilespmem:$0xC100] =	vst v63  }
0x1d: {  	_ =	swait.ge [sflag:s7], $0xC000  }
0x1e: {  	[sflag:s7] =	ssyncset.done $0x0  }
0x1f: {  	[sflag:s7] =	ssyncadd.s32 $0xFFFF4000  }
0x20: {  	v3 =	vld [tilespmem:$0x0];
	_ =	sdelay $0x4  }
0x21: {  	v4 =	vshrl.u32 v3, $0x3  }
0x22: {  	v4 =	vmul.u32 $0x30, v4  }
0x23: {  	v3 =	vand.u32 $0x7, v3  }
0x24: {  	v3 =	vor.u32 v3, v4  }
0x25: {  	v4 =	vperm.xlane v3, v0;
	_ =	sdelay $0x1  }
0x26: {  	v4 =	vadd.s32 v1, v4;
	_ =	sdelay $0x3  }
0x27: {  	v3 =	vperm.xlane v3, v2  }
0x28: {  	[hbm4b:s3+s2] =	stream.indirect_vreg.scatter [tilespmem:s8], [sflag:$0x1], $0x80, v4, vm0, $0xb8;
	[tilespmem:$0xC100] =	vst v63  }
0x29: {  	s9 =	simm.s32 $0x900;
	v3 =	vadd.s32 v1, v3  }
0x2a: {  	[hbm4b:s4+s2] =	stream.indirect_vreg.scatter [tilespmem:s9], [sflag:$0x1], $0x80, v4, vm0, $0xb8;
	[tilespmem:$0xC100] =	vst v63  }
0x2b: {  	_ = 	snop  }
0x2c: {  	[hbm4b:s5+s2] =	stream.indirect_vreg.scatter [tilespmem:s10], [sflag:$0x1], $0x80, v4, vm0, $0xb8;
	[tilespmem:$0xC100] =	vst v63  }
0x2d: {  	_ = 	snop  }
0x2e: {  	[hbm4b:s3+s2] =	stream.indirect_vreg.scatter [tilespmem:s11], [sflag:$0x1], $0x80, v3, vm0, $0xb8;
	[tilespmem:$0xC100] =	vst v63  }
0x2f: {  	_ = 	snop  }
0x30: {  	[hbm4b:s4+s2] =	stream.indirect_vreg.scatter [tilespmem:s12], [sflag:$0x1], $0x80, v3, vm0, $0xb8;
	[tilespmem:$0xC100] =	vst v63  }
0x31: {  	_ = 	snop  }
0x32: {  	[hbm4b:s5+s2] =	stream.indirect_vreg.scatter [tilespmem:s13], [sflag:$0x1], $0x80, v3, vm0, $0xb8;
	[tilespmem:$0xC100] =	vst v63  }
0x33: {  	v3 =	vld [tilespmem:$0x10];
	_ =	sdelay $0x4  }
0x34: {  	v57 =	vshrl.u32 v3, $0x3  }
0x35: {  	v4 =	vmul.u32 $0x30, v57  }
0x36: {  	v3 =	vand.u32 $0x7, v3  }
0x37: {  	v3 =	vor.u32 v3, v4  }
0x38: {  	v4 =	vperm.xlane v3, v0;
	_ =	sdelay $0x1  }
0x39: {  	v4 =	vadd.s32 v1, v4;
	_ =	sdelay $0x3  }
0x3a: {  	v3 =	vperm.xlane v3, v2  }
0x3b: {  	[hbm4b:s3+s2] =	stream.indirect_vreg.scatter [tilespmem:s14], [sflag:$0x1], $0x80, v4, vm0, $0xb8;
	[tilespmem:$0xC100] =	vst v63  }
0x3c: {  	v3 =	vadd.s32 v1, v3  }
0x3d: {  	[hbm4b:s4+s2] =	stream.indirect_vreg.scatter [tilespmem:s15], [sflag:$0x1], $0x80, v4, vm0, $0xb8;
	[tilespmem:$0xC100] =	vst v63  }
0x3e: {  	_ = 	snop  }
0x3f: {  	[hbm4b:s5+s2] =	stream.indirect_vreg.scatter [tilespmem:s16], [sflag:$0x1], $0x80, v4, vm0, $0xb8;
	[tilespmem:$0xC100] =	vst v63  }
0x40: {  	_ = 	snop  }
0x41: {  	[hbm4b:s3+s2] =	stream.indirect_vreg.scatter [tilespmem:s17], [sflag:$0x1], $0x80, v3, vm0, $0xb8;
	[tilespmem:$0xC100] =	vst v63  }
0x42: {  	_ = 	snop  }
0x43: {  	[hbm4b:s4+s2] =	stream.indirect_vreg.scatter [tilespmem:s18], [sflag:$0x1], $0x80, v3, vm0, $0xb8;
	[tilespmem:$0xC100] =	vst v63  }
0x44: {  	_ = 	snop  }
0x45: {  	[hbm4b:s5+s2] =	stream.indirect_vreg.scatter [tilespmem:s19], [sflag:$0x1], $0x80, v3, vm0, $0xb8;
	[tilespmem:$0xC100] =	vst v63  }
0x46: {  	v3 =	vld [tilespmem:$0x20];
	_ =	sdelay $0x4  }
0x47: {  	v58 =	vshrl.u32 v3, $0x3  }
0x48: {  	v4 =	vmul.u32 $0x30, v58  }
0x49: {  	v3 =	vand.u32 $0x7, v3  }
0x4a: {  	v3 =	vor.u32 v3, v4  }
0x4b: {  	v4 =	vperm.xlane v3, v0;
	_ =	sdelay $0x1  }
0x4c: {  	v4 =	vadd.s32 v1, v4;
	_ =	sdelay $0x3  }
0x4d: {  	v3 =	vperm.xlane v3, v2  }
0x4e: {  	[hbm4b:s3+s2] =	stream.indirect_vreg.scatter [tilespmem:s20], [sflag:$0x1], $0x80, v4, vm0, $0xb8;
	[tilespmem:$0xC100] =	vst v63  }
0x4f: {  	v3 =	vadd.s32 v1, v3  }
0x50: {  	[hbm4b:s4+s2] =	stream.indirect_vreg.scatter [tilespmem:s21], [sflag:$0x1], $0x80, v4, vm0, $0xb8;
	[tilespmem:$0xC100] =	vst v63  }
0x51: {  	_ = 	snop  }
0x52: {  	[hbm4b:s5+s2] =	stream.indirect_vreg.scatter [tilespmem:s22], [sflag:$0x1], $0x80, v4, vm0, $0xb8;
	[tilespmem:$0xC100] =	vst v63  }
0x53: {  	_ = 	snop  }
0x54: {  	[hbm4b:s3+s2] =	stream.indirect_vreg.scatter [tilespmem:s23], [sflag:$0x1], $0x80, v3, vm0, $0xb8;
	[tilespmem:$0xC100] =	vst v63  }
0x55: {  	_ = 	snop  }
0x56: {  	[hbm4b:s4+s2] =	stream.indirect_vreg.scatter [tilespmem:s24], [sflag:$0x1], $0x80, v3, vm0, $0xb8;
	[tilespmem:$0xC100] =	vst v63  }
0x57: {  	_ = 	snop  }
0x58: {  	[hbm4b:s5+s2] =	stream.indirect_vreg.scatter [tilespmem:s25], [sflag:$0x1], $0x80, v3, vm0, $0xb8;
	[tilespmem:$0xC100] =	vst v63  }
0x59: {  	v3 =	vld [tilespmem:$0x30];
	_ =	sdelay $0x4  }
0x5a: {  	v59 =	vshrl.u32 v3, $0x3  }
0x5b: {  	v4 =	vmul.u32 $0x30, v59  }
0x5c: {  	v3 =	vand.u32 $0x7, v3  }
0x5d: {  	v3 =	vor.u32 v3, v4  }
0x5e: {  	v4 =	vperm.xlane v3, v0;
	_ =	sdelay $0x1  }
0x5f: {  	v4 =	vadd.s32 v1, v4;
	_ =	sdelay $0x3  }
0x60: {  	v3 =	vperm.xlane v3, v2  }
0x61: {  	[hbm4b:s3+s2] =	stream.indirect_vreg.scatter [tilespmem:s26], [sflag:$0x1], $0x80, v4, vm0, $0xb8;
	[tilespmem:$0xC100] =	vst v63  }
0x62: {  	v3 =	vadd.s32 v1, v3  }
0x63: {  	[hbm4b:s4+s2] =	stream.indirect_vreg.scatter [tilespmem:s28], [sflag:$0x1], $0x80, v4, vm0, $0xb8;
	[tilespmem:$0xC100] =	vst v63  }
0x64: {  	_ = 	snop  }
0x65: {  	[hbm4b:s5+s2] =	stream.indirect_vreg.scatter [tilespmem:s29], [sflag:$0x1], $0x80, v4, vm0, $0xb8;
	[tilespmem:$0xC100] =	vst v63  }
0x66: {  	_ = 	snop  }
0x67: {  	[hbm4b:s3+s2] =	stream.indirect_vreg.scatter [tilespmem:s30], [sflag:$0x1], $0x80, v3, vm0, $0xb8;
	[tilespmem:$0xC100] =	vst v63  }
0x68: {  	_ = 	snop  }
0x69: {  	[hbm4b:s4+s2] =	stream.indirect_vreg.scatter [tilespmem:s31], [sflag:$0x1], $0x80, v3, vm0, $0xb8;
	[tilespmem:$0xC100] =	vst v63  }
0x6a: {  	_ = 	snop  }
0x6b: {  	[hbm4b:s5+s2] =	stream.indirect_vreg.scatter [tilespmem:s1], [sflag:$0x1], $0x80, v3, vm0, $0xb8;
	[tilespmem:$0xC100] =	vst v63  }
0x6c: {  	_ =	swait.ge [sflag:s7], $0xC000  }
0x6d: {  	[sflag:s7] =	ssyncset.done $0x0  }
0x6e: {  	[sflag:s7] =	ssyncadd.s32 $0xFFFF4000  }
0x6f: {  	v3 =	vld [tilespmem:$0x80];
	_ =	sdelay $0x4  }
0x70: {  	v60 =	vshrl.u32 v3, $0x3  }
0x71: {  	v4 =	vmul.u32 $0x30, v60  }
0x72: {  	v3 =	vand.u32 $0x7, v3  }
0x73: {  	v3 =	vor.u32 v3, v4  }
0x74: {  	v4 =	vperm.xlane v3, v0;
	_ =	sdelay $0x1  }
0x75: {  	v4 =	vadd.s32 v1, v4;
	_ =	sdelay $0x3  }
0x76: {  	v3 =	vperm.xlane v3, v2  }
0x77: {  	[hbm4b:s3+s2] =	stream.indirect_vreg.scatter [tilespmem:s8], [sflag:$0x1], $0x80, v4, vm0, $0xb8;
	[tilespmem:$0xC100] =	vst v63  }
0x78: {  	v3 =	vadd.s32 v1, v3  }
0x79: {  	[hbm4b:s4+s2] =	stream.indirect_vreg.scatter [tilespmem:s9], [sflag:$0x1], $0x80, v4, vm0, $0xb8;
	[tilespmem:$0xC100] =	vst v63  }
0x7a: {  	_ = 	snop  }
0x7b: {  	[hbm4b:s5+s2] =	stream.indirect_vreg.scatter [tilespmem:s10], [sflag:$0x1], $0x80, v4, vm0, $0xb8;
	[tilespmem:$0xC100] =	vst v63  }
0x7c: {  	_ = 	snop  }
0x7d: {  	[hbm4b:s3+s2] =	stream.indirect_vreg.scatter [tilespmem:s11], [sflag:$0x1], $0x80, v3, vm0, $0xb8;
	[tilespmem:$0xC100] =	vst v63  }
0x7e: {  	_ = 	snop  }
0x7f: {  	[hbm4b:s4+s2] =	stream.indirect_vreg.scatter [tilespmem:s12], [sflag:$0x1], $0x80, v3, vm0, $0xb8;
	[tilespmem:$0xC100] =	vst v63  }
0x80: {  	_ = 	snop  }
0x81: {  	[hbm4b:s5+s2] =	stream.indirect_vreg.scatter [tilespmem:s13], [sflag:$0x1], $0x80, v3, vm0, $0xb8;
	[tilespmem:$0xC100] =	vst v63  }
0x82: {  	v3 =	vld [tilespmem:$0x90];
	_ =	sdelay $0x4  }
0x83: {  	v61 =	vshrl.u32 v3, $0x3  }
0x84: {  	v4 =	vmul.u32 $0x30, v61  }
0x85: {  	v3 =	vand.u32 $0x7, v3  }
0x86: {  	v3 =	vor.u32 v3, v4  }
0x87: {  	v4 =	vperm.xlane v3, v0;
	_ =	sdelay $0x1  }
0x88: {  	v4 =	vadd.s32 v1, v4;
	_ =	sdelay $0x3  }
0x89: {  	v3 =	vperm.xlane v3, v2  }
0x8a: {  	[hbm4b:s3+s2] =	stream.indirect_vreg.scatter [tilespmem:s14], [sflag:$0x1], $0x80, v4, vm0, $0xb8;
	[tilespmem:$0xC100] =	vst v63  }
0x8b: {  	v3 =	vadd.s32 v1, v3  }
0x8c: {  	[hbm4b:s4+s2] =	stream.indirect_vreg.scatter [tilespmem:s15], [sflag:$0x1], $0x80, v4, vm0, $0xb8;
	[tilespmem:$0xC100] =	vst v63  }
0x8d: {  	_ = 	snop  }
0x8e: {  	[hbm4b:s5+s2] =	stream.indirect_vreg.scatter [tilespmem:s16], [sflag:$0x1], $0x80, v4, vm0, $0xb8;
	[tilespmem:$0xC100] =	vst v63  }
0x8f: {  	_ = 	snop  }
0x90: {  	[hbm4b:s3+s2] =	stream.indirect_vreg.scatter [tilespmem:s17], [sflag:$0x1], $0x80, v3, vm0, $0xb8;
	[tilespmem:$0xC100] =	vst v63  }
0x91: {  	_ = 	snop  }
0x92: {  	[hbm4b:s4+s2] =	stream.indirect_vreg.scatter [tilespmem:s18], [sflag:$0x1], $0x80, v3, vm0, $0xb8;
	[tilespmem:$0xC100] =	vst v63  }
0x93: {  	_ = 	snop  }
0x94: {  	[hbm4b:s5+s2] =	stream.indirect_vreg.scatter [tilespmem:s19], [sflag:$0x1], $0x80, v3, vm0, $0xb8;
	[tilespmem:$0xC100] =	vst v63  }
0x95: {  	v3 =	vld [tilespmem:$0xA0];
	_ =	sdelay $0x4  }
0x96: {  	v62 =	vshrl.u32 v3, $0x3  }
0x97: {  	v4 =	vmul.u32 $0x30, v62  }
0x98: {  	v3 =	vand.u32 $0x7, v3  }
0x99: {  	v3 =	vor.u32 v3, v4  }
0x9a: {  	v4 =	vperm.xlane v3, v0;
	_ =	sdelay $0x1  }
0x9b: {  	v4 =	vadd.s32 v1, v4;
	_ =	sdelay $0x3  }
0x9c: {  	v3 =	vperm.xlane v3, v2  }
0x9d: {  	[hbm4b:s3+s2] =	stream.indirect_vreg.scatter [tilespmem:s20], [sflag:$0x1], $0x80, v4, vm0, $0xb8;
	[tilespmem:$0xC100] =	vst v63  }
0x9e: {  	v3 =	vadd.s32 v1, v3  }
0x9f: {  	[hbm4b:s4+s2] =	stream.indirect_vreg.scatter [tilespmem:s21], [sflag:$0x1], $0x80, v4, vm0, $0xb8;
	[tilespmem:$0xC100] =	vst v63  }
0xa0: {  	_ = 	snop  }
0xa1: {  	[hbm4b:s5+s2] =	stream.indirect_vreg.scatter [tilespmem:s22], [sflag:$0x1], $0x80, v4, vm0, $0xb8;
	[tilespmem:$0xC100] =	vst v63  }
0xa2: {  	_ = 	snop  }
0xa3: {  	[hbm4b:s3+s2] =	stream.indirect_vreg.scatter [tilespmem:s23], [sflag:$0x1], $0x80, v3, vm0, $0xb8;
	[tilespmem:$0xC100] =	vst v63  }
0xa4: {  	_ = 	snop  }
0xa5: {  	[hbm4b:s4+s2] =	stream.indirect_vreg.scatter [tilespmem:s24], [sflag:$0x1], $0x80, v3, vm0, $0xb8;
	[tilespmem:$0xC100] =	vst v63  }
0xa6: {  	_ = 	snop  }
0xa7: {  	[hbm4b:s5+s2] =	stream.indirect_vreg.scatter [tilespmem:s25], [sflag:$0x1], $0x80, v3, vm0, $0xb8;
	[tilespmem:$0xC100] =	vst v63  }
0xa8: {  	v3 =	vld [tilespmem:$0xB0];
	_ =	sdelay $0x4  }
0xa9: {  	v63 =	vshrl.u32 v3, $0x3  }
0xaa: {  	v4 =	vmul.u32 $0x30, v63  }
0xab: {  	v3 =	vand.u32 $0x7, v3  }
0xac: {  	v3 =	vor.u32 v3, v4  }
0xad: {  	v4 =	vperm.xlane v3, v0;
	_ =	sdelay $0x1  }
0xae: {  	v4 =	vadd.s32 v1, v4;
	_ =	sdelay $0x3  }
0xaf: {  	v3 =	vperm.xlane v3, v2  }
0xb0: {  	[hbm4b:s3+s2] =	stream.indirect_vreg.scatter [tilespmem:s26], [sflag:$0x1], $0x80, v4, vm0, $0xb8;
	[tilespmem:$0xC100] =	vst v63  }
0xb1: {  	v3 =	vadd.s32 v1, v3  }
0xb2: {  	[hbm4b:s4+s2] =	stream.indirect_vreg.scatter [tilespmem:s28], [sflag:$0x1], $0x80, v4, vm0, $0xb8;
	[tilespmem:$0xC100] =	vst v63  }
0xb3: {  	_ = 	snop  }
0xb4: {  	[hbm4b:s5+s2] =	stream.indirect_vreg.scatter [tilespmem:s29], [sflag:$0x1], $0x80, v4, vm0, $0xb8;
	[tilespmem:$0xC100] =	vst v63  }
0xb5: {  	_ = 	snop  }
0xb6: {  	[hbm4b:s3+s2] =	stream.indirect_vreg.scatter [tilespmem:s30], [sflag:$0x1], $0x80, v3, vm0, $0xb8;
	[tilespmem:$0xC100] =	vst v63  }
0xb7: {  	p0 =	sne.s32 s6, $0x1  }
0xb8: {  	[hbm4b:s4+s2] =	stream.indirect_vreg.scatter [tilespmem:s31], [sflag:$0x1], $0x80, v3, vm0, $0xb8;
	[tilespmem:$0xC100] =	vst v63  }
.Ltmp0:
0xb9: {  	_ = 	snop;
	(pc) =	sbr.rel @p0 .LBB2_1-.Ltmp0, $4  }
0xba: {  	[hbm4b:s5+s2] =	stream.indirect_vreg.scatter [tilespmem:s1], [sflag:$0x1], $0x80, v3, vm0, $0xb8;
	[tilespmem:$0xC100] =	vst v63  }
0xbb: {  	_ =	swait.ge [sflag:s7], $0xC000  }
0xbc: {  	[sflag:s7] =	ssyncset.done $0x0  }
0xbd: {  	s6 =	sadd.s32 $0xFFFFFFFF, s6;
	[sflag:s7] =	ssyncadd.s32 $0xFFFF4000  }
0xbe: {  	_ =	sfence.sel $0x180000  }
0xbf: {  	[bflag:$0x0] =	sbarrier.arrive $0xFFFF  }
0xc0: {  	_ =	strace $0x9000004A  }
0xc1: {  	s0 =	stileid.u32;
	[bflag:$0x2] =	sbarrier.arrive $0xFFFF  }
0xc2: {  	p0 =	sne.s32 s0, $0x0;
	s0 =	rddreg [dreg:$0x2]  }
0xc3: {  	s0 =	sadd.s32 @!p0 $0x100000, s0  }
0xc4: {  	[sflag:s0] =	ssyncadd.tile.s32 @!p0 $0x1;
	_ =	shalt  }
.Lfunc_end2:
_tile_overlayer_lowered:
.L_overlay_start_2:
0xc5: {  	(tag) =	ssettag $0x2  }
0xc6: {  	s0 =	rddreg [dreg:$0x0];
	s2 =	stileid.u32  }
0xc7: {  	s1 =	rddreg [dreg:$0x1];
	p0 =	sne.s32 s2, $0x0  }
0xc8: {  	s3 =	rddreg [dreg:$0x2];
	[bflag:$0x3] =	sbarrier.arrive $0xFFFF;
	s2 =	simm.s32 @!p0 $0x1C01  }
0xc9: {  	[timem:s3], [sflag:s2] =	dma.local @!p0 [hbm:s0], s1  }
0xca: {  	s0 =	simm.s32 @!p0 $0x1  }
0xcb: {  	_ =	swait.ge @!p0 [sflag:s0], s1  }
0xcc: {  	s1 =	ssub.s32 @!p0 $0x0, s1;
	[sflag:s0] =	ssyncset.done @!p0 $0x0  }
0xcd: {  	[sflag:s0] =	ssyncadd.s32 @!p0 s1  }
0xce: {  	[bflag:$0x3] =	sbarrier.arrive $0xFFFF  }
0xcf: {  	_ =	shalt  }

// kernel: kernel.9.cloned.1.call-start
scs
__scs_entry_jumppad:
0x0: {  	(pc) =	sbr.rel $0x88, $3  }
0x1: {  	(tag) =	ssettag $0x0;
	lr =	simm.s32 $0x1  }
0x2: {  	[smem:$0x3F9A] =	sst lr;
	_ =	strace $0xD0000000  }
0x3: {  	_ = 	snop  }
0x4: {  	_ = 	snop  }
0x5: {  	_ = 	snop  }
0x6: {  	_ = 	snop  }
0x7: {  	_ = 	snop  }
__scs_overlays_trampoline_lowered:
0x8: {  	[smem:$0x3FA9] =	sst s0  }
0x9: {  	[smem:$0x3FAA] =	sst s1  }
0xa: {  	[smem:$0x3FAB] =	sst s2  }
0xb: {  	[smem:$0x3FAC] =	sst s3  }
0xc: {  	[smem:$0x3FAD] =	sst s4  }
0xd: {  	[smem:$0x3FAE] =	sst s5  }
0xe: {  	[smem:$0x3FAF] =	sst s6  }
0xf: {  	[smem:$0x3FB0] =	sst s7  }
0x10: {  	[smem:$0x3FB1] =	sst s8  }
0x11: {  	[smem:$0x3FB2] =	sst s9;
	s0 =	simm.s32 @!p0 $0x0  }
0x12: {  	s1 =	sld [smem:$0x3F98];
	s0 =	simm.s32 @p0 $0x1  }
0x13: {  	[smem:$0x3FB3] =	sst s0;
	s0 =	simm.s32 @!p1 $0x0  }
0x14: {  	s2 =	sld [smem:$0x3F97];
	s0 =	simm.s32 @p1 $0x1  }
0x15: {  	[smem:$0x3FB4] =	sst s0;
	s0 =	simm.s32 @!p2 $0x0  }
0x16: {  	s3 =	sld [smem:$0x3FDB];
	s0 =	simm.s32 @p2 $0x1  }
0x17: {  	s4 =	simm.s32 $0x1BF5;
	[smem:$0x3FB6] =	sst s0  }
0x18: {  	s0 =	sld [smem:$0x3F99];
	_ =	swait.ge [sflag:s4], $0x0  }
0x19: {  	s7 =	sld [smem:$0x3F9A]  }
0x1a: {  	s8 =	sadd.s32 $0xFFFFE003, lr  }
0x1b: {  	s9 =	sadd.s32 $0xFFFFFEF7, lr;
	s5 =	simm.s32 $0xFFFFFFFF;
	p2 =	slt.u32 s8, $0xFFFFF086  }
0x1c: {  	p1 =	slt.u32 s9, $0xF7A;
	s5 =	simm.s32 @!p2 $0x0  }
0x1d: {  	s5 =	simm.s32 @p1 $0x1;
	p0 =	seq.s32 s7, s2  }
0x1e: {  	s7 =	smul.u32 @!p0 $0xF7A, s2;
	p2 =	seq.s32 @!p0 s5, $0x0  }
0x1f: {  	s9 =	smul.u32 $0xF7A, s1;
	s8 =	simm.s32 @!p0 $0x1BF5;
	p2 =	por !p2, p0  }
0x20: {  	[sflag:s8] =	ssyncset.s32 @!p0 $0xFFFFF086;
	s6 =	sadd.s32 @!p0 s3, s7;
	s7 =	simm.s32 @!p0 $0x108  }
0x21: {  	s3 =	sadd.s32 s3, s9;
	s6 =	sadd.s32 @!p0 $0x88, s6;
	s7 =	simm.s32 @p2 $0x1082  }
0x22: {  	[simem:s7], [sflag:s8] =	dma.local @!p0 [hbm:s6], $0xF7A  }
0x23: {  	s9 =	sor.u32 $0xD0000000, s2;
	s6 =	simm.s32 $0x108;
	_ =	swait.ge @!p0 [sflag:s8], $0x0  }
0x24: {  	s3 =	sadd.s32 $0x88, s3;
	s6 =	simm.s32 @!p1 $0x1082;
	[sflag:s4] =	ssyncset.s32 $0xFFFFF086  }
0x25: {  	[simem:s6], [sflag:s4] =	dma.local [hbm:s3], $0xF7A  }
0x26: {  	[smem:$0x3F9A] =	sst s1;
	(tag) =	ssettag s2;
	_ =	strace s9  }
0x27: {  	s1 =	sld [smem:$0x3FAA]  }
0x28: {  	s2 =	sld [smem:$0x3FAB]  }
0x29: {  	s4 =	sld [smem:$0x3FAD]  }
0x2a: {  	p0 =	seq.s32 s5, $0x0;
	s5 =	sld [smem:$0x3FAE]  }
0x2b: {  	s6 =	sld [smem:$0x3FAF]  }
0x2c: {  	s7 =	sld [smem:$0x3FB0]  }
0x2d: {  	s3 =	simm.s32 $0x108;
	s8 =	sld [smem:$0x3FB1]  }
0x2e: {  	s3 =	simm.s32 @!p0 $0x1082;
	s9 =	sld [smem:$0x3FB2]  }
0x2f: {  	lr =	sadd.s32 s0, s3;
	s0 =	sld [smem:$0x3FA9]  }
0x30: {  	s3 =	sld [smem:$0x3FAC]  }
0x31: {  	[smem:$0x3FB5] =	sst s10  }
0x32: {  	s10 =	sld [smem:$0x3FB3];
	_ =	sdelay $0x3  }
0x33: {  	p0 =	seq.s32 s10, $0x1;
	s10 =	sld [smem:$0x3FB5];
	_ =	sdelay $0x3  }
0x34: {  	[smem:$0x3FB5] =	sst s10  }
0x35: {  	s10 =	sld [smem:$0x3FB4];
	_ =	sdelay $0x3  }
0x36: {  	p1 =	seq.s32 s10, $0x1;
	s10 =	sld [smem:$0x3FB5];
	_ =	sdelay $0x3  }
0x37: {  	[smem:$0x3FB5] =	sst s10  }
0x38: {  	s10 =	sld [smem:$0x3FB6]  }
0x39: {  	_ = 	snop;
	(pc) =	sbr.ind lr, $3  }
0x3a: {  	_ = 	snop  }
0x3b: {  	_ = 	snop  }
0x3c: {  	p2 =	seq.s32 s10, $0x1;
	s10 =	sld [smem:$0x3FB5]  }
0x3d: {  	_ =	shalt  }
0x3e: {  	_ =	shalt  }
0x3f: {  	_ =	shalt  }
0x40: {  	_ =	shalt  }
0x41: {  	_ =	shalt  }
0x42: {  	_ =	shalt  }
0x43: {  	_ =	shalt  }
0x44: {  	_ =	shalt  }
0x45: {  	_ =	shalt  }
0x46: {  	_ =	shalt  }
0x47: {  	_ =	shalt  }
0x48: {  	_ =	shalt  }
0x49: {  	_ =	shalt  }
0x4a: {  	_ =	shalt  }
0x4b: {  	_ =	shalt  }
0x4c: {  	_ =	shalt  }
0x4d: {  	_ =	shalt  }
0x4e: {  	_ =	shalt  }
0x4f: {  	_ =	shalt  }
0x50: {  	_ =	shalt  }
0x51: {  	_ =	shalt  }
0x52: {  	_ =	shalt  }
0x53: {  	_ =	shalt  }
0x54: {  	_ =	shalt  }
0x55: {  	_ =	shalt  }
0x56: {  	_ =	shalt  }
0x57: {  	_ =	shalt  }
0x58: {  	_ =	shalt  }
0x59: {  	_ =	shalt  }
0x5a: {  	_ =	shalt  }
0x5b: {  	_ =	shalt  }
0x5c: {  	_ =	shalt  }
0x5d: {  	_ =	shalt  }
0x5e: {  	_ =	shalt  }
0x5f: {  	_ =	shalt  }
0x60: {  	_ =	shalt  }
0x61: {  	_ =	shalt  }
0x62: {  	_ =	shalt  }
0x63: {  	_ =	shalt  }
0x64: {  	_ =	shalt  }
0x65: {  	_ =	shalt  }
0x66: {  	_ =	shalt  }
0x67: {  	_ =	shalt  }
0x68: {  	_ =	shalt  }
0x69: {  	_ =	shalt  }
0x6a: {  	_ =	shalt  }
0x6b: {  	_ =	shalt  }
0x6c: {  	_ =	shalt  }
0x6d: {  	_ =	shalt  }
0x6e: {  	_ =	shalt  }
0x6f: {  	_ =	shalt  }
0x70: {  	_ =	shalt  }
0x71: {  	_ =	shalt  }
0x72: {  	_ =	shalt  }
0x73: {  	_ =	shalt  }
0x74: {  	_ =	shalt  }
0x75: {  	_ =	shalt  }
0x76: {  	_ =	shalt  }
0x77: {  	_ =	shalt  }
0x78: {  	_ =	shalt  }
0x79: {  	_ =	shalt  }
0x7a: {  	_ =	shalt  }
0x7b: {  	_ =	shalt  }
0x7c: {  	_ =	shalt  }
0x7d: {  	_ =	shalt  }
0x7e: {  	_ =	shalt  }
0x7f: {  	_ =	shalt  }
0x80: {  	_ =	shalt  }
0x81: {  	_ =	shalt  }
0x82: {  	_ =	shalt  }
0x83: {  	_ =	shalt  }
0x84: {  	_ =	shalt  }
0x85: {  	_ =	shalt  }
0x86: {  	_ =	shalt  }
0x87: {  	_ =	shalt  }
.Lfunc_end0:
.L_simem_size_0:
called_computation.2_lowered:
.L_overlay_start_0:
0x88: {  	s2 =	sld [smem:$0x3FD9]  }
0x89: {  	s3 =	sld [smem:$0x3FFE];
	_ =	sdelay $0x1  }
0x8a: {  	s1 =	srdreg.scid  }
0x8b: {  	s0 =	sand.u32 $0x1, s1  }
0x8c: {  	s17 =	sshll.u32 s0, $0xA;
	s2 =	sadd.s32 s3, s2  }
0x8d: {  	s2 =	sadd.s32 s2, s17  }
0x8e: {  	[smem:$0x3FC1] =	sst s2  }
0x8f: {  	_ = 	snop  }
0x90: {  	s2 =	sld [smem:$0x3FD0];
	(tm) =	ssettm $0x1  }
0x91: {  	s18 =	sld [smem:$0x3FFB];
	_ =	sdelay $0x3  }
0x92: {  	_ =	strace s18  }
0x93: {  	s3 =	sld [smem:$0x3FFC];
	_ =	sdelay $0x3  }
0x94: {  	_ =	strace s3  }
0x95: {  	s3 =	sld [smem:$0x3FFD];
	_ =	sdelay $0x3  }
0x96: {  	_ =	strace s3  }
0x97: {  	_ =	strace $0x8FFFFFFF  }
0x98: {  	s19 =	sld [smem:$0x3FDB];
	_ =	sdelay $0x1  }
0x99: {  	s4 =	simm.s32 $_scs_section_size  }
0x9a: {  	s5 =	simm.s32 $_size__tile_overlayer_lowered;
	s6 =	simm.s32 $_tile_overlayer_lowered  }
0x9b: {  	s22 =	simm.s32 $0x1BFF;
	s21 =	sshll.u32 s6, $0x1;
	s3 =	sadd.s32 s4, s19  }
0x9c: {  	s7 =	simm.s32 $0x0;
	s20 =	sshll.u32 s5, $0x1;
	s5 =	sadd.s32 s21, s3  }
0x9d: {  	[timem:s7], [sflag:s22] =	dma.local [hbm:s5], s20  }
0x9e: {  	_ =	swait.ge [sflag:s22], s20  }
0x9f: {  	s4 =	ssub.s32 $0x0, s20;
	[sflag:s22] =	ssyncset.done $0x0  }
0xa0: {  	[sflag:s22] =	ssyncadd.s32 s4;
	_ =	sdelay $0x1  }
0xa1: {  	s23 =	simm.s32 $0x1B8B  }
0xa2: {  	_ =	swait.ge [sflag:s23], $0x1  }
0xa3: {  	[sflag:s23] =	ssyncset.done $0x0  }
0xa4: {  	s25 =	simm.s32 $0x1B8E;
	s24 =	sld [smem:$0x3FFE];
	[sflag:s23] =	ssyncadd.s32 $0xFFFFFFFF  }
0xa5: {  	s26 =	simm.s32 $execute0_lowered;
	[smem:$0x3FD2] =	sst s25  }
0xa6: {  	s5 =	sshll.u32 s26, $0x1;
	_ =	strace $0x8000004C;
	[dreg:$0x1] =	wrdreg $0xFFFFFFFF  }
0xa7: {  	s28 =	simm.s32 $_size_execute0_lowered;
	s3 =	sadd.s32 s3, s5;
	[dreg:$0x0] =	wrdreg $0x0  }
0xa8: {  	s5 =	sshll.u32 s28, $0x1;
	[dreg:$0x2] =	wrdreg s3  }
0xa9: {  	[dreg:$0x3] =	wrdreg s5  }
0xaa: {  	[dreg:$0x4] =	wrdreg $0xC0  }
0xab: {  	_ =	task [dreg:s7], $0x5FFFF  }
0xac: {  	[dreg:$0x1] =	wrdreg $0xFFFFFFFF  }
0xad: {  	[dreg:$0x0] =	wrdreg $0x60  }
0xae: {  	[dreg:$0x2] =	wrdreg s24  }
0xaf: {  	[dreg:$0x3] =	wrdreg s2  }
0xb0: {  	[dreg:$0x4] =	wrdreg $0x9  }
0xb1: {  	_ =	task.clear_ibuf [dreg:s7], $0x5FFFF;
	_ =	strace $0x9000004C  }
0xb2: {  	s29 =	simm.s32 $0x9;
	_ =	strace $0x8000004E  }
0xb3: {  	_ =	swait.ge [sflag:s29], $0x1  }
0xb4: {  	[sflag:s29] =	ssyncadd.s32 $0xFFFFFFFF  }
0xb5: {  	_ =	strace $0x9000004E  }
0xb6: {  	_ =	sfence  }
0xb7: {  	s30 =	sld [smem:$0x0];
	_ =	sdelay $0x2  }
0xb8: {  	s31 =	sshll.u32 s1, $0xD;
	s1 =	sshrl.u32 s1, $0x2  }
0xb9: {  	s3 =	sand.u32 $0x4000, s31;
	s1 =	sadd.s32 s1, s30  }
0xba: {  	s0 =	sor.u32 s3, s0;
	s1 =	sshll.u32 s1, $0x11  }
0xbb: {  	s0 =	sor.u32 s1, s0  }
0xbc: {  	s0 =	sadd.s32 $0x8F2B, s0  }
0xbd: {  	[sflag:s0] =	ssyncadd.remote.s32 $0x1  }
0xbe: {  	_ =	sfence.sel $0xFFFF  }
0xbf: {  	[dreg:$0x0] =	wrdreg $0xFFFFFFFF;
	(pc) =	sbr.abs _section_cstart, $3  }
0xc0: {  	[dreg:$0x1] =	wrdreg $0xFFFFFFFF  }
0xc1: {  	_ =	task.clear_ibuf [dreg:s7], $0x2FFFF;
	_ =	strace $0x9FFFFFFF  }
0xc2: {  	(tm) =	ssettm $0x7FFFFFFF  }
0xc3: {  	_ =	shalt  }
tec
execute0_lowered:
.L_overlay_start_1:
0x0: {  	(tag) =	ssettag $0x1  }
0x1: {  	s0 =	rddreg [dreg:$0x0]  }
0x2: {  	s2 =	rddreg [dreg:$0x1];
	s1 =	simm.s32 $0x0;
	s4 =	srdreg.scid  }
0x3: {  	s7 =	stileid.u32;
	s13 =	simm.s32 $0x1;
	s28 =	simm.s32 $0x8080  }
0x4: {  	s29 =	simm.s32 $0x8880;
	s30 =	simm.s32 $0x9080;
	s31 =	simm.s32 $0x9880  }
0x5: {  	s14 =	simm.s32 $0xC080;
	s15 =	simm.s32 $0xC880;
	s16 =	simm.s32 $0xD080  }
0x6: {  	s17 =	simm.s32 $0xE080;
	s18 =	simm.s32 $0x0;
	[smem:$0x7FF] =	sst s1  }
0x7: {  	s3 =	sadd.s32 $0xC2E00, s0;
	s4 =	sand.u32 $0x1, s4;
	s5 =	sadd.s32 $0x2200, s0  }
0x8: {  	s7 =	sshll.u32 s7, $0x1;
	s8 =	sadd.s32 $0x2400, s0;
	_ =	strace $0x8000004D  }
0x9: {  	s6 =	ssub.s32 $0x2, s4;
	s4 =	sor.u32 s4, s7;
	s7 =	sadd.s32 $0xC3000, s0  }
0xa: {  	s9 =	sshrl.u32 s6, $0x1;
	s10 =	sshll.u32 s4, $0x7;
	s11 =	smul.u32 $0x1800, s4  }
0xb: {  	s21 =	sshll.u32 s4, $0x4;
	s22 =	sshll.u32 s4, $0xB;
	s4 =	smul.u32 $0xC000, s4  }
0xc: {  	s9 =	ssub.s32 s6, s9;
	s6 =	sadd.s32 s5, s21;
	s24 =	sor.u32 $0x40, s10  }
0xd: {  	[dreg:$0x3] =	wrdreg s6;
	s6 =	sadd.s32 s8, s22;
	s23 =	sadd.s32 s2, s11  }
0xe: {  	s10 =	sshrl.u32 s24, $0x3;
	s4 =	sshrl.u32 s4, $0x3;
	[dreg:$0x4] =	wrdreg s6  }
0xf: {  	s26 =	smax.u32 s9, $0x1;
	s6 =	sadd.s32 $0xC2F00, s0;
	[dreg:$0x5] =	wrdreg s23  }
0x10: {  	s0 =	sshll.u32 s24, $0x4;
	s5 =	sadd.s32 s5, s10;
	s25 =	sadd.s32 s2, s4  }
0x11: {  	[dreg:$0x9] =	wrdreg s26;
	s26 =	simm.s32 $0x7880;
	s2 =	simm.s32 $0xA880  }
0x12: {  	v2 =	vlaneseq.u32;
	s4 =	simm.s32 $0xB080;
	[dreg:$0x6] =	wrdreg s5;
	s0 =	sadd.s32 s8, s0  }
0x13: {  	vm0 =	vmmov $0xffff;
	v1 =	vshrl.u32 v2, $0x3;
	s5 =	simm.s32 $0xB880;
	[dreg:$0x7] =	wrdreg s0;
	s0 =	sadd.s32 $0xC00, s25  }
0x14: {  	v0 =	vand.u32 $0x7, v2;
	v2 =	vor.u32 $0x8, v2;
	v1 =	vmul.u32 $0x8, v1;
	s8 =	simm.s32 $0xD880;
	[dreg:$0x8] =	wrdreg s0;
	s0 =	simm.s32 $0xA080  }
.LBB2_1:
0x15: {  	s9 =	rddreg [dreg:$0x3]  }
0x16: {  	[tilespmem:s1], [sflag:$0x1] =	stream.linear.gather [hbm4b:s9+s1], $0x40, $0x38;
	[tilespmem:$0x14080] =	vst v63  }
0x17: {  	_ =	swait.ge [sflag:s13], $0x40  }
0x18: {  	[sflag:s13] =	ssyncset.done $0x0  }
0x19: {  	s10 =	simm.s32 $0x80;
	s24 =	rddreg [dreg:$0x4];
	[sflag:s13] =	ssyncadd.s32 $0xFFFFFFC0  }
0x1a: {  	[tilespmem:s10], [sflag:$0x1] =	stream.linear.gather [hbm4b:s24+s1], $0x2000, $0x38;
	[tilespmem:$0x14080] =	vst v63  }
0x1b: {  	_ =	swait.ge [sflag:s13], $0x2000  }
0x1c: {  	[sflag:s13] =	ssyncset.done $0x0  }
0x1d: {  	[sflag:s13] =	ssyncadd.s32 $0xFFFFE000  }
0x1e: {  	v3 =	vld [tilespmem:$0x0];
	_ =	sdelay $0x4  }
0x1f: {  	v4 =	vshrl.u32 v3, $0x3  }
0x20: {  	v4 =	vmul.u32 $0x30, v4  }
0x21: {  	v3 =	vand.u32 $0x7, v3  }
0x22: {  	v3 =	vor.u32 v3, v4  }
0x23: {  	v4 =	vperm.xlane v3, v0;
	_ =	sdelay $0x1  }
0x24: {  	v4 =	vadd.s32 v1, v4;
	_ =	sdelay $0x3  }
0x25: {  	s25 =	simm.s32 $0x2080;
	v3 =	vperm.xlane v3, v2  }
0x26: {  	[tilespmem:s25], [sflag:$0x1] =	stream.indirect_vreg.gather [hbm4b:s3+s1], $0x80, v4, vm0, $0xb8;
	[tilespmem:$0x14080] =	vst v63  }
0x27: {  	s10 =	simm.s32 $0x2880;
	v3 =	vadd.s32 v1, v3  }
0x28: {  	[tilespmem:s10], [sflag:$0x1] =	stream.indirect_vreg.gather [hbm4b:s6+s1], $0x80, v4, vm0, $0xb8;
	[tilespmem:$0x14080] =	vst v63  }
0x29: {  	s11 =	simm.s32 $0x3080  }
0x2a: {  	[tilespmem:s11], [sflag:$0x1] =	stream.indirect_vreg.gather [hbm4b:s7+s1], $0x80, v4, vm0, $0xb8;
	[tilespmem:$0x14080] =	vst v63  }
0x2b: {  	s12 =	simm.s32 $0x3880  }
0x2c: {  	[tilespmem:s12], [sflag:$0x1] =	stream.indirect_vreg.gather [hbm4b:s3+s1], $0x80, v3, vm0, $0xb8;
	[tilespmem:$0x14080] =	vst v63  }
0x2d: {  	s19 =	simm.s32 $0x4080  }
0x2e: {  	[tilespmem:s19], [sflag:$0x1] =	stream.indirect_vreg.gather [hbm4b:s6+s1], $0x80, v3, vm0, $0xb8;
	[tilespmem:$0x14080] =	vst v63  }
0x2f: {  	s20 =	simm.s32 $0x4880  }
0x30: {  	[tilespmem:s20], [sflag:$0x1] =	stream.indirect_vreg.gather [hbm4b:s7+s1], $0x80, v3, vm0, $0xb8;
	[tilespmem:$0x14080] =	vst v63  }
0x31: {  	v3 =	vld [tilespmem:$0x10];
	_ =	sdelay $0x4  }
0x32: {  	v61 =	vshrl.u32 v3, $0x3  }
0x33: {  	v4 =	vmul.u32 $0x30, v61  }
0x34: {  	v3 =	vand.u32 $0x7, v3  }
0x35: {  	v3 =	vor.u32 v3, v4  }
0x36: {  	v4 =	vperm.xlane v3, v0;
	_ =	sdelay $0x1  }
0x37: {  	v4 =	vadd.s32 v1, v4;
	_ =	sdelay $0x3  }
0x38: {  	s21 =	simm.s32 $0x5080;
	v3 =	vperm.xlane v3, v2  }
0x39: {  	[tilespmem:s21], [sflag:$0x1] =	stream.indirect_vreg.gather [hbm4b:s3+s1], $0x80, v4, vm0, $0xb8;
	[tilespmem:$0x14080] =	vst v63  }
0x3a: {  	s22 =	simm.s32 $0x5880;
	v3 =	vadd.s32 v1, v3  }
0x3b: {  	[tilespmem:s22], [sflag:$0x1] =	stream.indirect_vreg.gather [hbm4b:s6+s1], $0x80, v4, vm0, $0xb8;
	[tilespmem:$0x14080] =	vst v63  }
0x3c: {  	s23 =	simm.s32 $0x6080  }
0x3d: {  	[tilespmem:s23], [sflag:$0x1] =	stream.indirect_vreg.gather [hbm4b:s7+s1], $0x80, v4, vm0, $0xb8;
	[tilespmem:$0x14080] =	vst v63  }
0x3e: {  	s24 =	simm.s32 $0x6880  }
0x3f: {  	[tilespmem:s24], [sflag:$0x1] =	stream.indirect_vreg.gather [hbm4b:s3+s1], $0x80, v3, vm0, $0xb8;
	[tilespmem:$0x14080] =	vst v63  }
0x40: {  	s25 =	simm.s32 $0x7080  }
0x41: {  	[tilespmem:s25], [sflag:$0x1] =	stream.indirect_vreg.gather [hbm4b:s6+s1], $0x80, v3, vm0, $0xb8;
	[tilespmem:$0x14080] =	vst v63  }
0x42: {  	_ = 	snop  }
0x43: {  	[tilespmem:s26], [sflag:$0x1] =	stream.indirect_vreg.gather [hbm4b:s7+s1], $0x80, v3, vm0, $0xb8;
	[tilespmem:$0x14080] =	vst v63  }
0x44: {  	v3 =	vld [tilespmem:$0x20];
	_ =	sdelay $0x4  }
0x45: {  	v62 =	vshrl.u32 v3, $0x3  }
0x46: {  	v4 =	vmul.u32 $0x30, v62  }
0x47: {  	v3 =	vand.u32 $0x7, v3  }
0x48: {  	v3 =	vor.u32 v3, v4  }
0x49: {  	v4 =	vperm.xlane v3, v0;
	_ =	sdelay $0x1  }
0x4a: {  	v4 =	vadd.s32 v1, v4;
	_ =	sdelay $0x3  }
0x4b: {  	v3 =	vperm.xlane v3, v2  }
0x4c: {  	[tilespmem:s28], [sflag:$0x1] =	stream.indirect_vreg.gather [hbm4b:s3+s1], $0x80, v4, vm0, $0xb8;
	[tilespmem:$0x14080] =	vst v63  }
0x4d: {  	v3 =	vadd.s32 v1, v3  }
0x4e: {  	[tilespmem:s29], [sflag:$0x1] =	stream.indirect_vreg.gather [hbm4b:s6+s1], $0x80, v4, vm0, $0xb8;
	[tilespmem:$0x14080] =	vst v63  }
0x4f: {  	_ = 	snop  }
0x50: {  	[tilespmem:s30], [sflag:$0x1] =	stream.indirect_vreg.gather [hbm4b:s7+s1], $0x80, v4, vm0, $0xb8;
	[tilespmem:$0x14080] =	vst v63  }
0x51: {  	_ = 	snop  }
0x52: {  	[tilespmem:s31], [sflag:$0x1] =	stream.indirect_vreg.gather [hbm4b:s3+s1], $0x80, v3, vm0, $0xb8;
	[tilespmem:$0x14080] =	vst v63  }
0x53: {  	_ = 	snop  }
0x54: {  	[tilespmem:s0], [sflag:$0x1] =	stream.indirect_vreg.gather [hbm4b:s6+s1], $0x80, v3, vm0, $0xb8;
	[tilespmem:$0x14080] =	vst v63  }
0x55: {  	_ = 	snop  }
0x56: {  	[tilespmem:s2], [sflag:$0x1] =	stream.indirect_vreg.gather [hbm4b:s7+s1], $0x80, v3, vm0, $0xb8;
	[tilespmem:$0x14080] =	vst v63  }
0x57: {  	v3 =	vld [tilespmem:$0x30];
	_ =	sdelay $0x4  }
0x58: {  	v63 =	vshrl.u32 v3, $0x3  }
0x59: {  	v4 =	vmul.u32 $0x30, v63  }
0x5a: {  	v3 =	vand.u32 $0x7, v3  }
0x5b: {  	v3 =	vor.u32 v3, v4  }
0x5c: {  	v4 =	vperm.xlane v3, v0;
	_ =	sdelay $0x1  }
0x5d: {  	v4 =	vadd.s32 v1, v4;
	_ =	sdelay $0x3  }
0x5e: {  	v3 =	vperm.xlane v3, v2  }
0x5f: {  	[tilespmem:s4], [sflag:$0x1] =	stream.indirect_vreg.gather [hbm4b:s3+s1], $0x80, v4, vm0, $0xb8;
	[tilespmem:$0x14080] =	vst v63  }
0x60: {  	v3 =	vadd.s32 v1, v3  }
0x61: {  	[tilespmem:s5], [sflag:$0x1] =	stream.indirect_vreg.gather [hbm4b:s6+s1], $0x80, v4, vm0, $0xb8;
	[tilespmem:$0x14080] =	vst v63  }
0x62: {  	_ = 	snop  }
0x63: {  	[tilespmem:s14], [sflag:$0x1] =	stream.indirect_vreg.gather [hbm4b:s7+s1], $0x80, v4, vm0, $0xb8;
	[tilespmem:$0x14080] =	vst v63  }
0x64: {  	_ = 	snop  }
0x65: {  	[tilespmem:s15], [sflag:$0x1] =	stream.indirect_vreg.gather [hbm4b:s3+s1], $0x80, v3, vm0, $0xb8;
	[tilespmem:$0x14080] =	vst v63  }
0x66: {  	_ = 	snop  }
0x67: {  	[tilespmem:s16], [sflag:$0x1] =	stream.indirect_vreg.gather [hbm4b:s6+s1], $0x80, v3, vm0, $0xb8;
	[tilespmem:$0x14080] =	vst v63  }
0x68: {  	_ = 	snop  }
0x69: {  	[tilespmem:s8], [sflag:$0x1] =	stream.indirect_vreg.gather [hbm4b:s7+s1], $0x80, v3, vm0, $0xb8;
	[tilespmem:$0x14080] =	vst v63  }
0x6a: {  	_ =	swait.ge [sflag:s13], $0xC000  }
0x6b: {  	s9 =	simm.s32 $0x0;
	s19 =	simm.s32 $0x100;
	[sflag:s13] =	ssyncset.done $0x0  }
0x6c: {  	s20 =	simm.s32 $0x0;
	s21 =	simm.s32 $0x0;
	[sflag:s13] =	ssyncadd.s32 $0xFFFF4000  }
.LBB2_2:
0x6d: {  	s10 =	sshrl.u32 s9, $0x2  }
0x6e: {  	s10 =	smul.u32 $0x6000, s10;
	_ =	sdelay $0x1  }
0x6f: {  	s23 =	sshra.s32 s10, $0x2  }
0x70: {  	v3 =	vld [tilespmem:s19+$0xFFFFFF80];
	s24 =	sadd.s32 $0x80, s20;
	s10 =	sand.u32 $0x300, s20;
	s22 =	sadd.s32 $0x2080, s23  }
0x71: {  	v4 =	vld [tilespmem:s19+$0x0];
	s24 =	sand.u32 $0x380, s24;
	s11 =	sor.u32 s10, s22  }
0x72: {  	s25 =	sadd.s32 s24, s22;
	v5 =	vld [tilespmem:s11+$0x0]  }
0x73: {  	v6 =	vld [tilespmem:s25+$0x0];
	_ =	sdelay $0x3  }
0x74: {  	s12 =	sshrl.u32 s9, $0x3  }
0x75: {  	s22 =	smul.u32 $0x6000, s12;
	v5 =	vmul.f32 v5, v3;
	v6 =	vmul.f32 v6, v4;
	_ =	sdelay $0x1  }
0x76: {  	s12 =	sand.u32 $0x380, s21;
	s22 =	sshra.s32 s22, $0x2;
	v5 =	vadd.f32 v6, v5  }
0x77: {  	s22 =	sor.u32 s12, s22  }
0x78: {  	[tilespmem:s22+$0xE080] =	vst v5  }
0x79: {  	v5 =	vld [tilespmem:s11+$0x10]  }
0x7a: {  	v17 =	vld [tilespmem:s25+$0x10];
	_ =	sdelay $0x4  }
0x7b: {  	v5 =	vmul.f32 v5, v3;
	v6 =	vmul.f32 v17, v4;
	_ =	sdelay $0x1  }
0x7c: {  	v5 =	vadd.f32 v6, v5;
	_ =	sdelay $0x1  }
0x7d: {  	[tilespmem:s22+$0xE090] =	vst v5  }
0x7e: {  	v5 =	vld [tilespmem:s11+$0x20]  }
0x7f: {  	v18 =	vld [tilespmem:s25+$0x20];
	_ =	sdelay $0x4  }
0x80: {  	v5 =	vmul.f32 v5, v3;
	v6 =	vmul.f32 v18, v4;
	_ =	sdelay $0x1  }
0x81: {  	v5 =	vadd.f32 v6, v5;
	_ =	sdelay $0x1  }
0x82: {  	[tilespmem:s22+$0xE0A0] =	vst v5  }
0x83: {  	v5 =	vld [tilespmem:s11+$0x30]  }
0x84: {  	v19 =	vld [tilespmem:s25+$0x30];
	_ =	sdelay $0x4  }
0x85: {  	v5 =	vmul.f32 v5, v3;
	v6 =	vmul.f32 v19, v4;
	_ =	sdelay $0x1  }
0x86: {  	v5 =	vadd.f32 v6, v5;
	_ =	sdelay $0x1  }
0x87: {  	[tilespmem:s22+$0xE0B0] =	vst v5  }
0x88: {  	v5 =	vld [tilespmem:s11+$0x40]  }
0x89: {  	v20 =	vld [tilespmem:s25+$0x40];
	_ =	sdelay $0x4  }
0x8a: {  	v5 =	vmul.f32 v5, v3;
	v6 =	vmul.f32 v20, v4;
	_ =	sdelay $0x1  }
0x8b: {  	v5 =	vadd.f32 v6, v5;
	_ =	sdelay $0x1  }
0x8c: {  	[tilespmem:s22+$0xE0C0] =	vst v5  }
0x8d: {  	v5 =	vld [tilespmem:s11+$0x50]  }
0x8e: {  	v21 =	vld [tilespmem:s25+$0x50];
	_ =	sdelay $0x4  }
0x8f: {  	v5 =	vmul.f32 v5, v3;
	v6 =	vmul.f32 v21, v4;
	_ =	sdelay $0x1  }
0x90: {  	v5 =	vadd.f32 v6, v5;
	_ =	sdelay $0x1  }
0x91: {  	[tilespmem:s22+$0xE0D0] =	vst v5  }
0x92: {  	v5 =	vld [tilespmem:s11+$0x60]  }
0x93: {  	v22 =	vld [tilespmem:s25+$0x60];
	_ =	sdelay $0x4  }
0x94: {  	v5 =	vmul.f32 v5, v3;
	v6 =	vmul.f32 v22, v4;
	_ =	sdelay $0x1  }
0x95: {  	v5 =	vadd.f32 v6, v5;
	_ =	sdelay $0x1  }
0x96: {  	[tilespmem:s22+$0xE0E0] =	vst v5  }
0x97: {  	v5 =	vld [tilespmem:s11+$0x70]  }
0x98: {  	v23 =	vld [tilespmem:s25+$0x70];
	_ =	sdelay $0x4  }
0x99: {  	v5 =	vmul.f32 v5, v3;
	v6 =	vmul.f32 v23, v4;
	_ =	sdelay $0x1  }
0x9a: {  	v5 =	vadd.f32 v6, v5;
	_ =	sdelay $0x1  }
0x9b: {  	[tilespmem:s22+$0xE0F0] =	vst v5  }
0x9c: {  	v5 =	vld [tilespmem:s11+$0x400]  }
0x9d: {  	v24 =	vld [tilespmem:s25+$0x400];
	_ =	sdelay $0x4  }
0x9e: {  	v5 =	vmul.f32 v5, v3;
	v6 =	vmul.f32 v24, v4;
	_ =	sdelay $0x1  }
0x9f: {  	v5 =	vadd.f32 v6, v5;
	_ =	sdelay $0x1  }
0xa0: {  	[tilespmem:s22+$0xE480] =	vst v5  }
0xa1: {  	v5 =	vld [tilespmem:s11+$0x410]  }
0xa2: {  	v25 =	vld [tilespmem:s25+$0x410];
	_ =	sdelay $0x4  }
0xa3: {  	v5 =	vmul.f32 v5, v3;
	v6 =	vmul.f32 v25, v4;
	_ =	sdelay $0x1  }
0xa4: {  	v5 =	vadd.f32 v6, v5;
	_ =	sdelay $0x1  }
0xa5: {  	[tilespmem:s22+$0xE490] =	vst v5  }
0xa6: {  	v5 =	vld [tilespmem:s11+$0x420]  }
0xa7: {  	v26 =	vld [tilespmem:s25+$0x420];
	_ =	sdelay $0x4  }
0xa8: {  	v5 =	vmul.f32 v5, v3;
	v6 =	vmul.f32 v26, v4;
	_ =	sdelay $0x1  }
0xa9: {  	v5 =	vadd.f32 v6, v5;
	_ =	sdelay $0x1  }
0xaa: {  	[tilespmem:s22+$0xE4A0] =	vst v5  }
0xab: {  	v5 =	vld [tilespmem:s11+$0x430]  }
0xac: {  	v27 =	vld [tilespmem:s25+$0x430];
	_ =	sdelay $0x4  }
0xad: {  	v5 =	vmul.f32 v5, v3;
	v6 =	vmul.f32 v27, v4;
	_ =	sdelay $0x1  }
0xae: {  	v5 =	vadd.f32 v6, v5;
	_ =	sdelay $0x1  }
0xaf: {  	[tilespmem:s22+$0xE4B0] =	vst v5  }
0xb0: {  	v5 =	vld [tilespmem:s11+$0x440]  }
0xb1: {  	v28 =	vld [tilespmem:s25+$0x440];
	_ =	sdelay $0x4  }
0xb2: {  	v5 =	vmul.f32 v5, v3;
	v6 =	vmul.f32 v28, v4;
	_ =	sdelay $0x1  }
0xb3: {  	v5 =	vadd.f32 v6, v5;
	_ =	sdelay $0x1  }
0xb4: {  	[tilespmem:s22+$0xE4C0] =	vst v5  }
0xb5: {  	v5 =	vld [tilespmem:s11+$0x450]  }
0xb6: {  	v29 =	vld [tilespmem:s25+$0x450];
	_ =	sdelay $0x4  }
0xb7: {  	v5 =	vmul.f32 v5, v3;
	v6 =	vmul.f32 v29, v4;
	_ =	sdelay $0x1  }
0xb8: {  	v5 =	vadd.f32 v6, v5;
	_ =	sdelay $0x1  }
0xb9: {  	[tilespmem:s22+$0xE4D0] =	vst v5  }
0xba: {  	v5 =	vld [tilespmem:s11+$0x460]  }
0xbb: {  	v30 =	vld [tilespmem:s25+$0x460];
	_ =	sdelay $0x4  }
0xbc: {  	v5 =	vmul.f32 v5, v3;
	v6 =	vmul.f32 v30, v4;
	_ =	sdelay $0x1  }
0xbd: {  	v5 =	vadd.f32 v6, v5;
	_ =	sdelay $0x1  }
0xbe: {  	[tilespmem:s22+$0xE4E0] =	vst v5  }
0xbf: {  	v5 =	vld [tilespmem:s11+$0x470]  }
0xc0: {  	v31 =	vld [tilespmem:s25+$0x470];
	_ =	sdelay $0x4  }
0xc1: {  	v5 =	vmul.f32 v5, v3;
	v6 =	vmul.f32 v31, v4;
	_ =	sdelay $0x1  }
0xc2: {  	v5 =	vadd.f32 v6, v5  }
0xc3: {  	s12 =	sadd.s32 $0x2880, s23  }
0xc4: {  	s25 =	sor.u32 s10, s12;
	[tilespmem:s22+$0xE4F0] =	vst v5  }
0xc5: {  	s11 =	sadd.s32 s24, s12;
	v5 =	vld [tilespmem:s25+$0x0]  }
0xc6: {  	v32 =	vld [tilespmem:s11+$0x0];
	_ =	sdelay $0x4  }
0xc7: {  	v5 =	vmul.f32 v5, v3;
	v6 =	vmul.f32 v32, v4;
	_ =	sdelay $0x1  }
0xc8: {  	v5 =	vadd.f32 v6, v5;
	_ =	sdelay $0x1  }
0xc9: {  	[tilespmem:s22+$0xE880] =	vst v5  }
0xca: {  	v5 =	vld [tilespmem:s25+$0x10]  }
0xcb: {  	v33 =	vld [tilespmem:s11+$0x10];
	_ =	sdelay $0x4  }
0xcc: {  	v5 =	vmul.f32 v5, v3;
	v6 =	vmul.f32 v33, v4;
	_ =	sdelay $0x1  }
0xcd: {  	v5 =	vadd.f32 v6, v5;
	_ =	sdelay $0x1  }
0xce: {  	[tilespmem:s22+$0xE890] =	vst v5  }
0xcf: {  	v5 =	vld [tilespmem:s25+$0x20]  }
0xd0: {  	v34 =	vld [tilespmem:s11+$0x20];
	_ =	sdelay $0x4  }
0xd1: {  	v5 =	vmul.f32 v5, v3;
	v6 =	vmul.f32 v34, v4;
	_ =	sdelay $0x1  }
0xd2: {  	v5 =	vadd.f32 v6, v5;
	_ =	sdelay $0x1  }
0xd3: {  	[tilespmem:s22+$0xE8A0] =	vst v5  }
0xd4: {  	v5 =	vld [tilespmem:s25+$0x30]  }
0xd5: {  	v35 =	vld [tilespmem:s11+$0x30];
	_ =	sdelay $0x4  }
0xd6: {  	v5 =	vmul.f32 v5, v3;
	v6 =	vmul.f32 v35, v4;
	_ =	sdelay $0x1  }
0xd7: {  	v5 =	vadd.f32 v6, v5;
	_ =	sdelay $0x1  }
0xd8: {  	[tilespmem:s22+$0xE8B0] =	vst v5  }
0xd9: {  	v5 =	vld [tilespmem:s25+$0x40]  }
0xda: {  	v36 =	vld [tilespmem:s11+$0x40];
	_ =	sdelay $0x4  }
0xdb: {  	v5 =	vmul.f32 v5, v3;
	v6 =	vmul.f32 v36, v4;
	_ =	sdelay $0x1  }
0xdc: {  	v5 =	vadd.f32 v6, v5;
	_ =	sdelay $0x1  }
0xdd: {  	[tilespmem:s22+$0xE8C0] =	vst v5  }
0xde: {  	v5 =	vld [tilespmem:s25+$0x50]  }
0xdf: {  	v37 =	vld [tilespmem:s11+$0x50];
	_ =	sdelay $0x4  }
0xe0: {  	v5 =	vmul.f32 v5, v3;
	v6 =	vmul.f32 v37, v4;
	_ =	sdelay $0x1  }
0xe1: {  	v5 =	vadd.f32 v6, v5;
	_ =	sdelay $0x1  }
0xe2: {  	[tilespmem:s22+$0xE8D0] =	vst v5  }
0xe3: {  	v5 =	vld [tilespmem:s25+$0x60]  }
0xe4: {  	v38 =	vld [tilespmem:s11+$0x60];
	_ =	sdelay $0x4  }
0xe5: {  	v5 =	vmul.f32 v5, v3;
	v6 =	vmul.f32 v38, v4;
	_ =	sdelay $0x1  }
0xe6: {  	v5 =	vadd.f32 v6, v5;
	_ =	sdelay $0x1  }
0xe7: {  	[tilespmem:s22+$0xE8E0] =	vst v5  }
0xe8: {  	v5 =	vld [tilespmem:s25+$0x70]  }
0xe9: {  	v39 =	vld [tilespmem:s11+$0x70];
	_ =	sdelay $0x4  }
0xea: {  	v5 =	vmul.f32 v5, v3;
	v6 =	vmul.f32 v39, v4;
	_ =	sdelay $0x1  }
0xeb: {  	v5 =	vadd.f32 v6, v5  }
0xec: {  	s12 =	sadd.s32 $0x2C80, s23  }
0xed: {  	s25 =	sor.u32 s10, s12;
	[tilespmem:s22+$0xE8F0] =	vst v5  }
0xee: {  	s11 =	sadd.s32 s24, s12;
	v5 =	vld [tilespmem:s25+$0x0]  }
0xef: {  	v40 =	vld [tilespmem:s11+$0x0];
	_ =	sdelay $0x4  }
0xf0: {  	v5 =	vmul.f32 v5, v3;
	v6 =	vmul.f32 v40, v4;
	_ =	sdelay $0x1  }
0xf1: {  	v5 =	vadd.f32 v6, v5;
	_ =	sdelay $0x1  }
0xf2: {  	[tilespmem:s22+$0xEC80] =	vst v5  }
0xf3: {  	v5 =	vld [tilespmem:s25+$0x10]  }
0xf4: {  	v41 =	vld [tilespmem:s11+$0x10];
	_ =	sdelay $0x4  }
0xf5: {  	v5 =	vmul.f32 v5, v3;
	v6 =	vmul.f32 v41, v4;
	_ =	sdelay $0x1  }
0xf6: {  	v5 =	vadd.f32 v6, v5;
	_ =	sdelay $0x1  }
0xf7: {  	[tilespmem:s22+$0xEC90] =	vst v5  }
0xf8: {  	v5 =	vld [tilespmem:s25+$0x20]  }
0xf9: {  	v42 =	vld [tilespmem:s11+$0x20];
	_ =	sdelay $0x4  }
0xfa: {  	v5 =	vmul.f32 v5, v3;
	v6 =	vmul.f32 v42, v4;
	_ =	sdelay $0x1  }
0xfb: {  	v5 =	vadd.f32 v6, v5;
	_ =	sdelay $0x1  }
0xfc: {  	[tilespmem:s22+$0xECA0] =	vst v5  }
0xfd: {  	v5 =	vld [tilespmem:s25+$0x30]  }
0xfe: {  	v43 =	vld [tilespmem:s11+$0x30];
	_ =	sdelay $0x4  }
0xff: {  	v5 =	vmul.f32 v5, v3;
	v6 =	vmul.f32 v43, v4;
	_ =	sdelay $0x1  }
0x100: {  	v5 =	vadd.f32 v6, v5;
	_ =	sdelay $0x1  }
0x101: {  	[tilespmem:s22+$0xECB0] =	vst v5  }
0x102: {  	v5 =	vld [tilespmem:s25+$0x40]  }
0x103: {  	v44 =	vld [tilespmem:s11+$0x40];
	_ =	sdelay $0x4  }
0x104: {  	v5 =	vmul.f32 v5, v3;
	v6 =	vmul.f32 v44, v4;
	_ =	sdelay $0x1  }
0x105: {  	v5 =	vadd.f32 v6, v5;
	_ =	sdelay $0x1  }
0x106: {  	[tilespmem:s22+$0xECC0] =	vst v5  }
0x107: {  	v5 =	vld [tilespmem:s25+$0x50]  }
0x108: {  	v45 =	vld [tilespmem:s11+$0x50];
	_ =	sdelay $0x4  }
0x109: {  	v5 =	vmul.f32 v5, v3;
	v6 =	vmul.f32 v45, v4;
	_ =	sdelay $0x1  }
0x10a: {  	v5 =	vadd.f32 v6, v5;
	_ =	sdelay $0x1  }
0x10b: {  	[tilespmem:s22+$0xECD0] =	vst v5  }
0x10c: {  	v5 =	vld [tilespmem:s25+$0x60]  }
0x10d: {  	v46 =	vld [tilespmem:s11+$0x60];
	_ =	sdelay $0x4  }
0x10e: {  	v5 =	vmul.f32 v5, v3;
	v6 =	vmul.f32 v46, v4;
	_ =	sdelay $0x1  }
0x10f: {  	v5 =	vadd.f32 v6, v5;
	_ =	sdelay $0x1  }
0x110: {  	[tilespmem:s22+$0xECE0] =	vst v5  }
0x111: {  	v5 =	vld [tilespmem:s25+$0x70]  }
0x112: {  	v47 =	vld [tilespmem:s11+$0x70];
	_ =	sdelay $0x4  }
0x113: {  	v5 =	vmul.f32 v5, v3;
	v6 =	vmul.f32 v47, v4;
	_ =	sdelay $0x1  }
0x114: {  	v5 =	vadd.f32 v6, v5  }
0x115: {  	s12 =	sadd.s32 $0x3080, s23  }
0x116: {  	s25 =	sor.u32 s10, s12;
	[tilespmem:s22+$0xECF0] =	vst v5  }
0x117: {  	s11 =	sadd.s32 s24, s12;
	v5 =	vld [tilespmem:s25+$0x0]  }
0x118: {  	v48 =	vld [tilespmem:s11+$0x0];
	_ =	sdelay $0x4  }
0x119: {  	v5 =	vmul.f32 v5, v3;
	v6 =	vmul.f32 v48, v4;
	_ =	sdelay $0x1  }
0x11a: {  	v5 =	vadd.f32 v6, v5;
	_ =	sdelay $0x1  }
0x11b: {  	[tilespmem:s22+$0xF080] =	vst v5  }
0x11c: {  	v5 =	vld [tilespmem:s25+$0x10]  }
0x11d: {  	v49 =	vld [tilespmem:s11+$0x10];
	_ =	sdelay $0x4  }
0x11e: {  	v5 =	vmul.f32 v5, v3;
	v6 =	vmul.f32 v49, v4;
	_ =	sdelay $0x1  }
0x11f: {  	v5 =	vadd.f32 v6, v5;
	_ =	sdelay $0x1  }
0x120: {  	[tilespmem:s22+$0xF090] =	vst v5  }
0x121: {  	v5 =	vld [tilespmem:s25+$0x20]  }
0x122: {  	v50 =	vld [tilespmem:s11+$0x20];
	_ =	sdelay $0x4  }
0x123: {  	v5 =	vmul.f32 v5, v3;
	v6 =	vmul.f32 v50, v4;
	_ =	sdelay $0x1  }
0x124: {  	v5 =	vadd.f32 v6, v5;
	_ =	sdelay $0x1  }
0x125: {  	[tilespmem:s22+$0xF0A0] =	vst v5  }
0x126: {  	v5 =	vld [tilespmem:s25+$0x30]  }
0x127: {  	v51 =	vld [tilespmem:s11+$0x30];
	_ =	sdelay $0x4  }
0x128: {  	v5 =	vmul.f32 v5, v3;
	v6 =	vmul.f32 v51, v4;
	_ =	sdelay $0x1  }
0x129: {  	v5 =	vadd.f32 v6, v5;
	_ =	sdelay $0x1  }
0x12a: {  	[tilespmem:s22+$0xF0B0] =	vst v5  }
0x12b: {  	v5 =	vld [tilespmem:s25+$0x40]  }
0x12c: {  	v52 =	vld [tilespmem:s11+$0x40];
	_ =	sdelay $0x4  }
0x12d: {  	v5 =	vmul.f32 v5, v3;
	v6 =	vmul.f32 v52, v4;
	_ =	sdelay $0x1  }
0x12e: {  	v5 =	vadd.f32 v6, v5;
	_ =	sdelay $0x1  }
0x12f: {  	[tilespmem:s22+$0xF0C0] =	vst v5  }
0x130: {  	v5 =	vld [tilespmem:s25+$0x50]  }
0x131: {  	v53 =	vld [tilespmem:s11+$0x50];
	_ =	sdelay $0x4  }
0x132: {  	v5 =	vmul.f32 v5, v3;
	v6 =	vmul.f32 v53, v4;
	_ =	sdelay $0x1  }
0x133: {  	v5 =	vadd.f32 v6, v5;
	_ =	sdelay $0x1  }
0x134: {  	[tilespmem:s22+$0xF0D0] =	vst v5  }
0x135: {  	v5 =	vld [tilespmem:s25+$0x60]  }
0x136: {  	v54 =	vld [tilespmem:s11+$0x60];
	_ =	sdelay $0x4  }
0x137: {  	v5 =	vmul.f32 v5, v3;
	v6 =	vmul.f32 v54, v4;
	_ =	sdelay $0x1  }
0x138: {  	v5 =	vadd.f32 v6, v5;
	_ =	sdelay $0x1  }
0x139: {  	[tilespmem:s22+$0xF0E0] =	vst v5  }
0x13a: {  	v5 =	vld [tilespmem:s25+$0x70]  }
0x13b: {  	v55 =	vld [tilespmem:s11+$0x70];
	_ =	sdelay $0x4  }
0x13c: {  	v5 =	vmul.f32 v5, v3;
	v6 =	vmul.f32 v55, v4;
	_ =	sdelay $0x1  }
0x13d: {  	v5 =	vadd.f32 v6, v5  }
0x13e: {  	s25 =	sadd.s32 $0x3480, s23  }
0x13f: {  	s10 =	sor.u32 s10, s25;
	[tilespmem:s22+$0xF0F0] =	vst v5  }
0x140: {  	s11 =	sadd.s32 s24, s25;
	v5 =	vld [tilespmem:s10+$0x0]  }
0x141: {  	v56 =	vld [tilespmem:s11+$0x0];
	_ =	sdelay $0x4  }
0x142: {  	v5 =	vmul.f32 v5, v3;
	v6 =	vmul.f32 v56, v4;
	_ =	sdelay $0x1  }
0x143: {  	v5 =	vadd.f32 v6, v5;
	_ =	sdelay $0x1  }
0x144: {  	[tilespmem:s22+$0xF480] =	vst v5  }
0x145: {  	v5 =	vld [tilespmem:s10+$0x10]  }
0x146: {  	v57 =	vld [tilespmem:s11+$0x10];
	_ =	sdelay $0x4  }
0x147: {  	v5 =	vmul.f32 v5, v3;
	v6 =	vmul.f32 v57, v4;
	_ =	sdelay $0x1  }
0x148: {  	v5 =	vadd.f32 v6, v5;
	_ =	sdelay $0x1  }
0x149: {  	[tilespmem:s22+$0xF490] =	vst v5  }
0x14a: {  	v5 =	vld [tilespmem:s10+$0x20]  }
0x14b: {  	v58 =	vld [tilespmem:s11+$0x20];
	_ =	sdelay $0x4  }
0x14c: {  	v5 =	vmul.f32 v5, v3;
	v6 =	vmul.f32 v58, v4;
	_ =	sdelay $0x1  }
0x14d: {  	v5 =	vadd.f32 v6, v5;
	_ =	sdelay $0x1  }
0x14e: {  	[tilespmem:s22+$0xF4A0] =	vst v5  }
0x14f: {  	v5 =	vld [tilespmem:s10+$0x30]  }
0x150: {  	v59 =	vld [tilespmem:s11+$0x30];
	_ =	sdelay $0x4  }
0x151: {  	v5 =	vmul.f32 v5, v3;
	v6 =	vmul.f32 v59, v4;
	_ =	sdelay $0x1  }
0x152: {  	v5 =	vadd.f32 v6, v5;
	_ =	sdelay $0x1  }
0x153: {  	[tilespmem:s22+$0xF4B0] =	vst v5  }
0x154: {  	v5 =	vld [tilespmem:s10+$0x40]  }
0x155: {  	v60 =	vld [tilespmem:s11+$0x40];
	_ =	sdelay $0x4  }
0x156: {  	v5 =	vmul.f32 v5, v3;
	v6 =	vmul.f32 v60, v4;
	_ =	sdelay $0x1  }
0x157: {  	v5 =	vadd.f32 v6, v5;
	_ =	sdelay $0x1  }
0x158: {  	[tilespmem:s22+$0xF4C0] =	vst v5  }
0x159: {  	v5 =	vld [tilespmem:s10+$0x50]  }
0x15a: {  	v61 =	vld [tilespmem:s11+$0x50];
	_ =	sdelay $0x4  }
0x15b: {  	v5 =	vmul.f32 v5, v3;
	v6 =	vmul.f32 v61, v4;
	_ =	sdelay $0x1  }
0x15c: {  	v5 =	vadd.f32 v6, v5;
	_ =	sdelay $0x1  }
0x15d: {  	[tilespmem:s22+$0xF4D0] =	vst v5  }
0x15e: {  	v5 =	vld [tilespmem:s10+$0x60]  }
0x15f: {  	v62 =	vld [tilespmem:s11+$0x60];
	_ =	sdelay $0x4  }
0x160: {  	v5 =	vmul.f32 v5, v3;
	v6 =	vmul.f32 v62, v4;
	_ =	sdelay $0x1  }
0x161: {  	v5 =	vadd.f32 v6, v5;
	_ =	sdelay $0x1  }
0x162: {  	[tilespmem:s22+$0xF4E0] =	vst v5  }
0x163: {  	v5 =	vld [tilespmem:s10+$0x70]  }
0x164: {  	v63 =	vld [tilespmem:s11+$0x70];
	_ =	sdelay $0x3  }
0x165: {  	p0 =	sne.s32 s9, $0x1F  }
.Ltmp0:
0x166: {  	v3 =	vmul.f32 v5, v3;
	v4 =	vmul.f32 v63, v4;
	(pc) =	sbr.rel @p0 .LBB2_2-.Ltmp0, $4  }
0x167: {  	_ = 	snop  }
0x168: {  	v3 =	vadd.f32 v4, v3  }
0x169: {  	s19 =	sadd.s32 $0x100, s19  }
0x16a: {  	s9 =	sadd.s32 $0x1, s9;
	s20 =	sadd.s32 $0x100, s20;
	s21 =	sadd.s32 $0x80, s21;
	[tilespmem:s22+$0xF4F0] =	vst v3  }
0x16b: {  	s19 =	simm.s32 $0x0;
	s9 =	rddreg [dreg:$0x5]  }
0x16c: {  	[hbm4b:s9+s19] =	stream.linear.scatter [tilespmem:s17], [sflag:$0x1], $0x6000, $0x38;
	[tilespmem:$0x14080] =	vst v63  }
0x16d: {  	_ =	swait.ge [sflag:s13], $0x6000  }
0x16e: {  	[sflag:s13] =	ssyncset.done $0x0  }
0x16f: {  	s22 =	rddreg [dreg:$0x6];
	[sflag:s13] =	ssyncadd.s32 $0xFFFFA000  }
0x170: {  	[tilespmem:s19], [sflag:$0x1] =	stream.linear.gather [hbm4b:s22+s19], $0x40, $0x38;
	[tilespmem:$0x14080] =	vst v63  }
0x171: {  	_ =	swait.ge [sflag:s13], $0x40  }
0x172: {  	[sflag:s13] =	ssyncset.done $0x0  }
0x173: {  	s10 =	simm.s32 $0x80;
	s23 =	rddreg [dreg:$0x7];
	[sflag:s13] =	ssyncadd.s32 $0xFFFFFFC0  }
0x174: {  	[tilespmem:s10], [sflag:$0x1] =	stream.linear.gather [hbm4b:s23+s19], $0x2000, $0x38;
	[tilespmem:$0x14080] =	vst v63  }
0x175: {  	_ =	swait.ge [sflag:s13], $0x2000  }
0x176: {  	[sflag:s13] =	ssyncset.done $0x0  }
0x177: {  	[sflag:s13] =	ssyncadd.s32 $0xFFFFE000  }
0x178: {  	v3 =	vld [tilespmem:$0x0];
	_ =	sdelay $0x4  }
0x179: {  	v4 =	vshrl.u32 v3, $0x3  }
0x17a: {  	v4 =	vmul.u32 $0x30, v4  }
0x17b: {  	v3 =	vand.u32 $0x7, v3  }
0x17c: {  	v3 =	vor.u32 v3, v4  }
0x17d: {  	v4 =	vperm.xlane v3, v0;
	_ =	sdelay $0x1  }
0x17e: {  	v4 =	vadd.s32 v1, v4;
	_ =	sdelay $0x3  }
0x17f: {  	s24 =	simm.s32 $0x2080;
	v3 =	vperm.xlane v3, v2  }
0x180: {  	[tilespmem:s24], [sflag:$0x1] =	stream.indirect_vreg.gather [hbm4b:s3+s19], $0x80, v4, vm0, $0xb8;
	[tilespmem:$0x14080] =	vst v63  }
0x181: {  	s25 =	simm.s32 $0x2880;
	v3 =	vadd.s32 v1, v3  }
0x182: {  	[tilespmem:s25], [sflag:$0x1] =	stream.indirect_vreg.gather [hbm4b:s6+s19], $0x80, v4, vm0, $0xb8;
	[tilespmem:$0x14080] =	vst v63  }
0x183: {  	s10 =	simm.s32 $0x3080  }
0x184: {  	[tilespmem:s10], [sflag:$0x1] =	stream.indirect_vreg.gather [hbm4b:s7+s19], $0x80, v4, vm0, $0xb8;
	[tilespmem:$0x14080] =	vst v63  }
0x185: {  	s11 =	simm.s32 $0x3880  }
0x186: {  	[tilespmem:s11], [sflag:$0x1] =	stream.indirect_vreg.gather [hbm4b:s3+s19], $0x80, v3, vm0, $0xb8;
	[tilespmem:$0x14080] =	vst v63  }
0x187: {  	s12 =	simm.s32 $0x4080  }
0x188: {  	[tilespmem:s12], [sflag:$0x1] =	stream.indirect_vreg.gather [hbm4b:s6+s19], $0x80, v3, vm0, $0xb8;
	[tilespmem:$0x14080] =	vst v63  }
0x189: {  	s20 =	simm.s32 $0x4880  }
0x18a: {  	[tilespmem:s20], [sflag:$0x1] =	stream.indirect_vreg.gather [hbm4b:s7+s19], $0x80, v3, vm0, $0xb8;
	[tilespmem:$0x14080] =	vst v63  }
0x18b: {  	v3 =	vld [tilespmem:$0x10];
	_ =	sdelay $0x4  }
0x18c: {  	v61 =	vshrl.u32 v3, $0x3  }
0x18d: {  	v4 =	vmul.u32 $0x30, v61  }
0x18e: {  	v3 =	vand.u32 $0x7, v3  }
0x18f: {  	v3 =	vor.u32 v3, v4  }
0x190: {  	v4 =	vperm.xlane v3, v0;
	_ =	sdelay $0x1  }
0x191: {  	v4 =	vadd.s32 v1, v4;
	_ =	sdelay $0x3  }
0x192: {  	s21 =	simm.s32 $0x5080;
	v3 =	vperm.xlane v3, v2  }
0x193: {  	[tilespmem:s21], [sflag:$0x1] =	stream.indirect_vreg.gather [hbm4b:s3+s19], $0x80, v4, vm0, $0xb8;
	[tilespmem:$0x14080] =	vst v63  }
0x194: {  	s22 =	simm.s32 $0x5880;
	v3 =	vadd.s32 v1, v3  }
0x195: {  	[tilespmem:s22], [sflag:$0x1] =	stream.indirect_vreg.gather [hbm4b:s6+s19], $0x80, v4, vm0, $0xb8;
	[tilespmem:$0x14080] =	vst v63  }
0x196: {  	s23 =	simm.s32 $0x6080  }
0x197: {  	[tilespmem:s23], [sflag:$0x1] =	stream.indirect_vreg.gather [hbm4b:s7+s19], $0x80, v4, vm0, $0xb8;
	[tilespmem:$0x14080] =	vst v63  }
0x198: {  	s24 =	simm.s32 $0x6880  }
0x199: {  	[tilespmem:s24], [sflag:$0x1] =	stream.indirect_vreg.gather [hbm4b:s3+s19], $0x80, v3, vm0, $0xb8;
	[tilespmem:$0x14080] =	vst v63  }
0x19a: {  	s25 =	simm.s32 $0x7080  }
0x19b: {  	[tilespmem:s25], [sflag:$0x1] =	stream.indirect_vreg.gather [hbm4b:s6+s19], $0x80, v3, vm0, $0xb8;
	[tilespmem:$0x14080] =	vst v63  }
0x19c: {  	_ = 	snop  }
0x19d: {  	[tilespmem:s26], [sflag:$0x1] =	stream.indirect_vreg.gather [hbm4b:s7+s19], $0x80, v3, vm0, $0xb8;
	[tilespmem:$0x14080] =	vst v63  }
0x19e: {  	v3 =	vld [tilespmem:$0x20];
	_ =	sdelay $0x4  }
0x19f: {  	v62 =	vshrl.u32 v3, $0x3  }
0x1a0: {  	v4 =	vmul.u32 $0x30, v62  }
0x1a1: {  	v3 =	vand.u32 $0x7, v3  }
0x1a2: {  	v3 =	vor.u32 v3, v4  }
0x1a3: {  	v4 =	vperm.xlane v3, v0;
	_ =	sdelay $0x1  }
0x1a4: {  	v4 =	vadd.s32 v1, v4;
	_ =	sdelay $0x3  }
0x1a5: {  	v3 =	vperm.xlane v3, v2  }
0x1a6: {  	[tilespmem:s28], [sflag:$0x1] =	stream.indirect_vreg.gather [hbm4b:s3+s19], $0x80, v4, vm0, $0xb8;
	[tilespmem:$0x14080] =	vst v63  }
0x1a7: {  	v3 =	vadd.s32 v1, v3  }
0x1a8: {  	[tilespmem:s29], [sflag:$0x1] =	stream.indirect_vreg.gather [hbm4b:s6+s19], $0x80, v4, vm0, $0xb8;
	[tilespmem:$0x14080] =	vst v63  }
0x1a9: {  	_ = 	snop  }
0x1aa: {  	[tilespmem:s30], [sflag:$0x1] =	stream.indirect_vreg.gather [hbm4b:s7+s19], $0x80, v4, vm0, $0xb8;
	[tilespmem:$0x14080] =	vst v63  }
0x1ab: {  	_ = 	snop  }
0x1ac: {  	[tilespmem:s31], [sflag:$0x1] =	stream.indirect_vreg.gather [hbm4b:s3+s19], $0x80, v3, vm0, $0xb8;
	[tilespmem:$0x14080] =	vst v63  }
0x1ad: {  	_ = 	snop  }
0x1ae: {  	[tilespmem:s0], [sflag:$0x1] =	stream.indirect_vreg.gather [hbm4b:s6+s19], $0x80, v3, vm0, $0xb8;
	[tilespmem:$0x14080] =	vst v63  }
0x1af: {  	_ = 	snop  }
0x1b0: {  	[tilespmem:s2], [sflag:$0x1] =	stream.indirect_vreg.gather [hbm4b:s7+s19], $0x80, v3, vm0, $0xb8;
	[tilespmem:$0x14080] =	vst v63  }
0x1b1: {  	v3 =	vld [tilespmem:$0x30];
	_ =	sdelay $0x4  }
0x1b2: {  	v63 =	vshrl.u32 v3, $0x3  }
0x1b3: {  	v4 =	vmul.u32 $0x30, v63  }
0x1b4: {  	v3 =	vand.u32 $0x7, v3  }
0x1b5: {  	v3 =	vor.u32 v3, v4  }
0x1b6: {  	v4 =	vperm.xlane v3, v0;
	_ =	sdelay $0x1  }
0x1b7: {  	v4 =	vadd.s32 v1, v4;
	_ =	sdelay $0x3  }
0x1b8: {  	v3 =	vperm.xlane v3, v2  }
0x1b9: {  	[tilespmem:s4], [sflag:$0x1] =	stream.indirect_vreg.gather [hbm4b:s3+s19], $0x80, v4, vm0, $0xb8;
	[tilespmem:$0x14080] =	vst v63  }
0x1ba: {  	v3 =	vadd.s32 v1, v3  }
0x1bb: {  	[tilespmem:s5], [sflag:$0x1] =	stream.indirect_vreg.gather [hbm4b:s6+s19], $0x80, v4, vm0, $0xb8;
	[tilespmem:$0x14080] =	vst v63  }
0x1bc: {  	_ = 	snop  }
0x1bd: {  	[tilespmem:s14], [sflag:$0x1] =	stream.indirect_vreg.gather [hbm4b:s7+s19], $0x80, v4, vm0, $0xb8;
	[tilespmem:$0x14080] =	vst v63  }
0x1be: {  	_ = 	snop  }
0x1bf: {  	[tilespmem:s15], [sflag:$0x1] =	stream.indirect_vreg.gather [hbm4b:s3+s19], $0x80, v3, vm0, $0xb8;
	[tilespmem:$0x14080] =	vst v63  }
0x1c0: {  	_ = 	snop  }
0x1c1: {  	[tilespmem:s16], [sflag:$0x1] =	stream.indirect_vreg.gather [hbm4b:s6+s19], $0x80, v3, vm0, $0xb8;
	[tilespmem:$0x14080] =	vst v63  }
0x1c2: {  	_ = 	snop  }
0x1c3: {  	[tilespmem:s8], [sflag:$0x1] =	stream.indirect_vreg.gather [hbm4b:s7+s19], $0x80, v3, vm0, $0xb8;
	[tilespmem:$0x14080] =	vst v63  }
0x1c4: {  	_ =	swait.ge [sflag:s13], $0xC000  }
0x1c5: {  	s9 =	simm.s32 $0x0;
	[sflag:s13] =	ssyncset.done $0x0  }
0x1c6: {  	s20 =	simm.s32 $0x100;
	s21 =	simm.s32 $0x0;
	[sflag:s13] =	ssyncadd.s32 $0xFFFF4000  }
.LBB2_4:
0x1c7: {  	s10 =	sshrl.u32 s9, $0x2  }
0x1c8: {  	s10 =	smul.u32 $0x6000, s10;
	_ =	sdelay $0x1  }
0x1c9: {  	s23 =	sshra.s32 s10, $0x2  }
0x1ca: {  	v3 =	vld [tilespmem:s20+$0xFFFFFF80];
	s22 =	sadd.s32 $0x80, s19;
	s10 =	sand.u32 $0x300, s19;
	s12 =	sadd.s32 $0x2080, s23  }
0x1cb: {  	v4 =	vld [tilespmem:s20+$0x0];
	s24 =	sand.u32 $0x380, s22;
	s11 =	sor.u32 s10, s12  }
0x1cc: {  	s25 =	sadd.s32 s24, s12;
	v5 =	vld [tilespmem:s11+$0x0]  }
0x1cd: {  	v6 =	vld [tilespmem:s25+$0x0];
	_ =	sdelay $0x3  }
0x1ce: {  	s22 =	sshrl.u32 s9, $0x3  }
0x1cf: {  	s12 =	smul.u32 $0x6000, s22;
	v5 =	vmul.f32 v5, v3;
	v6 =	vmul.f32 v6, v4;
	_ =	sdelay $0x1  }
0x1d0: {  	s22 =	sand.u32 $0x380, s21;
	s12 =	sshra.s32 s12, $0x2;
	v5 =	vadd.f32 v6, v5  }
0x1d1: {  	s22 =	sor.u32 s22, s12  }
0x1d2: {  	[tilespmem:s22+$0xE080] =	vst v5  }
0x1d3: {  	v5 =	vld [tilespmem:s11+$0x10]  }
0x1d4: {  	v17 =	vld [tilespmem:s25+$0x10];
	_ =	sdelay $0x4  }
0x1d5: {  	v5 =	vmul.f32 v5, v3;
	v6 =	vmul.f32 v17, v4;
	_ =	sdelay $0x1  }
0x1d6: {  	v5 =	vadd.f32 v6, v5;
	_ =	sdelay $0x1  }
0x1d7: {  	[tilespmem:s22+$0xE090] =	vst v5  }
0x1d8: {  	v5 =	vld [tilespmem:s11+$0x20]  }
0x1d9: {  	v18 =	vld [tilespmem:s25+$0x20];
	_ =	sdelay $0x4  }
0x1da: {  	v5 =	vmul.f32 v5, v3;
	v6 =	vmul.f32 v18, v4;
	_ =	sdelay $0x1  }
0x1db: {  	v5 =	vadd.f32 v6, v5;
	_ =	sdelay $0x1  }
0x1dc: {  	[tilespmem:s22+$0xE0A0] =	vst v5  }
0x1dd: {  	v5 =	vld [tilespmem:s11+$0x30]  }
0x1de: {  	v19 =	vld [tilespmem:s25+$0x30];
	_ =	sdelay $0x4  }
0x1df: {  	v5 =	vmul.f32 v5, v3;
	v6 =	vmul.f32 v19, v4;
	_ =	sdelay $0x1  }
0x1e0: {  	v5 =	vadd.f32 v6, v5;
	_ =	sdelay $0x1  }
0x1e1: {  	[tilespmem:s22+$0xE0B0] =	vst v5  }
0x1e2: {  	v5 =	vld [tilespmem:s11+$0x40]  }
0x1e3: {  	v20 =	vld [tilespmem:s25+$0x40];
	_ =	sdelay $0x4  }
0x1e4: {  	v5 =	vmul.f32 v5, v3;
	v6 =	vmul.f32 v20, v4;
	_ =	sdelay $0x1  }
0x1e5: {  	v5 =	vadd.f32 v6, v5;
	_ =	sdelay $0x1  }
0x1e6: {  	[tilespmem:s22+$0xE0C0] =	vst v5  }
0x1e7: {  	v5 =	vld [tilespmem:s11+$0x50]  }
0x1e8: {  	v21 =	vld [tilespmem:s25+$0x50];
	_ =	sdelay $0x4  }
0x1e9: {  	v5 =	vmul.f32 v5, v3;
	v6 =	vmul.f32 v21, v4;
	_ =	sdelay $0x1  }
0x1ea: {  	v5 =	vadd.f32 v6, v5;
	_ =	sdelay $0x1  }
0x1eb: {  	[tilespmem:s22+$0xE0D0] =	vst v5  }
0x1ec: {  	v5 =	vld [tilespmem:s11+$0x60]  }
0x1ed: {  	v22 =	vld [tilespmem:s25+$0x60];
	_ =	sdelay $0x4  }
0x1ee: {  	v5 =	vmul.f32 v5, v3;
	v6 =	vmul.f32 v22, v4;
	_ =	sdelay $0x1  }
0x1ef: {  	v5 =	vadd.f32 v6, v5;
	_ =	sdelay $0x1  }
0x1f0: {  	[tilespmem:s22+$0xE0E0] =	vst v5  }
0x1f1: {  	v5 =	vld [tilespmem:s11+$0x70]  }
0x1f2: {  	v23 =	vld [tilespmem:s25+$0x70];
	_ =	sdelay $0x4  }
0x1f3: {  	v5 =	vmul.f32 v5, v3;
	v6 =	vmul.f32 v23, v4;
	_ =	sdelay $0x1  }
0x1f4: {  	v5 =	vadd.f32 v6, v5;
	_ =	sdelay $0x1  }
0x1f5: {  	[tilespmem:s22+$0xE0F0] =	vst v5  }
0x1f6: {  	v5 =	vld [tilespmem:s11+$0x400]  }
0x1f7: {  	v24 =	vld [tilespmem:s25+$0x400];
	_ =	sdelay $0x4  }
0x1f8: {  	v5 =	vmul.f32 v5, v3;
	v6 =	vmul.f32 v24, v4;
	_ =	sdelay $0x1  }
0x1f9: {  	v5 =	vadd.f32 v6, v5;
	_ =	sdelay $0x1  }
0x1fa: {  	[tilespmem:s22+$0xE480] =	vst v5  }
0x1fb: {  	v5 =	vld [tilespmem:s11+$0x410]  }
0x1fc: {  	v25 =	vld [tilespmem:s25+$0x410];
	_ =	sdelay $0x4  }
0x1fd: {  	v5 =	vmul.f32 v5, v3;
	v6 =	vmul.f32 v25, v4;
	_ =	sdelay $0x1  }
0x1fe: {  	v5 =	vadd.f32 v6, v5;
	_ =	sdelay $0x1  }
0x1ff: {  	[tilespmem:s22+$0xE490] =	vst v5  }
0x200: {  	v5 =	vld [tilespmem:s11+$0x420]  }
0x201: {  	v26 =	vld [tilespmem:s25+$0x420];
	_ =	sdelay $0x4  }
0x202: {  	v5 =	vmul.f32 v5, v3;
	v6 =	vmul.f32 v26, v4;
	_ =	sdelay $0x1  }
0x203: {  	v5 =	vadd.f32 v6, v5;
	_ =	sdelay $0x1  }
0x204: {  	[tilespmem:s22+$0xE4A0] =	vst v5  }
0x205: {  	v5 =	vld [tilespmem:s11+$0x430]  }
0x206: {  	v27 =	vld [tilespmem:s25+$0x430];
	_ =	sdelay $0x4  }
0x207: {  	v5 =	vmul.f32 v5, v3;
	v6 =	vmul.f32 v27, v4;
	_ =	sdelay $0x1  }
0x208: {  	v5 =	vadd.f32 v6, v5;
	_ =	sdelay $0x1  }
0x209: {  	[tilespmem:s22+$0xE4B0] =	vst v5  }
0x20a: {  	v5 =	vld [tilespmem:s11+$0x440]  }
0x20b: {  	v28 =	vld [tilespmem:s25+$0x440];
	_ =	sdelay $0x4  }
0x20c: {  	v5 =	vmul.f32 v5, v3;
	v6 =	vmul.f32 v28, v4;
	_ =	sdelay $0x1  }
0x20d: {  	v5 =	vadd.f32 v6, v5;
	_ =	sdelay $0x1  }
0x20e: {  	[tilespmem:s22+$0xE4C0] =	vst v5  }
0x20f: {  	v5 =	vld [tilespmem:s11+$0x450]  }
0x210: {  	v29 =	vld [tilespmem:s25+$0x450];
	_ =	sdelay $0x4  }
0x211: {  	v5 =	vmul.f32 v5, v3;
	v6 =	vmul.f32 v29, v4;
	_ =	sdelay $0x1  }
0x212: {  	v5 =	vadd.f32 v6, v5;
	_ =	sdelay $0x1  }
0x213: {  	[tilespmem:s22+$0xE4D0] =	vst v5  }
0x214: {  	v5 =	vld [tilespmem:s11+$0x460]  }
0x215: {  	v30 =	vld [tilespmem:s25+$0x460];
	_ =	sdelay $0x4  }
0x216: {  	v5 =	vmul.f32 v5, v3;
	v6 =	vmul.f32 v30, v4;
	_ =	sdelay $0x1  }
0x217: {  	v5 =	vadd.f32 v6, v5;
	_ =	sdelay $0x1  }
0x218: {  	[tilespmem:s22+$0xE4E0] =	vst v5  }
0x219: {  	v5 =	vld [tilespmem:s11+$0x470]  }
0x21a: {  	v31 =	vld [tilespmem:s25+$0x470];
	_ =	sdelay $0x4  }
0x21b: {  	v5 =	vmul.f32 v5, v3;
	v6 =	vmul.f32 v31, v4;
	_ =	sdelay $0x1  }
0x21c: {  	v5 =	vadd.f32 v6, v5  }
0x21d: {  	s12 =	sadd.s32 $0x2880, s23  }
0x21e: {  	s25 =	sor.u32 s10, s12;
	[tilespmem:s22+$0xE4F0] =	vst v5  }
0x21f: {  	s11 =	sadd.s32 s24, s12;
	v5 =	vld [tilespmem:s25+$0x0]  }
0x220: {  	v32 =	vld [tilespmem:s11+$0x0];
	_ =	sdelay $0x4  }
0x221: {  	v5 =	vmul.f32 v5, v3;
	v6 =	vmul.f32 v32, v4;
	_ =	sdelay $0x1  }
0x222: {  	v5 =	vadd.f32 v6, v5;
	_ =	sdelay $0x1  }
0x223: {  	[tilespmem:s22+$0xE880] =	vst v5  }
0x224: {  	v5 =	vld [tilespmem:s25+$0x10]  }
0x225: {  	v33 =	vld [tilespmem:s11+$0x10];
	_ =	sdelay $0x4  }
0x226: {  	v5 =	vmul.f32 v5, v3;
	v6 =	vmul.f32 v33, v4;
	_ =	sdelay $0x1  }
0x227: {  	v5 =	vadd.f32 v6, v5;
	_ =	sdelay $0x1  }
0x228: {  	[tilespmem:s22+$0xE890] =	vst v5  }
0x229: {  	v5 =	vld [tilespmem:s25+$0x20]  }
0x22a: {  	v34 =	vld [tilespmem:s11+$0x20];
	_ =	sdelay $0x4  }
0x22b: {  	v5 =	vmul.f32 v5, v3;
	v6 =	vmul.f32 v34, v4;
	_ =	sdelay $0x1  }
0x22c: {  	v5 =	vadd.f32 v6, v5;
	_ =	sdelay $0x1  }
0x22d: {  	[tilespmem:s22+$0xE8A0] =	vst v5  }
0x22e: {  	v5 =	vld [tilespmem:s25+$0x30]  }
0x22f: {  	v35 =	vld [tilespmem:s11+$0x30];
	_ =	sdelay $0x4  }
0x230: {  	v5 =	vmul.f32 v5, v3;
	v6 =	vmul.f32 v35, v4;
	_ =	sdelay $0x1  }
0x231: {  	v5 =	vadd.f32 v6, v5;
	_ =	sdelay $0x1  }
0x232: {  	[tilespmem:s22+$0xE8B0] =	vst v5  }
0x233: {  	v5 =	vld [tilespmem:s25+$0x40]  }
0x234: {  	v36 =	vld [tilespmem:s11+$0x40];
	_ =	sdelay $0x4  }
0x235: {  	v5 =	vmul.f32 v5, v3;
	v6 =	vmul.f32 v36, v4;
	_ =	sdelay $0x1  }
0x236: {  	v5 =	vadd.f32 v6, v5;
	_ =	sdelay $0x1  }
0x237: {  	[tilespmem:s22+$0xE8C0] =	vst v5  }
0x238: {  	v5 =	vld [tilespmem:s25+$0x50]  }
0x239: {  	v37 =	vld [tilespmem:s11+$0x50];
	_ =	sdelay $0x4  }
0x23a: {  	v5 =	vmul.f32 v5, v3;
	v6 =	vmul.f32 v37, v4;
	_ =	sdelay $0x1  }
0x23b: {  	v5 =	vadd.f32 v6, v5;
	_ =	sdelay $0x1  }
0x23c: {  	[tilespmem:s22+$0xE8D0] =	vst v5  }
0x23d: {  	v5 =	vld [tilespmem:s25+$0x60]  }
0x23e: {  	v38 =	vld [tilespmem:s11+$0x60];
	_ =	sdelay $0x4  }
0x23f: {  	v5 =	vmul.f32 v5, v3;
	v6 =	vmul.f32 v38, v4;
	_ =	sdelay $0x1  }
0x240: {  	v5 =	vadd.f32 v6, v5;
	_ =	sdelay $0x1  }
0x241: {  	[tilespmem:s22+$0xE8E0] =	vst v5  }
0x242: {  	v5 =	vld [tilespmem:s25+$0x70]  }
0x243: {  	v39 =	vld [tilespmem:s11+$0x70];
	_ =	sdelay $0x4  }
0x244: {  	v5 =	vmul.f32 v5, v3;
	v6 =	vmul.f32 v39, v4;
	_ =	sdelay $0x1  }
0x245: {  	v5 =	vadd.f32 v6, v5  }
0x246: {  	s12 =	sadd.s32 $0x2C80, s23  }
0x247: {  	s25 =	sor.u32 s10, s12;
	[tilespmem:s22+$0xE8F0] =	vst v5  }
0x248: {  	s11 =	sadd.s32 s24, s12;
	v5 =	vld [tilespmem:s25+$0x0]  }
0x249: {  	v40 =	vld [tilespmem:s11+$0x0];
	_ =	sdelay $0x4  }
0x24a: {  	v5 =	vmul.f32 v5, v3;
	v6 =	vmul.f32 v40, v4;
	_ =	sdelay $0x1  }
0x24b: {  	v5 =	vadd.f32 v6, v5;
	_ =	sdelay $0x1  }
0x24c: {  	[tilespmem:s22+$0xEC80] =	vst v5  }
0x24d: {  	v5 =	vld [tilespmem:s25+$0x10]  }
0x24e: {  	v41 =	vld [tilespmem:s11+$0x10];
	_ =	sdelay $0x4  }
0x24f: {  	v5 =	vmul.f32 v5, v3;
	v6 =	vmul.f32 v41, v4;
	_ =	sdelay $0x1  }
0x250: {  	v5 =	vadd.f32 v6, v5;
	_ =	sdelay $0x1  }
0x251: {  	[tilespmem:s22+$0xEC90] =	vst v5  }
0x252: {  	v5 =	vld [tilespmem:s25+$0x20]  }
0x253: {  	v42 =	vld [tilespmem:s11+$0x20];
	_ =	sdelay $0x4  }
0x254: {  	v5 =	vmul.f32 v5, v3;
	v6 =	vmul.f32 v42, v4;
	_ =	sdelay $0x1  }
0x255: {  	v5 =	vadd.f32 v6, v5;
	_ =	sdelay $0x1  }
0x256: {  	[tilespmem:s22+$0xECA0] =	vst v5  }
0x257: {  	v5 =	vld [tilespmem:s25+$0x30]  }
0x258: {  	v43 =	vld [tilespmem:s11+$0x30];
	_ =	sdelay $0x4  }
0x259: {  	v5 =	vmul.f32 v5, v3;
	v6 =	vmul.f32 v43, v4;
	_ =	sdelay $0x1  }
0x25a: {  	v5 =	vadd.f32 v6, v5;
	_ =	sdelay $0x1  }
0x25b: {  	[tilespmem:s22+$0xECB0] =	vst v5  }
0x25c: {  	v5 =	vld [tilespmem:s25+$0x40]  }
0x25d: {  	v44 =	vld [tilespmem:s11+$0x40];
	_ =	sdelay $0x4  }
0x25e: {  	v5 =	vmul.f32 v5, v3;
	v6 =	vmul.f32 v44, v4;
	_ =	sdelay $0x1  }
0x25f: {  	v5 =	vadd.f32 v6, v5;
	_ =	sdelay $0x1  }
0x260: {  	[tilespmem:s22+$0xECC0] =	vst v5  }
0x261: {  	v5 =	vld [tilespmem:s25+$0x50]  }
0x262: {  	v45 =	vld [tilespmem:s11+$0x50];
	_ =	sdelay $0x4  }
0x263: {  	v5 =	vmul.f32 v5, v3;
	v6 =	vmul.f32 v45, v4;
	_ =	sdelay $0x1  }
0x264: {  	v5 =	vadd.f32 v6, v5;
	_ =	sdelay $0x1  }
0x265: {  	[tilespmem:s22+$0xECD0] =	vst v5  }
0x266: {  	v5 =	vld [tilespmem:s25+$0x60]  }
0x267: {  	v46 =	vld [tilespmem:s11+$0x60];
	_ =	sdelay $0x4  }
0x268: {  	v5 =	vmul.f32 v5, v3;
	v6 =	vmul.f32 v46, v4;
	_ =	sdelay $0x1  }
0x269: {  	v5 =	vadd.f32 v6, v5;
	_ =	sdelay $0x1  }
0x26a: {  	[tilespmem:s22+$0xECE0] =	vst v5  }
0x26b: {  	v5 =	vld [tilespmem:s25+$0x70]  }
0x26c: {  	v47 =	vld [tilespmem:s11+$0x70];
	_ =	sdelay $0x4  }
0x26d: {  	v5 =	vmul.f32 v5, v3;
	v6 =	vmul.f32 v47, v4;
	_ =	sdelay $0x1  }
0x26e: {  	v5 =	vadd.f32 v6, v5  }
0x26f: {  	s12 =	sadd.s32 $0x3080, s23  }
0x270: {  	s25 =	sor.u32 s10, s12;
	[tilespmem:s22+$0xECF0] =	vst v5  }
0x271: {  	s11 =	sadd.s32 s24, s12;
	v5 =	vld [tilespmem:s25+$0x0]  }
0x272: {  	v48 =	vld [tilespmem:s11+$0x0];
	_ =	sdelay $0x4  }
0x273: {  	v5 =	vmul.f32 v5, v3;
	v6 =	vmul.f32 v48, v4;
	_ =	sdelay $0x1  }
0x274: {  	v5 =	vadd.f32 v6, v5;
	_ =	sdelay $0x1  }
0x275: {  	[tilespmem:s22+$0xF080] =	vst v5  }
0x276: {  	v5 =	vld [tilespmem:s25+$0x10]  }
0x277: {  	v49 =	vld [tilespmem:s11+$0x10];
	_ =	sdelay $0x4  }
0x278: {  	v5 =	vmul.f32 v5, v3;
	v6 =	vmul.f32 v49, v4;
	_ =	sdelay $0x1  }
0x279: {  	v5 =	vadd.f32 v6, v5;
	_ =	sdelay $0x1  }
0x27a: {  	[tilespmem:s22+$0xF090] =	vst v5  }
0x27b: {  	v5 =	vld [tilespmem:s25+$0x20]  }
0x27c: {  	v50 =	vld [tilespmem:s11+$0x20];
	_ =	sdelay $0x4  }
0x27d: {  	v5 =	vmul.f32 v5, v3;
	v6 =	vmul.f32 v50, v4;
	_ =	sdelay $0x1  }
0x27e: {  	v5 =	vadd.f32 v6, v5;
	_ =	sdelay $0x1  }
0x27f: {  	[tilespmem:s22+$0xF0A0] =	vst v5  }
0x280: {  	v5 =	vld [tilespmem:s25+$0x30]  }
0x281: {  	v51 =	vld [tilespmem:s11+$0x30];
	_ =	sdelay $0x4  }
0x282: {  	v5 =	vmul.f32 v5, v3;
	v6 =	vmul.f32 v51, v4;
	_ =	sdelay $0x1  }
0x283: {  	v5 =	vadd.f32 v6, v5;
	_ =	sdelay $0x1  }
0x284: {  	[tilespmem:s22+$0xF0B0] =	vst v5  }
0x285: {  	v5 =	vld [tilespmem:s25+$0x40]  }
0x286: {  	v52 =	vld [tilespmem:s11+$0x40];
	_ =	sdelay $0x4  }
0x287: {  	v5 =	vmul.f32 v5, v3;
	v6 =	vmul.f32 v52, v4;
	_ =	sdelay $0x1  }
0x288: {  	v5 =	vadd.f32 v6, v5;
	_ =	sdelay $0x1  }
0x289: {  	[tilespmem:s22+$0xF0C0] =	vst v5  }
0x28a: {  	v5 =	vld [tilespmem:s25+$0x50]  }
0x28b: {  	v53 =	vld [tilespmem:s11+$0x50];
	_ =	sdelay $0x4  }
0x28c: {  	v5 =	vmul.f32 v5, v3;
	v6 =	vmul.f32 v53, v4;
	_ =	sdelay $0x1  }
0x28d: {  	v5 =	vadd.f32 v6, v5;
	_ =	sdelay $0x1  }
0x28e: {  	[tilespmem:s22+$0xF0D0] =	vst v5  }
0x28f: {  	v5 =	vld [tilespmem:s25+$0x60]  }
0x290: {  	v54 =	vld [tilespmem:s11+$0x60];
	_ =	sdelay $0x4  }
0x291: {  	v5 =	vmul.f32 v5, v3;
	v6 =	vmul.f32 v54, v4;
	_ =	sdelay $0x1  }
0x292: {  	v5 =	vadd.f32 v6, v5;
	_ =	sdelay $0x1  }
0x293: {  	[tilespmem:s22+$0xF0E0] =	vst v5  }
0x294: {  	v5 =	vld [tilespmem:s25+$0x70]  }
0x295: {  	v55 =	vld [tilespmem:s11+$0x70];
	_ =	sdelay $0x4  }
0x296: {  	v5 =	vmul.f32 v5, v3;
	v6 =	vmul.f32 v55, v4;
	_ =	sdelay $0x1  }
0x297: {  	v5 =	vadd.f32 v6, v5  }
0x298: {  	s25 =	sadd.s32 $0x3480, s23  }
0x299: {  	s10 =	sor.u32 s10, s25;
	[tilespmem:s22+$0xF0F0] =	vst v5  }
0x29a: {  	s11 =	sadd.s32 s24, s25;
	v5 =	vld [tilespmem:s10+$0x0]  }
0x29b: {  	v56 =	vld [tilespmem:s11+$0x0];
	_ =	sdelay $0x4  }
0x29c: {  	v5 =	vmul.f32 v5, v3;
	v6 =	vmul.f32 v56, v4;
	_ =	sdelay $0x1  }
0x29d: {  	v5 =	vadd.f32 v6, v5;
	_ =	sdelay $0x1  }
0x29e: {  	[tilespmem:s22+$0xF480] =	vst v5  }
0x29f: {  	v5 =	vld [tilespmem:s10+$0x10]  }
0x2a0: {  	v57 =	vld [tilespmem:s11+$0x10];
	_ =	sdelay $0x4  }
0x2a1: {  	v5 =	vmul.f32 v5, v3;
	v6 =	vmul.f32 v57, v4;
	_ =	sdelay $0x1  }
0x2a2: {  	v5 =	vadd.f32 v6, v5;
	_ =	sdelay $0x1  }
0x2a3: {  	[tilespmem:s22+$0xF490] =	vst v5  }
0x2a4: {  	v5 =	vld [tilespmem:s10+$0x20]  }
0x2a5: {  	v58 =	vld [tilespmem:s11+$0x20];
	_ =	sdelay $0x4  }
0x2a6: {  	v5 =	vmul.f32 v5, v3;
	v6 =	vmul.f32 v58, v4;
	_ =	sdelay $0x1  }
0x2a7: {  	v5 =	vadd.f32 v6, v5;
	_ =	sdelay $0x1  }
0x2a8: {  	[tilespmem:s22+$0xF4A0] =	vst v5  }
0x2a9: {  	v5 =	vld [tilespmem:s10+$0x30]  }
0x2aa: {  	v59 =	vld [tilespmem:s11+$0x30];
	_ =	sdelay $0x4  }
0x2ab: {  	v5 =	vmul.f32 v5, v3;
	v6 =	vmul.f32 v59, v4;
	_ =	sdelay $0x1  }
0x2ac: {  	v5 =	vadd.f32 v6, v5;
	_ =	sdelay $0x1  }
0x2ad: {  	[tilespmem:s22+$0xF4B0] =	vst v5  }
0x2ae: {  	v5 =	vld [tilespmem:s10+$0x40]  }
0x2af: {  	v60 =	vld [tilespmem:s11+$0x40];
	_ =	sdelay $0x4  }
0x2b0: {  	v5 =	vmul.f32 v5, v3;
	v6 =	vmul.f32 v60, v4;
	_ =	sdelay $0x1  }
0x2b1: {  	v5 =	vadd.f32 v6, v5;
	_ =	sdelay $0x1  }
0x2b2: {  	[tilespmem:s22+$0xF4C0] =	vst v5  }
0x2b3: {  	v5 =	vld [tilespmem:s10+$0x50]  }
0x2b4: {  	v61 =	vld [tilespmem:s11+$0x50];
	_ =	sdelay $0x4  }
0x2b5: {  	v5 =	vmul.f32 v5, v3;
	v6 =	vmul.f32 v61, v4;
	_ =	sdelay $0x1  }
0x2b6: {  	v5 =	vadd.f32 v6, v5;
	_ =	sdelay $0x1  }
0x2b7: {  	[tilespmem:s22+$0xF4D0] =	vst v5  }
0x2b8: {  	v5 =	vld [tilespmem:s10+$0x60]  }
0x2b9: {  	v62 =	vld [tilespmem:s11+$0x60];
	_ =	sdelay $0x4  }
0x2ba: {  	v5 =	vmul.f32 v5, v3;
	v6 =	vmul.f32 v62, v4;
	_ =	sdelay $0x1  }
0x2bb: {  	v5 =	vadd.f32 v6, v5;
	_ =	sdelay $0x1  }
0x2bc: {  	[tilespmem:s22+$0xF4E0] =	vst v5  }
0x2bd: {  	v5 =	vld [tilespmem:s10+$0x70]  }
0x2be: {  	v63 =	vld [tilespmem:s11+$0x70];
	_ =	sdelay $0x3  }
0x2bf: {  	p0 =	sne.s32 s9, $0x1F  }
.Ltmp1:
0x2c0: {  	v3 =	vmul.f32 v5, v3;
	v4 =	vmul.f32 v63, v4;
	(pc) =	sbr.rel @p0 .LBB2_4-.Ltmp1, $4  }
0x2c1: {  	_ = 	snop  }
0x2c2: {  	v3 =	vadd.f32 v4, v3  }
0x2c3: {  	s20 =	sadd.s32 $0x100, s20  }
0x2c4: {  	s9 =	sadd.s32 $0x1, s9;
	s19 =	sadd.s32 $0x100, s19;
	s21 =	sadd.s32 $0x80, s21;
	[tilespmem:s22+$0xF4F0] =	vst v3  }
0x2c5: {  	s9 =	rddreg [dreg:$0x8]  }
0x2c6: {  	[hbm4b:s9+s1] =	stream.linear.scatter [tilespmem:s17], [sflag:$0x1], $0x6000, $0x38;
	[tilespmem:$0x14080] =	vst v63  }
0x2c7: {  	_ =	swait.ge [sflag:s13], $0x6000  }
0x2c8: {  	s18 =	sadd.s32 $0x1, s18;
	s25 =	rddreg [dreg:$0x9]  }
0x2c9: {  	p0 =	sne.s32 s18, s25  }
.Ltmp2:
0x2ca: {  	_ = 	snop;
	(pc) =	sbr.rel @p0 .LBB2_1-.Ltmp2, $3  }
0x2cb: {  	_ =	sdelay $0x1  }
0x2cc: {  	[sflag:s13] =	ssyncset.done $0x0  }
0x2cd: {  	[sflag:s13] =	ssyncadd.s32 $0xFFFFA000  }
0x2ce: {  	_ =	sfence.sel $0x180000  }
0x2cf: {  	[bflag:$0x0] =	sbarrier.arrive $0xFFFF  }
0x2d0: {  	_ =	strace $0x9000004D  }
0x2d1: {  	s0 =	stileid.u32;
	[bflag:$0x2] =	sbarrier.arrive $0xFFFF  }
0x2d2: {  	p0 =	sne.s32 s0, $0x0;
	s0 =	rddreg [dreg:$0x2]  }
0x2d3: {  	s0 =	sadd.s32 @!p0 $0x100000, s0  }
0x2d4: {  	[sflag:s0] =	ssyncadd.tile.s32 @!p0 $0x1;
	_ =	shalt  }
.Lfunc_end2:
_tile_overlayer_lowered:
.L_overlay_start_2:
0x2d5: {  	(tag) =	ssettag $0x2  }
0x2d6: {  	s0 =	rddreg [dreg:$0x0];
	s2 =	stileid.u32  }
0x2d7: {  	s1 =	rddreg [dreg:$0x1];
	p0 =	sne.s32 s2, $0x0  }
0x2d8: {  	s3 =	rddreg [dreg:$0x2];
	[bflag:$0x3] =	sbarrier.arrive $0xFFFF;
	s2 =	simm.s32 @!p0 $0x1C01  }
0x2d9: {  	[timem:s3], [sflag:s2] =	dma.local @!p0 [hbm:s0], s1  }
0x2da: {  	s0 =	simm.s32 @!p0 $0x1  }
0x2db: {  	_ =	swait.ge @!p0 [sflag:s0], s1  }
0x2dc: {  	s1 =	ssub.s32 @!p0 $0x0, s1;
	[sflag:s0] =	ssyncset.done @!p0 $0x0  }
0x2dd: {  	[sflag:s0] =	ssyncadd.s32 @!p0 s1  }
0x2de: {  	[bflag:$0x3] =	sbarrier.arrive $0xFFFF  }
0x2df: {  	_ =	shalt  }

</sc_bundles>
